<compile_context>
chip_gen: v7x
topology: tpu7x:2x2x1
jax: 0.10.2.dev20260603
libtpu: 0.0.44.dev20260713+nightly
codegen_flags: <defaults>
</compile_context>

<pallas_src>
import functools

import jax
import jax.numpy as jnp
from jax import lax
from jax.experimental import pallas as pl
from jax.experimental.pallas import tpu as pltpu
from jax.experimental.pallas import tpu_sc as plsc

_NC = 2
_NS = 16
_NW = _NC * _NS
_L = 16

_N = 50000
_EMB = 384
_MEM = 128
_MAX_NODES = 250000
_OUT = 2

_sc_mesh = plsc.VectorSubcoreMesh(
    core_axis_name="c", subcore_axis_name="s", num_cores=_NC, num_subcores=_NS
)


def _wid():
    return lax.axis_index("s") * _NC + lax.axis_index("c")


_BPW = 1568
_B_PAD = _BPW * _NW
_GCH = 224
_NGC = _BPW // _GCH


@functools.partial(
    pl.kernel,
    out_type=jax.ShapeDtypeStruct((_B_PAD, _MEM), jnp.float32),
    mesh=_sc_mesh,
    scratch_types=[
        pltpu.VMEM((_BPW,), jnp.int32),
        pltpu.VMEM((_GCH, _MEM), jnp.float32),
        pltpu.VMEM((_GCH, _MEM), jnp.float32),
        pltpu.VMEM((_GCH, _MEM), jnp.float32),
        pltpu.SemaphoreType.DMA,
        pltpu.SemaphoreType.DMA,
    ],
    name="sc_gather_rows",
)
def _sc_gather(mem_hbm, ids_hbm, out_hbm, idx_v, rows_a, rows_b, rows_c,
               gsem, ssem):
    base = _wid() * _BPW
    pltpu.sync_copy(ids_hbm.at[pl.ds(base, _BPW)], idx_v)
    bufs = [rows_a, rows_b, rows_c]

    def _gather(k):
        idx = idx_v.at[pl.ds(k * _GCH, _GCH)]
        return mem_hbm.at[idx], bufs[k % 3]

    def _scatter(k):
        return bufs[k % 3], out_hbm.at[pl.ds(base + k * _GCH, _GCH)]

    for k in range(min(3, _NGC)):
        pltpu.async_copy(*_gather(k), gsem)
    for k in range(_NGC):
        pltpu.make_async_copy(*_gather(k), gsem).wait()
        pltpu.async_copy(*_scatter(k), ssem)
        if k + 3 < _NGC:
            pltpu.make_async_copy(*_scatter(k), ssem).wait()
            pltpu.async_copy(*_gather(k + 3), gsem)
    for k in range(max(_NGC - 3, 0), _NGC):
        pltpu.make_async_copy(*_scatter(k), ssem).wait()


_RB = 1024


_BKB = 5104


def _tc_body(emb_ref, prev_ref, wih_ref, whh_ref, bih_ref, bhh_ref,
             wce_ref, wcm_ref, bcls_ref, bank_ref, nm_ref, lg_ref, bko_ref):
    bko_ref[...] = bank_ref[...]
    emb = emb_ref[...]
    prev = prev_ref[...]
    emb16 = emb.astype(jnp.bfloat16)
    prev16 = prev.astype(jnp.bfloat16)
    gi = jnp.dot(emb16, wih_ref[...], preferred_element_type=jnp.float32) + bih_ref[...]
    gh = jnp.dot(prev16, whh_ref[...], preferred_element_type=jnp.float32) + bhh_ref[...]
    r = jax.nn.sigmoid(gi[:, :_MEM] + gh[:, :_MEM])
    z = jax.nn.sigmoid(gi[:, _MEM:2 * _MEM] + gh[:, _MEM:2 * _MEM])
    n = jnp.tanh(gi[:, 2 * _MEM:] + r * gh[:, 2 * _MEM:])
    nm = (1.0 - z) * n + z * prev
    nm_ref[...] = nm
    dn = (((0,), (1,)), ((), ()))
    lg_ref[...] = (
        lax.dot_general(wce_ref[...], emb16, dn, preferred_element_type=jnp.float32)
        + lax.dot_general(wcm_ref[...], nm.astype(jnp.bfloat16), dn,
                          preferred_element_type=jnp.float32)
        + bcls_ref[...]
    )


_tc_call = pl.pallas_call(
    _tc_body,
    grid=(_B_PAD // _RB,),
    in_specs=[
        pl.BlockSpec((_RB, _EMB), lambda i: (i, 0)),
        pl.BlockSpec((_RB, _MEM), lambda i: (i, 0)),
        pl.BlockSpec((_EMB, 3 * _MEM), lambda i: (0, 0)),
        pl.BlockSpec((_MEM, 3 * _MEM), lambda i: (0, 0)),
        pl.BlockSpec((1, 3 * _MEM), lambda i: (0, 0)),
        pl.BlockSpec((1, 3 * _MEM), lambda i: (0, 0)),
        pl.BlockSpec((_EMB, _OUT), lambda i: (0, 0)),
        pl.BlockSpec((_MEM, _OUT), lambda i: (0, 0)),
        pl.BlockSpec((_OUT, 1), lambda i: (0, 0)),
        pl.BlockSpec((_BKB, _MEM), lambda i: (i, 0)),
    ],
    out_specs=[
        pl.BlockSpec((_RB, _MEM), lambda i: (i, 0)),
        pl.BlockSpec((_OUT, _RB), lambda i: (0, i)),
        pl.BlockSpec((_BKB, _MEM), lambda i: (i, 0)),
    ],
    out_shape=[
        jax.ShapeDtypeStruct((_B_PAD, _MEM), jnp.float32),
        jax.ShapeDtypeStruct((_OUT, _B_PAD), jnp.float32),
        jax.ShapeDtypeStruct((_MAX_NODES, _MEM), jnp.float32),
    ],
)


_RANGE = 8192
_SHIFT = 13
_IDC = 10000
_NIDC = _N // _IDC
_CS = 256
_CAP = _RANGE
_NCH = _CAP // _CS


@functools.partial(
    pl.kernel,
    out_type=(
        jax.ShapeDtypeStruct((_NW * _CAP,), jnp.int32),
        jax.ShapeDtypeStruct((_NW * _CAP,), jnp.int32),
        jax.ShapeDtypeStruct((_NW * _L,), jnp.int32),
    ),
    mesh=_sc_mesh,
    scratch_types=[
        pltpu.VMEM((_RANGE,), jnp.int32),
        pltpu.VMEM((_IDC,), jnp.int32),
        pltpu.VMEM((_CAP,), jnp.int32),
        pltpu.VMEM((_CAP,), jnp.int32),
        pltpu.VMEM((_L,), jnp.int32),
        pltpu.SemaphoreType.DMA,
    ],
    compiler_params=pltpu.CompilerParams(needs_layout_passes=False),
    cost_estimate=pl.CostEstimate(
        flops=0, transcendentals=0, bytes_accessed=200_000_000),
    name="sc_scatter_winner",
)
def _sc_winner(ids_hbm, srcs_hbm, tgts_hbm, cnts_hbm, winner, idsv,
               srcs, tgts, cnts_v, sem):
    wid = _wid()
    lanes = lax.iota(jnp.int32, _L)
    neg1 = jnp.full((_L,), -1, jnp.int32)

    @pl.loop(0, _RANGE // _L, unroll=8)
    def _init(j):
        winner[pl.ds(j * _L, _L)] = neg1

    for c in range(_NIDC):
        pltpu.sync_copy(ids_hbm.at[pl.ds(c * _IDC, _IDC)], idsv)

        @pl.loop(0, _IDC // _L, unroll=8)
        def _scan(j):
            vid = idsv[pl.ds(j * _L, _L)]
            inr = (vid >> _SHIFT) == wid
            slot = vid & (_RANGE - 1)
            pos = (c * _IDC + j * _L) + lanes
            _, last_m = plsc.scan_count(vid, inr)
            plsc.store_scatter(winner, [slot], pos, mask=last_m & inr)

    def _compact(j, off):
        w = winner[pl.ds(j * _L, _L)]
        m = w >= 0
        t = (wid * _RANGE + j * _L) + lanes
        plsc.store_compressed(srcs.at[pl.ds(off, _L)], w, mask=m)
        plsc.store_compressed(tgts.at[pl.ds(off, _L)], t, mask=m)
        return off + jnp.max(plsc.all_reduce_population_count(m))

    cnt = lax.fori_loop(0, _RANGE // _L, _compact, jnp.int32(0))

    cnt_pad = ((cnt + _CS - 1) // _CS) * _CS
    j0 = (cnt // _L) * _L

    @pl.when(cnt > 0)
    def _():
        sv = srcs[pl.ds(0, _L)]
        tv = tgts[pl.ds(0, _L)]
        vm = lanes < jnp.minimum(cnt, _L)
        t0s = jnp.max(jnp.where(vm, tv, -1))
        s0s = jnp.max(jnp.where(tv == t0s, sv, -1))
        s0 = jnp.full((_L,), s0s, jnp.int32)
        t0 = jnp.full((_L,), t0s, jnp.int32)

        @pl.loop(0, _CS // _L)
        def _pad(i):
            p0 = j0 + i * _L

            @pl.when(p0 < cnt_pad)
            def _():
                pm = (p0 + lanes) >= cnt
                srcs[pl.ds(p0, _L)] = jnp.where(pm, s0, srcs[pl.ds(p0, _L)])
                tgts[pl.ds(p0, _L)] = jnp.where(pm, t0, tgts[pl.ds(p0, _L)])

    cnts_v[...] = jnp.full((_L,), cnt, jnp.int32)
    pltpu.sync_copy(srcs, srcs_hbm.at[pl.ds(wid * _CAP, _CAP)])
    pltpu.sync_copy(tgts, tgts_hbm.at[pl.ds(wid * _CAP, _CAP)])
    pltpu.sync_copy(cnts_v, cnts_hbm.at[pl.ds(wid * _L, _L)])


@functools.partial(
    pl.kernel,
    out_type=(),
    mesh=_sc_mesh,
    scratch_types=[
        pltpu.VMEM((_CAP,), jnp.int32),
        pltpu.VMEM((_CAP,), jnp.int32),
        pltpu.VMEM((_CS,), jnp.int32),
        pltpu.VMEM((_CS,), jnp.int32),
        pltpu.VMEM((_CS,), jnp.int32),
        pltpu.VMEM((_CS, _MEM), jnp.float32),
        pltpu.VMEM((_CS, _MEM), jnp.float32),
        pltpu.VMEM((_CS, _MEM), jnp.float32),
        pltpu.VMEM((_L,), jnp.int32),
        pltpu.SemaphoreType.DMA,
        pltpu.SemaphoreType.DMA,
    ],
    compiler_params=pltpu.CompilerParams(needs_layout_passes=False),
    name="sc_scatter_move",
)
def _sc_move(srcs_hbm, tgts_hbm, cnts_hbm, newm_hbm, mem_ref,
             srcs_v, tgts_v, tgt_a, tgt_b, tgt_c,
             rows_a, rows_b, rows_c, cnts_v, gsem, ssem):
    wid = _wid()
    base = wid * _CAP
    pltpu.sync_copy(cnts_hbm.at[pl.ds(wid * _L, _L)], cnts_v)
    cnt = jnp.max(cnts_v[...])
    pltpu.sync_copy(srcs_hbm.at[pl.ds(base, _CAP)], srcs_v)
    pltpu.sync_copy(tgts_hbm.at[pl.ds(base, _CAP)], tgts_v)
    nfull = cnt // _CS
    rem = cnt - nfull * _CS
    ntot = nfull + jnp.where(rem > 0, 1, 0)
    tail_off = ((jnp.maximum(cnt - _CS, 0) + 7) // 8) * 8
    tgt_bufs = [tgt_a, tgt_b, tgt_c]
    row_bufs = [rows_a, rows_b, rows_c]

    def _off(k):
        return jnp.where(k < nfull, k * _CS, tail_off)

    @pl.loop(0, _NCH, step=3)
    def _move(k):
        conds = [k + b < ntot for b in range(3)]
        for b in range(3):
            @pl.when(conds[b])
            def _(b=b):
                off = _off(k + b)
                for j in range(_CS // _L):
                    tgt_bufs[b][pl.ds(j * _L, _L)] = (
                        tgts_v[pl.ds(off + j * _L, _L)])
                pltpu.async_copy(
                    newm_hbm.at[srcs_v.at[pl.ds(off, _CS)]], row_bufs[b], gsem)
        for b in range(3):
            @pl.when(conds[b])
            def _(b=b):
                off = _off(k + b)
                pltpu.make_async_copy(
                    newm_hbm.at[srcs_v.at[pl.ds(off, _CS)]], row_bufs[b],
                    gsem).wait()
                pltpu.async_copy(row_bufs[b], mem_ref.at[tgt_bufs[b]], ssem)
        for b in range(3):
            @pl.when(conds[b])
            def _(b=b):
                pltpu.make_async_copy(
                    row_bufs[b], mem_ref.at[tgt_bufs[b]], ssem).wait()


def kernel(node_embeddings, node_ids, memory, W_ih, W_hh, b_ih, b_hh, W_cls, b_cls):
    ids_pad = jnp.concatenate(
        [node_ids, jnp.arange(_B_PAD - _N, dtype=jnp.int32)]
    )
    prev_pad = _sc_gather(memory, ids_pad)

    srcs, tgts, cnts = _sc_winner(node_ids)

    bf16 = jnp.bfloat16
    new_mem, logits_t, bank_out = _tc_call(
        node_embeddings, prev_pad,
        W_ih.T.astype(bf16), W_hh.T.astype(bf16),
        b_ih[None, :], b_hh[None, :],
        W_cls[:, :_EMB].T.astype(bf16), W_cls[:, _EMB:].T.astype(bf16),
        b_cls[:, None],
        memory,
    )

    mem_ref = jax.new_ref(bank_out)
    _sc_move(srcs, tgts, cnts, new_mem, mem_ref)
    return logits_t[:, :_N].T, mem_ref[...]

# --- scband reference (transcript-rebuilt; emitter-appended) ---
"""Pipeline reference for scband-temporal-aurelius-gat-83846351552525 (READ-ONLY COPY).

The authoritative reference and input builder live on the scoring server;
editing this copy changes nothing except your own understanding.
"""

import jax, jax.numpy as jnp
import numpy as np

N = 50000
EMB_DIM = 384  # jk_mode='cat' -> num_layers * hidden_channels = 3 * 128
MEM_DIM = 128
MAX_NODES = 250000
OUT = 2


def setup_inputs(seed: int = 0) -> dict:
    key = jax.random.key(seed)
    ks = jax.random.split(key, 9)
    node_embeddings = jax.random.normal(ks[0], (N, EMB_DIM), dtype=jnp.float32)
    node_ids = jax.random.randint(ks[1], (N,), 0, MAX_NODES, dtype=jnp.int32)
    # persistent per-node memory bank (buffer); nonzero so gather is non-degenerate
    memory = 0.1 * jax.random.normal(ks[2], (MAX_NODES, MEM_DIM), dtype=jnp.float32)
    s = 1.0 / np.sqrt(MEM_DIM)
    W_ih = jax.random.uniform(ks[3], (3 * MEM_DIM, EMB_DIM), minval=-s, maxval=s, dtype=jnp.float32)
    W_hh = jax.random.uniform(ks[4], (3 * MEM_DIM, MEM_DIM), minval=-s, maxval=s, dtype=jnp.float32)
    b_ih = jax.random.uniform(ks[5], (3 * MEM_DIM,), minval=-s, maxval=s, dtype=jnp.float32)
    b_hh = jax.random.uniform(ks[6], (3 * MEM_DIM,), minval=-s, maxval=s, dtype=jnp.float32)
    sc = 1.0 / np.sqrt(EMB_DIM + MEM_DIM)
    W_cls = jax.random.uniform(ks[7], (OUT, EMB_DIM + MEM_DIM), minval=-sc, maxval=sc, dtype=jnp.float32)
    b_cls = jax.random.uniform(ks[8], (OUT,), minval=-sc, maxval=sc, dtype=jnp.float32)
    return {
        'node_embeddings': node_embeddings,
        'node_ids': node_ids,
        'memory': memory,
        'W_ih': W_ih,
        'W_hh': W_hh,
        'b_ih': b_ih,
        'b_hh': b_hh,
        'W_cls': W_cls,
        'b_cls': b_cls,
    }


def reference(node_embeddings, node_ids, memory, W_ih, W_hh, b_ih, b_hh, W_cls, b_cls):
    # --- TemporalNodeMemory.update ---
    # gather previous memory for active nodes
    prev_memory = jnp.take(memory, node_ids, axis=0)
    # nn.GRUCell math (PyTorch convention)
    gi = node_embeddings @ W_ih.T + b_ih
    gh = prev_memory @ W_hh.T + b_hh
    i_r, i_z, i_n = jnp.split(gi, 3, axis=1)
    h_r, h_z, h_n = jnp.split(gh, 3, axis=1)
    r = jax.nn.sigmoid(i_r + h_r)
    z = jax.nn.sigmoid(i_z + h_z)
    n = jnp.tanh(i_n + r * h_n)
    new_memory = (1.0 - z) * n + z * prev_memory
    # scatter-overwrite the memory bank (detached, as in torch: .detach())
    memory_out = memory.at[node_ids].set(jax.lax.stop_gradient(new_memory))
    # --- classifier head (dropout is identity in eval) ---
    combined = jnp.concatenate([node_embeddings, new_memory], axis=1)
    logits = combined @ W_cls.T + b_cls
    return logits, memory_out

if __name__ == "__main__":
    import jax
    _d = setup_inputs()
    print(jax.jit(kernel)(*tuple(_d.values())))

</pallas_src>

<mosaic_0001>
#map = affine_map<(d0, d1) -> (0)>
#map1 = affine_map<(d0, d1) -> (0, 0)>
module attributes {stable_mosaic.version = 14 : i64} {
  func.func @new_body(%arg0: i32, %arg1: i32, %arg2: memref<262144xi32, #tpu.memory_space<hbm>>, %arg3: memref<262144xi32, #tpu.memory_space<hbm>>, %arg4: memref<512xi32, #tpu.memory_space<hbm>>, %arg5: memref<50176x128xf32, #tpu.memory_space<hbm>>, %arg6: memref<250000x128xf32, #tpu.memory_space<hbm>>, %arg7: memref<250000x128xf32, #tpu.memory_space<hbm>>, %arg8: memref<8192xi32, #tpu.memory_space<vmem>>, %arg9: memref<8192xi32, #tpu.memory_space<vmem>>, %arg10: memref<256xi32, #tpu.memory_space<vmem>>, %arg11: memref<256xi32, #tpu.memory_space<vmem>>, %arg12: memref<256xi32, #tpu.memory_space<vmem>>, %arg13: memref<256x128xf32, #tpu.memory_space<vmem>>, %arg14: memref<256x128xf32, #tpu.memory_space<vmem>>, %arg15: memref<256x128xf32, #tpu.memory_space<vmem>>, %arg16: memref<16xi32, #tpu.memory_space<vmem>>, %arg17: memref<!tpu.dma_semaphore, #tpu.memory_space<semaphore_mem>>, %arg18: memref<!tpu.dma_semaphore, #tpu.memory_space<semaphore_mem>>) attributes {dimension_semantics = [#tpu.dimension_semantics<core_parallel>, #tpu.dimension_semantics<subcore_parallel>], iteration_bounds = array<i64: 2, 16>, scalar_prefetch = 0 : i64, scratch_operands = 11 : i64, tpu.core_type = #tpu.core_type<sc_vector_subcore>, window_params = [{transform_indices = #map}, {transform_indices = #map}, {transform_indices = #map}, {transform_indices = #map1}, {transform_indices = #map1}, {transform_indices = #map1}]} {
    %mul3A = arith.constant 2 : i32
    %mul3A_0 = arith.muli %arg1, %mul3A : i32
    %add3A = arith.addi %mul3A_0, %arg0 : i32
    %mul3A_1 = arith.constant 8192 : i32
    %mul3A_2 = arith.muli %add3A, %mul3A_1 : i32
    %mul3A_3 = arith.constant 16 : i32
    %mul3A_4 = arith.muli %add3A, %mul3A_3 : i32
    "tpu.region"() ({
      %run_scoped3A = tpu.sem_alloc : memref<!tpu.dma_semaphore, #tpu.memory_space<semaphore_mem>>
      %dma_start3A = tpu.memref_slice %arg4[%mul3A_4] : memref<512xi32, #tpu.memory_space<hbm>> -> memref<16xi32, #tpu.memory_space<hbm>>
      %dma_start3A_72 = tpu.memref_slice %arg4[%mul3A_4] : memref<512xi32, #tpu.memory_space<hbm>> -> memref<16xi32, #tpu.memory_space<hbm>>
      tpu.enqueue_dma source(%dma_start3A_72 : memref<16xi32, #tpu.memory_space<hbm>>) target(%arg16 : memref<16xi32, #tpu.memory_space<vmem>>) target_semaphore(%run_scoped3A : memref<!tpu.dma_semaphore, #tpu.memory_space<semaphore_mem>>)
      %dma_wait3A = tpu.memref_slice %arg4[%mul3A_4] : memref<512xi32, #tpu.memory_space<hbm>> -> memref<16xi32, #tpu.memory_space<hbm>>
      %dma_wait3A_73 = tpu.memref_slice %arg4[%mul3A_4] : memref<512xi32, #tpu.memory_space<hbm>> -> memref<16xi32, #tpu.memory_space<hbm>>
      tpu.wait_dma2 semaphore(%run_scoped3A : memref<!tpu.dma_semaphore, #tpu.memory_space<semaphore_mem>>) src(%dma_wait3A_73 : memref<16xi32, #tpu.memory_space<hbm>>) dst(%arg16 : memref<16xi32, #tpu.memory_space<vmem>>)
      tpu.yield
    }) : () -> ()
    %get3A = arith.constant 0 : index
    %get3A_5 = tpu.vector_load %arg16[%get3A] {strides = array<i32>} : memref<16xi32, #tpu.memory_space<vmem>>, vector<16xi32>,
    %reduce_max3A = arith.constant true
    %reduce_max3A_6 = vector.broadcast %reduce_max3A : i1 to vector<16xi1>
    %reduce_max3A_7 = arith.constant -2147483648 : i32
    %reduce_max3A_8 = vector.broadcast %reduce_max3A_7 : i32 to vector<16xi32>
    %reduce_max3A_9 = arith.xori %get3A_5, %reduce_max3A_8 : vector<16xi32>
    %reduce_max3A_10 = tpu.scan <max>, %reduce_max3A_9 masked %reduce_max3A_6 : vector<16xi32>, vector<16xi1> -> vector<16xi32>
    %reduce_max3A_11 = arith.xori %reduce_max3A_10, %reduce_max3A_8 : vector<16xi32>
    %reduce_max3A_12 = vector.extract %reduce_max3A_11[15] : i32 from vector<16xi32>
    "tpu.region"() ({
      %run_scoped3A = tpu.sem_alloc : memref<!tpu.dma_semaphore, #tpu.memory_space<semaphore_mem>>
      %dma_start3A = tpu.memref_slice %arg2[%mul3A_2] : memref<262144xi32, #tpu.memory_space<hbm>> -> memref<8192xi32, #tpu.memory_space<hbm>>
      %dma_start3A_72 = tpu.memref_slice %arg2[%mul3A_2] : memref<262144xi32, #tpu.memory_space<hbm>> -> memref<8192xi32, #tpu.memory_space<hbm>>
      tpu.enqueue_dma source(%dma_start3A_72 : memref<8192xi32, #tpu.memory_space<hbm>>) target(%arg8 : memref<8192xi32, #tpu.memory_space<vmem>>) target_semaphore(%run_scoped3A : memref<!tpu.dma_semaphore, #tpu.memory_space<semaphore_mem>>)
      %dma_wait3A = tpu.memref_slice %arg2[%mul3A_2] : memref<262144xi32, #tpu.memory_space<hbm>> -> memref<8192xi32, #tpu.memory_space<hbm>>
      %dma_wait3A_73 = tpu.memref_slice %arg2[%mul3A_2] : memref<262144xi32, #tpu.memory_space<hbm>> -> memref<8192xi32, #tpu.memory_space<hbm>>
      tpu.wait_dma2 semaphore(%run_scoped3A : memref<!tpu.dma_semaphore, #tpu.memory_space<semaphore_mem>>) src(%dma_wait3A_73 : memref<8192xi32, #tpu.memory_space<hbm>>) dst(%arg8 : memref<8192xi32, #tpu.memory_space<vmem>>)
      tpu.yield
    }) : () -> ()
    "tpu.region"() ({
      %run_scoped3A = tpu.sem_alloc : memref<!tpu.dma_semaphore, #tpu.memory_space<semaphore_mem>>
      %dma_start3A = tpu.memref_slice %arg3[%mul3A_2] : memref<262144xi32, #tpu.memory_space<hbm>> -> memref<8192xi32, #tpu.memory_space<hbm>>
      %dma_start3A_72 = tpu.memref_slice %arg3[%mul3A_2] : memref<262144xi32, #tpu.memory_space<hbm>> -> memref<8192xi32, #tpu.memory_space<hbm>>
      tpu.enqueue_dma source(%dma_start3A_72 : memref<8192xi32, #tpu.memory_space<hbm>>) target(%arg9 : memref<8192xi32, #tpu.memory_space<vmem>>) target_semaphore(%run_scoped3A : memref<!tpu.dma_semaphore, #tpu.memory_space<semaphore_mem>>)
      %dma_wait3A = tpu.memref_slice %arg3[%mul3A_2] : memref<262144xi32, #tpu.memory_space<hbm>> -> memref<8192xi32, #tpu.memory_space<hbm>>
      %dma_wait3A_73 = tpu.memref_slice %arg3[%mul3A_2] : memref<262144xi32, #tpu.memory_space<hbm>> -> memref<8192xi32, #tpu.memory_space<hbm>>
      tpu.wait_dma2 semaphore(%run_scoped3A : memref<!tpu.dma_semaphore, #tpu.memory_space<semaphore_mem>>) src(%dma_wait3A_73 : memref<8192xi32, #tpu.memory_space<hbm>>) dst(%arg9 : memref<8192xi32, #tpu.memory_space<vmem>>)
      tpu.yield
    }) : () -> ()
    %jit3A = arith.constant 256 : i32
    %div3A = arith.divsi %reduce_max3A_12, %jit3A : i32
    %sign3A = arith.constant 0 : i32
    %sign3A_13 = arith.cmpi sgt, %reduce_max3A_12, %sign3A : i32
    %sign3A_14 = arith.extui %sign3A_13 : i1 to i32
    %sign3A_15 = arith.constant 0 : i32
    %sign3A_16 = arith.cmpi slt, %reduce_max3A_12, %sign3A_15 : i32
    %sign3A_17 = arith.extui %sign3A_16 : i1 to i32
    %sign3A_18 = arith.subi %sign3A_14, %sign3A_17 : i32
    %sign3A_19 = arith.constant 0 : i32
    %sign3A_20 = arith.cmpi sgt, %jit3A, %sign3A_19 : i32
    %sign3A_21 = arith.extui %sign3A_20 : i1 to i32
    %sign3A_22 = arith.constant 0 : i32
    %sign3A_23 = arith.cmpi slt, %jit3A, %sign3A_22 : i32
    %sign3A_24 = arith.extui %sign3A_23 : i1 to i32
    %sign3A_25 = arith.subi %sign3A_21, %sign3A_24 : i32
    %ne3A = arith.cmpi ne, %sign3A_18, %sign3A_25 : i32
    %rem3A = arith.remsi %reduce_max3A_12, %jit3A : i32
    %ne3A_26 = arith.constant 0 : i32
    %ne3A_27 = arith.cmpi ne, %rem3A, %ne3A_26 : i32
    %and3A = arith.andi %ne3A, %ne3A_27 : i1
    %sub3A = arith.constant 1 : i32
    %sub3A_28 = arith.subi %div3A, %sub3A : i32
    %select_n3A = arith.select %and3A, %sub3A_28, %div3A : i32
    %mul3A_29 = arith.constant 256 : i32
    %mul3A_30 = arith.muli %select_n3A, %mul3A_29 : i32
    %sub3A_31 = arith.subi %reduce_max3A_12, %mul3A_30 : i32
    %gt3A = arith.constant 0 : i32
    %gt3A_32 = arith.cmpi sgt, %sub3A_31, %gt3A : i32
    %jit3A_33 = arith.constant 1 : i32
    %jit3A_34 = arith.constant 0 : i32
    %select_n3A_35 = arith.select %gt3A_32, %jit3A_33, %jit3A_34 : i32
    %add3A_36 = arith.addi %select_n3A, %select_n3A_35 : i32
    %sub3A_37 = arith.constant 256 : i32
    %sub3A_38 = arith.subi %reduce_max3A_12, %sub3A_37 : i32
    %max3A = arith.constant 0 : i32
    %max3A_39 = arith.maxsi %sub3A_38, %max3A : i32
    %add3A_40 = arith.constant 7 : i32
    %add3A_41 = arith.addi %max3A_39, %add3A_40 : i32
    %jit3A_42 = arith.constant 8 : i32
    %div3A_43 = arith.divsi %add3A_41, %jit3A_42 : i32
    %sign3A_44 = arith.constant 0 : i32
    %sign3A_45 = arith.cmpi sgt, %add3A_41, %sign3A_44 : i32
    %sign3A_46 = arith.extui %sign3A_45 : i1 to i32
    %sign3A_47 = arith.constant 0 : i32
    %sign3A_48 = arith.cmpi slt, %add3A_41, %sign3A_47 : i32
    %sign3A_49 = arith.extui %sign3A_48 : i1 to i32
    %sign3A_50 = arith.subi %sign3A_46, %sign3A_49 : i32
    %sign3A_51 = arith.constant 0 : i32
    %sign3A_52 = arith.cmpi sgt, %jit3A_42, %sign3A_51 : i32
    %sign3A_53 = arith.extui %sign3A_52 : i1 to i32
    %sign3A_54 = arith.constant 0 : i32
    %sign3A_55 = arith.cmpi slt, %jit3A_42, %sign3A_54 : i32
    %sign3A_56 = arith.extui %sign3A_55 : i1 to i32
    %sign3A_57 = arith.subi %sign3A_53, %sign3A_56 : i32
    %ne3A_58 = arith.cmpi ne, %sign3A_50, %sign3A_57 : i32
    %rem3A_59 = arith.remsi %add3A_41, %jit3A_42 : i32
    %ne3A_60 = arith.constant 0 : i32
    %ne3A_61 = arith.cmpi ne, %rem3A_59, %ne3A_60 : i32
    %and3A_62 = arith.andi %ne3A_58, %ne3A_61 : i1
    %sub3A_63 = arith.constant 1 : i32
    %sub3A_64 = arith.subi %div3A_43, %sub3A_63 : i32
    %select_n3A_65 = arith.select %and3A_62, %sub3A_64, %div3A_43 : i32
    %mul3A_66 = arith.constant 8 : i32
    %mul3A_67 = arith.muli %select_n3A_65, %mul3A_66 : i32
    %scan3A = arith.constant 0 : i32
    %scan3A_68 = arith.constant 11 : i32
    %scan3A_69 = arith.addi %scan3A, %scan3A_68 : i32
    %scan3A_70 = arith.constant 1 : i32
    scf.for %scan3A_72 = %scan3A to %scan3A_69 step %scan3A_70  : i32 {
      %mul3A_73 = arith.constant 3 : i32
      %mul3A_74 = arith.muli %scan3A_72, %mul3A_73 : i32
      %add3A_75 = arith.constant 0 : i32
      %add3A_76 = arith.addi %add3A_75, %mul3A_74 : i32
      %add3A_77 = arith.constant 0 : i32
      %add3A_78 = arith.addi %add3A_76, %add3A_77 : i32
      %lt3A = arith.cmpi slt, %add3A_78, %add3A_36 : i32
      %add3A_79 = arith.constant 1 : i32
      %add3A_80 = arith.addi %add3A_76, %add3A_79 : i32
      %lt3A_81 = arith.cmpi slt, %add3A_80, %add3A_36 : i32
      %add3A_82 = arith.constant 2 : i32
      %add3A_83 = arith.addi %add3A_76, %add3A_82 : i32
      %lt3A_84 = arith.cmpi slt, %add3A_83, %add3A_36 : i32
      %convert_element_type3A = arith.extui %lt3A : i1 to i32
      %cond3A = arith.constant 0 : i32
      %cond3A_85 = arith.cmpi ne, %convert_element_type3A, %cond3A : i32
      scf.if %cond3A_85 {
        %add3A_110 = arith.constant 0 : i32
        %add3A_111 = arith.addi %add3A_76, %add3A_110 : i32
        %lt3A_112 = arith.cmpi slt, %add3A_111, %select_n3A : i32
        %mul3A_113 = arith.constant 256 : i32
        %mul3A_114 = arith.muli %add3A_111, %mul3A_113 : i32
        %select_n3A_115 = arith.select %lt3A_112, %mul3A_114, %mul3A_67 : i32
        %add3A_116 = arith.constant 0 : i32
        %add3A_117 = arith.addi %select_n3A_115, %add3A_116 : i32
        %get3A_118 = arith.index_cast %add3A_117 : i32 to index
        %get3A_119 = tpu.vector_load %arg9[%get3A_118] {strides = array<i32>} : memref<8192xi32, #tpu.memory_space<vmem>>, vector<16xi32>,
        %swap3A = arith.constant 0 : index
        %swap3A_120 = tpu.vector_load %arg10[%swap3A] {strides = array<i32>} : memref<256xi32, #tpu.memory_space<vmem>>, vector<16xi32>,
        tpu.vector_store %arg10[%swap3A], %get3A_119 {strides = array<i32>} : memref<256xi32, #tpu.memory_space<vmem>>, vector<16xi32>,
        %add3A_121 = arith.constant 16 : i32
        %add3A_122 = arith.addi %select_n3A_115, %add3A_121 : i32
        %get3A_123 = arith.index_cast %add3A_122 : i32 to index
        %get3A_124 = tpu.vector_load %arg9[%get3A_123] {strides = array<i32>} : memref<8192xi32, #tpu.memory_space<vmem>>, vector<16xi32>,
        %swap3A_125 = arith.constant 16 : index
        %swap3A_126 = tpu.vector_load %arg10[%swap3A_125] {strides = array<i32>} : memref<256xi32, #tpu.memory_space<vmem>>, vector<16xi32>,
        tpu.vector_store %arg10[%swap3A_125], %get3A_124 {strides = array<i32>} : memref<256xi32, #tpu.memory_space<vmem>>, vector<16xi32>,
        %add3A_127 = arith.constant 32 : i32
        %add3A_128 = arith.addi %select_n3A_115, %add3A_127 : i32
        %get3A_129 = arith.index_cast %add3A_128 : i32 to index
        %get3A_130 = tpu.vector_load %arg9[%get3A_129] {strides = array<i32>} : memref<8192xi32, #tpu.memory_space<vmem>>, vector<16xi32>,
        %swap3A_131 = arith.constant 32 : index
        %swap3A_132 = tpu.vector_load %arg10[%swap3A_131] {strides = array<i32>} : memref<256xi32, #tpu.memory_space<vmem>>, vector<16xi32>,
        tpu.vector_store %arg10[%swap3A_131], %get3A_130 {strides = array<i32>} : memref<256xi32, #tpu.memory_space<vmem>>, vector<16xi32>,
        %add3A_133 = arith.constant 48 : i32
        %add3A_134 = arith.addi %select_n3A_115, %add3A_133 : i32
        %get3A_135 = arith.index_cast %add3A_134 : i32 to index
        %get3A_136 = tpu.vector_load %arg9[%get3A_135] {strides = array<i32>} : memref<8192xi32, #tpu.memory_space<vmem>>, vector<16xi32>,
        %swap3A_137 = arith.constant 48 : index
        %swap3A_138 = tpu.vector_load %arg10[%swap3A_137] {strides = array<i32>} : memref<256xi32, #tpu.memory_space<vmem>>, vector<16xi32>,
        tpu.vector_store %arg10[%swap3A_137], %get3A_136 {strides = array<i32>} : memref<256xi32, #tpu.memory_space<vmem>>, vector<16xi32>,
        %add3A_139 = arith.constant 64 : i32
        %add3A_140 = arith.addi %select_n3A_115, %add3A_139 : i32
        %get3A_141 = arith.index_cast %add3A_140 : i32 to index
        %get3A_142 = tpu.vector_load %arg9[%get3A_141] {strides = array<i32>} : memref<8192xi32, #tpu.memory_space<vmem>>, vector<16xi32>,
        %swap3A_143 = arith.constant 64 : index
        %swap3A_144 = tpu.vector_load %arg10[%swap3A_143] {strides = array<i32>} : memref<256xi32, #tpu.memory_space<vmem>>, vector<16xi32>,
        tpu.vector_store %arg10[%swap3A_143], %get3A_142 {strides = array<i32>} : memref<256xi32, #tpu.memory_space<vmem>>, vector<16xi32>,
        %add3A_145 = arith.constant 80 : i32
        %add3A_146 = arith.addi %select_n3A_115, %add3A_145 : i32
        %get3A_147 = arith.index_cast %add3A_146 : i32 to index
        %get3A_148 = tpu.vector_load %arg9[%get3A_147] {strides = array<i32>} : memref<8192xi32, #tpu.memory_space<vmem>>, vector<16xi32>,
        %swap3A_149 = arith.constant 80 : index
        %swap3A_150 = tpu.vector_load %arg10[%swap3A_149] {strides = array<i32>} : memref<256xi32, #tpu.memory_space<vmem>>, vector<16xi32>,
        tpu.vector_store %arg10[%swap3A_149], %get3A_148 {strides = array<i32>} : memref<256xi32, #tpu.memory_space<vmem>>, vector<16xi32>,
        %add3A_151 = arith.constant 96 : i32
        %add3A_152 = arith.addi %select_n3A_115, %add3A_151 : i32
        %get3A_153 = arith.index_cast %add3A_152 : i32 to index
        %get3A_154 = tpu.vector_load %arg9[%get3A_153] {strides = array<i32>} : memref<8192xi32, #tpu.memory_space<vmem>>, vector<16xi32>,
        %swap3A_155 = arith.constant 96 : index
        %swap3A_156 = tpu.vector_load %arg10[%swap3A_155] {strides = array<i32>} : memref<256xi32, #tpu.memory_space<vmem>>, vector<16xi32>,
        tpu.vector_store %arg10[%swap3A_155], %get3A_154 {strides = array<i32>} : memref<256xi32, #tpu.memory_space<vmem>>, vector<16xi32>,
        %add3A_157 = arith.constant 112 : i32
        %add3A_158 = arith.addi %select_n3A_115, %add3A_157 : i32
        %get3A_159 = arith.index_cast %add3A_158 : i32 to index
        %get3A_160 = tpu.vector_load %arg9[%get3A_159] {strides = array<i32>} : memref<8192xi32, #tpu.memory_space<vmem>>, vector<16xi32>,
        %swap3A_161 = arith.constant 112 : index
        %swap3A_162 = tpu.vector_load %arg10[%swap3A_161] {strides = array<i32>} : memref<256xi32, #tpu.memory_space<vmem>>, vector<16xi32>,
        tpu.vector_store %arg10[%swap3A_161], %get3A_160 {strides = array<i32>} : memref<256xi32, #tpu.memory_space<vmem>>, vector<16xi32>,
        %add3A_163 = arith.constant 128 : i32
        %add3A_164 = arith.addi %select_n3A_115, %add3A_163 : i32
        %get3A_165 = arith.index_cast %add3A_164 : i32 to index
        %get3A_166 = tpu.vector_load %arg9[%get3A_165] {strides = array<i32>} : memref<8192xi32, #tpu.memory_space<vmem>>, vector<16xi32>,
        %swap3A_167 = arith.constant 128 : index
        %swap3A_168 = tpu.vector_load %arg10[%swap3A_167] {strides = array<i32>} : memref<256xi32, #tpu.memory_space<vmem>>, vector<16xi32>,
        tpu.vector_store %arg10[%swap3A_167], %get3A_166 {strides = array<i32>} : memref<256xi32, #tpu.memory_space<vmem>>, vector<16xi32>,
        %add3A_169 = arith.constant 144 : i32
        %add3A_170 = arith.addi %select_n3A_115, %add3A_169 : i32
        %get3A_171 = arith.index_cast %add3A_170 : i32 to index
        %get3A_172 = tpu.vector_load %arg9[%get3A_171] {strides = array<i32>} : memref<8192xi32, #tpu.memory_space<vmem>>, vector<16xi32>,
        %swap3A_173 = arith.constant 144 : index
        %swap3A_174 = tpu.vector_load %arg10[%swap3A_173] {strides = array<i32>} : memref<256xi32, #tpu.memory_space<vmem>>, vector<16xi32>,
        tpu.vector_store %arg10[%swap3A_173], %get3A_172 {strides = array<i32>} : memref<256xi32, #tpu.memory_space<vmem>>, vector<16xi32>,
        %add3A_175 = arith.constant 160 : i32
        %add3A_176 = arith.addi %select_n3A_115, %add3A_175 : i32
        %get3A_177 = arith.index_cast %add3A_176 : i32 to index
        %get3A_178 = tpu.vector_load %arg9[%get3A_177] {strides = array<i32>} : memref<8192xi32, #tpu.memory_space<vmem>>, vector<16xi32>,
        %swap3A_179 = arith.constant 160 : index
        %swap3A_180 = tpu.vector_load %arg10[%swap3A_179] {strides = array<i32>} : memref<256xi32, #tpu.memory_space<vmem>>, vector<16xi32>,
        tpu.vector_store %arg10[%swap3A_179], %get3A_178 {strides = array<i32>} : memref<256xi32, #tpu.memory_space<vmem>>, vector<16xi32>,
        %add3A_181 = arith.constant 176 : i32
        %add3A_182 = arith.addi %select_n3A_115, %add3A_181 : i32
        %get3A_183 = arith.index_cast %add3A_182 : i32 to index
        %get3A_184 = tpu.vector_load %arg9[%get3A_183] {strides = array<i32>} : memref<8192xi32, #tpu.memory_space<vmem>>, vector<16xi32>,
        %swap3A_185 = arith.constant 176 : index
        %swap3A_186 = tpu.vector_load %arg10[%swap3A_185] {strides = array<i32>} : memref<256xi32, #tpu.memory_space<vmem>>, vector<16xi32>,
        tpu.vector_store %arg10[%swap3A_185], %get3A_184 {strides = array<i32>} : memref<256xi32, #tpu.memory_space<vmem>>, vector<16xi32>,
        %add3A_187 = arith.constant 192 : i32
        %add3A_188 = arith.addi %select_n3A_115, %add3A_187 : i32
        %get3A_189 = arith.index_cast %add3A_188 : i32 to index
        %get3A_190 = tpu.vector_load %arg9[%get3A_189] {strides = array<i32>} : memref<8192xi32, #tpu.memory_space<vmem>>, vector<16xi32>,
        %swap3A_191 = arith.constant 192 : index
        %swap3A_192 = tpu.vector_load %arg10[%swap3A_191] {strides = array<i32>} : memref<256xi32, #tpu.memory_space<vmem>>, vector<16xi32>,
        tpu.vector_store %arg10[%swap3A_191], %get3A_190 {strides = array<i32>} : memref<256xi32, #tpu.memory_space<vmem>>, vector<16xi32>,
        %add3A_193 = arith.constant 208 : i32
        %add3A_194 = arith.addi %select_n3A_115, %add3A_193 : i32
        %get3A_195 = arith.index_cast %add3A_194 : i32 to index
        %get3A_196 = tpu.vector_load %arg9[%get3A_195] {strides = array<i32>} : memref<8192xi32, #tpu.memory_space<vmem>>, vector<16xi32>,
        %swap3A_197 = arith.constant 208 : index
        %swap3A_198 = tpu.vector_load %arg10[%swap3A_197] {strides = array<i32>} : memref<256xi32, #tpu.memory_space<vmem>>, vector<16xi32>,
        tpu.vector_store %arg10[%swap3A_197], %get3A_196 {strides = array<i32>} : memref<256xi32, #tpu.memory_space<vmem>>, vector<16xi32>,
        %add3A_199 = arith.constant 224 : i32
        %add3A_200 = arith.addi %select_n3A_115, %add3A_199 : i32
        %get3A_201 = arith.index_cast %add3A_200 : i32 to index
        %get3A_202 = tpu.vector_load %arg9[%get3A_201] {strides = array<i32>} : memref<8192xi32, #tpu.memory_space<vmem>>, vector<16xi32>,
        %swap3A_203 = arith.constant 224 : index
        %swap3A_204 = tpu.vector_load %arg10[%swap3A_203] {strides = array<i32>} : memref<256xi32, #tpu.memory_space<vmem>>, vector<16xi32>,
        tpu.vector_store %arg10[%swap3A_203], %get3A_202 {strides = array<i32>} : memref<256xi32, #tpu.memory_space<vmem>>, vector<16xi32>,
        %add3A_205 = arith.constant 240 : i32
        %add3A_206 = arith.addi %select_n3A_115, %add3A_205 : i32
        %get3A_207 = arith.index_cast %add3A_206 : i32 to index
        %get3A_208 = tpu.vector_load %arg9[%get3A_207] {strides = array<i32>} : memref<8192xi32, #tpu.memory_space<vmem>>, vector<16xi32>,
        %swap3A_209 = arith.constant 240 : index
        %swap3A_210 = tpu.vector_load %arg10[%swap3A_209] {strides = array<i32>} : memref<256xi32, #tpu.memory_space<vmem>>, vector<16xi32>,
        tpu.vector_store %arg10[%swap3A_209], %get3A_208 {strides = array<i32>} : memref<256xi32, #tpu.memory_space<vmem>>, vector<16xi32>,
        %dma_start3A = tpu.memref_slice %arg8[%select_n3A_115] : memref<8192xi32, #tpu.memory_space<vmem>> -> memref<256xi32, #tpu.memory_space<vmem>>
        %dma_start3A_211 = arith.constant 0 : i32
        %dma_start3A_212 = arith.constant 0 : i32
        %dma_start3A_213 = tpu.memref_slice %arg5[%dma_start3A_211, %dma_start3A_212] : memref<50176x128xf32, #tpu.memory_space<hbm>> -> memref<50176x128xf32, #tpu.memory_space<hbm>>
        tpu.enqueue_indirect_dma source(%dma_start3A_213 : memref<50176x128xf32, #tpu.memory_space<hbm>>) target(%arg13 : memref<256x128xf32, #tpu.memory_space<vmem>>) offsets(%dma_start3A : memref<256xi32, #tpu.memory_space<vmem>>) semaphore(%arg17 : memref<!tpu.dma_semaphore, #tpu.memory_space<semaphore_mem>>)
      } else {
      }
      %convert_element_type3A_86 = arith.extui %lt3A_81 : i1 to i32
      %cond3A_87 = arith.constant 0 : i32
      %cond3A_88 = arith.cmpi ne, %convert_element_type3A_86, %cond3A_87 : i32
      scf.if %cond3A_88 {
        %add3A_110 = arith.constant 1 : i32
        %add3A_111 = arith.addi %add3A_76, %add3A_110 : i32
        %lt3A_112 = arith.cmpi slt, %add3A_111, %select_n3A : i32
        %mul3A_113 = arith.constant 256 : i32
        %mul3A_114 = arith.muli %add3A_111, %mul3A_113 : i32
        %select_n3A_115 = arith.select %lt3A_112, %mul3A_114, %mul3A_67 : i32
        %add3A_116 = arith.constant 0 : i32
        %add3A_117 = arith.addi %select_n3A_115, %add3A_116 : i32
        %get3A_118 = arith.index_cast %add3A_117 : i32 to index
        %get3A_119 = tpu.vector_load %arg9[%get3A_118] {strides = array<i32>} : memref<8192xi32, #tpu.memory_space<vmem>>, vector<16xi32>,
        %swap3A = arith.constant 0 : index
        %swap3A_120 = tpu.vector_load %arg11[%swap3A] {strides = array<i32>} : memref<256xi32, #tpu.memory_space<vmem>>, vector<16xi32>,
        tpu.vector_store %arg11[%swap3A], %get3A_119 {strides = array<i32>} : memref<256xi32, #tpu.memory_space<vmem>>, vector<16xi32>,
        %add3A_121 = arith.constant 16 : i32
        %add3A_122 = arith.addi %select_n3A_115, %add3A_121 : i32
        %get3A_123 = arith.index_cast %add3A_122 : i32 to index
        %get3A_124 = tpu.vector_load %arg9[%get3A_123] {strides = array<i32>} : memref<8192xi32, #tpu.memory_space<vmem>>, vector<16xi32>,
        %swap3A_125 = arith.constant 16 : index
        %swap3A_126 = tpu.vector_load %arg11[%swap3A_125] {strides = array<i32>} : memref<256xi32, #tpu.memory_space<vmem>>, vector<16xi32>,
        tpu.vector_store %arg11[%swap3A_125], %get3A_124 {strides = array<i32>} : memref<256xi32, #tpu.memory_space<vmem>>, vector<16xi32>,
        %add3A_127 = arith.constant 32 : i32
        %add3A_128 = arith.addi %select_n3A_115, %add3A_127 : i32
        %get3A_129 = arith.index_cast %add3A_128 : i32 to index
        %get3A_130 = tpu.vector_load %arg9[%get3A_129] {strides = array<i32>} : memref<8192xi32, #tpu.memory_space<vmem>>, vector<16xi32>,
        %swap3A_131 = arith.constant 32 : index
        %swap3A_132 = tpu.vector_load %arg11[%swap3A_131] {strides = array<i32>} : memref<256xi32, #tpu.memory_space<vmem>>, vector<16xi32>,
        tpu.vector_store %arg11[%swap3A_131], %get3A_130 {strides = array<i32>} : memref<256xi32, #tpu.memory_space<vmem>>, vector<16xi32>,
        %add3A_133 = arith.constant 48 : i32
        %add3A_134 = arith.addi %select_n3A_115, %add3A_133 : i32
        %get3A_135 = arith.index_cast %add3A_134 : i32 to index
        %get3A_136 = tpu.vector_load %arg9[%get3A_135] {strides = array<i32>} : memref<8192xi32, #tpu.memory_space<vmem>>, vector<16xi32>,
        %swap3A_137 = arith.constant 48 : index
        %swap3A_138 = tpu.vector_load %arg11[%swap3A_137] {strides = array<i32>} : memref<256xi32, #tpu.memory_space<vmem>>, vector<16xi32>,
        tpu.vector_store %arg11[%swap3A_137], %get3A_136 {strides = array<i32>} : memref<256xi32, #tpu.memory_space<vmem>>, vector<16xi32>,
        %add3A_139 = arith.constant 64 : i32
        %add3A_140 = arith.addi %select_n3A_115, %add3A_139 : i32
        %get3A_141 = arith.index_cast %add3A_140 : i32 to index
        %get3A_142 = tpu.vector_load %arg9[%get3A_141] {strides = array<i32>} : memref<8192xi32, #tpu.memory_space<vmem>>, vector<16xi32>,
        %swap3A_143 = arith.constant 64 : index
        %swap3A_144 = tpu.vector_load %arg11[%swap3A_143] {strides = array<i32>} : memref<256xi32, #tpu.memory_space<vmem>>, vector<16xi32>,
        tpu.vector_store %arg11[%swap3A_143], %get3A_142 {strides = array<i32>} : memref<256xi32, #tpu.memory_space<vmem>>, vector<16xi32>,
        %add3A_145 = arith.constant 80 : i32
        %add3A_146 = arith.addi %select_n3A_115, %add3A_145 : i32
        %get3A_147 = arith.index_cast %add3A_146 : i32 to index
        %get3A_148 = tpu.vector_load %arg9[%get3A_147] {strides = array<i32>} : memref<8192xi32, #tpu.memory_space<vmem>>, vector<16xi32>,
        %swap3A_149 = arith.constant 80 : index
        %swap3A_150 = tpu.vector_load %arg11[%swap3A_149] {strides = array<i32>} : memref<256xi32, #tpu.memory_space<vmem>>, vector<16xi32>,
        tpu.vector_store %arg11[%swap3A_149], %get3A_148 {strides = array<i32>} : memref<256xi32, #tpu.memory_space<vmem>>, vector<16xi32>,
        %add3A_151 = arith.constant 96 : i32
        %add3A_152 = arith.addi %select_n3A_115, %add3A_151 : i32
        %get3A_153 = arith.index_cast %add3A_152 : i32 to index
        %get3A_154 = tpu.vector_load %arg9[%get3A_153] {strides = array<i32>} : memref<8192xi32, #tpu.memory_space<vmem>>, vector<16xi32>,
        %swap3A_155 = arith.constant 96 : index
        %swap3A_156 = tpu.vector_load %arg11[%swap3A_155] {strides = array<i32>} : memref<256xi32, #tpu.memory_space<vmem>>, vector<16xi32>,
        tpu.vector_store %arg11[%swap3A_155], %get3A_154 {strides = array<i32>} : memref<256xi32, #tpu.memory_space<vmem>>, vector<16xi32>,
        %add3A_157 = arith.constant 112 : i32
        %add3A_158 = arith.addi %select_n3A_115, %add3A_157 : i32
        %get3A_159 = arith.index_cast %add3A_158 : i32 to index
        %get3A_160 = tpu.vector_load %arg9[%get3A_159] {strides = array<i32>} : memref<8192xi32, #tpu.memory_space<vmem>>, vector<16xi32>,
        %swap3A_161 = arith.constant 112 : index
        %swap3A_162 = tpu.vector_load %arg11[%swap3A_161] {strides = array<i32>} : memref<256xi32, #tpu.memory_space<vmem>>, vector<16xi32>,
        tpu.vector_store %arg11[%swap3A_161], %get3A_160 {strides = array<i32>} : memref<256xi32, #tpu.memory_space<vmem>>, vector<16xi32>,
        %add3A_163 = arith.constant 128 : i32
        %add3A_164 = arith.addi %select_n3A_115, %add3A_163 : i32
        %get3A_165 = arith.index_cast %add3A_164 : i32 to index
        %get3A_166 = tpu.vector_load %arg9[%get3A_165] {strides = array<i32>} : memref<8192xi32, #tpu.memory_space<vmem>>, vector<16xi32>,
        %swap3A_167 = arith.constant 128 : index
        %swap3A_168 = tpu.vector_load %arg11[%swap3A_167] {strides = array<i32>} : memref<256xi32, #tpu.memory_space<vmem>>, vector<16xi32>,
        tpu.vector_store %arg11[%swap3A_167], %get3A_166 {strides = array<i32>} : memref<256xi32, #tpu.memory_space<vmem>>, vector<16xi32>,
        %add3A_169 = arith.constant 144 : i32
        %add3A_170 = arith.addi %select_n3A_115, %add3A_169 : i32
        %get3A_171 = arith.index_cast %add3A_170 : i32 to index
        %get3A_172 = tpu.vector_load %arg9[%get3A_171] {strides = array<i32>} : memref<8192xi32, #tpu.memory_space<vmem>>, vector<16xi32>,
        %swap3A_173 = arith.constant 144 : index
        %swap3A_174 = tpu.vector_load %arg11[%swap3A_173] {strides = array<i32>} : memref<256xi32, #tpu.memory_space<vmem>>, vector<16xi32>,
        tpu.vector_store %arg11[%swap3A_173], %get3A_172 {strides = array<i32>} : memref<256xi32, #tpu.memory_space<vmem>>, vector<16xi32>,
        %add3A_175 = arith.constant 160 : i32
        %add3A_176 = arith.addi %select_n3A_115, %add3A_175 : i32
        %get3A_177 = arith.index_cast %add3A_176 : i32 to index
        %get3A_178 = tpu.vector_load %arg9[%get3A_177] {strides = array<i32>} : memref<8192xi32, #tpu.memory_space<vmem>>, vector<16xi32>,
        %swap3A_179 = arith.constant 160 : index
        %swap3A_180 = tpu.vector_load %arg11[%swap3A_179] {strides = array<i32>} : memref<256xi32, #tpu.memory_space<vmem>>, vector<16xi32>,
        tpu.vector_store %arg11[%swap3A_179], %get3A_178 {strides = array<i32>} : memref<256xi32, #tpu.memory_space<vmem>>, vector<16xi32>,
        %add3A_181 = arith.constant 176 : i32
        %add3A_182 = arith.addi %select_n3A_115, %add3A_181 : i32
        %get3A_183 = arith.index_cast %add3A_182 : i32 to index
        %get3A_184 = tpu.vector_load %arg9[%get3A_183] {strides = array<i32>} : memref<8192xi32, #tpu.memory_space<vmem>>, vector<16xi32>,
        %swap3A_185 = arith.constant 176 : index
        %swap3A_186 = tpu.vector_load %arg11[%swap3A_185] {strides = array<i32>} : memref<256xi32, #tpu.memory_space<vmem>>, vector<16xi32>,
        tpu.vector_store %arg11[%swap3A_185], %get3A_184 {strides = array<i32>} : memref<256xi32, #tpu.memory_space<vmem>>, vector<16xi32>,
        %add3A_187 = arith.constant 192 : i32
        %add3A_188 = arith.addi %select_n3A_115, %add3A_187 : i32
        %get3A_189 = arith.index_cast %add3A_188 : i32 to index
        %get3A_190 = tpu.vector_load %arg9[%get3A_189] {strides = array<i32>} : memref<8192xi32, #tpu.memory_space<vmem>>, vector<16xi32>,
        %swap3A_191 = arith.constant 192 : index
        %swap3A_192 = tpu.vector_load %arg11[%swap3A_191] {strides = array<i32>} : memref<256xi32, #tpu.memory_space<vmem>>, vector<16xi32>,
        tpu.vector_store %arg11[%swap3A_191], %get3A_190 {strides = array<i32>} : memref<256xi32, #tpu.memory_space<vmem>>, vector<16xi32>,
        %add3A_193 = arith.constant 208 : i32
        %add3A_194 = arith.addi %select_n3A_115, %add3A_193 : i32
        %get3A_195 = arith.index_cast %add3A_194 : i32 to index
        %get3A_196 = tpu.vector_load %arg9[%get3A_195] {strides = array<i32>} : memref<8192xi32, #tpu.memory_space<vmem>>, vector<16xi32>,
        %swap3A_197 = arith.constant 208 : index
        %swap3A_198 = tpu.vector_load %arg11[%swap3A_197] {strides = array<i32>} : memref<256xi32, #tpu.memory_space<vmem>>, vector<16xi32>,
        tpu.vector_store %arg11[%swap3A_197], %get3A_196 {strides = array<i32>} : memref<256xi32, #tpu.memory_space<vmem>>, vector<16xi32>,
        %add3A_199 = arith.constant 224 : i32
        %add3A_200 = arith.addi %select_n3A_115, %add3A_199 : i32
        %get3A_201 = arith.index_cast %add3A_200 : i32 to index
        %get3A_202 = tpu.vector_load %arg9[%get3A_201] {strides = array<i32>} : memref<8192xi32, #tpu.memory_space<vmem>>, vector<16xi32>,
        %swap3A_203 = arith.constant 224 : index
        %swap3A_204 = tpu.vector_load %arg11[%swap3A_203] {strides = array<i32>} : memref<256xi32, #tpu.memory_space<vmem>>, vector<16xi32>,
        tpu.vector_store %arg11[%swap3A_203], %get3A_202 {strides = array<i32>} : memref<256xi32, #tpu.memory_space<vmem>>, vector<16xi32>,
        %add3A_205 = arith.constant 240 : i32
        %add3A_206 = arith.addi %select_n3A_115, %add3A_205 : i32
        %get3A_207 = arith.index_cast %add3A_206 : i32 to index
        %get3A_208 = tpu.vector_load %arg9[%get3A_207] {strides = array<i32>} : memref<8192xi32, #tpu.memory_space<vmem>>, vector<16xi32>,
        %swap3A_209 = arith.constant 240 : index
        %swap3A_210 = tpu.vector_load %arg11[%swap3A_209] {strides = array<i32>} : memref<256xi32, #tpu.memory_space<vmem>>, vector<16xi32>,
        tpu.vector_store %arg11[%swap3A_209], %get3A_208 {strides = array<i32>} : memref<256xi32, #tpu.memory_space<vmem>>, vector<16xi32>,
        %dma_start3A = tpu.memref_slice %arg8[%select_n3A_115] : memref<8192xi32, #tpu.memory_space<vmem>> -> memref<256xi32, #tpu.memory_space<vmem>>
        %dma_start3A_211 = arith.constant 0 : i32
        %dma_start3A_212 = arith.constant 0 : i32
        %dma_start3A_213 = tpu.memref_slice %arg5[%dma_start3A_211, %dma_start3A_212] : memref<50176x128xf32, #tpu.memory_space<hbm>> -> memref<50176x128xf32, #tpu.memory_space<hbm>>
        tpu.enqueue_indirect_dma source(%dma_start3A_213 : memref<50176x128xf32, #tpu.memory_space<hbm>>) target(%arg14 : memref<256x128xf32, #tpu.memory_space<vmem>>) offsets(%dma_start3A : memref<256xi32, #tpu.memory_space<vmem>>) semaphore(%arg17 : memref<!tpu.dma_semaphore, #tpu.memory_space<semaphore_mem>>)
      } else {
      }
      %convert_element_type3A_89 = arith.extui %lt3A_84 : i1 to i32
      %cond3A_90 = arith.constant 0 : i32
      %cond3A_91 = arith.cmpi ne, %convert_element_type3A_89, %cond3A_90 : i32
      scf.if %cond3A_91 {
        %add3A_110 = arith.constant 2 : i32
        %add3A_111 = arith.addi %add3A_76, %add3A_110 : i32
        %lt3A_112 = arith.cmpi slt, %add3A_111, %select_n3A : i32
        %mul3A_113 = arith.constant 256 : i32
        %mul3A_114 = arith.muli %add3A_111, %mul3A_113 : i32
        %select_n3A_115 = arith.select %lt3A_112, %mul3A_114, %mul3A_67 : i32
        %add3A_116 = arith.constant 0 : i32
        %add3A_117 = arith.addi %select_n3A_115, %add3A_116 : i32
        %get3A_118 = arith.index_cast %add3A_117 : i32 to index
        %get3A_119 = tpu.vector_load %arg9[%get3A_118] {strides = array<i32>} : memref<8192xi32, #tpu.memory_space<vmem>>, vector<16xi32>,
        %swap3A = arith.constant 0 : index
        %swap3A_120 = tpu.vector_load %arg12[%swap3A] {strides = array<i32>} : memref<256xi32, #tpu.memory_space<vmem>>, vector<16xi32>,
        tpu.vector_store %arg12[%swap3A], %get3A_119 {strides = array<i32>} : memref<256xi32, #tpu.memory_space<vmem>>, vector<16xi32>,
        %add3A_121 = arith.constant 16 : i32
        %add3A_122 = arith.addi %select_n3A_115, %add3A_121 : i32
        %get3A_123 = arith.index_cast %add3A_122 : i32 to index
        %get3A_124 = tpu.vector_load %arg9[%get3A_123] {strides = array<i32>} : memref<8192xi32, #tpu.memory_space<vmem>>, vector<16xi32>,
        %swap3A_125 = arith.constant 16 : index
        %swap3A_126 = tpu.vector_load %arg12[%swap3A_125] {strides = array<i32>} : memref<256xi32, #tpu.memory_space<vmem>>, vector<16xi32>,
        tpu.vector_store %arg12[%swap3A_125], %get3A_124 {strides = array<i32>} : memref<256xi32, #tpu.memory_space<vmem>>, vector<16xi32>,
        %add3A_127 = arith.constant 32 : i32
        %add3A_128 = arith.addi %select_n3A_115, %add3A_127 : i32
        %get3A_129 = arith.index_cast %add3A_128 : i32 to index
        %get3A_130 = tpu.vector_load %arg9[%get3A_129] {strides = array<i32>} : memref<8192xi32, #tpu.memory_space<vmem>>, vector<16xi32>,
        %swap3A_131 = arith.constant 32 : index
        %swap3A_132 = tpu.vector_load %arg12[%swap3A_131] {strides = array<i32>} : memref<256xi32, #tpu.memory_space<vmem>>, vector<16xi32>,
        tpu.vector_store %arg12[%swap3A_131], %get3A_130 {strides = array<i32>} : memref<256xi32, #tpu.memory_space<vmem>>, vector<16xi32>,
        %add3A_133 = arith.constant 48 : i32
        %add3A_134 = arith.addi %select_n3A_115, %add3A_133 : i32
        %get3A_135 = arith.index_cast %add3A_134 : i32 to index
        %get3A_136 = tpu.vector_load %arg9[%get3A_135] {strides = array<i32>} : memref<8192xi32, #tpu.memory_space<vmem>>, vector<16xi32>,
        %swap3A_137 = arith.constant 48 : index
        %swap3A_138 = tpu.vector_load %arg12[%swap3A_137] {strides = array<i32>} : memref<256xi32, #tpu.memory_space<vmem>>, vector<16xi32>,
        tpu.vector_store %arg12[%swap3A_137], %get3A_136 {strides = array<i32>} : memref<256xi32, #tpu.memory_space<vmem>>, vector<16xi32>,
        %add3A_139 = arith.constant 64 : i32
        %add3A_140 = arith.addi %select_n3A_115, %add3A_139 : i32
        %get3A_141 = arith.index_cast %add3A_140 : i32 to index
        %get3A_142 = tpu.vector_load %arg9[%get3A_141] {strides = array<i32>} : memref<8192xi32, #tpu.memory_space<vmem>>, vector<16xi32>,
        %swap3A_143 = arith.constant 64 : index
        %swap3A_144 = tpu.vector_load %arg12[%swap3A_143] {strides = array<i32>} : memref<256xi32, #tpu.memory_space<vmem>>, vector<16xi32>,
        tpu.vector_store %arg12[%swap3A_143], %get3A_142 {strides = array<i32>} : memref<256xi32, #tpu.memory_space<vmem>>, vector<16xi32>,
        %add3A_145 = arith.constant 80 : i32
        %add3A_146 = arith.addi %select_n3A_115, %add3A_145 : i32
        %get3A_147 = arith.index_cast %add3A_146 : i32 to index
        %get3A_148 = tpu.vector_load %arg9[%get3A_147] {strides = array<i32>} : memref<8192xi32, #tpu.memory_space<vmem>>, vector<16xi32>,
        %swap3A_149 = arith.constant 80 : index
        %swap3A_150 = tpu.vector_load %arg12[%swap3A_149] {strides = array<i32>} : memref<256xi32, #tpu.memory_space<vmem>>, vector<16xi32>,
        tpu.vector_store %arg12[%swap3A_149], %get3A_148 {strides = array<i32>} : memref<256xi32, #tpu.memory_space<vmem>>, vector<16xi32>,
        %add3A_151 = arith.constant 96 : i32
        %add3A_152 = arith.addi %select_n3A_115, %add3A_151 : i32
        %get3A_153 = arith.index_cast %add3A_152 : i32 to index
        %get3A_154 = tpu.vector_load %arg9[%get3A_153] {strides = array<i32>} : memref<8192xi32, #tpu.memory_space<vmem>>, vector<16xi32>,
        %swap3A_155 = arith.constant 96 : index
        %swap3A_156 = tpu.vector_load %arg12[%swap3A_155] {strides = array<i32>} : memref<256xi32, #tpu.memory_space<vmem>>, vector<16xi32>,
        tpu.vector_store %arg12[%swap3A_155], %get3A_154 {strides = array<i32>} : memref<256xi32, #tpu.memory_space<vmem>>, vector<16xi32>,
        %add3A_157 = arith.constant 112 : i32
        %add3A_158 = arith.addi %select_n3A_115, %add3A_157 : i32
        %get3A_159 = arith.index_cast %add3A_158 : i32 to index
        %get3A_160 = tpu.vector_load %arg9[%get3A_159] {strides = array<i32>} : memref<8192xi32, #tpu.memory_space<vmem>>, vector<16xi32>,
        %swap3A_161 = arith.constant 112 : index
        %swap3A_162 = tpu.vector_load %arg12[%swap3A_161] {strides = array<i32>} : memref<256xi32, #tpu.memory_space<vmem>>, vector<16xi32>,
        tpu.vector_store %arg12[%swap3A_161], %get3A_160 {strides = array<i32>} : memref<256xi32, #tpu.memory_space<vmem>>, vector<16xi32>,
        %add3A_163 = arith.constant 128 : i32
        %add3A_164 = arith.addi %select_n3A_115, %add3A_163 : i32
        %get3A_165 = arith.index_cast %add3A_164 : i32 to index
        %get3A_166 = tpu.vector_load %arg9[%get3A_165] {strides = array<i32>} : memref<8192xi32, #tpu.memory_space<vmem>>, vector<16xi32>,
        %swap3A_167 = arith.constant 128 : index
        %swap3A_168 = tpu.vector_load %arg12[%swap3A_167] {strides = array<i32>} : memref<256xi32, #tpu.memory_space<vmem>>, vector<16xi32>,
        tpu.vector_store %arg12[%swap3A_167], %get3A_166 {strides = array<i32>} : memref<256xi32, #tpu.memory_space<vmem>>, vector<16xi32>,
        %add3A_169 = arith.constant 144 : i32
        %add3A_170 = arith.addi %select_n3A_115, %add3A_169 : i32
        %get3A_171 = arith.index_cast %add3A_170 : i32 to index
        %get3A_172 = tpu.vector_load %arg9[%get3A_171] {strides = array<i32>} : memref<8192xi32, #tpu.memory_space<vmem>>, vector<16xi32>,
        %swap3A_173 = arith.constant 144 : index
        %swap3A_174 = tpu.vector_load %arg12[%swap3A_173] {strides = array<i32>} : memref<256xi32, #tpu.memory_space<vmem>>, vector<16xi32>,
        tpu.vector_store %arg12[%swap3A_173], %get3A_172 {strides = array<i32>} : memref<256xi32, #tpu.memory_space<vmem>>, vector<16xi32>,
        %add3A_175 = arith.constant 160 : i32
        %add3A_176 = arith.addi %select_n3A_115, %add3A_175 : i32
        %get3A_177 = arith.index_cast %add3A_176 : i32 to index
        %get3A_178 = tpu.vector_load %arg9[%get3A_177] {strides = array<i32>} : memref<8192xi32, #tpu.memory_space<vmem>>, vector<16xi32>,
        %swap3A_179 = arith.constant 160 : index
        %swap3A_180 = tpu.vector_load %arg12[%swap3A_179] {strides = array<i32>} : memref<256xi32, #tpu.memory_space<vmem>>, vector<16xi32>,
        tpu.vector_store %arg12[%swap3A_179], %get3A_178 {strides = array<i32>} : memref<256xi32, #tpu.memory_space<vmem>>, vector<16xi32>,
        %add3A_181 = arith.constant 176 : i32
        %add3A_182 = arith.addi %select_n3A_115, %add3A_181 : i32
        %get3A_183 = arith.index_cast %add3A_182 : i32 to index
        %get3A_184 = tpu.vector_load %arg9[%get3A_183] {strides = array<i32>} : memref<8192xi32, #tpu.memory_space<vmem>>, vector<16xi32>,
        %swap3A_185 = arith.constant 176 : index
        %swap3A_186 = tpu.vector_load %arg12[%swap3A_185] {strides = array<i32>} : memref<256xi32, #tpu.memory_space<vmem>>, vector<16xi32>,
        tpu.vector_store %arg12[%swap3A_185], %get3A_184 {strides = array<i32>} : memref<256xi32, #tpu.memory_space<vmem>>, vector<16xi32>,
        %add3A_187 = arith.constant 192 : i32
        %add3A_188 = arith.addi %select_n3A_115, %add3A_187 : i32
        %get3A_189 = arith.index_cast %add3A_188 : i32 to index
        %get3A_190 = tpu.vector_load %arg9[%get3A_189] {strides = array<i32>} : memref<8192xi32, #tpu.memory_space<vmem>>, vector<16xi32>,
        %swap3A_191 = arith.constant 192 : index
        %swap3A_192 = tpu.vector_load %arg12[%swap3A_191] {strides = array<i32>} : memref<256xi32, #tpu.memory_space<vmem>>, vector<16xi32>,
        tpu.vector_store %arg12[%swap3A_191], %get3A_190 {strides = array<i32>} : memref<256xi32, #tpu.memory_space<vmem>>, vector<16xi32>,
        %add3A_193 = arith.constant 208 : i32
        %add3A_194 = arith.addi %select_n3A_115, %add3A_193 : i32
        %get3A_195 = arith.index_cast %add3A_194 : i32 to index
        %get3A_196 = tpu.vector_load %arg9[%get3A_195] {strides = array<i32>} : memref<8192xi32, #tpu.memory_space<vmem>>, vector<16xi32>,
        %swap3A_197 = arith.constant 208 : index
        %swap3A_198 = tpu.vector_load %arg12[%swap3A_197] {strides = array<i32>} : memref<256xi32, #tpu.memory_space<vmem>>, vector<16xi32>,
        tpu.vector_store %arg12[%swap3A_197], %get3A_196 {strides = array<i32>} : memref<256xi32, #tpu.memory_space<vmem>>, vector<16xi32>,
        %add3A_199 = arith.constant 224 : i32
        %add3A_200 = arith.addi %select_n3A_115, %add3A_199 : i32
        %get3A_201 = arith.index_cast %add3A_200 : i32 to index
        %get3A_202 = tpu.vector_load %arg9[%get3A_201] {strides = array<i32>} : memref<8192xi32, #tpu.memory_space<vmem>>, vector<16xi32>,
        %swap3A_203 = arith.constant 224 : index
        %swap3A_204 = tpu.vector_load %arg12[%swap3A_203] {strides = array<i32>} : memref<256xi32, #tpu.memory_space<vmem>>, vector<16xi32>,
        tpu.vector_store %arg12[%swap3A_203], %get3A_202 {strides = array<i32>} : memref<256xi32, #tpu.memory_space<vmem>>, vector<16xi32>,
        %add3A_205 = arith.constant 240 : i32
        %add3A_206 = arith.addi %select_n3A_115, %add3A_205 : i32
        %get3A_207 = arith.index_cast %add3A_206 : i32 to index
        %get3A_208 = tpu.vector_load %arg9[%get3A_207] {strides = array<i32>} : memref<8192xi32, #tpu.memory_space<vmem>>, vector<16xi32>,
        %swap3A_209 = arith.constant 240 : index
        %swap3A_210 = tpu.vector_load %arg12[%swap3A_209] {strides = array<i32>} : memref<256xi32, #tpu.memory_space<vmem>>, vector<16xi32>,
        tpu.vector_store %arg12[%swap3A_209], %get3A_208 {strides = array<i32>} : memref<256xi32, #tpu.memory_space<vmem>>, vector<16xi32>,
        %dma_start3A = tpu.memref_slice %arg8[%select_n3A_115] : memref<8192xi32, #tpu.memory_space<vmem>> -> memref<256xi32, #tpu.memory_space<vmem>>
        %dma_start3A_211 = arith.constant 0 : i32
        %dma_start3A_212 = arith.constant 0 : i32
        %dma_start3A_213 = tpu.memref_slice %arg5[%dma_start3A_211, %dma_start3A_212] : memref<50176x128xf32, #tpu.memory_space<hbm>> -> memref<50176x128xf32, #tpu.memory_space<hbm>>
        tpu.enqueue_indirect_dma source(%dma_start3A_213 : memref<50176x128xf32, #tpu.memory_space<hbm>>) target(%arg15 : memref<256x128xf32, #tpu.memory_space<vmem>>) offsets(%dma_start3A : memref<256xi32, #tpu.memory_space<vmem>>) semaphore(%arg17 : memref<!tpu.dma_semaphore, #tpu.memory_space<semaphore_mem>>)
      } else {
      }
      %convert_element_type3A_92 = arith.extui %lt3A : i1 to i32
      %cond3A_93 = arith.constant 0 : i32
      %cond3A_94 = arith.cmpi ne, %convert_element_type3A_92, %cond3A_93 : i32
      scf.if %cond3A_94 {
        %add3A_110 = arith.constant 0 : i32
        %add3A_111 = arith.addi %add3A_76, %add3A_110 : i32
        %lt3A_112 = arith.cmpi slt, %add3A_111, %select_n3A : i32
        %mul3A_113 = arith.constant 256 : i32
        %mul3A_114 = arith.muli %add3A_111, %mul3A_113 : i32
        %select_n3A_115 = arith.select %lt3A_112, %mul3A_114, %mul3A_67 : i32
        %dma_wait3A = tpu.memref_slice %arg8[%select_n3A_115] : memref<8192xi32, #tpu.memory_space<vmem>> -> memref<256xi32, #tpu.memory_space<vmem>>
        %dma_wait3A_116 = arith.constant 0 : i32
        %dma_wait3A_117 = arith.constant 0 : i32
        %dma_wait3A_118 = tpu.memref_slice %arg5[%dma_wait3A_116, %dma_wait3A_117] : memref<50176x128xf32, #tpu.memory_space<hbm>> -> memref<50176x128xf32, #tpu.memory_space<hbm>>
        tpu.wait_indirect_dma semaphore(%arg17 : memref<!tpu.dma_semaphore, #tpu.memory_space<semaphore_mem>>) src(%dma_wait3A_118 : memref<50176x128xf32, #tpu.memory_space<hbm>>) dst(%arg13 : memref<256x128xf32, #tpu.memory_space<vmem>>)
        %dma_start3A = arith.constant 0 : i32
        %dma_start3A_119 = arith.constant 0 : i32
        %dma_start3A_120 = tpu.memref_slice %arg6[%dma_start3A, %dma_start3A_119] : memref<250000x128xf32, #tpu.memory_space<hbm>> -> memref<250000x128xf32, #tpu.memory_space<hbm>>
        tpu.enqueue_indirect_dma source(%arg13 : memref<256x128xf32, #tpu.memory_space<vmem>>) target(%dma_start3A_120 : memref<250000x128xf32, #tpu.memory_space<hbm>>) offsets(%arg10 : memref<256xi32, #tpu.memory_space<vmem>>) semaphore(%arg18 : memref<!tpu.dma_semaphore, #tpu.memory_space<semaphore_mem>>)
      } else {
      }
      %convert_element_type3A_95 = arith.extui %lt3A_81 : i1 to i32
      %cond3A_96 = arith.constant 0 : i32
      %cond3A_97 = arith.cmpi ne, %convert_element_type3A_95, %cond3A_96 : i32
      scf.if %cond3A_97 {
        %add3A_110 = arith.constant 1 : i32
        %add3A_111 = arith.addi %add3A_76, %add3A_110 : i32
        %lt3A_112 = arith.cmpi slt, %add3A_111, %select_n3A : i32
        %mul3A_113 = arith.constant 256 : i32
        %mul3A_114 = arith.muli %add3A_111, %mul3A_113 : i32
        %select_n3A_115 = arith.select %lt3A_112, %mul3A_114, %mul3A_67 : i32
        %dma_wait3A = tpu.memref_slice %arg8[%select_n3A_115] : memref<8192xi32, #tpu.memory_space<vmem>> -> memref<256xi32, #tpu.memory_space<vmem>>
        %dma_wait3A_116 = arith.constant 0 : i32
        %dma_wait3A_117 = arith.constant 0 : i32
        %dma_wait3A_118 = tpu.memref_slice %arg5[%dma_wait3A_116, %dma_wait3A_117] : memref<50176x128xf32, #tpu.memory_space<hbm>> -> memref<50176x128xf32, #tpu.memory_space<hbm>>
        tpu.wait_indirect_dma semaphore(%arg17 : memref<!tpu.dma_semaphore, #tpu.memory_space<semaphore_mem>>) src(%dma_wait3A_118 : memref<50176x128xf32, #tpu.memory_space<hbm>>) dst(%arg14 : memref<256x128xf32, #tpu.memory_space<vmem>>)
        %dma_start3A = arith.constant 0 : i32
        %dma_start3A_119 = arith.constant 0 : i32
        %dma_start3A_120 = tpu.memref_slice %arg6[%dma_start3A, %dma_start3A_119] : memref<250000x128xf32, #tpu.memory_space<hbm>> -> memref<250000x128xf32, #tpu.memory_space<hbm>>
        tpu.enqueue_indirect_dma source(%arg14 : memref<256x128xf32, #tpu.memory_space<vmem>>) target(%dma_start3A_120 : memref<250000x128xf32, #tpu.memory_space<hbm>>) offsets(%arg11 : memref<256xi32, #tpu.memory_space<vmem>>) semaphore(%arg18 : memref<!tpu.dma_semaphore, #tpu.memory_space<semaphore_mem>>)
      } else {
      }
      %convert_element_type3A_98 = arith.extui %lt3A_84 : i1 to i32
      %cond3A_99 = arith.constant 0 : i32
      %cond3A_100 = arith.cmpi ne, %convert_element_type3A_98, %cond3A_99 : i32
      scf.if %cond3A_100 {
        %add3A_110 = arith.constant 2 : i32
        %add3A_111 = arith.addi %add3A_76, %add3A_110 : i32
        %lt3A_112 = arith.cmpi slt, %add3A_111, %select_n3A : i32
        %mul3A_113 = arith.constant 256 : i32
        %mul3A_114 = arith.muli %add3A_111, %mul3A_113 : i32
        %select_n3A_115 = arith.select %lt3A_112, %mul3A_114, %mul3A_67 : i32
        %dma_wait3A = tpu.memref_slice %arg8[%select_n3A_115] : memref<8192xi32, #tpu.memory_space<vmem>> -> memref<256xi32, #tpu.memory_space<vmem>>
        %dma_wait3A_116 = arith.constant 0 : i32
        %dma_wait3A_117 = arith.constant 0 : i32
        %dma_wait3A_118 = tpu.memref_slice %arg5[%dma_wait3A_116, %dma_wait3A_117] : memref<50176x128xf32, #tpu.memory_space<hbm>> -> memref<50176x128xf32, #tpu.memory_space<hbm>>
        tpu.wait_indirect_dma semaphore(%arg17 : memref<!tpu.dma_semaphore, #tpu.memory_space<semaphore_mem>>) src(%dma_wait3A_118 : memref<50176x128xf32, #tpu.memory_space<hbm>>) dst(%arg15 : memref<256x128xf32, #tpu.memory_space<vmem>>)
        %dma_start3A = arith.constant 0 : i32
        %dma_start3A_119 = arith.constant 0 : i32
        %dma_start3A_120 = tpu.memref_slice %arg6[%dma_start3A, %dma_start3A_119] : memref<250000x128xf32, #tpu.memory_space<hbm>> -> memref<250000x128xf32, #tpu.memory_space<hbm>>
        tpu.enqueue_indirect_dma source(%arg15 : memref<256x128xf32, #tpu.memory_space<vmem>>) target(%dma_start3A_120 : memref<250000x128xf32, #tpu.memory_space<hbm>>) offsets(%arg12 : memref<256xi32, #tpu.memory_space<vmem>>) semaphore(%arg18 : memref<!tpu.dma_semaphore, #tpu.memory_space<semaphore_mem>>)
      } else {
      }
      %convert_element_type3A_101 = arith.extui %lt3A : i1 to i32
      %cond3A_102 = arith.constant 0 : i32
      %cond3A_103 = arith.cmpi ne, %convert_element_type3A_101, %cond3A_102 : i32
      scf.if %cond3A_103 {
        %dma_wait3A = arith.constant 0 : i32
        %dma_wait3A_110 = arith.constant 0 : i32
        %dma_wait3A_111 = tpu.memref_slice %arg6[%dma_wait3A, %dma_wait3A_110] : memref<250000x128xf32, #tpu.memory_space<hbm>> -> memref<250000x128xf32, #tpu.memory_space<hbm>>
        tpu.wait_indirect_dma semaphore(%arg18 : memref<!tpu.dma_semaphore, #tpu.memory_space<semaphore_mem>>) src(%arg13 : memref<256x128xf32, #tpu.memory_space<vmem>>) dst(%dma_wait3A_111 : memref<250000x128xf32, #tpu.memory_space<hbm>>)
      } else {
      }
      %convert_element_type3A_104 = arith.extui %lt3A_81 : i1 to i32
      %cond3A_105 = arith.constant 0 : i32
      %cond3A_106 = arith.cmpi ne, %convert_element_type3A_104, %cond3A_105 : i32
      scf.if %cond3A_106 {
        %dma_wait3A = arith.constant 0 : i32
        %dma_wait3A_110 = arith.constant 0 : i32
        %dma_wait3A_111 = tpu.memref_slice %arg6[%dma_wait3A, %dma_wait3A_110] : memref<250000x128xf32, #tpu.memory_space<hbm>> -> memref<250000x128xf32, #tpu.memory_space<hbm>>
        tpu.wait_indirect_dma semaphore(%arg18 : memref<!tpu.dma_semaphore, #tpu.memory_space<semaphore_mem>>) src(%arg14 : memref<256x128xf32, #tpu.memory_space<vmem>>) dst(%dma_wait3A_111 : memref<250000x128xf32, #tpu.memory_space<hbm>>)
      } else {
      }
      %convert_element_type3A_107 = arith.extui %lt3A_84 : i1 to i32
      %cond3A_108 = arith.constant 0 : i32
      %cond3A_109 = arith.cmpi ne, %convert_element_type3A_107, %cond3A_108 : i32
      scf.if %cond3A_109 {
        %dma_wait3A = arith.constant 0 : i32
        %dma_wait3A_110 = arith.constant 0 : i32
        %dma_wait3A_111 = tpu.memref_slice %arg6[%dma_wait3A, %dma_wait3A_110] : memref<250000x128xf32, #tpu.memory_space<hbm>> -> memref<250000x128xf32, #tpu.memory_space<hbm>>
        tpu.wait_indirect_dma semaphore(%arg18 : memref<!tpu.dma_semaphore, #tpu.memory_space<semaphore_mem>>) src(%arg15 : memref<256x128xf32, #tpu.memory_space<vmem>>) dst(%dma_wait3A_111 : memref<250000x128xf32, #tpu.memory_space<hbm>>)
      } else {
      }
    }
    %scan3A_71 = arith.constant 11 : i32
    return
  }
}

#map = affine_map<(d0, d1) -> (0, 0)>
#map1 = affine_map<(d0, d1) -> (0)>
module attributes {stable_mosaic.version = 14 : i64} {
  func.func @sc_gather_rows(%arg0: i32, %arg1: i32, %arg2: memref<250000x128xf32, #tpu.memory_space<hbm>>, %arg3: memref<50176xi32, #tpu.memory_space<hbm>>, %arg4: memref<50176x128xf32, #tpu.memory_space<hbm>>, %arg5: memref<1568xi32, #tpu.memory_space<vmem>>, %arg6: memref<224x128xf32, #tpu.memory_space<vmem>>, %arg7: memref<224x128xf32, #tpu.memory_space<vmem>>, %arg8: memref<224x128xf32, #tpu.memory_space<vmem>>, %arg9: memref<!tpu.dma_semaphore, #tpu.memory_space<semaphore_mem>>, %arg10: memref<!tpu.dma_semaphore, #tpu.memory_space<semaphore_mem>>) attributes {dimension_semantics = [#tpu.dimension_semantics<core_parallel>, #tpu.dimension_semantics<subcore_parallel>], iteration_bounds = array<i64: 2, 16>, scalar_prefetch = 0 : i64, scratch_operands = 6 : i64, tpu.core_type = #tpu.core_type<sc_vector_subcore>, window_params = [{transform_indices = #map}, {transform_indices = #map1}, {transform_indices = #map}]} {
    %mul3A = arith.constant 2 : i32
    %mul3A_0 = arith.muli %arg1, %mul3A : i32
    %add3A = arith.addi %mul3A_0, %arg0 : i32
    %mul3A_1 = arith.constant 1568 : i32
    %mul3A_2 = arith.muli %add3A, %mul3A_1 : i32
    "tpu.region"() ({
      %run_scoped3A = tpu.sem_alloc : memref<!tpu.dma_semaphore, #tpu.memory_space<semaphore_mem>>
      %dma_start3A_155 = tpu.memref_slice %arg3[%mul3A_2] : memref<50176xi32, #tpu.memory_space<hbm>> -> memref<1568xi32, #tpu.memory_space<hbm>>
      %dma_start3A_156 = tpu.memref_slice %arg3[%mul3A_2] : memref<50176xi32, #tpu.memory_space<hbm>> -> memref<1568xi32, #tpu.memory_space<hbm>>
      tpu.enqueue_dma source(%dma_start3A_156 : memref<1568xi32, #tpu.memory_space<hbm>>) target(%arg5 : memref<1568xi32, #tpu.memory_space<vmem>>) target_semaphore(%run_scoped3A : memref<!tpu.dma_semaphore, #tpu.memory_space<semaphore_mem>>)
      %dma_wait3A_157 = tpu.memref_slice %arg3[%mul3A_2] : memref<50176xi32, #tpu.memory_space<hbm>> -> memref<1568xi32, #tpu.memory_space<hbm>>
      %dma_wait3A_158 = tpu.memref_slice %arg3[%mul3A_2] : memref<50176xi32, #tpu.memory_space<hbm>> -> memref<1568xi32, #tpu.memory_space<hbm>>
      tpu.wait_dma2 semaphore(%run_scoped3A : memref<!tpu.dma_semaphore, #tpu.memory_space<semaphore_mem>>) src(%dma_wait3A_158 : memref<1568xi32, #tpu.memory_space<hbm>>) dst(%arg5 : memref<1568xi32, #tpu.memory_space<vmem>>)
      tpu.yield
    }) : () -> ()
    %dma_start3A = arith.constant 0 : i32
    %dma_start3A_3 = tpu.memref_slice %arg5[%dma_start3A] : memref<1568xi32, #tpu.memory_space<vmem>> -> memref<224xi32, #tpu.memory_space<vmem>>
    %dma_start3A_4 = arith.constant 0 : i32
    %dma_start3A_5 = arith.constant 0 : i32
    %dma_start3A_6 = tpu.memref_slice %arg2[%dma_start3A_4, %dma_start3A_5] : memref<250000x128xf32, #tpu.memory_space<hbm>> -> memref<250000x128xf32, #tpu.memory_space<hbm>>
    tpu.enqueue_indirect_dma source(%dma_start3A_6 : memref<250000x128xf32, #tpu.memory_space<hbm>>) target(%arg6 : memref<224x128xf32, #tpu.memory_space<vmem>>) offsets(%dma_start3A_3 : memref<224xi32, #tpu.memory_space<vmem>>) semaphore(%arg9 : memref<!tpu.dma_semaphore, #tpu.memory_space<semaphore_mem>>)
    %dma_start3A_7 = arith.constant 224 : i32
    %dma_start3A_8 = tpu.memref_slice %arg5[%dma_start3A_7] : memref<1568xi32, #tpu.memory_space<vmem>> -> memref<224xi32, #tpu.memory_space<vmem>>
    %dma_start3A_9 = arith.constant 0 : i32
    %dma_start3A_10 = arith.constant 0 : i32
    %dma_start3A_11 = tpu.memref_slice %arg2[%dma_start3A_9, %dma_start3A_10] : memref<250000x128xf32, #tpu.memory_space<hbm>> -> memref<250000x128xf32, #tpu.memory_space<hbm>>
    tpu.enqueue_indirect_dma source(%dma_start3A_11 : memref<250000x128xf32, #tpu.memory_space<hbm>>) target(%arg7 : memref<224x128xf32, #tpu.memory_space<vmem>>) offsets(%dma_start3A_8 : memref<224xi32, #tpu.memory_space<vmem>>) semaphore(%arg9 : memref<!tpu.dma_semaphore, #tpu.memory_space<semaphore_mem>>)
    %dma_start3A_12 = arith.constant 448 : i32
    %dma_start3A_13 = tpu.memref_slice %arg5[%dma_start3A_12] : memref<1568xi32, #tpu.memory_space<vmem>> -> memref<224xi32, #tpu.memory_space<vmem>>
    %dma_start3A_14 = arith.constant 0 : i32
    %dma_start3A_15 = arith.constant 0 : i32
    %dma_start3A_16 = tpu.memref_slice %arg2[%dma_start3A_14, %dma_start3A_15] : memref<250000x128xf32, #tpu.memory_space<hbm>> -> memref<250000x128xf32, #tpu.memory_space<hbm>>
    tpu.enqueue_indirect_dma source(%dma_start3A_16 : memref<250000x128xf32, #tpu.memory_space<hbm>>) target(%arg8 : memref<224x128xf32, #tpu.memory_space<vmem>>) offsets(%dma_start3A_13 : memref<224xi32, #tpu.memory_space<vmem>>) semaphore(%arg9 : memref<!tpu.dma_semaphore, #tpu.memory_space<semaphore_mem>>)
    %dma_wait3A = arith.constant 0 : i32
    %dma_wait3A_17 = tpu.memref_slice %arg5[%dma_wait3A] : memref<1568xi32, #tpu.memory_space<vmem>> -> memref<224xi32, #tpu.memory_space<vmem>>
    %dma_wait3A_18 = arith.constant 0 : i32
    %dma_wait3A_19 = arith.constant 0 : i32
    %dma_wait3A_20 = tpu.memref_slice %arg2[%dma_wait3A_18, %dma_wait3A_19] : memref<250000x128xf32, #tpu.memory_space<hbm>> -> memref<250000x128xf32, #tpu.memory_space<hbm>>
    tpu.wait_indirect_dma semaphore(%arg9 : memref<!tpu.dma_semaphore, #tpu.memory_space<semaphore_mem>>) src(%dma_wait3A_20 : memref<250000x128xf32, #tpu.memory_space<hbm>>) dst(%arg6 : memref<224x128xf32, #tpu.memory_space<vmem>>)
    %add3A_21 = arith.constant 0 : i32
    %add3A_22 = arith.addi %mul3A_2, %add3A_21 : i32
    %dma_start3A_23 = arith.constant 0 : i32
    %dma_start3A_24 = tpu.memref_slice %arg4[%add3A_22, %dma_start3A_23] : memref<50176x128xf32, #tpu.memory_space<hbm>> -> memref<224x128xf32, #tpu.memory_space<hbm>>
    %dma_start3A_25 = arith.constant 0 : i32
    %dma_start3A_26 = tpu.memref_slice %arg4[%add3A_22, %dma_start3A_25] : memref<50176x128xf32, #tpu.memory_space<hbm>> -> memref<224x128xf32, #tpu.memory_space<hbm>>
    tpu.enqueue_dma source(%arg6 : memref<224x128xf32, #tpu.memory_space<vmem>>) target(%dma_start3A_26 : memref<224x128xf32, #tpu.memory_space<hbm>>) target_semaphore(%arg10 : memref<!tpu.dma_semaphore, #tpu.memory_space<semaphore_mem>>)
    %add3A_27 = arith.constant 0 : i32
    %add3A_28 = arith.addi %mul3A_2, %add3A_27 : i32
    %dma_wait3A_29 = arith.constant 0 : i32
    %dma_wait3A_30 = tpu.memref_slice %arg4[%add3A_28, %dma_wait3A_29] : memref<50176x128xf32, #tpu.memory_space<hbm>> -> memref<224x128xf32, #tpu.memory_space<hbm>>
    %dma_wait3A_31 = arith.constant 0 : i32
    %dma_wait3A_32 = tpu.memref_slice %arg4[%add3A_28, %dma_wait3A_31] : memref<50176x128xf32, #tpu.memory_space<hbm>> -> memref<224x128xf32, #tpu.memory_space<hbm>>
    tpu.wait_dma2 semaphore(%arg10 : memref<!tpu.dma_semaphore, #tpu.memory_space<semaphore_mem>>) src(%arg6 : memref<224x128xf32, #tpu.memory_space<vmem>>) dst(%dma_wait3A_32 : memref<224x128xf32, #tpu.memory_space<hbm>>)
    %dma_start3A_33 = arith.constant 672 : i32
    %dma_start3A_34 = tpu.memref_slice %arg5[%dma_start3A_33] : memref<1568xi32, #tpu.memory_space<vmem>> -> memref<224xi32, #tpu.memory_space<vmem>>
    %dma_start3A_35 = arith.constant 0 : i32
    %dma_start3A_36 = arith.constant 0 : i32
    %dma_start3A_37 = tpu.memref_slice %arg2[%dma_start3A_35, %dma_start3A_36] : memref<250000x128xf32, #tpu.memory_space<hbm>> -> memref<250000x128xf32, #tpu.memory_space<hbm>>
    tpu.enqueue_indirect_dma source(%dma_start3A_37 : memref<250000x128xf32, #tpu.memory_space<hbm>>) target(%arg6 : memref<224x128xf32, #tpu.memory_space<vmem>>) offsets(%dma_start3A_34 : memref<224xi32, #tpu.memory_space<vmem>>) semaphore(%arg9 : memref<!tpu.dma_semaphore, #tpu.memory_space<semaphore_mem>>)
    %dma_wait3A_38 = arith.constant 224 : i32
    %dma_wait3A_39 = tpu.memref_slice %arg5[%dma_wait3A_38] : memref<1568xi32, #tpu.memory_space<vmem>> -> memref<224xi32, #tpu.memory_space<vmem>>
    %dma_wait3A_40 = arith.constant 0 : i32
    %dma_wait3A_41 = arith.constant 0 : i32
    %dma_wait3A_42 = tpu.memref_slice %arg2[%dma_wait3A_40, %dma_wait3A_41] : memref<250000x128xf32, #tpu.memory_space<hbm>> -> memref<250000x128xf32, #tpu.memory_space<hbm>>
    tpu.wait_indirect_dma semaphore(%arg9 : memref<!tpu.dma_semaphore, #tpu.memory_space<semaphore_mem>>) src(%dma_wait3A_42 : memref<250000x128xf32, #tpu.memory_space<hbm>>) dst(%arg7 : memref<224x128xf32, #tpu.memory_space<vmem>>)
    %add3A_43 = arith.constant 224 : i32
    %add3A_44 = arith.addi %mul3A_2, %add3A_43 : i32
    %dma_start3A_45 = arith.constant 0 : i32
    %dma_start3A_46 = tpu.memref_slice %arg4[%add3A_44, %dma_start3A_45] : memref<50176x128xf32, #tpu.memory_space<hbm>> -> memref<224x128xf32, #tpu.memory_space<hbm>>
    %dma_start3A_47 = arith.constant 0 : i32
    %dma_start3A_48 = tpu.memref_slice %arg4[%add3A_44, %dma_start3A_47] : memref<50176x128xf32, #tpu.memory_space<hbm>> -> memref<224x128xf32, #tpu.memory_space<hbm>>
    tpu.enqueue_dma source(%arg7 : memref<224x128xf32, #tpu.memory_space<vmem>>) target(%dma_start3A_48 : memref<224x128xf32, #tpu.memory_space<hbm>>) target_semaphore(%arg10 : memref<!tpu.dma_semaphore, #tpu.memory_space<semaphore_mem>>)
    %add3A_49 = arith.constant 224 : i32
    %add3A_50 = arith.addi %mul3A_2, %add3A_49 : i32
    %dma_wait3A_51 = arith.constant 0 : i32
    %dma_wait3A_52 = tpu.memref_slice %arg4[%add3A_50, %dma_wait3A_51] : memref<50176x128xf32, #tpu.memory_space<hbm>> -> memref<224x128xf32, #tpu.memory_space<hbm>>
    %dma_wait3A_53 = arith.constant 0 : i32
    %dma_wait3A_54 = tpu.memref_slice %arg4[%add3A_50, %dma_wait3A_53] : memref<50176x128xf32, #tpu.memory_space<hbm>> -> memref<224x128xf32, #tpu.memory_space<hbm>>
    tpu.wait_dma2 semaphore(%arg10 : memref<!tpu.dma_semaphore, #tpu.memory_space<semaphore_mem>>) src(%arg7 : memref<224x128xf32, #tpu.memory_space<vmem>>) dst(%dma_wait3A_54 : memref<224x128xf32, #tpu.memory_space<hbm>>)
    %dma_start3A_55 = arith.constant 896 : i32
    %dma_start3A_56 = tpu.memref_slice %arg5[%dma_start3A_55] : memref<1568xi32, #tpu.memory_space<vmem>> -> memref<224xi32, #tpu.memory_space<vmem>>
    %dma_start3A_57 = arith.constant 0 : i32
    %dma_start3A_58 = arith.constant 0 : i32
    %dma_start3A_59 = tpu.memref_slice %arg2[%dma_start3A_57, %dma_start3A_58] : memref<250000x128xf32, #tpu.memory_space<hbm>> -> memref<250000x128xf32, #tpu.memory_space<hbm>>
    tpu.enqueue_indirect_dma source(%dma_start3A_59 : memref<250000x128xf32, #tpu.memory_space<hbm>>) target(%arg7 : memref<224x128xf32, #tpu.memory_space<vmem>>) offsets(%dma_start3A_56 : memref<224xi32, #tpu.memory_space<vmem>>) semaphore(%arg9 : memref<!tpu.dma_semaphore, #tpu.memory_space<semaphore_mem>>)
    %dma_wait3A_60 = arith.constant 448 : i32
    %dma_wait3A_61 = tpu.memref_slice %arg5[%dma_wait3A_60] : memref<1568xi32, #tpu.memory_space<vmem>> -> memref<224xi32, #tpu.memory_space<vmem>>
    %dma_wait3A_62 = arith.constant 0 : i32
    %dma_wait3A_63 = arith.constant 0 : i32
    %dma_wait3A_64 = tpu.memref_slice %arg2[%dma_wait3A_62, %dma_wait3A_63] : memref<250000x128xf32, #tpu.memory_space<hbm>> -> memref<250000x128xf32, #tpu.memory_space<hbm>>
    tpu.wait_indirect_dma semaphore(%arg9 : memref<!tpu.dma_semaphore, #tpu.memory_space<semaphore_mem>>) src(%dma_wait3A_64 : memref<250000x128xf32, #tpu.memory_space<hbm>>) dst(%arg8 : memref<224x128xf32, #tpu.memory_space<vmem>>)
    %add3A_65 = arith.constant 448 : i32
    %add3A_66 = arith.addi %mul3A_2, %add3A_65 : i32
    %dma_start3A_67 = arith.constant 0 : i32
    %dma_start3A_68 = tpu.memref_slice %arg4[%add3A_66, %dma_start3A_67] : memref<50176x128xf32, #tpu.memory_space<hbm>> -> memref<224x128xf32, #tpu.memory_space<hbm>>
    %dma_start3A_69 = arith.constant 0 : i32
    %dma_start3A_70 = tpu.memref_slice %arg4[%add3A_66, %dma_start3A_69] : memref<50176x128xf32, #tpu.memory_space<hbm>> -> memref<224x128xf32, #tpu.memory_space<hbm>>
    tpu.enqueue_dma source(%arg8 : memref<224x128xf32, #tpu.memory_space<vmem>>) target(%dma_start3A_70 : memref<224x128xf32, #tpu.memory_space<hbm>>) target_semaphore(%arg10 : memref<!tpu.dma_semaphore, #tpu.memory_space<semaphore_mem>>)
    %add3A_71 = arith.constant 448 : i32
    %add3A_72 = arith.addi %mul3A_2, %add3A_71 : i32
    %dma_wait3A_73 = arith.constant 0 : i32
    %dma_wait3A_74 = tpu.memref_slice %arg4[%add3A_72, %dma_wait3A_73] : memref<50176x128xf32, #tpu.memory_space<hbm>> -> memref<224x128xf32, #tpu.memory_space<hbm>>
    %dma_wait3A_75 = arith.constant 0 : i32
    %dma_wait3A_76 = tpu.memref_slice %arg4[%add3A_72, %dma_wait3A_75] : memref<50176x128xf32, #tpu.memory_space<hbm>> -> memref<224x128xf32, #tpu.memory_space<hbm>>
    tpu.wait_dma2 semaphore(%arg10 : memref<!tpu.dma_semaphore, #tpu.memory_space<semaphore_mem>>) src(%arg8 : memref<224x128xf32, #tpu.memory_space<vmem>>) dst(%dma_wait3A_76 : memref<224x128xf32, #tpu.memory_space<hbm>>)
    %dma_start3A_77 = arith.constant 1120 : i32
    %dma_start3A_78 = tpu.memref_slice %arg5[%dma_start3A_77] : memref<1568xi32, #tpu.memory_space<vmem>> -> memref<224xi32, #tpu.memory_space<vmem>>
    %dma_start3A_79 = arith.constant 0 : i32
    %dma_start3A_80 = arith.constant 0 : i32
    %dma_start3A_81 = tpu.memref_slice %arg2[%dma_start3A_79, %dma_start3A_80] : memref<250000x128xf32, #tpu.memory_space<hbm>> -> memref<250000x128xf32, #tpu.memory_space<hbm>>
    tpu.enqueue_indirect_dma source(%dma_start3A_81 : memref<250000x128xf32, #tpu.memory_space<hbm>>) target(%arg8 : memref<224x128xf32, #tpu.memory_space<vmem>>) offsets(%dma_start3A_78 : memref<224xi32, #tpu.memory_space<vmem>>) semaphore(%arg9 : memref<!tpu.dma_semaphore, #tpu.memory_space<semaphore_mem>>)
    %dma_wait3A_82 = arith.constant 672 : i32
    %dma_wait3A_83 = tpu.memref_slice %arg5[%dma_wait3A_82] : memref<1568xi32, #tpu.memory_space<vmem>> -> memref<224xi32, #tpu.memory_space<vmem>>
    %dma_wait3A_84 = arith.constant 0 : i32
    %dma_wait3A_85 = arith.constant 0 : i32
    %dma_wait3A_86 = tpu.memref_slice %arg2[%dma_wait3A_84, %dma_wait3A_85] : memref<250000x128xf32, #tpu.memory_space<hbm>> -> memref<250000x128xf32, #tpu.memory_space<hbm>>
    tpu.wait_indirect_dma semaphore(%arg9 : memref<!tpu.dma_semaphore, #tpu.memory_space<semaphore_mem>>) src(%dma_wait3A_86 : memref<250000x128xf32, #tpu.memory_space<hbm>>) dst(%arg6 : memref<224x128xf32, #tpu.memory_space<vmem>>)
    %add3A_87 = arith.constant 672 : i32
    %add3A_88 = arith.addi %mul3A_2, %add3A_87 : i32
    %dma_start3A_89 = arith.constant 0 : i32
    %dma_start3A_90 = tpu.memref_slice %arg4[%add3A_88, %dma_start3A_89] : memref<50176x128xf32, #tpu.memory_space<hbm>> -> memref<224x128xf32, #tpu.memory_space<hbm>>
    %dma_start3A_91 = arith.constant 0 : i32
    %dma_start3A_92 = tpu.memref_slice %arg4[%add3A_88, %dma_start3A_91] : memref<50176x128xf32, #tpu.memory_space<hbm>> -> memref<224x128xf32, #tpu.memory_space<hbm>>
    tpu.enqueue_dma source(%arg6 : memref<224x128xf32, #tpu.memory_space<vmem>>) target(%dma_start3A_92 : memref<224x128xf32, #tpu.memory_space<hbm>>) target_semaphore(%arg10 : memref<!tpu.dma_semaphore, #tpu.memory_space<semaphore_mem>>)
    %add3A_93 = arith.constant 672 : i32
    %add3A_94 = arith.addi %mul3A_2, %add3A_93 : i32
    %dma_wait3A_95 = arith.constant 0 : i32
    %dma_wait3A_96 = tpu.memref_slice %arg4[%add3A_94, %dma_wait3A_95] : memref<50176x128xf32, #tpu.memory_space<hbm>> -> memref<224x128xf32, #tpu.memory_space<hbm>>
    %dma_wait3A_97 = arith.constant 0 : i32
    %dma_wait3A_98 = tpu.memref_slice %arg4[%add3A_94, %dma_wait3A_97] : memref<50176x128xf32, #tpu.memory_space<hbm>> -> memref<224x128xf32, #tpu.memory_space<hbm>>
    tpu.wait_dma2 semaphore(%arg10 : memref<!tpu.dma_semaphore, #tpu.memory_space<semaphore_mem>>) src(%arg6 : memref<224x128xf32, #tpu.memory_space<vmem>>) dst(%dma_wait3A_98 : memref<224x128xf32, #tpu.memory_space<hbm>>)
    %dma_start3A_99 = arith.constant 1344 : i32
    %dma_start3A_100 = tpu.memref_slice %arg5[%dma_start3A_99] : memref<1568xi32, #tpu.memory_space<vmem>> -> memref<224xi32, #tpu.memory_space<vmem>>
    %dma_start3A_101 = arith.constant 0 : i32
    %dma_start3A_102 = arith.constant 0 : i32
    %dma_start3A_103 = tpu.memref_slice %arg2[%dma_start3A_101, %dma_start3A_102] : memref<250000x128xf32, #tpu.memory_space<hbm>> -> memref<250000x128xf32, #tpu.memory_space<hbm>>
    tpu.enqueue_indirect_dma source(%dma_start3A_103 : memref<250000x128xf32, #tpu.memory_space<hbm>>) target(%arg6 : memref<224x128xf32, #tpu.memory_space<vmem>>) offsets(%dma_start3A_100 : memref<224xi32, #tpu.memory_space<vmem>>) semaphore(%arg9 : memref<!tpu.dma_semaphore, #tpu.memory_space<semaphore_mem>>)
    %dma_wait3A_104 = arith.constant 896 : i32
    %dma_wait3A_105 = tpu.memref_slice %arg5[%dma_wait3A_104] : memref<1568xi32, #tpu.memory_space<vmem>> -> memref<224xi32, #tpu.memory_space<vmem>>
    %dma_wait3A_106 = arith.constant 0 : i32
    %dma_wait3A_107 = arith.constant 0 : i32
    %dma_wait3A_108 = tpu.memref_slice %arg2[%dma_wait3A_106, %dma_wait3A_107] : memref<250000x128xf32, #tpu.memory_space<hbm>> -> memref<250000x128xf32, #tpu.memory_space<hbm>>
    tpu.wait_indirect_dma semaphore(%arg9 : memref<!tpu.dma_semaphore, #tpu.memory_space<semaphore_mem>>) src(%dma_wait3A_108 : memref<250000x128xf32, #tpu.memory_space<hbm>>) dst(%arg7 : memref<224x128xf32, #tpu.memory_space<vmem>>)
    %add3A_109 = arith.constant 896 : i32
    %add3A_110 = arith.addi %mul3A_2, %add3A_109 : i32
    %dma_start3A_111 = arith.constant 0 : i32
    %dma_start3A_112 = tpu.memref_slice %arg4[%add3A_110, %dma_start3A_111] : memref<50176x128xf32, #tpu.memory_space<hbm>> -> memref<224x128xf32, #tpu.memory_space<hbm>>
    %dma_start3A_113 = arith.constant 0 : i32
    %dma_start3A_114 = tpu.memref_slice %arg4[%add3A_110, %dma_start3A_113] : memref<50176x128xf32, #tpu.memory_space<hbm>> -> memref<224x128xf32, #tpu.memory_space<hbm>>
    tpu.enqueue_dma source(%arg7 : memref<224x128xf32, #tpu.memory_space<vmem>>) target(%dma_start3A_114 : memref<224x128xf32, #tpu.memory_space<hbm>>) target_semaphore(%arg10 : memref<!tpu.dma_semaphore, #tpu.memory_space<semaphore_mem>>)
    %dma_wait3A_115 = arith.constant 1120 : i32
    %dma_wait3A_116 = tpu.memref_slice %arg5[%dma_wait3A_115] : memref<1568xi32, #tpu.memory_space<vmem>> -> memref<224xi32, #tpu.memory_space<vmem>>
    %dma_wait3A_117 = arith.constant 0 : i32
    %dma_wait3A_118 = arith.constant 0 : i32
    %dma_wait3A_119 = tpu.memref_slice %arg2[%dma_wait3A_117, %dma_wait3A_118] : memref<250000x128xf32, #tpu.memory_space<hbm>> -> memref<250000x128xf32, #tpu.memory_space<hbm>>
    tpu.wait_indirect_dma semaphore(%arg9 : memref<!tpu.dma_semaphore, #tpu.memory_space<semaphore_mem>>) src(%dma_wait3A_119 : memref<250000x128xf32, #tpu.memory_space<hbm>>) dst(%arg8 : memref<224x128xf32, #tpu.memory_space<vmem>>)
    %add3A_120 = arith.constant 1120 : i32
    %add3A_121 = arith.addi %mul3A_2, %add3A_120 : i32
    %dma_start3A_122 = arith.constant 0 : i32
    %dma_start3A_123 = tpu.memref_slice %arg4[%add3A_121, %dma_start3A_122] : memref<50176x128xf32, #tpu.memory_space<hbm>> -> memref<224x128xf32, #tpu.memory_space<hbm>>
    %dma_start3A_124 = arith.constant 0 : i32
    %dma_start3A_125 = tpu.memref_slice %arg4[%add3A_121, %dma_start3A_124] : memref<50176x128xf32, #tpu.memory_space<hbm>> -> memref<224x128xf32, #tpu.memory_space<hbm>>
    tpu.enqueue_dma source(%arg8 : memref<224x128xf32, #tpu.memory_space<vmem>>) target(%dma_start3A_125 : memref<224x128xf32, #tpu.memory_space<hbm>>) target_semaphore(%arg10 : memref<!tpu.dma_semaphore, #tpu.memory_space<semaphore_mem>>)
    %dma_wait3A_126 = arith.constant 1344 : i32
    %dma_wait3A_127 = tpu.memref_slice %arg5[%dma_wait3A_126] : memref<1568xi32, #tpu.memory_space<vmem>> -> memref<224xi32, #tpu.memory_space<vmem>>
    %dma_wait3A_128 = arith.constant 0 : i32
    %dma_wait3A_129 = arith.constant 0 : i32
    %dma_wait3A_130 = tpu.memref_slice %arg2[%dma_wait3A_128, %dma_wait3A_129] : memref<250000x128xf32, #tpu.memory_space<hbm>> -> memref<250000x128xf32, #tpu.memory_space<hbm>>
    tpu.wait_indirect_dma semaphore(%arg9 : memref<!tpu.dma_semaphore, #tpu.memory_space<semaphore_mem>>) src(%dma_wait3A_130 : memref<250000x128xf32, #tpu.memory_space<hbm>>) dst(%arg6 : memref<224x128xf32, #tpu.memory_space<vmem>>)
    %add3A_131 = arith.constant 1344 : i32
    %add3A_132 = arith.addi %mul3A_2, %add3A_131 : i32
    %dma_start3A_133 = arith.constant 0 : i32
    %dma_start3A_134 = tpu.memref_slice %arg4[%add3A_132, %dma_start3A_133] : memref<50176x128xf32, #tpu.memory_space<hbm>> -> memref<224x128xf32, #tpu.memory_space<hbm>>
    %dma_start3A_135 = arith.constant 0 : i32
    %dma_start3A_136 = tpu.memref_slice %arg4[%add3A_132, %dma_start3A_135] : memref<50176x128xf32, #tpu.memory_space<hbm>> -> memref<224x128xf32, #tpu.memory_space<hbm>>
    tpu.enqueue_dma source(%arg6 : memref<224x128xf32, #tpu.memory_space<vmem>>) target(%dma_start3A_136 : memref<224x128xf32, #tpu.memory_space<hbm>>) target_semaphore(%arg10 : memref<!tpu.dma_semaphore, #tpu.memory_space<semaphore_mem>>)
    %add3A_137 = arith.constant 896 : i32
    %add3A_138 = arith.addi %mul3A_2, %add3A_137 : i32
    %dma_wait3A_139 = arith.constant 0 : i32
    %dma_wait3A_140 = tpu.memref_slice %arg4[%add3A_138, %dma_wait3A_139] : memref<50176x128xf32, #tpu.memory_space<hbm>> -> memref<224x128xf32, #tpu.memory_space<hbm>>
    %dma_wait3A_141 = arith.constant 0 : i32
    %dma_wait3A_142 = tpu.memref_slice %arg4[%add3A_138, %dma_wait3A_141] : memref<50176x128xf32, #tpu.memory_space<hbm>> -> memref<224x128xf32, #tpu.memory_space<hbm>>
    tpu.wait_dma2 semaphore(%arg10 : memref<!tpu.dma_semaphore, #tpu.memory_space<semaphore_mem>>) src(%arg7 : memref<224x128xf32, #tpu.memory_space<vmem>>) dst(%dma_wait3A_142 : memref<224x128xf32, #tpu.memory_space<hbm>>)
    %add3A_143 = arith.constant 1120 : i32
    %add3A_144 = arith.addi %mul3A_2, %add3A_143 : i32
    %dma_wait3A_145 = arith.constant 0 : i32
    %dma_wait3A_146 = tpu.memref_slice %arg4[%add3A_144, %dma_wait3A_145] : memref<50176x128xf32, #tpu.memory_space<hbm>> -> memref<224x128xf32, #tpu.memory_space<hbm>>
    %dma_wait3A_147 = arith.constant 0 : i32
    %dma_wait3A_148 = tpu.memref_slice %arg4[%add3A_144, %dma_wait3A_147] : memref<50176x128xf32, #tpu.memory_space<hbm>> -> memref<224x128xf32, #tpu.memory_space<hbm>>
    tpu.wait_dma2 semaphore(%arg10 : memref<!tpu.dma_semaphore, #tpu.memory_space<semaphore_mem>>) src(%arg8 : memref<224x128xf32, #tpu.memory_space<vmem>>) dst(%dma_wait3A_148 : memref<224x128xf32, #tpu.memory_space<hbm>>)
    %add3A_149 = arith.constant 1344 : i32
    %add3A_150 = arith.addi %mul3A_2, %add3A_149 : i32
    %dma_wait3A_151 = arith.constant 0 : i32
    %dma_wait3A_152 = tpu.memref_slice %arg4[%add3A_150, %dma_wait3A_151] : memref<50176x128xf32, #tpu.memory_space<hbm>> -> memref<224x128xf32, #tpu.memory_space<hbm>>
    %dma_wait3A_153 = arith.constant 0 : i32
    %dma_wait3A_154 = tpu.memref_slice %arg4[%add3A_150, %dma_wait3A_153] : memref<50176x128xf32, #tpu.memory_space<hbm>> -> memref<224x128xf32, #tpu.memory_space<hbm>>
    tpu.wait_dma2 semaphore(%arg10 : memref<!tpu.dma_semaphore, #tpu.memory_space<semaphore_mem>>) src(%arg6 : memref<224x128xf32, #tpu.memory_space<vmem>>) dst(%dma_wait3A_154 : memref<224x128xf32, #tpu.memory_space<hbm>>)
    return
  }
}

#map = affine_map<(d0, d1) -> (0)>
module attributes {stable_mosaic.version = 14 : i64} {
  func.func @sc_scatter_winner(%arg0: i32, %arg1: i32, %arg2: memref<50000xi32, #tpu.memory_space<hbm>>, %arg3: memref<262144xi32, #tpu.memory_space<hbm>>, %arg4: memref<262144xi32, #tpu.memory_space<hbm>>, %arg5: memref<512xi32, #tpu.memory_space<hbm>>, %arg6: memref<8192xi32, #tpu.memory_space<vmem>>, %arg7: memref<10000xi32, #tpu.memory_space<vmem>>, %arg8: memref<8192xi32, #tpu.memory_space<vmem>>, %arg9: memref<8192xi32, #tpu.memory_space<vmem>>, %arg10: memref<16xi32, #tpu.memory_space<vmem>>, %arg11: memref<!tpu.dma_semaphore, #tpu.memory_space<semaphore_mem>>) attributes {dimension_semantics = [#tpu.dimension_semantics<core_parallel>, #tpu.dimension_semantics<subcore_parallel>], iteration_bounds = array<i64: 2, 16>, scalar_prefetch = 0 : i64, scratch_operands = 6 : i64, tpu.core_type = #tpu.core_type<sc_vector_subcore>, window_params = [{transform_indices = #map}, {transform_indices = #map}, {transform_indices = #map}, {transform_indices = #map}]} {
    %mul3A = arith.constant 2 : i32
    %mul3A_0 = arith.muli %arg1, %mul3A : i32
    %add3A = arith.addi %mul3A_0, %arg0 : i32
    %iota3A = tpu.iota {dimensions = array<i32: 0>} : vector<16xi32>
    %broadcast_in_dim3A = arith.constant -1 : i32
    %broadcast_in_dim3A_1 = vector.broadcast %broadcast_in_dim3A : i32 to vector<16xi32>
    %scan3A = arith.constant 0 : i32
    %scan3A_2 = arith.constant 512 : i32
    %scan3A_3 = arith.addi %scan3A, %scan3A_2 : i32
    %scan3A_4 = arith.constant 8 : i32
    scf.for %scan3A_227 = %scan3A to %scan3A_3 step %scan3A_4  : i32 {
      %mul3A_228 = arith.constant 1 : i32
      %mul3A_229 = arith.muli %scan3A_227, %mul3A_228 : i32
      %add3A_230 = arith.constant 0 : i32
      %add3A_231 = arith.addi %add3A_230, %mul3A_229 : i32
      %mul3A_232 = arith.constant 16 : i32
      %mul3A_233 = arith.muli %add3A_231, %mul3A_232 : i32
      %swap3A_234 = arith.index_cast %mul3A_233 : i32 to index
      %swap3A_235 = tpu.vector_load %arg6[%swap3A_234] {strides = array<i32>} : memref<8192xi32, #tpu.memory_space<vmem>>, vector<16xi32>,
      tpu.vector_store %arg6[%swap3A_234], %broadcast_in_dim3A_1 {strides = array<i32>} : memref<8192xi32, #tpu.memory_space<vmem>>, vector<16xi32>,
      %scan3A_236 = arith.constant 1 : i32
      %scan3A_237 = arith.addi %scan3A_227, %scan3A_236 : i32
      %mul3A_238 = arith.constant 1 : i32
      %mul3A_239 = arith.muli %scan3A_237, %mul3A_238 : i32
      %add3A_240 = arith.constant 0 : i32
      %add3A_241 = arith.addi %add3A_240, %mul3A_239 : i32
      %mul3A_242 = arith.constant 16 : i32
      %mul3A_243 = arith.muli %add3A_241, %mul3A_242 : i32
      %swap3A_244 = arith.index_cast %mul3A_243 : i32 to index
      %swap3A_245 = tpu.vector_load %arg6[%swap3A_244] {strides = array<i32>} : memref<8192xi32, #tpu.memory_space<vmem>>, vector<16xi32>,
      tpu.vector_store %arg6[%swap3A_244], %broadcast_in_dim3A_1 {strides = array<i32>} : memref<8192xi32, #tpu.memory_space<vmem>>, vector<16xi32>,
      %scan3A_246 = arith.constant 2 : i32
      %scan3A_247 = arith.addi %scan3A_227, %scan3A_246 : i32
      %mul3A_248 = arith.constant 1 : i32
      %mul3A_249 = arith.muli %scan3A_247, %mul3A_248 : i32
      %add3A_250 = arith.constant 0 : i32
      %add3A_251 = arith.addi %add3A_250, %mul3A_249 : i32
      %mul3A_252 = arith.constant 16 : i32
      %mul3A_253 = arith.muli %add3A_251, %mul3A_252 : i32
      %swap3A_254 = arith.index_cast %mul3A_253 : i32 to index
      %swap3A_255 = tpu.vector_load %arg6[%swap3A_254] {strides = array<i32>} : memref<8192xi32, #tpu.memory_space<vmem>>, vector<16xi32>,
      tpu.vector_store %arg6[%swap3A_254], %broadcast_in_dim3A_1 {strides = array<i32>} : memref<8192xi32, #tpu.memory_space<vmem>>, vector<16xi32>,
      %scan3A_256 = arith.constant 3 : i32
      %scan3A_257 = arith.addi %scan3A_227, %scan3A_256 : i32
      %mul3A_258 = arith.constant 1 : i32
      %mul3A_259 = arith.muli %scan3A_257, %mul3A_258 : i32
      %add3A_260 = arith.constant 0 : i32
      %add3A_261 = arith.addi %add3A_260, %mul3A_259 : i32
      %mul3A_262 = arith.constant 16 : i32
      %mul3A_263 = arith.muli %add3A_261, %mul3A_262 : i32
      %swap3A_264 = arith.index_cast %mul3A_263 : i32 to index
      %swap3A_265 = tpu.vector_load %arg6[%swap3A_264] {strides = array<i32>} : memref<8192xi32, #tpu.memory_space<vmem>>, vector<16xi32>,
      tpu.vector_store %arg6[%swap3A_264], %broadcast_in_dim3A_1 {strides = array<i32>} : memref<8192xi32, #tpu.memory_space<vmem>>, vector<16xi32>,
      %scan3A_266 = arith.constant 4 : i32
      %scan3A_267 = arith.addi %scan3A_227, %scan3A_266 : i32
      %mul3A_268 = arith.constant 1 : i32
      %mul3A_269 = arith.muli %scan3A_267, %mul3A_268 : i32
      %add3A_270 = arith.constant 0 : i32
      %add3A_271 = arith.addi %add3A_270, %mul3A_269 : i32
      %mul3A_272 = arith.constant 16 : i32
      %mul3A_273 = arith.muli %add3A_271, %mul3A_272 : i32
      %swap3A_274 = arith.index_cast %mul3A_273 : i32 to index
      %swap3A_275 = tpu.vector_load %arg6[%swap3A_274] {strides = array<i32>} : memref<8192xi32, #tpu.memory_space<vmem>>, vector<16xi32>,
      tpu.vector_store %arg6[%swap3A_274], %broadcast_in_dim3A_1 {strides = array<i32>} : memref<8192xi32, #tpu.memory_space<vmem>>, vector<16xi32>,
      %scan3A_276 = arith.constant 5 : i32
      %scan3A_277 = arith.addi %scan3A_227, %scan3A_276 : i32
      %mul3A_278 = arith.constant 1 : i32
      %mul3A_279 = arith.muli %scan3A_277, %mul3A_278 : i32
      %add3A_280 = arith.constant 0 : i32
      %add3A_281 = arith.addi %add3A_280, %mul3A_279 : i32
      %mul3A_282 = arith.constant 16 : i32
      %mul3A_283 = arith.muli %add3A_281, %mul3A_282 : i32
      %swap3A_284 = arith.index_cast %mul3A_283 : i32 to index
      %swap3A_285 = tpu.vector_load %arg6[%swap3A_284] {strides = array<i32>} : memref<8192xi32, #tpu.memory_space<vmem>>, vector<16xi32>,
      tpu.vector_store %arg6[%swap3A_284], %broadcast_in_dim3A_1 {strides = array<i32>} : memref<8192xi32, #tpu.memory_space<vmem>>, vector<16xi32>,
      %scan3A_286 = arith.constant 6 : i32
      %scan3A_287 = arith.addi %scan3A_227, %scan3A_286 : i32
      %mul3A_288 = arith.constant 1 : i32
      %mul3A_289 = arith.muli %scan3A_287, %mul3A_288 : i32
      %add3A_290 = arith.constant 0 : i32
      %add3A_291 = arith.addi %add3A_290, %mul3A_289 : i32
      %mul3A_292 = arith.constant 16 : i32
      %mul3A_293 = arith.muli %add3A_291, %mul3A_292 : i32
      %swap3A_294 = arith.index_cast %mul3A_293 : i32 to index
      %swap3A_295 = tpu.vector_load %arg6[%swap3A_294] {strides = array<i32>} : memref<8192xi32, #tpu.memory_space<vmem>>, vector<16xi32>,
      tpu.vector_store %arg6[%swap3A_294], %broadcast_in_dim3A_1 {strides = array<i32>} : memref<8192xi32, #tpu.memory_space<vmem>>, vector<16xi32>,
      %scan3A_296 = arith.constant 7 : i32
      %scan3A_297 = arith.addi %scan3A_227, %scan3A_296 : i32
      %mul3A_298 = arith.constant 1 : i32
      %mul3A_299 = arith.muli %scan3A_297, %mul3A_298 : i32
      %add3A_300 = arith.constant 0 : i32
      %add3A_301 = arith.addi %add3A_300, %mul3A_299 : i32
      %mul3A_302 = arith.constant 16 : i32
      %mul3A_303 = arith.muli %add3A_301, %mul3A_302 : i32
      %swap3A_304 = arith.index_cast %mul3A_303 : i32 to index
      %swap3A_305 = tpu.vector_load %arg6[%swap3A_304] {strides = array<i32>} : memref<8192xi32, #tpu.memory_space<vmem>>, vector<16xi32>,
      tpu.vector_store %arg6[%swap3A_304], %broadcast_in_dim3A_1 {strides = array<i32>} : memref<8192xi32, #tpu.memory_space<vmem>>, vector<16xi32>,
    }
    %scan3A_5 = arith.constant 512 : i32
    "tpu.region"() ({
      %run_scoped3A = tpu.sem_alloc : memref<!tpu.dma_semaphore, #tpu.memory_space<semaphore_mem>>
      %dma_start3A = arith.constant 0 : i32
      %dma_start3A_227 = tpu.memref_slice %arg2[%dma_start3A] : memref<50000xi32, #tpu.memory_space<hbm>> -> memref<10000xi32, #tpu.memory_space<hbm>>
      %dma_start3A_228 = arith.constant 0 : i32
      %dma_start3A_229 = tpu.memref_slice %arg2[%dma_start3A_228] : memref<50000xi32, #tpu.memory_space<hbm>> -> memref<10000xi32, #tpu.memory_space<hbm>>
      tpu.enqueue_dma source(%dma_start3A_229 : memref<10000xi32, #tpu.memory_space<hbm>>) target(%arg7 : memref<10000xi32, #tpu.memory_space<vmem>>) target_semaphore(%run_scoped3A : memref<!tpu.dma_semaphore, #tpu.memory_space<semaphore_mem>>)
      %dma_wait3A = arith.constant 0 : i32
      %dma_wait3A_230 = tpu.memref_slice %arg2[%dma_wait3A] : memref<50000xi32, #tpu.memory_space<hbm>> -> memref<10000xi32, #tpu.memory_space<hbm>>
      %dma_wait3A_231 = arith.constant 0 : i32
      %dma_wait3A_232 = tpu.memref_slice %arg2[%dma_wait3A_231] : memref<50000xi32, #tpu.memory_space<hbm>> -> memref<10000xi32, #tpu.memory_space<hbm>>
      tpu.wait_dma2 semaphore(%run_scoped3A : memref<!tpu.dma_semaphore, #tpu.memory_space<semaphore_mem>>) src(%dma_wait3A_232 : memref<10000xi32, #tpu.memory_space<hbm>>) dst(%arg7 : memref<10000xi32, #tpu.memory_space<vmem>>)
      tpu.yield
    }) : () -> ()
    %scan3A_6 = arith.constant 0 : i32
    %scan3A_7 = arith.constant 624 : i32
    %scan3A_8 = arith.addi %scan3A_6, %scan3A_7 : i32
    %scan3A_9 = arith.constant 8 : i32
    scf.for %scan3A_227 = %scan3A_6 to %scan3A_8 step %scan3A_9  : i32 {
      %mul3A_228 = arith.constant 1 : i32
      %mul3A_229 = arith.muli %scan3A_227, %mul3A_228 : i32
      %add3A_230 = arith.constant 0 : i32
      %add3A_231 = arith.addi %add3A_230, %mul3A_229 : i32
      %mul3A_232 = arith.constant 16 : i32
      %mul3A_233 = arith.muli %add3A_231, %mul3A_232 : i32
      %get3A_234 = arith.index_cast %mul3A_233 : i32 to index
      %get3A_235 = tpu.vector_load %arg7[%get3A_234] {strides = array<i32>} : memref<10000xi32, #tpu.memory_space<vmem>>, vector<16xi32>,
      %shift_right_arithmetic3A_236 = arith.constant 13 : i32
      %shift_right_arithmetic3A_237 = vector.broadcast %shift_right_arithmetic3A_236 : i32 to vector<16xi32>
      %shift_right_arithmetic3A_238 = arith.shrsi %get3A_235, %shift_right_arithmetic3A_237 : vector<16xi32>
      %eq3A_239 = vector.broadcast %add3A : i32 to vector<16xi32>
      %eq3A_240 = arith.cmpi eq, %shift_right_arithmetic3A_238, %eq3A_239 : vector<16xi32>
      %and3A_241 = arith.constant 8191 : i32
      %and3A_242 = vector.broadcast %and3A_241 : i32 to vector<16xi32>
      %and3A_243 = arith.andi %get3A_235, %and3A_242 : vector<16xi32>
      %mul3A_244 = arith.constant 16 : i32
      %mul3A_245 = arith.muli %add3A_231, %mul3A_244 : i32
      %add3A_246 = arith.constant 0 : i32
      %add3A_247 = arith.addi %add3A_246, %mul3A_245 : i32
      %add3A_248 = vector.broadcast %add3A_247 : i32 to vector<16xi32>
      %add3A_249 = arith.addi %add3A_248, %iota3A : vector<16xi32>
      %unique3A_250, %unique3A_251 = tpu.scan_count mask(%eq3A_240 : vector<16xi1>) value(%get3A_235 : vector<16xi32>) : vector<16xi1>, vector<16xi32>
      %and3A_252 = arith.andi %unique3A_250, %eq3A_240 : vector<16xi1>
      tpu.vector_store_idx %arg6[%and3A_243], %add3A_249 masked %and3A_252 : memref<8192xi32, #tpu.memory_space<vmem>>[vector<16xi32>], vector<16xi32>, vector<16xi1>
      %scan3A_253 = arith.constant 1 : i32
      %scan3A_254 = arith.addi %scan3A_227, %scan3A_253 : i32
      %mul3A_255 = arith.constant 1 : i32
      %mul3A_256 = arith.muli %scan3A_254, %mul3A_255 : i32
      %add3A_257 = arith.constant 0 : i32
      %add3A_258 = arith.addi %add3A_257, %mul3A_256 : i32
      %mul3A_259 = arith.constant 16 : i32
      %mul3A_260 = arith.muli %add3A_258, %mul3A_259 : i32
      %get3A_261 = arith.index_cast %mul3A_260 : i32 to index
      %get3A_262 = tpu.vector_load %arg7[%get3A_261] {strides = array<i32>} : memref<10000xi32, #tpu.memory_space<vmem>>, vector<16xi32>,
      %shift_right_arithmetic3A_263 = arith.constant 13 : i32
      %shift_right_arithmetic3A_264 = vector.broadcast %shift_right_arithmetic3A_263 : i32 to vector<16xi32>
      %shift_right_arithmetic3A_265 = arith.shrsi %get3A_262, %shift_right_arithmetic3A_264 : vector<16xi32>
      %eq3A_266 = vector.broadcast %add3A : i32 to vector<16xi32>
      %eq3A_267 = arith.cmpi eq, %shift_right_arithmetic3A_265, %eq3A_266 : vector<16xi32>
      %and3A_268 = arith.constant 8191 : i32
      %and3A_269 = vector.broadcast %and3A_268 : i32 to vector<16xi32>
      %and3A_270 = arith.andi %get3A_262, %and3A_269 : vector<16xi32>
      %mul3A_271 = arith.constant 16 : i32
      %mul3A_272 = arith.muli %add3A_258, %mul3A_271 : i32
      %add3A_273 = arith.constant 0 : i32
      %add3A_274 = arith.addi %add3A_273, %mul3A_272 : i32
      %add3A_275 = vector.broadcast %add3A_274 : i32 to vector<16xi32>
      %add3A_276 = arith.addi %add3A_275, %iota3A : vector<16xi32>
      %unique3A_277, %unique3A_278 = tpu.scan_count mask(%eq3A_267 : vector<16xi1>) value(%get3A_262 : vector<16xi32>) : vector<16xi1>, vector<16xi32>
      %and3A_279 = arith.andi %unique3A_277, %eq3A_267 : vector<16xi1>
      tpu.vector_store_idx %arg6[%and3A_270], %add3A_276 masked %and3A_279 : memref<8192xi32, #tpu.memory_space<vmem>>[vector<16xi32>], vector<16xi32>, vector<16xi1>
      %scan3A_280 = arith.constant 2 : i32
      %scan3A_281 = arith.addi %scan3A_227, %scan3A_280 : i32
      %mul3A_282 = arith.constant 1 : i32
      %mul3A_283 = arith.muli %scan3A_281, %mul3A_282 : i32
      %add3A_284 = arith.constant 0 : i32
      %add3A_285 = arith.addi %add3A_284, %mul3A_283 : i32
      %mul3A_286 = arith.constant 16 : i32
      %mul3A_287 = arith.muli %add3A_285, %mul3A_286 : i32
      %get3A_288 = arith.index_cast %mul3A_287 : i32 to index
      %get3A_289 = tpu.vector_load %arg7[%get3A_288] {strides = array<i32>} : memref<10000xi32, #tpu.memory_space<vmem>>, vector<16xi32>,
      %shift_right_arithmetic3A_290 = arith.constant 13 : i32
      %shift_right_arithmetic3A_291 = vector.broadcast %shift_right_arithmetic3A_290 : i32 to vector<16xi32>
      %shift_right_arithmetic3A_292 = arith.shrsi %get3A_289, %shift_right_arithmetic3A_291 : vector<16xi32>
      %eq3A_293 = vector.broadcast %add3A : i32 to vector<16xi32>
      %eq3A_294 = arith.cmpi eq, %shift_right_arithmetic3A_292, %eq3A_293 : vector<16xi32>
      %and3A_295 = arith.constant 8191 : i32
      %and3A_296 = vector.broadcast %and3A_295 : i32 to vector<16xi32>
      %and3A_297 = arith.andi %get3A_289, %and3A_296 : vector<16xi32>
      %mul3A_298 = arith.constant 16 : i32
      %mul3A_299 = arith.muli %add3A_285, %mul3A_298 : i32
      %add3A_300 = arith.constant 0 : i32
      %add3A_301 = arith.addi %add3A_300, %mul3A_299 : i32
      %add3A_302 = vector.broadcast %add3A_301 : i32 to vector<16xi32>
      %add3A_303 = arith.addi %add3A_302, %iota3A : vector<16xi32>
      %unique3A_304, %unique3A_305 = tpu.scan_count mask(%eq3A_294 : vector<16xi1>) value(%get3A_289 : vector<16xi32>) : vector<16xi1>, vector<16xi32>
      %and3A_306 = arith.andi %unique3A_304, %eq3A_294 : vector<16xi1>
      tpu.vector_store_idx %arg6[%and3A_297], %add3A_303 masked %and3A_306 : memref<8192xi32, #tpu.memory_space<vmem>>[vector<16xi32>], vector<16xi32>, vector<16xi1>
      %scan3A_307 = arith.constant 3 : i32
      %scan3A_308 = arith.addi %scan3A_227, %scan3A_307 : i32
      %mul3A_309 = arith.constant 1 : i32
      %mul3A_310 = arith.muli %scan3A_308, %mul3A_309 : i32
      %add3A_311 = arith.constant 0 : i32
      %add3A_312 = arith.addi %add3A_311, %mul3A_310 : i32
      %mul3A_313 = arith.constant 16 : i32
      %mul3A_314 = arith.muli %add3A_312, %mul3A_313 : i32
      %get3A_315 = arith.index_cast %mul3A_314 : i32 to index
      %get3A_316 = tpu.vector_load %arg7[%get3A_315] {strides = array<i32>} : memref<10000xi32, #tpu.memory_space<vmem>>, vector<16xi32>,
      %shift_right_arithmetic3A_317 = arith.constant 13 : i32
      %shift_right_arithmetic3A_318 = vector.broadcast %shift_right_arithmetic3A_317 : i32 to vector<16xi32>
      %shift_right_arithmetic3A_319 = arith.shrsi %get3A_316, %shift_right_arithmetic3A_318 : vector<16xi32>
      %eq3A_320 = vector.broadcast %add3A : i32 to vector<16xi32>
      %eq3A_321 = arith.cmpi eq, %shift_right_arithmetic3A_319, %eq3A_320 : vector<16xi32>
      %and3A_322 = arith.constant 8191 : i32
      %and3A_323 = vector.broadcast %and3A_322 : i32 to vector<16xi32>
      %and3A_324 = arith.andi %get3A_316, %and3A_323 : vector<16xi32>
      %mul3A_325 = arith.constant 16 : i32
      %mul3A_326 = arith.muli %add3A_312, %mul3A_325 : i32
      %add3A_327 = arith.constant 0 : i32
      %add3A_328 = arith.addi %add3A_327, %mul3A_326 : i32
      %add3A_329 = vector.broadcast %add3A_328 : i32 to vector<16xi32>
      %add3A_330 = arith.addi %add3A_329, %iota3A : vector<16xi32>
      %unique3A_331, %unique3A_332 = tpu.scan_count mask(%eq3A_321 : vector<16xi1>) value(%get3A_316 : vector<16xi32>) : vector<16xi1>, vector<16xi32>
      %and3A_333 = arith.andi %unique3A_331, %eq3A_321 : vector<16xi1>
      tpu.vector_store_idx %arg6[%and3A_324], %add3A_330 masked %and3A_333 : memref<8192xi32, #tpu.memory_space<vmem>>[vector<16xi32>], vector<16xi32>, vector<16xi1>
      %scan3A_334 = arith.constant 4 : i32
      %scan3A_335 = arith.addi %scan3A_227, %scan3A_334 : i32
      %mul3A_336 = arith.constant 1 : i32
      %mul3A_337 = arith.muli %scan3A_335, %mul3A_336 : i32
      %add3A_338 = arith.constant 0 : i32
      %add3A_339 = arith.addi %add3A_338, %mul3A_337 : i32
      %mul3A_340 = arith.constant 16 : i32
      %mul3A_341 = arith.muli %add3A_339, %mul3A_340 : i32
      %get3A_342 = arith.index_cast %mul3A_341 : i32 to index
      %get3A_343 = tpu.vector_load %arg7[%get3A_342] {strides = array<i32>} : memref<10000xi32, #tpu.memory_space<vmem>>, vector<16xi32>,
      %shift_right_arithmetic3A_344 = arith.constant 13 : i32
      %shift_right_arithmetic3A_345 = vector.broadcast %shift_right_arithmetic3A_344 : i32 to vector<16xi32>
      %shift_right_arithmetic3A_346 = arith.shrsi %get3A_343, %shift_right_arithmetic3A_345 : vector<16xi32>
      %eq3A_347 = vector.broadcast %add3A : i32 to vector<16xi32>
      %eq3A_348 = arith.cmpi eq, %shift_right_arithmetic3A_346, %eq3A_347 : vector<16xi32>
      %and3A_349 = arith.constant 8191 : i32
      %and3A_350 = vector.broadcast %and3A_349 : i32 to vector<16xi32>
      %and3A_351 = arith.andi %get3A_343, %and3A_350 : vector<16xi32>
      %mul3A_352 = arith.constant 16 : i32
      %mul3A_353 = arith.muli %add3A_339, %mul3A_352 : i32
      %add3A_354 = arith.constant 0 : i32
      %add3A_355 = arith.addi %add3A_354, %mul3A_353 : i32
      %add3A_356 = vector.broadcast %add3A_355 : i32 to vector<16xi32>
      %add3A_357 = arith.addi %add3A_356, %iota3A : vector<16xi32>
      %unique3A_358, %unique3A_359 = tpu.scan_count mask(%eq3A_348 : vector<16xi1>) value(%get3A_343 : vector<16xi32>) : vector<16xi1>, vector<16xi32>
      %and3A_360 = arith.andi %unique3A_358, %eq3A_348 : vector<16xi1>
      tpu.vector_store_idx %arg6[%and3A_351], %add3A_357 masked %and3A_360 : memref<8192xi32, #tpu.memory_space<vmem>>[vector<16xi32>], vector<16xi32>, vector<16xi1>
      %scan3A_361 = arith.constant 5 : i32
      %scan3A_362 = arith.addi %scan3A_227, %scan3A_361 : i32
      %mul3A_363 = arith.constant 1 : i32
      %mul3A_364 = arith.muli %scan3A_362, %mul3A_363 : i32
      %add3A_365 = arith.constant 0 : i32
      %add3A_366 = arith.addi %add3A_365, %mul3A_364 : i32
      %mul3A_367 = arith.constant 16 : i32
      %mul3A_368 = arith.muli %add3A_366, %mul3A_367 : i32
      %get3A_369 = arith.index_cast %mul3A_368 : i32 to index
      %get3A_370 = tpu.vector_load %arg7[%get3A_369] {strides = array<i32>} : memref<10000xi32, #tpu.memory_space<vmem>>, vector<16xi32>,
      %shift_right_arithmetic3A_371 = arith.constant 13 : i32
      %shift_right_arithmetic3A_372 = vector.broadcast %shift_right_arithmetic3A_371 : i32 to vector<16xi32>
      %shift_right_arithmetic3A_373 = arith.shrsi %get3A_370, %shift_right_arithmetic3A_372 : vector<16xi32>
      %eq3A_374 = vector.broadcast %add3A : i32 to vector<16xi32>
      %eq3A_375 = arith.cmpi eq, %shift_right_arithmetic3A_373, %eq3A_374 : vector<16xi32>
      %and3A_376 = arith.constant 8191 : i32
      %and3A_377 = vector.broadcast %and3A_376 : i32 to vector<16xi32>
      %and3A_378 = arith.andi %get3A_370, %and3A_377 : vector<16xi32>
      %mul3A_379 = arith.constant 16 : i32
      %mul3A_380 = arith.muli %add3A_366, %mul3A_379 : i32
      %add3A_381 = arith.constant 0 : i32
      %add3A_382 = arith.addi %add3A_381, %mul3A_380 : i32
      %add3A_383 = vector.broadcast %add3A_382 : i32 to vector<16xi32>
      %add3A_384 = arith.addi %add3A_383, %iota3A : vector<16xi32>
      %unique3A_385, %unique3A_386 = tpu.scan_count mask(%eq3A_375 : vector<16xi1>) value(%get3A_370 : vector<16xi32>) : vector<16xi1>, vector<16xi32>
      %and3A_387 = arith.andi %unique3A_385, %eq3A_375 : vector<16xi1>
      tpu.vector_store_idx %arg6[%and3A_378], %add3A_384 masked %and3A_387 : memref<8192xi32, #tpu.memory_space<vmem>>[vector<16xi32>], vector<16xi32>, vector<16xi1>
      %scan3A_388 = arith.constant 6 : i32
      %scan3A_389 = arith.addi %scan3A_227, %scan3A_388 : i32
      %mul3A_390 = arith.constant 1 : i32
      %mul3A_391 = arith.muli %scan3A_389, %mul3A_390 : i32
      %add3A_392 = arith.constant 0 : i32
      %add3A_393 = arith.addi %add3A_392, %mul3A_391 : i32
      %mul3A_394 = arith.constant 16 : i32
      %mul3A_395 = arith.muli %add3A_393, %mul3A_394 : i32
      %get3A_396 = arith.index_cast %mul3A_395 : i32 to index
      %get3A_397 = tpu.vector_load %arg7[%get3A_396] {strides = array<i32>} : memref<10000xi32, #tpu.memory_space<vmem>>, vector<16xi32>,
      %shift_right_arithmetic3A_398 = arith.constant 13 : i32
      %shift_right_arithmetic3A_399 = vector.broadcast %shift_right_arithmetic3A_398 : i32 to vector<16xi32>
      %shift_right_arithmetic3A_400 = arith.shrsi %get3A_397, %shift_right_arithmetic3A_399 : vector<16xi32>
      %eq3A_401 = vector.broadcast %add3A : i32 to vector<16xi32>
      %eq3A_402 = arith.cmpi eq, %shift_right_arithmetic3A_400, %eq3A_401 : vector<16xi32>
      %and3A_403 = arith.constant 8191 : i32
      %and3A_404 = vector.broadcast %and3A_403 : i32 to vector<16xi32>
      %and3A_405 = arith.andi %get3A_397, %and3A_404 : vector<16xi32>
      %mul3A_406 = arith.constant 16 : i32
      %mul3A_407 = arith.muli %add3A_393, %mul3A_406 : i32
      %add3A_408 = arith.constant 0 : i32
      %add3A_409 = arith.addi %add3A_408, %mul3A_407 : i32
      %add3A_410 = vector.broadcast %add3A_409 : i32 to vector<16xi32>
      %add3A_411 = arith.addi %add3A_410, %iota3A : vector<16xi32>
      %unique3A_412, %unique3A_413 = tpu.scan_count mask(%eq3A_402 : vector<16xi1>) value(%get3A_397 : vector<16xi32>) : vector<16xi1>, vector<16xi32>
      %and3A_414 = arith.andi %unique3A_412, %eq3A_402 : vector<16xi1>
      tpu.vector_store_idx %arg6[%and3A_405], %add3A_411 masked %and3A_414 : memref<8192xi32, #tpu.memory_space<vmem>>[vector<16xi32>], vector<16xi32>, vector<16xi1>
      %scan3A_415 = arith.constant 7 : i32
      %scan3A_416 = arith.addi %scan3A_227, %scan3A_415 : i32
      %mul3A_417 = arith.constant 1 : i32
      %mul3A_418 = arith.muli %scan3A_416, %mul3A_417 : i32
      %add3A_419 = arith.constant 0 : i32
      %add3A_420 = arith.addi %add3A_419, %mul3A_418 : i32
      %mul3A_421 = arith.constant 16 : i32
      %mul3A_422 = arith.muli %add3A_420, %mul3A_421 : i32
      %get3A_423 = arith.index_cast %mul3A_422 : i32 to index
      %get3A_424 = tpu.vector_load %arg7[%get3A_423] {strides = array<i32>} : memref<10000xi32, #tpu.memory_space<vmem>>, vector<16xi32>,
      %shift_right_arithmetic3A_425 = arith.constant 13 : i32
      %shift_right_arithmetic3A_426 = vector.broadcast %shift_right_arithmetic3A_425 : i32 to vector<16xi32>
      %shift_right_arithmetic3A_427 = arith.shrsi %get3A_424, %shift_right_arithmetic3A_426 : vector<16xi32>
      %eq3A_428 = vector.broadcast %add3A : i32 to vector<16xi32>
      %eq3A_429 = arith.cmpi eq, %shift_right_arithmetic3A_427, %eq3A_428 : vector<16xi32>
      %and3A_430 = arith.constant 8191 : i32
      %and3A_431 = vector.broadcast %and3A_430 : i32 to vector<16xi32>
      %and3A_432 = arith.andi %get3A_424, %and3A_431 : vector<16xi32>
      %mul3A_433 = arith.constant 16 : i32
      %mul3A_434 = arith.muli %add3A_420, %mul3A_433 : i32
      %add3A_435 = arith.constant 0 : i32
      %add3A_436 = arith.addi %add3A_435, %mul3A_434 : i32
      %add3A_437 = vector.broadcast %add3A_436 : i32 to vector<16xi32>
      %add3A_438 = arith.addi %add3A_437, %iota3A : vector<16xi32>
      %unique3A_439, %unique3A_440 = tpu.scan_count mask(%eq3A_429 : vector<16xi1>) value(%get3A_424 : vector<16xi32>) : vector<16xi1>, vector<16xi32>
      %and3A_441 = arith.andi %unique3A_439, %eq3A_429 : vector<16xi1>
      tpu.vector_store_idx %arg6[%and3A_432], %add3A_438 masked %and3A_441 : memref<8192xi32, #tpu.memory_space<vmem>>[vector<16xi32>], vector<16xi32>, vector<16xi1>
    }
    %scan3A_10 = arith.constant 624 : i32
    %scan3A_11 = arith.addi %scan3A_6, %scan3A_10 : i32
    %mul3A_12 = arith.constant 1 : i32
    %mul3A_13 = arith.muli %scan3A_11, %mul3A_12 : i32
    %add3A_14 = arith.constant 0 : i32
    %add3A_15 = arith.addi %add3A_14, %mul3A_13 : i32
    %mul3A_16 = arith.constant 16 : i32
    %mul3A_17 = arith.muli %add3A_15, %mul3A_16 : i32
    %get3A = arith.index_cast %mul3A_17 : i32 to index
    %get3A_18 = tpu.vector_load %arg7[%get3A] {strides = array<i32>} : memref<10000xi32, #tpu.memory_space<vmem>>, vector<16xi32>,
    %shift_right_arithmetic3A = arith.constant 13 : i32
    %shift_right_arithmetic3A_19 = vector.broadcast %shift_right_arithmetic3A : i32 to vector<16xi32>
    %shift_right_arithmetic3A_20 = arith.shrsi %get3A_18, %shift_right_arithmetic3A_19 : vector<16xi32>
    %eq3A = vector.broadcast %add3A : i32 to vector<16xi32>
    %eq3A_21 = arith.cmpi eq, %shift_right_arithmetic3A_20, %eq3A : vector<16xi32>
    %and3A = arith.constant 8191 : i32
    %and3A_22 = vector.broadcast %and3A : i32 to vector<16xi32>
    %and3A_23 = arith.andi %get3A_18, %and3A_22 : vector<16xi32>
    %mul3A_24 = arith.constant 16 : i32
    %mul3A_25 = arith.muli %add3A_15, %mul3A_24 : i32
    %add3A_26 = arith.constant 0 : i32
    %add3A_27 = arith.addi %add3A_26, %mul3A_25 : i32
    %add3A_28 = vector.broadcast %add3A_27 : i32 to vector<16xi32>
    %add3A_29 = arith.addi %add3A_28, %iota3A : vector<16xi32>
    %unique3A, %unique3A_30 = tpu.scan_count mask(%eq3A_21 : vector<16xi1>) value(%get3A_18 : vector<16xi32>) : vector<16xi1>, vector<16xi32>
    %and3A_31 = arith.andi %unique3A, %eq3A_21 : vector<16xi1>
    tpu.vector_store_idx %arg6[%and3A_23], %add3A_29 masked %and3A_31 : memref<8192xi32, #tpu.memory_space<vmem>>[vector<16xi32>], vector<16xi32>, vector<16xi1>
    %scan3A_32 = arith.constant 625 : i32
    "tpu.region"() ({
      %run_scoped3A = tpu.sem_alloc : memref<!tpu.dma_semaphore, #tpu.memory_space<semaphore_mem>>
      %dma_start3A = arith.constant 10000 : i32
      %dma_start3A_227 = tpu.memref_slice %arg2[%dma_start3A] : memref<50000xi32, #tpu.memory_space<hbm>> -> memref<10000xi32, #tpu.memory_space<hbm>>
      %dma_start3A_228 = arith.constant 10000 : i32
      %dma_start3A_229 = tpu.memref_slice %arg2[%dma_start3A_228] : memref<50000xi32, #tpu.memory_space<hbm>> -> memref<10000xi32, #tpu.memory_space<hbm>>
      tpu.enqueue_dma source(%dma_start3A_229 : memref<10000xi32, #tpu.memory_space<hbm>>) target(%arg7 : memref<10000xi32, #tpu.memory_space<vmem>>) target_semaphore(%run_scoped3A : memref<!tpu.dma_semaphore, #tpu.memory_space<semaphore_mem>>)
      %dma_wait3A = arith.constant 10000 : i32
      %dma_wait3A_230 = tpu.memref_slice %arg2[%dma_wait3A] : memref<50000xi32, #tpu.memory_space<hbm>> -> memref<10000xi32, #tpu.memory_space<hbm>>
      %dma_wait3A_231 = arith.constant 10000 : i32
      %dma_wait3A_232 = tpu.memref_slice %arg2[%dma_wait3A_231] : memref<50000xi32, #tpu.memory_space<hbm>> -> memref<10000xi32, #tpu.memory_space<hbm>>
      tpu.wait_dma2 semaphore(%run_scoped3A : memref<!tpu.dma_semaphore, #tpu.memory_space<semaphore_mem>>) src(%dma_wait3A_232 : memref<10000xi32, #tpu.memory_space<hbm>>) dst(%arg7 : memref<10000xi32, #tpu.memory_space<vmem>>)
      tpu.yield
    }) : () -> ()
    %scan3A_33 = arith.constant 0 : i32
    %scan3A_34 = arith.constant 624 : i32
    %scan3A_35 = arith.addi %scan3A_33, %scan3A_34 : i32
    %scan3A_36 = arith.constant 8 : i32
    scf.for %scan3A_227 = %scan3A_33 to %scan3A_35 step %scan3A_36  : i32 {
      %mul3A_228 = arith.constant 1 : i32
      %mul3A_229 = arith.muli %scan3A_227, %mul3A_228 : i32
      %add3A_230 = arith.constant 0 : i32
      %add3A_231 = arith.addi %add3A_230, %mul3A_229 : i32
      %mul3A_232 = arith.constant 16 : i32
      %mul3A_233 = arith.muli %add3A_231, %mul3A_232 : i32
      %get3A_234 = arith.index_cast %mul3A_233 : i32 to index
      %get3A_235 = tpu.vector_load %arg7[%get3A_234] {strides = array<i32>} : memref<10000xi32, #tpu.memory_space<vmem>>, vector<16xi32>,
      %shift_right_arithmetic3A_236 = arith.constant 13 : i32
      %shift_right_arithmetic3A_237 = vector.broadcast %shift_right_arithmetic3A_236 : i32 to vector<16xi32>
      %shift_right_arithmetic3A_238 = arith.shrsi %get3A_235, %shift_right_arithmetic3A_237 : vector<16xi32>
      %eq3A_239 = vector.broadcast %add3A : i32 to vector<16xi32>
      %eq3A_240 = arith.cmpi eq, %shift_right_arithmetic3A_238, %eq3A_239 : vector<16xi32>
      %and3A_241 = arith.constant 8191 : i32
      %and3A_242 = vector.broadcast %and3A_241 : i32 to vector<16xi32>
      %and3A_243 = arith.andi %get3A_235, %and3A_242 : vector<16xi32>
      %mul3A_244 = arith.constant 16 : i32
      %mul3A_245 = arith.muli %add3A_231, %mul3A_244 : i32
      %add3A_246 = arith.constant 10000 : i32
      %add3A_247 = arith.addi %add3A_246, %mul3A_245 : i32
      %add3A_248 = vector.broadcast %add3A_247 : i32 to vector<16xi32>
      %add3A_249 = arith.addi %add3A_248, %iota3A : vector<16xi32>
      %unique3A_250, %unique3A_251 = tpu.scan_count mask(%eq3A_240 : vector<16xi1>) value(%get3A_235 : vector<16xi32>) : vector<16xi1>, vector<16xi32>
      %and3A_252 = arith.andi %unique3A_250, %eq3A_240 : vector<16xi1>
      tpu.vector_store_idx %arg6[%and3A_243], %add3A_249 masked %and3A_252 : memref<8192xi32, #tpu.memory_space<vmem>>[vector<16xi32>], vector<16xi32>, vector<16xi1>
      %scan3A_253 = arith.constant 1 : i32
      %scan3A_254 = arith.addi %scan3A_227, %scan3A_253 : i32
      %mul3A_255 = arith.constant 1 : i32
      %mul3A_256 = arith.muli %scan3A_254, %mul3A_255 : i32
      %add3A_257 = arith.constant 0 : i32
      %add3A_258 = arith.addi %add3A_257, %mul3A_256 : i32
      %mul3A_259 = arith.constant 16 : i32
      %mul3A_260 = arith.muli %add3A_258, %mul3A_259 : i32
      %get3A_261 = arith.index_cast %mul3A_260 : i32 to index
      %get3A_262 = tpu.vector_load %arg7[%get3A_261] {strides = array<i32>} : memref<10000xi32, #tpu.memory_space<vmem>>, vector<16xi32>,
      %shift_right_arithmetic3A_263 = arith.constant 13 : i32
      %shift_right_arithmetic3A_264 = vector.broadcast %shift_right_arithmetic3A_263 : i32 to vector<16xi32>
      %shift_right_arithmetic3A_265 = arith.shrsi %get3A_262, %shift_right_arithmetic3A_264 : vector<16xi32>
      %eq3A_266 = vector.broadcast %add3A : i32 to vector<16xi32>
      %eq3A_267 = arith.cmpi eq, %shift_right_arithmetic3A_265, %eq3A_266 : vector<16xi32>
      %and3A_268 = arith.constant 8191 : i32
      %and3A_269 = vector.broadcast %and3A_268 : i32 to vector<16xi32>
      %and3A_270 = arith.andi %get3A_262, %and3A_269 : vector<16xi32>
      %mul3A_271 = arith.constant 16 : i32
      %mul3A_272 = arith.muli %add3A_258, %mul3A_271 : i32
      %add3A_273 = arith.constant 10000 : i32
      %add3A_274 = arith.addi %add3A_273, %mul3A_272 : i32
      %add3A_275 = vector.broadcast %add3A_274 : i32 to vector<16xi32>
      %add3A_276 = arith.addi %add3A_275, %iota3A : vector<16xi32>
      %unique3A_277, %unique3A_278 = tpu.scan_count mask(%eq3A_267 : vector<16xi1>) value(%get3A_262 : vector<16xi32>) : vector<16xi1>, vector<16xi32>
      %and3A_279 = arith.andi %unique3A_277, %eq3A_267 : vector<16xi1>
      tpu.vector_store_idx %arg6[%and3A_270], %add3A_276 masked %and3A_279 : memref<8192xi32, #tpu.memory_space<vmem>>[vector<16xi32>], vector<16xi32>, vector<16xi1>
      %scan3A_280 = arith.constant 2 : i32
      %scan3A_281 = arith.addi %scan3A_227, %scan3A_280 : i32
      %mul3A_282 = arith.constant 1 : i32
      %mul3A_283 = arith.muli %scan3A_281, %mul3A_282 : i32
      %add3A_284 = arith.constant 0 : i32
      %add3A_285 = arith.addi %add3A_284, %mul3A_283 : i32
      %mul3A_286 = arith.constant 16 : i32
      %mul3A_287 = arith.muli %add3A_285, %mul3A_286 : i32
      %get3A_288 = arith.index_cast %mul3A_287 : i32 to index
      %get3A_289 = tpu.vector_load %arg7[%get3A_288] {strides = array<i32>} : memref<10000xi32, #tpu.memory_space<vmem>>, vector<16xi32>,
      %shift_right_arithmetic3A_290 = arith.constant 13 : i32
      %shift_right_arithmetic3A_291 = vector.broadcast %shift_right_arithmetic3A_290 : i32 to vector<16xi32>
      %shift_right_arithmetic3A_292 = arith.shrsi %get3A_289, %shift_right_arithmetic3A_291 : vector<16xi32>
      %eq3A_293 = vector.broadcast %add3A : i32 to vector<16xi32>
      %eq3A_294 = arith.cmpi eq, %shift_right_arithmetic3A_292, %eq3A_293 : vector<16xi32>
      %and3A_295 = arith.constant 8191 : i32
      %and3A_296 = vector.broadcast %and3A_295 : i32 to vector<16xi32>
      %and3A_297 = arith.andi %get3A_289, %and3A_296 : vector<16xi32>
      %mul3A_298 = arith.constant 16 : i32
      %mul3A_299 = arith.muli %add3A_285, %mul3A_298 : i32
      %add3A_300 = arith.constant 10000 : i32
      %add3A_301 = arith.addi %add3A_300, %mul3A_299 : i32
      %add3A_302 = vector.broadcast %add3A_301 : i32 to vector<16xi32>
      %add3A_303 = arith.addi %add3A_302, %iota3A : vector<16xi32>
      %unique3A_304, %unique3A_305 = tpu.scan_count mask(%eq3A_294 : vector<16xi1>) value(%get3A_289 : vector<16xi32>) : vector<16xi1>, vector<16xi32>
      %and3A_306 = arith.andi %unique3A_304, %eq3A_294 : vector<16xi1>
      tpu.vector_store_idx %arg6[%and3A_297], %add3A_303 masked %and3A_306 : memref<8192xi32, #tpu.memory_space<vmem>>[vector<16xi32>], vector<16xi32>, vector<16xi1>
      %scan3A_307 = arith.constant 3 : i32
      %scan3A_308 = arith.addi %scan3A_227, %scan3A_307 : i32
      %mul3A_309 = arith.constant 1 : i32
      %mul3A_310 = arith.muli %scan3A_308, %mul3A_309 : i32
      %add3A_311 = arith.constant 0 : i32
      %add3A_312 = arith.addi %add3A_311, %mul3A_310 : i32
      %mul3A_313 = arith.constant 16 : i32
      %mul3A_314 = arith.muli %add3A_312, %mul3A_313 : i32
      %get3A_315 = arith.index_cast %mul3A_314 : i32 to index
      %get3A_316 = tpu.vector_load %arg7[%get3A_315] {strides = array<i32>} : memref<10000xi32, #tpu.memory_space<vmem>>, vector<16xi32>,
      %shift_right_arithmetic3A_317 = arith.constant 13 : i32
      %shift_right_arithmetic3A_318 = vector.broadcast %shift_right_arithmetic3A_317 : i32 to vector<16xi32>
      %shift_right_arithmetic3A_319 = arith.shrsi %get3A_316, %shift_right_arithmetic3A_318 : vector<16xi32>
      %eq3A_320 = vector.broadcast %add3A : i32 to vector<16xi32>
      %eq3A_321 = arith.cmpi eq, %shift_right_arithmetic3A_319, %eq3A_320 : vector<16xi32>
      %and3A_322 = arith.constant 8191 : i32
      %and3A_323 = vector.broadcast %and3A_322 : i32 to vector<16xi32>
      %and3A_324 = arith.andi %get3A_316, %and3A_323 : vector<16xi32>
      %mul3A_325 = arith.constant 16 : i32
      %mul3A_326 = arith.muli %add3A_312, %mul3A_325 : i32
      %add3A_327 = arith.constant 10000 : i32
      %add3A_328 = arith.addi %add3A_327, %mul3A_326 : i32
      %add3A_329 = vector.broadcast %add3A_328 : i32 to vector<16xi32>
      %add3A_330 = arith.addi %add3A_329, %iota3A : vector<16xi32>
      %unique3A_331, %unique3A_332 = tpu.scan_count mask(%eq3A_321 : vector<16xi1>) value(%get3A_316 : vector<16xi32>) : vector<16xi1>, vector<16xi32>
      %and3A_333 = arith.andi %unique3A_331, %eq3A_321 : vector<16xi1>
      tpu.vector_store_idx %arg6[%and3A_324], %add3A_330 masked %and3A_333 : memref<8192xi32, #tpu.memory_space<vmem>>[vector<16xi32>], vector<16xi32>, vector<16xi1>
      %scan3A_334 = arith.constant 4 : i32
      %scan3A_335 = arith.addi %scan3A_227, %scan3A_334 : i32
      %mul3A_336 = arith.constant 1 : i32
      %mul3A_337 = arith.muli %scan3A_335, %mul3A_336 : i32
      %add3A_338 = arith.constant 0 : i32
      %add3A_339 = arith.addi %add3A_338, %mul3A_337 : i32
      %mul3A_340 = arith.constant 16 : i32
      %mul3A_341 = arith.muli %add3A_339, %mul3A_340 : i32
      %get3A_342 = arith.index_cast %mul3A_341 : i32 to index
      %get3A_343 = tpu.vector_load %arg7[%get3A_342] {strides = array<i32>} : memref<10000xi32, #tpu.memory_space<vmem>>, vector<16xi32>,
      %shift_right_arithmetic3A_344 = arith.constant 13 : i32
      %shift_right_arithmetic3A_345 = vector.broadcast %shift_right_arithmetic3A_344 : i32 to vector<16xi32>
      %shift_right_arithmetic3A_346 = arith.shrsi %get3A_343, %shift_right_arithmetic3A_345 : vector<16xi32>
      %eq3A_347 = vector.broadcast %add3A : i32 to vector<16xi32>
      %eq3A_348 = arith.cmpi eq, %shift_right_arithmetic3A_346, %eq3A_347 : vector<16xi32>
      %and3A_349 = arith.constant 8191 : i32
      %and3A_350 = vector.broadcast %and3A_349 : i32 to vector<16xi32>
      %and3A_351 = arith.andi %get3A_343, %and3A_350 : vector<16xi32>
      %mul3A_352 = arith.constant 16 : i32
      %mul3A_353 = arith.muli %add3A_339, %mul3A_352 : i32
      %add3A_354 = arith.constant 10000 : i32
      %add3A_355 = arith.addi %add3A_354, %mul3A_353 : i32
      %add3A_356 = vector.broadcast %add3A_355 : i32 to vector<16xi32>
      %add3A_357 = arith.addi %add3A_356, %iota3A : vector<16xi32>
      %unique3A_358, %unique3A_359 = tpu.scan_count mask(%eq3A_348 : vector<16xi1>) value(%get3A_343 : vector<16xi32>) : vector<16xi1>, vector<16xi32>
      %and3A_360 = arith.andi %unique3A_358, %eq3A_348 : vector<16xi1>
      tpu.vector_store_idx %arg6[%and3A_351], %add3A_357 masked %and3A_360 : memref<8192xi32, #tpu.memory_space<vmem>>[vector<16xi32>], vector<16xi32>, vector<16xi1>
      %scan3A_361 = arith.constant 5 : i32
      %scan3A_362 = arith.addi %scan3A_227, %scan3A_361 : i32
      %mul3A_363 = arith.constant 1 : i32
      %mul3A_364 = arith.muli %scan3A_362, %mul3A_363 : i32
      %add3A_365 = arith.constant 0 : i32
      %add3A_366 = arith.addi %add3A_365, %mul3A_364 : i32
      %mul3A_367 = arith.constant 16 : i32
      %mul3A_368 = arith.muli %add3A_366, %mul3A_367 : i32
      %get3A_369 = arith.index_cast %mul3A_368 : i32 to index
      %get3A_370 = tpu.vector_load %arg7[%get3A_369] {strides = array<i32>} : memref<10000xi32, #tpu.memory_space<vmem>>, vector<16xi32>,
      %shift_right_arithmetic3A_371 = arith.constant 13 : i32
      %shift_right_arithmetic3A_372 = vector.broadcast %shift_right_arithmetic3A_371 : i32 to vector<16xi32>
      %shift_right_arithmetic3A_373 = arith.shrsi %get3A_370, %shift_right_arithmetic3A_372 : vector<16xi32>
      %eq3A_374 = vector.broadcast %add3A : i32 to vector<16xi32>
      %eq3A_375 = arith.cmpi eq, %shift_right_arithmetic3A_373, %eq3A_374 : vector<16xi32>
      %and3A_376 = arith.constant 8191 : i32
      %and3A_377 = vector.broadcast %and3A_376 : i32 to vector<16xi32>
      %and3A_378 = arith.andi %get3A_370, %and3A_377 : vector<16xi32>
      %mul3A_379 = arith.constant 16 : i32
      %mul3A_380 = arith.muli %add3A_366, %mul3A_379 : i32
      %add3A_381 = arith.constant 10000 : i32
      %add3A_382 = arith.addi %add3A_381, %mul3A_380 : i32
      %add3A_383 = vector.broadcast %add3A_382 : i32 to vector<16xi32>
      %add3A_384 = arith.addi %add3A_383, %iota3A : vector<16xi32>
      %unique3A_385, %unique3A_386 = tpu.scan_count mask(%eq3A_375 : vector<16xi1>) value(%get3A_370 : vector<16xi32>) : vector<16xi1>, vector<16xi32>
      %and3A_387 = arith.andi %unique3A_385, %eq3A_375 : vector<16xi1>
      tpu.vector_store_idx %arg6[%and3A_378], %add3A_384 masked %and3A_387 : memref<8192xi32, #tpu.memory_space<vmem>>[vector<16xi32>], vector<16xi32>, vector<16xi1>
      %scan3A_388 = arith.constant 6 : i32
      %scan3A_389 = arith.addi %scan3A_227, %scan3A_388 : i32
      %mul3A_390 = arith.constant 1 : i32
      %mul3A_391 = arith.muli %scan3A_389, %mul3A_390 : i32
      %add3A_392 = arith.constant 0 : i32
      %add3A_393 = arith.addi %add3A_392, %mul3A_391 : i32
      %mul3A_394 = arith.constant 16 : i32
      %mul3A_395 = arith.muli %add3A_393, %mul3A_394 : i32
      %get3A_396 = arith.index_cast %mul3A_395 : i32 to index
      %get3A_397 = tpu.vector_load %arg7[%get3A_396] {strides = array<i32>} : memref<10000xi32, #tpu.memory_space<vmem>>, vector<16xi32>,
      %shift_right_arithmetic3A_398 = arith.constant 13 : i32
      %shift_right_arithmetic3A_399 = vector.broadcast %shift_right_arithmetic3A_398 : i32 to vector<16xi32>
      %shift_right_arithmetic3A_400 = arith.shrsi %get3A_397, %shift_right_arithmetic3A_399 : vector<16xi32>
      %eq3A_401 = vector.broadcast %add3A : i32 to vector<16xi32>
      %eq3A_402 = arith.cmpi eq, %shift_right_arithmetic3A_400, %eq3A_401 : vector<16xi32>
      %and3A_403 = arith.constant 8191 : i32
      %and3A_404 = vector.broadcast %and3A_403 : i32 to vector<16xi32>
      %and3A_405 = arith.andi %get3A_397, %and3A_404 : vector<16xi32>
      %mul3A_406 = arith.constant 16 : i32
      %mul3A_407 = arith.muli %add3A_393, %mul3A_406 : i32
      %add3A_408 = arith.constant 10000 : i32
      %add3A_409 = arith.addi %add3A_408, %mul3A_407 : i32
      %add3A_410 = vector.broadcast %add3A_409 : i32 to vector<16xi32>
      %add3A_411 = arith.addi %add3A_410, %iota3A : vector<16xi32>
      %unique3A_412, %unique3A_413 = tpu.scan_count mask(%eq3A_402 : vector<16xi1>) value(%get3A_397 : vector<16xi32>) : vector<16xi1>, vector<16xi32>
      %and3A_414 = arith.andi %unique3A_412, %eq3A_402 : vector<16xi1>
      tpu.vector_store_idx %arg6[%and3A_405], %add3A_411 masked %and3A_414 : memref<8192xi32, #tpu.memory_space<vmem>>[vector<16xi32>], vector<16xi32>, vector<16xi1>
      %scan3A_415 = arith.constant 7 : i32
      %scan3A_416 = arith.addi %scan3A_227, %scan3A_415 : i32
      %mul3A_417 = arith.constant 1 : i32
      %mul3A_418 = arith.muli %scan3A_416, %mul3A_417 : i32
      %add3A_419 = arith.constant 0 : i32
      %add3A_420 = arith.addi %add3A_419, %mul3A_418 : i32
      %mul3A_421 = arith.constant 16 : i32
      %mul3A_422 = arith.muli %add3A_420, %mul3A_421 : i32
      %get3A_423 = arith.index_cast %mul3A_422 : i32 to index
      %get3A_424 = tpu.vector_load %arg7[%get3A_423] {strides = array<i32>} : memref<10000xi32, #tpu.memory_space<vmem>>, vector<16xi32>,
      %shift_right_arithmetic3A_425 = arith.constant 13 : i32
      %shift_right_arithmetic3A_426 = vector.broadcast %shift_right_arithmetic3A_425 : i32 to vector<16xi32>
      %shift_right_arithmetic3A_427 = arith.shrsi %get3A_424, %shift_right_arithmetic3A_426 : vector<16xi32>
      %eq3A_428 = vector.broadcast %add3A : i32 to vector<16xi32>
      %eq3A_429 = arith.cmpi eq, %shift_right_arithmetic3A_427, %eq3A_428 : vector<16xi32>
      %and3A_430 = arith.constant 8191 : i32
      %and3A_431 = vector.broadcast %and3A_430 : i32 to vector<16xi32>
      %and3A_432 = arith.andi %get3A_424, %and3A_431 : vector<16xi32>
      %mul3A_433 = arith.constant 16 : i32
      %mul3A_434 = arith.muli %add3A_420, %mul3A_433 : i32
      %add3A_435 = arith.constant 10000 : i32
      %add3A_436 = arith.addi %add3A_435, %mul3A_434 : i32
      %add3A_437 = vector.broadcast %add3A_436 : i32 to vector<16xi32>
      %add3A_438 = arith.addi %add3A_437, %iota3A : vector<16xi32>
      %unique3A_439, %unique3A_440 = tpu.scan_count mask(%eq3A_429 : vector<16xi1>) value(%get3A_424 : vector<16xi32>) : vector<16xi1>, vector<16xi32>
      %and3A_441 = arith.andi %unique3A_439, %eq3A_429 : vector<16xi1>
      tpu.vector_store_idx %arg6[%and3A_432], %add3A_438 masked %and3A_441 : memref<8192xi32, #tpu.memory_space<vmem>>[vector<16xi32>], vector<16xi32>, vector<16xi1>
    }
    %scan3A_37 = arith.constant 624 : i32
    %scan3A_38 = arith.addi %scan3A_33, %scan3A_37 : i32
    %mul3A_39 = arith.constant 1 : i32
    %mul3A_40 = arith.muli %scan3A_38, %mul3A_39 : i32
    %add3A_41 = arith.constant 0 : i32
    %add3A_42 = arith.addi %add3A_41, %mul3A_40 : i32
    %mul3A_43 = arith.constant 16 : i32
    %mul3A_44 = arith.muli %add3A_42, %mul3A_43 : i32
    %get3A_45 = arith.index_cast %mul3A_44 : i32 to index
    %get3A_46 = tpu.vector_load %arg7[%get3A_45] {strides = array<i32>} : memref<10000xi32, #tpu.memory_space<vmem>>, vector<16xi32>,
    %shift_right_arithmetic3A_47 = arith.constant 13 : i32
    %shift_right_arithmetic3A_48 = vector.broadcast %shift_right_arithmetic3A_47 : i32 to vector<16xi32>
    %shift_right_arithmetic3A_49 = arith.shrsi %get3A_46, %shift_right_arithmetic3A_48 : vector<16xi32>
    %eq3A_50 = vector.broadcast %add3A : i32 to vector<16xi32>
    %eq3A_51 = arith.cmpi eq, %shift_right_arithmetic3A_49, %eq3A_50 : vector<16xi32>
    %and3A_52 = arith.constant 8191 : i32
    %and3A_53 = vector.broadcast %and3A_52 : i32 to vector<16xi32>
    %and3A_54 = arith.andi %get3A_46, %and3A_53 : vector<16xi32>
    %mul3A_55 = arith.constant 16 : i32
    %mul3A_56 = arith.muli %add3A_42, %mul3A_55 : i32
    %add3A_57 = arith.constant 10000 : i32
    %add3A_58 = arith.addi %add3A_57, %mul3A_56 : i32
    %add3A_59 = vector.broadcast %add3A_58 : i32 to vector<16xi32>
    %add3A_60 = arith.addi %add3A_59, %iota3A : vector<16xi32>
    %unique3A_61, %unique3A_62 = tpu.scan_count mask(%eq3A_51 : vector<16xi1>) value(%get3A_46 : vector<16xi32>) : vector<16xi1>, vector<16xi32>
    %and3A_63 = arith.andi %unique3A_61, %eq3A_51 : vector<16xi1>
    tpu.vector_store_idx %arg6[%and3A_54], %add3A_60 masked %and3A_63 : memref<8192xi32, #tpu.memory_space<vmem>>[vector<16xi32>], vector<16xi32>, vector<16xi1>
    %scan3A_64 = arith.constant 625 : i32
    "tpu.region"() ({
      %run_scoped3A = tpu.sem_alloc : memref<!tpu.dma_semaphore, #tpu.memory_space<semaphore_mem>>
      %dma_start3A = arith.constant 20000 : i32
      %dma_start3A_227 = tpu.memref_slice %arg2[%dma_start3A] : memref<50000xi32, #tpu.memory_space<hbm>> -> memref<10000xi32, #tpu.memory_space<hbm>>
      %dma_start3A_228 = arith.constant 20000 : i32
      %dma_start3A_229 = tpu.memref_slice %arg2[%dma_start3A_228] : memref<50000xi32, #tpu.memory_space<hbm>> -> memref<10000xi32, #tpu.memory_space<hbm>>
      tpu.enqueue_dma source(%dma_start3A_229 : memref<10000xi32, #tpu.memory_space<hbm>>) target(%arg7 : memref<10000xi32, #tpu.memory_space<vmem>>) target_semaphore(%run_scoped3A : memref<!tpu.dma_semaphore, #tpu.memory_space<semaphore_mem>>)
      %dma_wait3A = arith.constant 20000 : i32
      %dma_wait3A_230 = tpu.memref_slice %arg2[%dma_wait3A] : memref<50000xi32, #tpu.memory_space<hbm>> -> memref<10000xi32, #tpu.memory_space<hbm>>
      %dma_wait3A_231 = arith.constant 20000 : i32
      %dma_wait3A_232 = tpu.memref_slice %arg2[%dma_wait3A_231] : memref<50000xi32, #tpu.memory_space<hbm>> -> memref<10000xi32, #tpu.memory_space<hbm>>
      tpu.wait_dma2 semaphore(%run_scoped3A : memref<!tpu.dma_semaphore, #tpu.memory_space<semaphore_mem>>) src(%dma_wait3A_232 : memref<10000xi32, #tpu.memory_space<hbm>>) dst(%arg7 : memref<10000xi32, #tpu.memory_space<vmem>>)
      tpu.yield
    }) : () -> ()
    %scan3A_65 = arith.constant 0 : i32
    %scan3A_66 = arith.constant 624 : i32
    %scan3A_67 = arith.addi %scan3A_65, %scan3A_66 : i32
    %scan3A_68 = arith.constant 8 : i32
    scf.for %scan3A_227 = %scan3A_65 to %scan3A_67 step %scan3A_68  : i32 {
      %mul3A_228 = arith.constant 1 : i32
      %mul3A_229 = arith.muli %scan3A_227, %mul3A_228 : i32
      %add3A_230 = arith.constant 0 : i32
      %add3A_231 = arith.addi %add3A_230, %mul3A_229 : i32
      %mul3A_232 = arith.constant 16 : i32
      %mul3A_233 = arith.muli %add3A_231, %mul3A_232 : i32
      %get3A_234 = arith.index_cast %mul3A_233 : i32 to index
      %get3A_235 = tpu.vector_load %arg7[%get3A_234] {strides = array<i32>} : memref<10000xi32, #tpu.memory_space<vmem>>, vector<16xi32>,
      %shift_right_arithmetic3A_236 = arith.constant 13 : i32
      %shift_right_arithmetic3A_237 = vector.broadcast %shift_right_arithmetic3A_236 : i32 to vector<16xi32>
      %shift_right_arithmetic3A_238 = arith.shrsi %get3A_235, %shift_right_arithmetic3A_237 : vector<16xi32>
      %eq3A_239 = vector.broadcast %add3A : i32 to vector<16xi32>
      %eq3A_240 = arith.cmpi eq, %shift_right_arithmetic3A_238, %eq3A_239 : vector<16xi32>
      %and3A_241 = arith.constant 8191 : i32
      %and3A_242 = vector.broadcast %and3A_241 : i32 to vector<16xi32>
      %and3A_243 = arith.andi %get3A_235, %and3A_242 : vector<16xi32>
      %mul3A_244 = arith.constant 16 : i32
      %mul3A_245 = arith.muli %add3A_231, %mul3A_244 : i32
      %add3A_246 = arith.constant 20000 : i32
      %add3A_247 = arith.addi %add3A_246, %mul3A_245 : i32
      %add3A_248 = vector.broadcast %add3A_247 : i32 to vector<16xi32>
      %add3A_249 = arith.addi %add3A_248, %iota3A : vector<16xi32>
      %unique3A_250, %unique3A_251 = tpu.scan_count mask(%eq3A_240 : vector<16xi1>) value(%get3A_235 : vector<16xi32>) : vector<16xi1>, vector<16xi32>
      %and3A_252 = arith.andi %unique3A_250, %eq3A_240 : vector<16xi1>
      tpu.vector_store_idx %arg6[%and3A_243], %add3A_249 masked %and3A_252 : memref<8192xi32, #tpu.memory_space<vmem>>[vector<16xi32>], vector<16xi32>, vector<16xi1>
      %scan3A_253 = arith.constant 1 : i32
      %scan3A_254 = arith.addi %scan3A_227, %scan3A_253 : i32
      %mul3A_255 = arith.constant 1 : i32
      %mul3A_256 = arith.muli %scan3A_254, %mul3A_255 : i32
      %add3A_257 = arith.constant 0 : i32
      %add3A_258 = arith.addi %add3A_257, %mul3A_256 : i32
      %mul3A_259 = arith.constant 16 : i32
      %mul3A_260 = arith.muli %add3A_258, %mul3A_259 : i32
      %get3A_261 = arith.index_cast %mul3A_260 : i32 to index
      %get3A_262 = tpu.vector_load %arg7[%get3A_261] {strides = array<i32>} : memref<10000xi32, #tpu.memory_space<vmem>>, vector<16xi32>,
      %shift_right_arithmetic3A_263 = arith.constant 13 : i32
      %shift_right_arithmetic3A_264 = vector.broadcast %shift_right_arithmetic3A_263 : i32 to vector<16xi32>
      %shift_right_arithmetic3A_265 = arith.shrsi %get3A_262, %shift_right_arithmetic3A_264 : vector<16xi32>
      %eq3A_266 = vector.broadcast %add3A : i32 to vector<16xi32>
      %eq3A_267 = arith.cmpi eq, %shift_right_arithmetic3A_265, %eq3A_266 : vector<16xi32>
      %and3A_268 = arith.constant 8191 : i32
      %and3A_269 = vector.broadcast %and3A_268 : i32 to vector<16xi32>
      %and3A_270 = arith.andi %get3A_262, %and3A_269 : vector<16xi32>
      %mul3A_271 = arith.constant 16 : i32
      %mul3A_272 = arith.muli %add3A_258, %mul3A_271 : i32
      %add3A_273 = arith.constant 20000 : i32
      %add3A_274 = arith.addi %add3A_273, %mul3A_272 : i32
      %add3A_275 = vector.broadcast %add3A_274 : i32 to vector<16xi32>
      %add3A_276 = arith.addi %add3A_275, %iota3A : vector<16xi32>
      %unique3A_277, %unique3A_278 = tpu.scan_count mask(%eq3A_267 : vector<16xi1>) value(%get3A_262 : vector<16xi32>) : vector<16xi1>, vector<16xi32>
      %and3A_279 = arith.andi %unique3A_277, %eq3A_267 : vector<16xi1>
      tpu.vector_store_idx %arg6[%and3A_270], %add3A_276 masked %and3A_279 : memref<8192xi32, #tpu.memory_space<vmem>>[vector<16xi32>], vector<16xi32>, vector<16xi1>
      %scan3A_280 = arith.constant 2 : i32
      %scan3A_281 = arith.addi %scan3A_227, %scan3A_280 : i32
      %mul3A_282 = arith.constant 1 : i32
      %mul3A_283 = arith.muli %scan3A_281, %mul3A_282 : i32
      %add3A_284 = arith.constant 0 : i32
      %add3A_285 = arith.addi %add3A_284, %mul3A_283 : i32
      %mul3A_286 = arith.constant 16 : i32
      %mul3A_287 = arith.muli %add3A_285, %mul3A_286 : i32
      %get3A_288 = arith.index_cast %mul3A_287 : i32 to index
      %get3A_289 = tpu.vector_load %arg7[%get3A_288] {strides = array<i32>} : memref<10000xi32, #tpu.memory_space<vmem>>, vector<16xi32>,
      %shift_right_arithmetic3A_290 = arith.constant 13 : i32
      %shift_right_arithmetic3A_291 = vector.broadcast %shift_right_arithmetic3A_290 : i32 to vector<16xi32>
      %shift_right_arithmetic3A_292 = arith.shrsi %get3A_289, %shift_right_arithmetic3A_291 : vector<16xi32>
      %eq3A_293 = vector.broadcast %add3A : i32 to vector<16xi32>
      %eq3A_294 = arith.cmpi eq, %shift_right_arithmetic3A_292, %eq3A_293 : vector<16xi32>
      %and3A_295 = arith.constant 8191 : i32
      %and3A_296 = vector.broadcast %and3A_295 : i32 to vector<16xi32>
      %and3A_297 = arith.andi %get3A_289, %and3A_296 : vector<16xi32>
      %mul3A_298 = arith.constant 16 : i32
      %mul3A_299 = arith.muli %add3A_285, %mul3A_298 : i32
      %add3A_300 = arith.constant 20000 : i32
      %add3A_301 = arith.addi %add3A_300, %mul3A_299 : i32
      %add3A_302 = vector.broadcast %add3A_301 : i32 to vector<16xi32>
      %add3A_303 = arith.addi %add3A_302, %iota3A : vector<16xi32>
      %unique3A_304, %unique3A_305 = tpu.scan_count mask(%eq3A_294 : vector<16xi1>) value(%get3A_289 : vector<16xi32>) : vector<16xi1>, vector<16xi32>
      %and3A_306 = arith.andi %unique3A_304, %eq3A_294 : vector<16xi1>
      tpu.vector_store_idx %arg6[%and3A_297], %add3A_303 masked %and3A_306 : memref<8192xi32, #tpu.memory_space<vmem>>[vector<16xi32>], vector<16xi32>, vector<16xi1>
      %scan3A_307 = arith.constant 3 : i32
      %scan3A_308 = arith.addi %scan3A_227, %scan3A_307 : i32
      %mul3A_309 = arith.constant 1 : i32
      %mul3A_310 = arith.muli %scan3A_308, %mul3A_309 : i32
      %add3A_311 = arith.constant 0 : i32
      %add3A_312 = arith.addi %add3A_311, %mul3A_310 : i32
      %mul3A_313 = arith.constant 16 : i32
      %mul3A_314 = arith.muli %add3A_312, %mul3A_313 : i32
      %get3A_315 = arith.index_cast %mul3A_314 : i32 to index
      %get3A_316 = tpu.vector_load %arg7[%get3A_315] {strides = array<i32>} : memref<10000xi32, #tpu.memory_space<vmem>>, vector<16xi32>,
      %shift_right_arithmetic3A_317 = arith.constant 13 : i32
      %shift_right_arithmetic3A_318 = vector.broadcast %shift_right_arithmetic3A_317 : i32 to vector<16xi32>
      %shift_right_arithmetic3A_319 = arith.shrsi %get3A_316, %shift_right_arithmetic3A_318 : vector<16xi32>
      %eq3A_320 = vector.broadcast %add3A : i32 to vector<16xi32>
      %eq3A_321 = arith.cmpi eq, %shift_right_arithmetic3A_319, %eq3A_320 : vector<16xi32>
      %and3A_322 = arith.constant 8191 : i32
      %and3A_323 = vector.broadcast %and3A_322 : i32 to vector<16xi32>
      %and3A_324 = arith.andi %get3A_316, %and3A_323 : vector<16xi32>
      %mul3A_325 = arith.constant 16 : i32
      %mul3A_326 = arith.muli %add3A_312, %mul3A_325 : i32
      %add3A_327 = arith.constant 20000 : i32
      %add3A_328 = arith.addi %add3A_327, %mul3A_326 : i32
      %add3A_329 = vector.broadcast %add3A_328 : i32 to vector<16xi32>
      %add3A_330 = arith.addi %add3A_329, %iota3A : vector<16xi32>
      %unique3A_331, %unique3A_332 = tpu.scan_count mask(%eq3A_321 : vector<16xi1>) value(%get3A_316 : vector<16xi32>) : vector<16xi1>, vector<16xi32>
      %and3A_333 = arith.andi %unique3A_331, %eq3A_321 : vector<16xi1>
      tpu.vector_store_idx %arg6[%and3A_324], %add3A_330 masked %and3A_333 : memref<8192xi32, #tpu.memory_space<vmem>>[vector<16xi32>], vector<16xi32>, vector<16xi1>
      %scan3A_334 = arith.constant 4 : i32
      %scan3A_335 = arith.addi %scan3A_227, %scan3A_334 : i32
      %mul3A_336 = arith.constant 1 : i32
      %mul3A_337 = arith.muli %scan3A_335, %mul3A_336 : i32
      %add3A_338 = arith.constant 0 : i32
      %add3A_339 = arith.addi %add3A_338, %mul3A_337 : i32
      %mul3A_340 = arith.constant 16 : i32
      %mul3A_341 = arith.muli %add3A_339, %mul3A_340 : i32
      %get3A_342 = arith.index_cast %mul3A_341 : i32 to index
      %get3A_343 = tpu.vector_load %arg7[%get3A_342] {strides = array<i32>} : memref<10000xi32, #tpu.memory_space<vmem>>, vector<16xi32>,
      %shift_right_arithmetic3A_344 = arith.constant 13 : i32
      %shift_right_arithmetic3A_345 = vector.broadcast %shift_right_arithmetic3A_344 : i32 to vector<16xi32>
      %shift_right_arithmetic3A_346 = arith.shrsi %get3A_343, %shift_right_arithmetic3A_345 : vector<16xi32>
      %eq3A_347 = vector.broadcast %add3A : i32 to vector<16xi32>
      %eq3A_348 = arith.cmpi eq, %shift_right_arithmetic3A_346, %eq3A_347 : vector<16xi32>
      %and3A_349 = arith.constant 8191 : i32
      %and3A_350 = vector.broadcast %and3A_349 : i32 to vector<16xi32>
      %and3A_351 = arith.andi %get3A_343, %and3A_350 : vector<16xi32>
      %mul3A_352 = arith.constant 16 : i32
      %mul3A_353 = arith.muli %add3A_339, %mul3A_352 : i32
      %add3A_354 = arith.constant 20000 : i32
      %add3A_355 = arith.addi %add3A_354, %mul3A_353 : i32
      %add3A_356 = vector.broadcast %add3A_355 : i32 to vector<16xi32>
      %add3A_357 = arith.addi %add3A_356, %iota3A : vector<16xi32>
      %unique3A_358, %unique3A_359 = tpu.scan_count mask(%eq3A_348 : vector<16xi1>) value(%get3A_343 : vector<16xi32>) : vector<16xi1>, vector<16xi32>
      %and3A_360 = arith.andi %unique3A_358, %eq3A_348 : vector<16xi1>
      tpu.vector_store_idx %arg6[%and3A_351], %add3A_357 masked %and3A_360 : memref<8192xi32, #tpu.memory_space<vmem>>[vector<16xi32>], vector<16xi32>, vector<16xi1>
      %scan3A_361 = arith.constant 5 : i32
      %scan3A_362 = arith.addi %scan3A_227, %scan3A_361 : i32
      %mul3A_363 = arith.constant 1 : i32
      %mul3A_364 = arith.muli %scan3A_362, %mul3A_363 : i32
      %add3A_365 = arith.constant 0 : i32
      %add3A_366 = arith.addi %add3A_365, %mul3A_364 : i32
      %mul3A_367 = arith.constant 16 : i32
      %mul3A_368 = arith.muli %add3A_366, %mul3A_367 : i32
      %get3A_369 = arith.index_cast %mul3A_368 : i32 to index
      %get3A_370 = tpu.vector_load %arg7[%get3A_369] {strides = array<i32>} : memref<10000xi32, #tpu.memory_space<vmem>>, vector<16xi32>,
      %shift_right_arithmetic3A_371 = arith.constant 13 : i32
      %shift_right_arithmetic3A_372 = vector.broadcast %shift_right_arithmetic3A_371 : i32 to vector<16xi32>
      %shift_right_arithmetic3A_373 = arith.shrsi %get3A_370, %shift_right_arithmetic3A_372 : vector<16xi32>
      %eq3A_374 = vector.broadcast %add3A : i32 to vector<16xi32>
      %eq3A_375 = arith.cmpi eq, %shift_right_arithmetic3A_373, %eq3A_374 : vector<16xi32>
      %and3A_376 = arith.constant 8191 : i32
      %and3A_377 = vector.broadcast %and3A_376 : i32 to vector<16xi32>
      %and3A_378 = arith.andi %get3A_370, %and3A_377 : vector<16xi32>
      %mul3A_379 = arith.constant 16 : i32
      %mul3A_380 = arith.muli %add3A_366, %mul3A_379 : i32
      %add3A_381 = arith.constant 20000 : i32
      %add3A_382 = arith.addi %add3A_381, %mul3A_380 : i32
      %add3A_383 = vector.broadcast %add3A_382 : i32 to vector<16xi32>
      %add3A_384 = arith.addi %add3A_383, %iota3A : vector<16xi32>
      %unique3A_385, %unique3A_386 = tpu.scan_count mask(%eq3A_375 : vector<16xi1>) value(%get3A_370 : vector<16xi32>) : vector<16xi1>, vector<16xi32>
      %and3A_387 = arith.andi %unique3A_385, %eq3A_375 : vector<16xi1>
      tpu.vector_store_idx %arg6[%and3A_378], %add3A_384 masked %and3A_387 : memref<8192xi32, #tpu.memory_space<vmem>>[vector<16xi32>], vector<16xi32>, vector<16xi1>
      %scan3A_388 = arith.constant 6 : i32
      %scan3A_389 = arith.addi %scan3A_227, %scan3A_388 : i32
      %mul3A_390 = arith.constant 1 : i32
      %mul3A_391 = arith.muli %scan3A_389, %mul3A_390 : i32
      %add3A_392 = arith.constant 0 : i32
      %add3A_393 = arith.addi %add3A_392, %mul3A_391 : i32
      %mul3A_394 = arith.constant 16 : i32
      %mul3A_395 = arith.muli %add3A_393, %mul3A_394 : i32
      %get3A_396 = arith.index_cast %mul3A_395 : i32 to index
      %get3A_397 = tpu.vector_load %arg7[%get3A_396] {strides = array<i32>} : memref<10000xi32, #tpu.memory_space<vmem>>, vector<16xi32>,
      %shift_right_arithmetic3A_398 = arith.constant 13 : i32
      %shift_right_arithmetic3A_399 = vector.broadcast %shift_right_arithmetic3A_398 : i32 to vector<16xi32>
      %shift_right_arithmetic3A_400 = arith.shrsi %get3A_397, %shift_right_arithmetic3A_399 : vector<16xi32>
      %eq3A_401 = vector.broadcast %add3A : i32 to vector<16xi32>
      %eq3A_402 = arith.cmpi eq, %shift_right_arithmetic3A_400, %eq3A_401 : vector<16xi32>
      %and3A_403 = arith.constant 8191 : i32
      %and3A_404 = vector.broadcast %and3A_403 : i32 to vector<16xi32>
      %and3A_405 = arith.andi %get3A_397, %and3A_404 : vector<16xi32>
      %mul3A_406 = arith.constant 16 : i32
      %mul3A_407 = arith.muli %add3A_393, %mul3A_406 : i32
      %add3A_408 = arith.constant 20000 : i32
      %add3A_409 = arith.addi %add3A_408, %mul3A_407 : i32
      %add3A_410 = vector.broadcast %add3A_409 : i32 to vector<16xi32>
      %add3A_411 = arith.addi %add3A_410, %iota3A : vector<16xi32>
      %unique3A_412, %unique3A_413 = tpu.scan_count mask(%eq3A_402 : vector<16xi1>) value(%get3A_397 : vector<16xi32>) : vector<16xi1>, vector<16xi32>
      %and3A_414 = arith.andi %unique3A_412, %eq3A_402 : vector<16xi1>
      tpu.vector_store_idx %arg6[%and3A_405], %add3A_411 masked %and3A_414 : memref<8192xi32, #tpu.memory_space<vmem>>[vector<16xi32>], vector<16xi32>, vector<16xi1>
      %scan3A_415 = arith.constant 7 : i32
      %scan3A_416 = arith.addi %scan3A_227, %scan3A_415 : i32
      %mul3A_417 = arith.constant 1 : i32
      %mul3A_418 = arith.muli %scan3A_416, %mul3A_417 : i32
      %add3A_419 = arith.constant 0 : i32
      %add3A_420 = arith.addi %add3A_419, %mul3A_418 : i32
      %mul3A_421 = arith.constant 16 : i32
      %mul3A_422 = arith.muli %add3A_420, %mul3A_421 : i32
      %get3A_423 = arith.index_cast %mul3A_422 : i32 to index
      %get3A_424 = tpu.vector_load %arg7[%get3A_423] {strides = array<i32>} : memref<10000xi32, #tpu.memory_space<vmem>>, vector<16xi32>,
      %shift_right_arithmetic3A_425 = arith.constant 13 : i32
      %shift_right_arithmetic3A_426 = vector.broadcast %shift_right_arithmetic3A_425 : i32 to vector<16xi32>
      %shift_right_arithmetic3A_427 = arith.shrsi %get3A_424, %shift_right_arithmetic3A_426 : vector<16xi32>
      %eq3A_428 = vector.broadcast %add3A : i32 to vector<16xi32>
      %eq3A_429 = arith.cmpi eq, %shift_right_arithmetic3A_427, %eq3A_428 : vector<16xi32>
      %and3A_430 = arith.constant 8191 : i32
      %and3A_431 = vector.broadcast %and3A_430 : i32 to vector<16xi32>
      %and3A_432 = arith.andi %get3A_424, %and3A_431 : vector<16xi32>
      %mul3A_433 = arith.constant 16 : i32
      %mul3A_434 = arith.muli %add3A_420, %mul3A_433 : i32
      %add3A_435 = arith.constant 20000 : i32
      %add3A_436 = arith.addi %add3A_435, %mul3A_434 : i32
      %add3A_437 = vector.broadcast %add3A_436 : i32 to vector<16xi32>
      %add3A_438 = arith.addi %add3A_437, %iota3A : vector<16xi32>
      %unique3A_439, %unique3A_440 = tpu.scan_count mask(%eq3A_429 : vector<16xi1>) value(%get3A_424 : vector<16xi32>) : vector<16xi1>, vector<16xi32>
      %and3A_441 = arith.andi %unique3A_439, %eq3A_429 : vector<16xi1>
      tpu.vector_store_idx %arg6[%and3A_432], %add3A_438 masked %and3A_441 : memref<8192xi32, #tpu.memory_space<vmem>>[vector<16xi32>], vector<16xi32>, vector<16xi1>
    }
    %scan3A_69 = arith.constant 624 : i32
    %scan3A_70 = arith.addi %scan3A_65, %scan3A_69 : i32
    %mul3A_71 = arith.constant 1 : i32
    %mul3A_72 = arith.muli %scan3A_70, %mul3A_71 : i32
    %add3A_73 = arith.constant 0 : i32
    %add3A_74 = arith.addi %add3A_73, %mul3A_72 : i32
    %mul3A_75 = arith.constant 16 : i32
    %mul3A_76 = arith.muli %add3A_74, %mul3A_75 : i32
    %get3A_77 = arith.index_cast %mul3A_76 : i32 to index
    %get3A_78 = tpu.vector_load %arg7[%get3A_77] {strides = array<i32>} : memref<10000xi32, #tpu.memory_space<vmem>>, vector<16xi32>,
    %shift_right_arithmetic3A_79 = arith.constant 13 : i32
    %shift_right_arithmetic3A_80 = vector.broadcast %shift_right_arithmetic3A_79 : i32 to vector<16xi32>
    %shift_right_arithmetic3A_81 = arith.shrsi %get3A_78, %shift_right_arithmetic3A_80 : vector<16xi32>
    %eq3A_82 = vector.broadcast %add3A : i32 to vector<16xi32>
    %eq3A_83 = arith.cmpi eq, %shift_right_arithmetic3A_81, %eq3A_82 : vector<16xi32>
    %and3A_84 = arith.constant 8191 : i32
    %and3A_85 = vector.broadcast %and3A_84 : i32 to vector<16xi32>
    %and3A_86 = arith.andi %get3A_78, %and3A_85 : vector<16xi32>
    %mul3A_87 = arith.constant 16 : i32
    %mul3A_88 = arith.muli %add3A_74, %mul3A_87 : i32
    %add3A_89 = arith.constant 20000 : i32
    %add3A_90 = arith.addi %add3A_89, %mul3A_88 : i32
    %add3A_91 = vector.broadcast %add3A_90 : i32 to vector<16xi32>
    %add3A_92 = arith.addi %add3A_91, %iota3A : vector<16xi32>
    %unique3A_93, %unique3A_94 = tpu.scan_count mask(%eq3A_83 : vector<16xi1>) value(%get3A_78 : vector<16xi32>) : vector<16xi1>, vector<16xi32>
    %and3A_95 = arith.andi %unique3A_93, %eq3A_83 : vector<16xi1>
    tpu.vector_store_idx %arg6[%and3A_86], %add3A_92 masked %and3A_95 : memref<8192xi32, #tpu.memory_space<vmem>>[vector<16xi32>], vector<16xi32>, vector<16xi1>
    %scan3A_96 = arith.constant 625 : i32
    "tpu.region"() ({
      %run_scoped3A = tpu.sem_alloc : memref<!tpu.dma_semaphore, #tpu.memory_space<semaphore_mem>>
      %dma_start3A = arith.constant 30000 : i32
      %dma_start3A_227 = tpu.memref_slice %arg2[%dma_start3A] : memref<50000xi32, #tpu.memory_space<hbm>> -> memref<10000xi32, #tpu.memory_space<hbm>>
      %dma_start3A_228 = arith.constant 30000 : i32
      %dma_start3A_229 = tpu.memref_slice %arg2[%dma_start3A_228] : memref<50000xi32, #tpu.memory_space<hbm>> -> memref<10000xi32, #tpu.memory_space<hbm>>
      tpu.enqueue_dma source(%dma_start3A_229 : memref<10000xi32, #tpu.memory_space<hbm>>) target(%arg7 : memref<10000xi32, #tpu.memory_space<vmem>>) target_semaphore(%run_scoped3A : memref<!tpu.dma_semaphore, #tpu.memory_space<semaphore_mem>>)
      %dma_wait3A = arith.constant 30000 : i32
      %dma_wait3A_230 = tpu.memref_slice %arg2[%dma_wait3A] : memref<50000xi32, #tpu.memory_space<hbm>> -> memref<10000xi32, #tpu.memory_space<hbm>>
      %dma_wait3A_231 = arith.constant 30000 : i32
      %dma_wait3A_232 = tpu.memref_slice %arg2[%dma_wait3A_231] : memref<50000xi32, #tpu.memory_space<hbm>> -> memref<10000xi32, #tpu.memory_space<hbm>>
      tpu.wait_dma2 semaphore(%run_scoped3A : memref<!tpu.dma_semaphore, #tpu.memory_space<semaphore_mem>>) src(%dma_wait3A_232 : memref<10000xi32, #tpu.memory_space<hbm>>) dst(%arg7 : memref<10000xi32, #tpu.memory_space<vmem>>)
      tpu.yield
    }) : () -> ()
    %scan3A_97 = arith.constant 0 : i32
    %scan3A_98 = arith.constant 624 : i32
    %scan3A_99 = arith.addi %scan3A_97, %scan3A_98 : i32
    %scan3A_100 = arith.constant 8 : i32
    scf.for %scan3A_227 = %scan3A_97 to %scan3A_99 step %scan3A_100  : i32 {
      %mul3A_228 = arith.constant 1 : i32
      %mul3A_229 = arith.muli %scan3A_227, %mul3A_228 : i32
      %add3A_230 = arith.constant 0 : i32
      %add3A_231 = arith.addi %add3A_230, %mul3A_229 : i32
      %mul3A_232 = arith.constant 16 : i32
      %mul3A_233 = arith.muli %add3A_231, %mul3A_232 : i32
      %get3A_234 = arith.index_cast %mul3A_233 : i32 to index
      %get3A_235 = tpu.vector_load %arg7[%get3A_234] {strides = array<i32>} : memref<10000xi32, #tpu.memory_space<vmem>>, vector<16xi32>,
      %shift_right_arithmetic3A_236 = arith.constant 13 : i32
      %shift_right_arithmetic3A_237 = vector.broadcast %shift_right_arithmetic3A_236 : i32 to vector<16xi32>
      %shift_right_arithmetic3A_238 = arith.shrsi %get3A_235, %shift_right_arithmetic3A_237 : vector<16xi32>
      %eq3A_239 = vector.broadcast %add3A : i32 to vector<16xi32>
      %eq3A_240 = arith.cmpi eq, %shift_right_arithmetic3A_238, %eq3A_239 : vector<16xi32>
      %and3A_241 = arith.constant 8191 : i32
      %and3A_242 = vector.broadcast %and3A_241 : i32 to vector<16xi32>
      %and3A_243 = arith.andi %get3A_235, %and3A_242 : vector<16xi32>
      %mul3A_244 = arith.constant 16 : i32
      %mul3A_245 = arith.muli %add3A_231, %mul3A_244 : i32
      %add3A_246 = arith.constant 30000 : i32
      %add3A_247 = arith.addi %add3A_246, %mul3A_245 : i32
      %add3A_248 = vector.broadcast %add3A_247 : i32 to vector<16xi32>
      %add3A_249 = arith.addi %add3A_248, %iota3A : vector<16xi32>
      %unique3A_250, %unique3A_251 = tpu.scan_count mask(%eq3A_240 : vector<16xi1>) value(%get3A_235 : vector<16xi32>) : vector<16xi1>, vector<16xi32>
      %and3A_252 = arith.andi %unique3A_250, %eq3A_240 : vector<16xi1>
      tpu.vector_store_idx %arg6[%and3A_243], %add3A_249 masked %and3A_252 : memref<8192xi32, #tpu.memory_space<vmem>>[vector<16xi32>], vector<16xi32>, vector<16xi1>
      %scan3A_253 = arith.constant 1 : i32
      %scan3A_254 = arith.addi %scan3A_227, %scan3A_253 : i32
      %mul3A_255 = arith.constant 1 : i32
      %mul3A_256 = arith.muli %scan3A_254, %mul3A_255 : i32
      %add3A_257 = arith.constant 0 : i32
      %add3A_258 = arith.addi %add3A_257, %mul3A_256 : i32
      %mul3A_259 = arith.constant 16 : i32
      %mul3A_260 = arith.muli %add3A_258, %mul3A_259 : i32
      %get3A_261 = arith.index_cast %mul3A_260 : i32 to index
      %get3A_262 = tpu.vector_load %arg7[%get3A_261] {strides = array<i32>} : memref<10000xi32, #tpu.memory_space<vmem>>, vector<16xi32>,
      %shift_right_arithmetic3A_263 = arith.constant 13 : i32
      %shift_right_arithmetic3A_264 = vector.broadcast %shift_right_arithmetic3A_263 : i32 to vector<16xi32>
      %shift_right_arithmetic3A_265 = arith.shrsi %get3A_262, %shift_right_arithmetic3A_264 : vector<16xi32>
      %eq3A_266 = vector.broadcast %add3A : i32 to vector<16xi32>
      %eq3A_267 = arith.cmpi eq, %shift_right_arithmetic3A_265, %eq3A_266 : vector<16xi32>
      %and3A_268 = arith.constant 8191 : i32
      %and3A_269 = vector.broadcast %and3A_268 : i32 to vector<16xi32>
      %and3A_270 = arith.andi %get3A_262, %and3A_269 : vector<16xi32>
      %mul3A_271 = arith.constant 16 : i32
      %mul3A_272 = arith.muli %add3A_258, %mul3A_271 : i32
      %add3A_273 = arith.constant 30000 : i32
      %add3A_274 = arith.addi %add3A_273, %mul3A_272 : i32
      %add3A_275 = vector.broadcast %add3A_274 : i32 to vector<16xi32>
      %add3A_276 = arith.addi %add3A_275, %iota3A : vector<16xi32>
      %unique3A_277, %unique3A_278 = tpu.scan_count mask(%eq3A_267 : vector<16xi1>) value(%get3A_262 : vector<16xi32>) : vector<16xi1>, vector<16xi32>
      %and3A_279 = arith.andi %unique3A_277, %eq3A_267 : vector<16xi1>
      tpu.vector_store_idx %arg6[%and3A_270], %add3A_276 masked %and3A_279 : memref<8192xi32, #tpu.memory_space<vmem>>[vector<16xi32>], vector<16xi32>, vector<16xi1>
      %scan3A_280 = arith.constant 2 : i32
      %scan3A_281 = arith.addi %scan3A_227, %scan3A_280 : i32
      %mul3A_282 = arith.constant 1 : i32
      %mul3A_283 = arith.muli %scan3A_281, %mul3A_282 : i32
      %add3A_284 = arith.constant 0 : i32
      %add3A_285 = arith.addi %add3A_284, %mul3A_283 : i32
      %mul3A_286 = arith.constant 16 : i32
      %mul3A_287 = arith.muli %add3A_285, %mul3A_286 : i32
      %get3A_288 = arith.index_cast %mul3A_287 : i32 to index
      %get3A_289 = tpu.vector_load %arg7[%get3A_288] {strides = array<i32>} : memref<10000xi32, #tpu.memory_space<vmem>>, vector<16xi32>,
      %shift_right_arithmetic3A_290 = arith.constant 13 : i32
      %shift_right_arithmetic3A_291 = vector.broadcast %shift_right_arithmetic3A_290 : i32 to vector<16xi32>
      %shift_right_arithmetic3A_292 = arith.shrsi %get3A_289, %shift_right_arithmetic3A_291 : vector<16xi32>
      %eq3A_293 = vector.broadcast %add3A : i32 to vector<16xi32>
      %eq3A_294 = arith.cmpi eq, %shift_right_arithmetic3A_292, %eq3A_293 : vector<16xi32>
      %and3A_295 = arith.constant 8191 : i32
      %and3A_296 = vector.broadcast %and3A_295 : i32 to vector<16xi32>
      %and3A_297 = arith.andi %get3A_289, %and3A_296 : vector<16xi32>
      %mul3A_298 = arith.constant 16 : i32
      %mul3A_299 = arith.muli %add3A_285, %mul3A_298 : i32
      %add3A_300 = arith.constant 30000 : i32
      %add3A_301 = arith.addi %add3A_300, %mul3A_299 : i32
      %add3A_302 = vector.broadcast %add3A_301 : i32 to vector<16xi32>
      %add3A_303 = arith.addi %add3A_302, %iota3A : vector<16xi32>
      %unique3A_304, %unique3A_305 = tpu.scan_count mask(%eq3A_294 : vector<16xi1>) value(%get3A_289 : vector<16xi32>) : vector<16xi1>, vector<16xi32>
      %and3A_306 = arith.andi %unique3A_304, %eq3A_294 : vector<16xi1>
      tpu.vector_store_idx %arg6[%and3A_297], %add3A_303 masked %and3A_306 : memref<8192xi32, #tpu.memory_space<vmem>>[vector<16xi32>], vector<16xi32>, vector<16xi1>
      %scan3A_307 = arith.constant 3 : i32
      %scan3A_308 = arith.addi %scan3A_227, %scan3A_307 : i32
      %mul3A_309 = arith.constant 1 : i32
      %mul3A_310 = arith.muli %scan3A_308, %mul3A_309 : i32
      %add3A_311 = arith.constant 0 : i32
      %add3A_312 = arith.addi %add3A_311, %mul3A_310 : i32
      %mul3A_313 = arith.constant 16 : i32
      %mul3A_314 = arith.muli %add3A_312, %mul3A_313 : i32
      %get3A_315 = arith.index_cast %mul3A_314 : i32 to index
      %get3A_316 = tpu.vector_load %arg7[%get3A_315] {strides = array<i32>} : memref<10000xi32, #tpu.memory_space<vmem>>, vector<16xi32>,
      %shift_right_arithmetic3A_317 = arith.constant 13 : i32
      %shift_right_arithmetic3A_318 = vector.broadcast %shift_right_arithmetic3A_317 : i32 to vector<16xi32>
      %shift_right_arithmetic3A_319 = arith.shrsi %get3A_316, %shift_right_arithmetic3A_318 : vector<16xi32>
      %eq3A_320 = vector.broadcast %add3A : i32 to vector<16xi32>
      %eq3A_321 = arith.cmpi eq, %shift_right_arithmetic3A_319, %eq3A_320 : vector<16xi32>
      %and3A_322 = arith.constant 8191 : i32
      %and3A_323 = vector.broadcast %and3A_322 : i32 to vector<16xi32>
      %and3A_324 = arith.andi %get3A_316, %and3A_323 : vector<16xi32>
      %mul3A_325 = arith.constant 16 : i32
      %mul3A_326 = arith.muli %add3A_312, %mul3A_325 : i32
      %add3A_327 = arith.constant 30000 : i32
      %add3A_328 = arith.addi %add3A_327, %mul3A_326 : i32
      %add3A_329 = vector.broadcast %add3A_328 : i32 to vector<16xi32>
      %add3A_330 = arith.addi %add3A_329, %iota3A : vector<16xi32>
      %unique3A_331, %unique3A_332 = tpu.scan_count mask(%eq3A_321 : vector<16xi1>) value(%get3A_316 : vector<16xi32>) : vector<16xi1>, vector<16xi32>
      %and3A_333 = arith.andi %unique3A_331, %eq3A_321 : vector<16xi1>
      tpu.vector_store_idx %arg6[%and3A_324], %add3A_330 masked %and3A_333 : memref<8192xi32, #tpu.memory_space<vmem>>[vector<16xi32>], vector<16xi32>, vector<16xi1>
      %scan3A_334 = arith.constant 4 : i32
      %scan3A_335 = arith.addi %scan3A_227, %scan3A_334 : i32
      %mul3A_336 = arith.constant 1 : i32
      %mul3A_337 = arith.muli %scan3A_335, %mul3A_336 : i32
      %add3A_338 = arith.constant 0 : i32
      %add3A_339 = arith.addi %add3A_338, %mul3A_337 : i32
      %mul3A_340 = arith.constant 16 : i32
      %mul3A_341 = arith.muli %add3A_339, %mul3A_340 : i32
      %get3A_342 = arith.index_cast %mul3A_341 : i32 to index
      %get3A_343 = tpu.vector_load %arg7[%get3A_342] {strides = array<i32>} : memref<10000xi32, #tpu.memory_space<vmem>>, vector<16xi32>,
      %shift_right_arithmetic3A_344 = arith.constant 13 : i32
      %shift_right_arithmetic3A_345 = vector.broadcast %shift_right_arithmetic3A_344 : i32 to vector<16xi32>
      %shift_right_arithmetic3A_346 = arith.shrsi %get3A_343, %shift_right_arithmetic3A_345 : vector<16xi32>
      %eq3A_347 = vector.broadcast %add3A : i32 to vector<16xi32>
      %eq3A_348 = arith.cmpi eq, %shift_right_arithmetic3A_346, %eq3A_347 : vector<16xi32>
      %and3A_349 = arith.constant 8191 : i32
      %and3A_350 = vector.broadcast %and3A_349 : i32 to vector<16xi32>
      %and3A_351 = arith.andi %get3A_343, %and3A_350 : vector<16xi32>
      %mul3A_352 = arith.constant 16 : i32
      %mul3A_353 = arith.muli %add3A_339, %mul3A_352 : i32
      %add3A_354 = arith.constant 30000 : i32
      %add3A_355 = arith.addi %add3A_354, %mul3A_353 : i32
      %add3A_356 = vector.broadcast %add3A_355 : i32 to vector<16xi32>
      %add3A_357 = arith.addi %add3A_356, %iota3A : vector<16xi32>
      %unique3A_358, %unique3A_359 = tpu.scan_count mask(%eq3A_348 : vector<16xi1>) value(%get3A_343 : vector<16xi32>) : vector<16xi1>, vector<16xi32>
      %and3A_360 = arith.andi %unique3A_358, %eq3A_348 : vector<16xi1>
      tpu.vector_store_idx %arg6[%and3A_351], %add3A_357 masked %and3A_360 : memref<8192xi32, #tpu.memory_space<vmem>>[vector<16xi32>], vector<16xi32>, vector<16xi1>
      %scan3A_361 = arith.constant 5 : i32
      %scan3A_362 = arith.addi %scan3A_227, %scan3A_361 : i32
      %mul3A_363 = arith.constant 1 : i32
      %mul3A_364 = arith.muli %scan3A_362, %mul3A_363 : i32
      %add3A_365 = arith.constant 0 : i32
      %add3A_366 = arith.addi %add3A_365, %mul3A_364 : i32
      %mul3A_367 = arith.constant 16 : i32
      %mul3A_368 = arith.muli %add3A_366, %mul3A_367 : i32
      %get3A_369 = arith.index_cast %mul3A_368 : i32 to index
      %get3A_370 = tpu.vector_load %arg7[%get3A_369] {strides = array<i32>} : memref<10000xi32, #tpu.memory_space<vmem>>, vector<16xi32>,
      %shift_right_arithmetic3A_371 = arith.constant 13 : i32
      %shift_right_arithmetic3A_372 = vector.broadcast %shift_right_arithmetic3A_371 : i32 to vector<16xi32>
      %shift_right_arithmetic3A_373 = arith.shrsi %get3A_370, %shift_right_arithmetic3A_372 : vector<16xi32>
      %eq3A_374 = vector.broadcast %add3A : i32 to vector<16xi32>
      %eq3A_375 = arith.cmpi eq, %shift_right_arithmetic3A_373, %eq3A_374 : vector<16xi32>
      %and3A_376 = arith.constant 8191 : i32
      %and3A_377 = vector.broadcast %and3A_376 : i32 to vector<16xi32>
      %and3A_378 = arith.andi %get3A_370, %and3A_377 : vector<16xi32>
      %mul3A_379 = arith.constant 16 : i32
      %mul3A_380 = arith.muli %add3A_366, %mul3A_379 : i32
      %add3A_381 = arith.constant 30000 : i32
      %add3A_382 = arith.addi %add3A_381, %mul3A_380 : i32
      %add3A_383 = vector.broadcast %add3A_382 : i32 to vector<16xi32>
      %add3A_384 = arith.addi %add3A_383, %iota3A : vector<16xi32>
      %unique3A_385, %unique3A_386 = tpu.scan_count mask(%eq3A_375 : vector<16xi1>) value(%get3A_370 : vector<16xi32>) : vector<16xi1>, vector<16xi32>
      %and3A_387 = arith.andi %unique3A_385, %eq3A_375 : vector<16xi1>
      tpu.vector_store_idx %arg6[%and3A_378], %add3A_384 masked %and3A_387 : memref<8192xi32, #tpu.memory_space<vmem>>[vector<16xi32>], vector<16xi32>, vector<16xi1>
      %scan3A_388 = arith.constant 6 : i32
      %scan3A_389 = arith.addi %scan3A_227, %scan3A_388 : i32
      %mul3A_390 = arith.constant 1 : i32
      %mul3A_391 = arith.muli %scan3A_389, %mul3A_390 : i32
      %add3A_392 = arith.constant 0 : i32
      %add3A_393 = arith.addi %add3A_392, %mul3A_391 : i32
      %mul3A_394 = arith.constant 16 : i32
      %mul3A_395 = arith.muli %add3A_393, %mul3A_394 : i32
      %get3A_396 = arith.index_cast %mul3A_395 : i32 to index
      %get3A_397 = tpu.vector_load %arg7[%get3A_396] {strides = array<i32>} : memref<10000xi32, #tpu.memory_space<vmem>>, vector<16xi32>,
      %shift_right_arithmetic3A_398 = arith.constant 13 : i32
      %shift_right_arithmetic3A_399 = vector.broadcast %shift_right_arithmetic3A_398 : i32 to vector<16xi32>
      %shift_right_arithmetic3A_400 = arith.shrsi %get3A_397, %shift_right_arithmetic3A_399 : vector<16xi32>
      %eq3A_401 = vector.broadcast %add3A : i32 to vector<16xi32>
      %eq3A_402 = arith.cmpi eq, %shift_right_arithmetic3A_400, %eq3A_401 : vector<16xi32>
      %and3A_403 = arith.constant 8191 : i32
      %and3A_404 = vector.broadcast %and3A_403 : i32 to vector<16xi32>
      %and3A_405 = arith.andi %get3A_397, %and3A_404 : vector<16xi32>
      %mul3A_406 = arith.constant 16 : i32
      %mul3A_407 = arith.muli %add3A_393, %mul3A_406 : i32
      %add3A_408 = arith.constant 30000 : i32
      %add3A_409 = arith.addi %add3A_408, %mul3A_407 : i32
      %add3A_410 = vector.broadcast %add3A_409 : i32 to vector<16xi32>
      %add3A_411 = arith.addi %add3A_410, %iota3A : vector<16xi32>
      %unique3A_412, %unique3A_413 = tpu.scan_count mask(%eq3A_402 : vector<16xi1>) value(%get3A_397 : vector<16xi32>) : vector<16xi1>, vector<16xi32>
      %and3A_414 = arith.andi %unique3A_412, %eq3A_402 : vector<16xi1>
      tpu.vector_store_idx %arg6[%and3A_405], %add3A_411 masked %and3A_414 : memref<8192xi32, #tpu.memory_space<vmem>>[vector<16xi32>], vector<16xi32>, vector<16xi1>
      %scan3A_415 = arith.constant 7 : i32
      %scan3A_416 = arith.addi %scan3A_227, %scan3A_415 : i32
      %mul3A_417 = arith.constant 1 : i32
      %mul3A_418 = arith.muli %scan3A_416, %mul3A_417 : i32
      %add3A_419 = arith.constant 0 : i32
      %add3A_420 = arith.addi %add3A_419, %mul3A_418 : i32
      %mul3A_421 = arith.constant 16 : i32
      %mul3A_422 = arith.muli %add3A_420, %mul3A_421 : i32
      %get3A_423 = arith.index_cast %mul3A_422 : i32 to index
      %get3A_424 = tpu.vector_load %arg7[%get3A_423] {strides = array<i32>} : memref<10000xi32, #tpu.memory_space<vmem>>, vector<16xi32>,
      %shift_right_arithmetic3A_425 = arith.constant 13 : i32
      %shift_right_arithmetic3A_426 = vector.broadcast %shift_right_arithmetic3A_425 : i32 to vector<16xi32>
      %shift_right_arithmetic3A_427 = arith.shrsi %get3A_424, %shift_right_arithmetic3A_426 : vector<16xi32>
      %eq3A_428 = vector.broadcast %add3A : i32 to vector<16xi32>
      %eq3A_429 = arith.cmpi eq, %shift_right_arithmetic3A_427, %eq3A_428 : vector<16xi32>
      %and3A_430 = arith.constant 8191 : i32
      %and3A_431 = vector.broadcast %and3A_430 : i32 to vector<16xi32>
      %and3A_432 = arith.andi %get3A_424, %and3A_431 : vector<16xi32>
      %mul3A_433 = arith.constant 16 : i32
      %mul3A_434 = arith.muli %add3A_420, %mul3A_433 : i32
      %add3A_435 = arith.constant 30000 : i32
      %add3A_436 = arith.addi %add3A_435, %mul3A_434 : i32
      %add3A_437 = vector.broadcast %add3A_436 : i32 to vector<16xi32>
      %add3A_438 = arith.addi %add3A_437, %iota3A : vector<16xi32>
      %unique3A_439, %unique3A_440 = tpu.scan_count mask(%eq3A_429 : vector<16xi1>) value(%get3A_424 : vector<16xi32>) : vector<16xi1>, vector<16xi32>
      %and3A_441 = arith.andi %unique3A_439, %eq3A_429 : vector<16xi1>
      tpu.vector_store_idx %arg6[%and3A_432], %add3A_438 masked %and3A_441 : memref<8192xi32, #tpu.memory_space<vmem>>[vector<16xi32>], vector<16xi32>, vector<16xi1>
    }
    %scan3A_101 = arith.constant 624 : i32
    %scan3A_102 = arith.addi %scan3A_97, %scan3A_101 : i32
    %mul3A_103 = arith.constant 1 : i32
    %mul3A_104 = arith.muli %scan3A_102, %mul3A_103 : i32
    %add3A_105 = arith.constant 0 : i32
    %add3A_106 = arith.addi %add3A_105, %mul3A_104 : i32
    %mul3A_107 = arith.constant 16 : i32
    %mul3A_108 = arith.muli %add3A_106, %mul3A_107 : i32
    %get3A_109 = arith.index_cast %mul3A_108 : i32 to index
    %get3A_110 = tpu.vector_load %arg7[%get3A_109] {strides = array<i32>} : memref<10000xi32, #tpu.memory_space<vmem>>, vector<16xi32>,
    %shift_right_arithmetic3A_111 = arith.constant 13 : i32
    %shift_right_arithmetic3A_112 = vector.broadcast %shift_right_arithmetic3A_111 : i32 to vector<16xi32>
    %shift_right_arithmetic3A_113 = arith.shrsi %get3A_110, %shift_right_arithmetic3A_112 : vector<16xi32>
    %eq3A_114 = vector.broadcast %add3A : i32 to vector<16xi32>
    %eq3A_115 = arith.cmpi eq, %shift_right_arithmetic3A_113, %eq3A_114 : vector<16xi32>
    %and3A_116 = arith.constant 8191 : i32
    %and3A_117 = vector.broadcast %and3A_116 : i32 to vector<16xi32>
    %and3A_118 = arith.andi %get3A_110, %and3A_117 : vector<16xi32>
    %mul3A_119 = arith.constant 16 : i32
    %mul3A_120 = arith.muli %add3A_106, %mul3A_119 : i32
    %add3A_121 = arith.constant 30000 : i32
    %add3A_122 = arith.addi %add3A_121, %mul3A_120 : i32
    %add3A_123 = vector.broadcast %add3A_122 : i32 to vector<16xi32>
    %add3A_124 = arith.addi %add3A_123, %iota3A : vector<16xi32>
    %unique3A_125, %unique3A_126 = tpu.scan_count mask(%eq3A_115 : vector<16xi1>) value(%get3A_110 : vector<16xi32>) : vector<16xi1>, vector<16xi32>
    %and3A_127 = arith.andi %unique3A_125, %eq3A_115 : vector<16xi1>
    tpu.vector_store_idx %arg6[%and3A_118], %add3A_124 masked %and3A_127 : memref<8192xi32, #tpu.memory_space<vmem>>[vector<16xi32>], vector<16xi32>, vector<16xi1>
    %scan3A_128 = arith.constant 625 : i32
    "tpu.region"() ({
      %run_scoped3A = tpu.sem_alloc : memref<!tpu.dma_semaphore, #tpu.memory_space<semaphore_mem>>
      %dma_start3A = arith.constant 40000 : i32
      %dma_start3A_227 = tpu.memref_slice %arg2[%dma_start3A] : memref<50000xi32, #tpu.memory_space<hbm>> -> memref<10000xi32, #tpu.memory_space<hbm>>
      %dma_start3A_228 = arith.constant 40000 : i32
      %dma_start3A_229 = tpu.memref_slice %arg2[%dma_start3A_228] : memref<50000xi32, #tpu.memory_space<hbm>> -> memref<10000xi32, #tpu.memory_space<hbm>>
      tpu.enqueue_dma source(%dma_start3A_229 : memref<10000xi32, #tpu.memory_space<hbm>>) target(%arg7 : memref<10000xi32, #tpu.memory_space<vmem>>) target_semaphore(%run_scoped3A : memref<!tpu.dma_semaphore, #tpu.memory_space<semaphore_mem>>)
      %dma_wait3A = arith.constant 40000 : i32
      %dma_wait3A_230 = tpu.memref_slice %arg2[%dma_wait3A] : memref<50000xi32, #tpu.memory_space<hbm>> -> memref<10000xi32, #tpu.memory_space<hbm>>
      %dma_wait3A_231 = arith.constant 40000 : i32
      %dma_wait3A_232 = tpu.memref_slice %arg2[%dma_wait3A_231] : memref<50000xi32, #tpu.memory_space<hbm>> -> memref<10000xi32, #tpu.memory_space<hbm>>
      tpu.wait_dma2 semaphore(%run_scoped3A : memref<!tpu.dma_semaphore, #tpu.memory_space<semaphore_mem>>) src(%dma_wait3A_232 : memref<10000xi32, #tpu.memory_space<hbm>>) dst(%arg7 : memref<10000xi32, #tpu.memory_space<vmem>>)
      tpu.yield
    }) : () -> ()
    %scan3A_129 = arith.constant 0 : i32
    %scan3A_130 = arith.constant 624 : i32
    %scan3A_131 = arith.addi %scan3A_129, %scan3A_130 : i32
    %scan3A_132 = arith.constant 8 : i32
    scf.for %scan3A_227 = %scan3A_129 to %scan3A_131 step %scan3A_132  : i32 {
      %mul3A_228 = arith.constant 1 : i32
      %mul3A_229 = arith.muli %scan3A_227, %mul3A_228 : i32
      %add3A_230 = arith.constant 0 : i32
      %add3A_231 = arith.addi %add3A_230, %mul3A_229 : i32
      %mul3A_232 = arith.constant 16 : i32
      %mul3A_233 = arith.muli %add3A_231, %mul3A_232 : i32
      %get3A_234 = arith.index_cast %mul3A_233 : i32 to index
      %get3A_235 = tpu.vector_load %arg7[%get3A_234] {strides = array<i32>} : memref<10000xi32, #tpu.memory_space<vmem>>, vector<16xi32>,
      %shift_right_arithmetic3A_236 = arith.constant 13 : i32
      %shift_right_arithmetic3A_237 = vector.broadcast %shift_right_arithmetic3A_236 : i32 to vector<16xi32>
      %shift_right_arithmetic3A_238 = arith.shrsi %get3A_235, %shift_right_arithmetic3A_237 : vector<16xi32>
      %eq3A_239 = vector.broadcast %add3A : i32 to vector<16xi32>
      %eq3A_240 = arith.cmpi eq, %shift_right_arithmetic3A_238, %eq3A_239 : vector<16xi32>
      %and3A_241 = arith.constant 8191 : i32
      %and3A_242 = vector.broadcast %and3A_241 : i32 to vector<16xi32>
      %and3A_243 = arith.andi %get3A_235, %and3A_242 : vector<16xi32>
      %mul3A_244 = arith.constant 16 : i32
      %mul3A_245 = arith.muli %add3A_231, %mul3A_244 : i32
      %add3A_246 = arith.constant 40000 : i32
      %add3A_247 = arith.addi %add3A_246, %mul3A_245 : i32
      %add3A_248 = vector.broadcast %add3A_247 : i32 to vector<16xi32>
      %add3A_249 = arith.addi %add3A_248, %iota3A : vector<16xi32>
      %unique3A_250, %unique3A_251 = tpu.scan_count mask(%eq3A_240 : vector<16xi1>) value(%get3A_235 : vector<16xi32>) : vector<16xi1>, vector<16xi32>
      %and3A_252 = arith.andi %unique3A_250, %eq3A_240 : vector<16xi1>
      tpu.vector_store_idx %arg6[%and3A_243], %add3A_249 masked %and3A_252 : memref<8192xi32, #tpu.memory_space<vmem>>[vector<16xi32>], vector<16xi32>, vector<16xi1>
      %scan3A_253 = arith.constant 1 : i32
      %scan3A_254 = arith.addi %scan3A_227, %scan3A_253 : i32
      %mul3A_255 = arith.constant 1 : i32
      %mul3A_256 = arith.muli %scan3A_254, %mul3A_255 : i32
      %add3A_257 = arith.constant 0 : i32
      %add3A_258 = arith.addi %add3A_257, %mul3A_256 : i32
      %mul3A_259 = arith.constant 16 : i32
      %mul3A_260 = arith.muli %add3A_258, %mul3A_259 : i32
      %get3A_261 = arith.index_cast %mul3A_260 : i32 to index
      %get3A_262 = tpu.vector_load %arg7[%get3A_261] {strides = array<i32>} : memref<10000xi32, #tpu.memory_space<vmem>>, vector<16xi32>,
      %shift_right_arithmetic3A_263 = arith.constant 13 : i32
      %shift_right_arithmetic3A_264 = vector.broadcast %shift_right_arithmetic3A_263 : i32 to vector<16xi32>
      %shift_right_arithmetic3A_265 = arith.shrsi %get3A_262, %shift_right_arithmetic3A_264 : vector<16xi32>
      %eq3A_266 = vector.broadcast %add3A : i32 to vector<16xi32>
      %eq3A_267 = arith.cmpi eq, %shift_right_arithmetic3A_265, %eq3A_266 : vector<16xi32>
      %and3A_268 = arith.constant 8191 : i32
      %and3A_269 = vector.broadcast %and3A_268 : i32 to vector<16xi32>
      %and3A_270 = arith.andi %get3A_262, %and3A_269 : vector<16xi32>
      %mul3A_271 = arith.constant 16 : i32
      %mul3A_272 = arith.muli %add3A_258, %mul3A_271 : i32
      %add3A_273 = arith.constant 40000 : i32
      %add3A_274 = arith.addi %add3A_273, %mul3A_272 : i32
      %add3A_275 = vector.broadcast %add3A_274 : i32 to vector<16xi32>
      %add3A_276 = arith.addi %add3A_275, %iota3A : vector<16xi32>
      %unique3A_277, %unique3A_278 = tpu.scan_count mask(%eq3A_267 : vector<16xi1>) value(%get3A_262 : vector<16xi32>) : vector<16xi1>, vector<16xi32>
      %and3A_279 = arith.andi %unique3A_277, %eq3A_267 : vector<16xi1>
      tpu.vector_store_idx %arg6[%and3A_270], %add3A_276 masked %and3A_279 : memref<8192xi32, #tpu.memory_space<vmem>>[vector<16xi32>], vector<16xi32>, vector<16xi1>
      %scan3A_280 = arith.constant 2 : i32
      %scan3A_281 = arith.addi %scan3A_227, %scan3A_280 : i32
      %mul3A_282 = arith.constant 1 : i32
      %mul3A_283 = arith.muli %scan3A_281, %mul3A_282 : i32
      %add3A_284 = arith.constant 0 : i32
      %add3A_285 = arith.addi %add3A_284, %mul3A_283 : i32
      %mul3A_286 = arith.constant 16 : i32
      %mul3A_287 = arith.muli %add3A_285, %mul3A_286 : i32
      %get3A_288 = arith.index_cast %mul3A_287 : i32 to index
      %get3A_289 = tpu.vector_load %arg7[%get3A_288] {strides = array<i32>} : memref<10000xi32, #tpu.memory_space<vmem>>, vector<16xi32>,
      %shift_right_arithmetic3A_290 = arith.constant 13 : i32
      %shift_right_arithmetic3A_291 = vector.broadcast %shift_right_arithmetic3A_290 : i32 to vector<16xi32>
      %shift_right_arithmetic3A_292 = arith.shrsi %get3A_289, %shift_right_arithmetic3A_291 : vector<16xi32>
      %eq3A_293 = vector.broadcast %add3A : i32 to vector<16xi32>
      %eq3A_294 = arith.cmpi eq, %shift_right_arithmetic3A_292, %eq3A_293 : vector<16xi32>
      %and3A_295 = arith.constant 8191 : i32
      %and3A_296 = vector.broadcast %and3A_295 : i32 to vector<16xi32>
      %and3A_297 = arith.andi %get3A_289, %and3A_296 : vector<16xi32>
      %mul3A_298 = arith.constant 16 : i32
      %mul3A_299 = arith.muli %add3A_285, %mul3A_298 : i32
      %add3A_300 = arith.constant 40000 : i32
      %add3A_301 = arith.addi %add3A_300, %mul3A_299 : i32
      %add3A_302 = vector.broadcast %add3A_301 : i32 to vector<16xi32>
      %add3A_303 = arith.addi %add3A_302, %iota3A : vector<16xi32>
      %unique3A_304, %unique3A_305 = tpu.scan_count mask(%eq3A_294 : vector<16xi1>) value(%get3A_289 : vector<16xi32>) : vector<16xi1>, vector<16xi32>
      %and3A_306 = arith.andi %unique3A_304, %eq3A_294 : vector<16xi1>
      tpu.vector_store_idx %arg6[%and3A_297], %add3A_303 masked %and3A_306 : memref<8192xi32, #tpu.memory_space<vmem>>[vector<16xi32>], vector<16xi32>, vector<16xi1>
      %scan3A_307 = arith.constant 3 : i32
      %scan3A_308 = arith.addi %scan3A_227, %scan3A_307 : i32
      %mul3A_309 = arith.constant 1 : i32
      %mul3A_310 = arith.muli %scan3A_308, %mul3A_309 : i32
      %add3A_311 = arith.constant 0 : i32
      %add3A_312 = arith.addi %add3A_311, %mul3A_310 : i32
      %mul3A_313 = arith.constant 16 : i32
      %mul3A_314 = arith.muli %add3A_312, %mul3A_313 : i32
      %get3A_315 = arith.index_cast %mul3A_314 : i32 to index
      %get3A_316 = tpu.vector_load %arg7[%get3A_315] {strides = array<i32>} : memref<10000xi32, #tpu.memory_space<vmem>>, vector<16xi32>,
      %shift_right_arithmetic3A_317 = arith.constant 13 : i32
      %shift_right_arithmetic3A_318 = vector.broadcast %shift_right_arithmetic3A_317 : i32 to vector<16xi32>
      %shift_right_arithmetic3A_319 = arith.shrsi %get3A_316, %shift_right_arithmetic3A_318 : vector<16xi32>
      %eq3A_320 = vector.broadcast %add3A : i32 to vector<16xi32>
      %eq3A_321 = arith.cmpi eq, %shift_right_arithmetic3A_319, %eq3A_320 : vector<16xi32>
      %and3A_322 = arith.constant 8191 : i32
      %and3A_323 = vector.broadcast %and3A_322 : i32 to vector<16xi32>
      %and3A_324 = arith.andi %get3A_316, %and3A_323 : vector<16xi32>
      %mul3A_325 = arith.constant 16 : i32
      %mul3A_326 = arith.muli %add3A_312, %mul3A_325 : i32
      %add3A_327 = arith.constant 40000 : i32
      %add3A_328 = arith.addi %add3A_327, %mul3A_326 : i32
      %add3A_329 = vector.broadcast %add3A_328 : i32 to vector<16xi32>
      %add3A_330 = arith.addi %add3A_329, %iota3A : vector<16xi32>
      %unique3A_331, %unique3A_332 = tpu.scan_count mask(%eq3A_321 : vector<16xi1>) value(%get3A_316 : vector<16xi32>) : vector<16xi1>, vector<16xi32>
      %and3A_333 = arith.andi %unique3A_331, %eq3A_321 : vector<16xi1>
      tpu.vector_store_idx %arg6[%and3A_324], %add3A_330 masked %and3A_333 : memref<8192xi32, #tpu.memory_space<vmem>>[vector<16xi32>], vector<16xi32>, vector<16xi1>
      %scan3A_334 = arith.constant 4 : i32
      %scan3A_335 = arith.addi %scan3A_227, %scan3A_334 : i32
      %mul3A_336 = arith.constant 1 : i32
      %mul3A_337 = arith.muli %scan3A_335, %mul3A_336 : i32
      %add3A_338 = arith.constant 0 : i32
      %add3A_339 = arith.addi %add3A_338, %mul3A_337 : i32
      %mul3A_340 = arith.constant 16 : i32
      %mul3A_341 = arith.muli %add3A_339, %mul3A_340 : i32
      %get3A_342 = arith.index_cast %mul3A_341 : i32 to index
      %get3A_343 = tpu.vector_load %arg7[%get3A_342] {strides = array<i32>} : memref<10000xi32, #tpu.memory_space<vmem>>, vector<16xi32>,
      %shift_right_arithmetic3A_344 = arith.constant 13 : i32
      %shift_right_arithmetic3A_345 = vector.broadcast %shift_right_arithmetic3A_344 : i32 to vector<16xi32>
      %shift_right_arithmetic3A_346 = arith.shrsi %get3A_343, %shift_right_arithmetic3A_345 : vector<16xi32>
      %eq3A_347 = vector.broadcast %add3A : i32 to vector<16xi32>
      %eq3A_348 = arith.cmpi eq, %shift_right_arithmetic3A_346, %eq3A_347 : vector<16xi32>
      %and3A_349 = arith.constant 8191 : i32
      %and3A_350 = vector.broadcast %and3A_349 : i32 to vector<16xi32>
      %and3A_351 = arith.andi %get3A_343, %and3A_350 : vector<16xi32>
      %mul3A_352 = arith.constant 16 : i32
      %mul3A_353 = arith.muli %add3A_339, %mul3A_352 : i32
      %add3A_354 = arith.constant 40000 : i32
      %add3A_355 = arith.addi %add3A_354, %mul3A_353 : i32
      %add3A_356 = vector.broadcast %add3A_355 : i32 to vector<16xi32>
      %add3A_357 = arith.addi %add3A_356, %iota3A : vector<16xi32>
      %unique3A_358, %unique3A_359 = tpu.scan_count mask(%eq3A_348 : vector<16xi1>) value(%get3A_343 : vector<16xi32>) : vector<16xi1>, vector<16xi32>
      %and3A_360 = arith.andi %unique3A_358, %eq3A_348 : vector<16xi1>
      tpu.vector_store_idx %arg6[%and3A_351], %add3A_357 masked %and3A_360 : memref<8192xi32, #tpu.memory_space<vmem>>[vector<16xi32>], vector<16xi32>, vector<16xi1>
      %scan3A_361 = arith.constant 5 : i32
      %scan3A_362 = arith.addi %scan3A_227, %scan3A_361 : i32
      %mul3A_363 = arith.constant 1 : i32
      %mul3A_364 = arith.muli %scan3A_362, %mul3A_363 : i32
      %add3A_365 = arith.constant 0 : i32
      %add3A_366 = arith.addi %add3A_365, %mul3A_364 : i32
      %mul3A_367 = arith.constant 16 : i32
      %mul3A_368 = arith.muli %add3A_366, %mul3A_367 : i32
      %get3A_369 = arith.index_cast %mul3A_368 : i32 to index
      %get3A_370 = tpu.vector_load %arg7[%get3A_369] {strides = array<i32>} : memref<10000xi32, #tpu.memory_space<vmem>>, vector<16xi32>,
      %shift_right_arithmetic3A_371 = arith.constant 13 : i32
      %shift_right_arithmetic3A_372 = vector.broadcast %shift_right_arithmetic3A_371 : i32 to vector<16xi32>
      %shift_right_arithmetic3A_373 = arith.shrsi %get3A_370, %shift_right_arithmetic3A_372 : vector<16xi32>
      %eq3A_374 = vector.broadcast %add3A : i32 to vector<16xi32>
      %eq3A_375 = arith.cmpi eq, %shift_right_arithmetic3A_373, %eq3A_374 : vector<16xi32>
      %and3A_376 = arith.constant 8191 : i32
      %and3A_377 = vector.broadcast %and3A_376 : i32 to vector<16xi32>
      %and3A_378 = arith.andi %get3A_370, %and3A_377 : vector<16xi32>
      %mul3A_379 = arith.constant 16 : i32
      %mul3A_380 = arith.muli %add3A_366, %mul3A_379 : i32
      %add3A_381 = arith.constant 40000 : i32
      %add3A_382 = arith.addi %add3A_381, %mul3A_380 : i32
      %add3A_383 = vector.broadcast %add3A_382 : i32 to vector<16xi32>
      %add3A_384 = arith.addi %add3A_383, %iota3A : vector<16xi32>
      %unique3A_385, %unique3A_386 = tpu.scan_count mask(%eq3A_375 : vector<16xi1>) value(%get3A_370 : vector<16xi32>) : vector<16xi1>, vector<16xi32>
      %and3A_387 = arith.andi %unique3A_385, %eq3A_375 : vector<16xi1>
      tpu.vector_store_idx %arg6[%and3A_378], %add3A_384 masked %and3A_387 : memref<8192xi32, #tpu.memory_space<vmem>>[vector<16xi32>], vector<16xi32>, vector<16xi1>
      %scan3A_388 = arith.constant 6 : i32
      %scan3A_389 = arith.addi %scan3A_227, %scan3A_388 : i32
      %mul3A_390 = arith.constant 1 : i32
      %mul3A_391 = arith.muli %scan3A_389, %mul3A_390 : i32
      %add3A_392 = arith.constant 0 : i32
      %add3A_393 = arith.addi %add3A_392, %mul3A_391 : i32
      %mul3A_394 = arith.constant 16 : i32
      %mul3A_395 = arith.muli %add3A_393, %mul3A_394 : i32
      %get3A_396 = arith.index_cast %mul3A_395 : i32 to index
      %get3A_397 = tpu.vector_load %arg7[%get3A_396] {strides = array<i32>} : memref<10000xi32, #tpu.memory_space<vmem>>, vector<16xi32>,
      %shift_right_arithmetic3A_398 = arith.constant 13 : i32
      %shift_right_arithmetic3A_399 = vector.broadcast %shift_right_arithmetic3A_398 : i32 to vector<16xi32>
      %shift_right_arithmetic3A_400 = arith.shrsi %get3A_397, %shift_right_arithmetic3A_399 : vector<16xi32>
      %eq3A_401 = vector.broadcast %add3A : i32 to vector<16xi32>
      %eq3A_402 = arith.cmpi eq, %shift_right_arithmetic3A_400, %eq3A_401 : vector<16xi32>
      %and3A_403 = arith.constant 8191 : i32
      %and3A_404 = vector.broadcast %and3A_403 : i32 to vector<16xi32>
      %and3A_405 = arith.andi %get3A_397, %and3A_404 : vector<16xi32>
      %mul3A_406 = arith.constant 16 : i32
      %mul3A_407 = arith.muli %add3A_393, %mul3A_406 : i32
      %add3A_408 = arith.constant 40000 : i32
      %add3A_409 = arith.addi %add3A_408, %mul3A_407 : i32
      %add3A_410 = vector.broadcast %add3A_409 : i32 to vector<16xi32>
      %add3A_411 = arith.addi %add3A_410, %iota3A : vector<16xi32>
      %unique3A_412, %unique3A_413 = tpu.scan_count mask(%eq3A_402 : vector<16xi1>) value(%get3A_397 : vector<16xi32>) : vector<16xi1>, vector<16xi32>
      %and3A_414 = arith.andi %unique3A_412, %eq3A_402 : vector<16xi1>
      tpu.vector_store_idx %arg6[%and3A_405], %add3A_411 masked %and3A_414 : memref<8192xi32, #tpu.memory_space<vmem>>[vector<16xi32>], vector<16xi32>, vector<16xi1>
      %scan3A_415 = arith.constant 7 : i32
      %scan3A_416 = arith.addi %scan3A_227, %scan3A_415 : i32
      %mul3A_417 = arith.constant 1 : i32
      %mul3A_418 = arith.muli %scan3A_416, %mul3A_417 : i32
      %add3A_419 = arith.constant 0 : i32
      %add3A_420 = arith.addi %add3A_419, %mul3A_418 : i32
      %mul3A_421 = arith.constant 16 : i32
      %mul3A_422 = arith.muli %add3A_420, %mul3A_421 : i32
      %get3A_423 = arith.index_cast %mul3A_422 : i32 to index
      %get3A_424 = tpu.vector_load %arg7[%get3A_423] {strides = array<i32>} : memref<10000xi32, #tpu.memory_space<vmem>>, vector<16xi32>,
      %shift_right_arithmetic3A_425 = arith.constant 13 : i32
      %shift_right_arithmetic3A_426 = vector.broadcast %shift_right_arithmetic3A_425 : i32 to vector<16xi32>
      %shift_right_arithmetic3A_427 = arith.shrsi %get3A_424, %shift_right_arithmetic3A_426 : vector<16xi32>
      %eq3A_428 = vector.broadcast %add3A : i32 to vector<16xi32>
      %eq3A_429 = arith.cmpi eq, %shift_right_arithmetic3A_427, %eq3A_428 : vector<16xi32>
      %and3A_430 = arith.constant 8191 : i32
      %and3A_431 = vector.broadcast %and3A_430 : i32 to vector<16xi32>
      %and3A_432 = arith.andi %get3A_424, %and3A_431 : vector<16xi32>
      %mul3A_433 = arith.constant 16 : i32
      %mul3A_434 = arith.muli %add3A_420, %mul3A_433 : i32
      %add3A_435 = arith.constant 40000 : i32
      %add3A_436 = arith.addi %add3A_435, %mul3A_434 : i32
      %add3A_437 = vector.broadcast %add3A_436 : i32 to vector<16xi32>
      %add3A_438 = arith.addi %add3A_437, %iota3A : vector<16xi32>
      %unique3A_439, %unique3A_440 = tpu.scan_count mask(%eq3A_429 : vector<16xi1>) value(%get3A_424 : vector<16xi32>) : vector<16xi1>, vector<16xi32>
      %and3A_441 = arith.andi %unique3A_439, %eq3A_429 : vector<16xi1>
      tpu.vector_store_idx %arg6[%and3A_432], %add3A_438 masked %and3A_441 : memref<8192xi32, #tpu.memory_space<vmem>>[vector<16xi32>], vector<16xi32>, vector<16xi1>
    }
    %scan3A_133 = arith.constant 624 : i32
    %scan3A_134 = arith.addi %scan3A_129, %scan3A_133 : i32
    %mul3A_135 = arith.constant 1 : i32
    %mul3A_136 = arith.muli %scan3A_134, %mul3A_135 : i32
    %add3A_137 = arith.constant 0 : i32
    %add3A_138 = arith.addi %add3A_137, %mul3A_136 : i32
    %mul3A_139 = arith.constant 16 : i32
    %mul3A_140 = arith.muli %add3A_138, %mul3A_139 : i32
    %get3A_141 = arith.index_cast %mul3A_140 : i32 to index
    %get3A_142 = tpu.vector_load %arg7[%get3A_141] {strides = array<i32>} : memref<10000xi32, #tpu.memory_space<vmem>>, vector<16xi32>,
    %shift_right_arithmetic3A_143 = arith.constant 13 : i32
    %shift_right_arithmetic3A_144 = vector.broadcast %shift_right_arithmetic3A_143 : i32 to vector<16xi32>
    %shift_right_arithmetic3A_145 = arith.shrsi %get3A_142, %shift_right_arithmetic3A_144 : vector<16xi32>
    %eq3A_146 = vector.broadcast %add3A : i32 to vector<16xi32>
    %eq3A_147 = arith.cmpi eq, %shift_right_arithmetic3A_145, %eq3A_146 : vector<16xi32>
    %and3A_148 = arith.constant 8191 : i32
    %and3A_149 = vector.broadcast %and3A_148 : i32 to vector<16xi32>
    %and3A_150 = arith.andi %get3A_142, %and3A_149 : vector<16xi32>
    %mul3A_151 = arith.constant 16 : i32
    %mul3A_152 = arith.muli %add3A_138, %mul3A_151 : i32
    %add3A_153 = arith.constant 40000 : i32
    %add3A_154 = arith.addi %add3A_153, %mul3A_152 : i32
    %add3A_155 = vector.broadcast %add3A_154 : i32 to vector<16xi32>
    %add3A_156 = arith.addi %add3A_155, %iota3A : vector<16xi32>
    %unique3A_157, %unique3A_158 = tpu.scan_count mask(%eq3A_147 : vector<16xi1>) value(%get3A_142 : vector<16xi32>) : vector<16xi1>, vector<16xi32>
    %and3A_159 = arith.andi %unique3A_157, %eq3A_147 : vector<16xi1>
    tpu.vector_store_idx %arg6[%and3A_150], %add3A_156 masked %and3A_159 : memref<8192xi32, #tpu.memory_space<vmem>>[vector<16xi32>], vector<16xi32>, vector<16xi1>
    %scan3A_160 = arith.constant 625 : i32
    %scan3A_161 = arith.constant 0 : i32
    %scan3A_162 = arith.constant 0 : i32
    %scan3A_163 = arith.constant 512 : i32
    %scan3A_164 = arith.addi %scan3A_162, %scan3A_163 : i32
    %scan3A_165 = arith.constant 1 : i32
    %scan3A_166 = scf.for %scan3A_227 = %scan3A_162 to %scan3A_164 step %scan3A_165 iter_args(%scan3A_228 = %scan3A_161) -> (i32)  : i32 {
      %mul3A_229 = arith.constant 16 : i32
      %mul3A_230 = arith.muli %scan3A_227, %mul3A_229 : i32
      %get3A_231 = arith.index_cast %mul3A_230 : i32 to index
      %get3A_232 = tpu.vector_load %arg6[%get3A_231] {strides = array<i32>} : memref<8192xi32, #tpu.memory_space<vmem>>, vector<16xi32>,
      %ge3A = arith.constant 0 : i32
      %ge3A_233 = vector.broadcast %ge3A : i32 to vector<16xi32>
      %ge3A_234 = arith.cmpi sge, %get3A_232, %ge3A_233 : vector<16xi32>
      %mul3A_235 = arith.constant 8192 : i32
      %mul3A_236 = arith.muli %add3A, %mul3A_235 : i32
      %mul3A_237 = arith.constant 16 : i32
      %mul3A_238 = arith.muli %scan3A_227, %mul3A_237 : i32
      %add3A_239 = arith.addi %mul3A_236, %mul3A_238 : i32
      %add3A_240 = vector.broadcast %add3A_239 : i32 to vector<16xi32>
      %add3A_241 = arith.addi %add3A_240, %iota3A : vector<16xi32>
      %swap3A_242 = arith.index_cast %scan3A_228 : i32 to index
      %swap3A_243 = tpu.vector_load %arg8[%swap3A_242] masked %ge3A_234 {strides = array<i32>} : memref<8192xi32, #tpu.memory_space<vmem>>, vector<16xi32>, vector<16xi1>
      tpu.vector_store %arg8[%swap3A_242], %get3A_232 masked %ge3A_234 {strides = array<i32>} : memref<8192xi32, #tpu.memory_space<vmem>>, vector<16xi32>, vector<16xi1>
      %swap3A_244 = arith.index_cast %scan3A_228 : i32 to index
      %swap3A_245 = tpu.vector_load %arg9[%swap3A_244] masked %ge3A_234 {strides = array<i32>} : memref<8192xi32, #tpu.memory_space<vmem>>, vector<16xi32>, vector<16xi1>
      tpu.vector_store %arg9[%swap3A_244], %add3A_241 masked %ge3A_234 {strides = array<i32>} : memref<8192xi32, #tpu.memory_space<vmem>>, vector<16xi32>, vector<16xi1>
      %all_reduce_population_count3A = tpu.all_reduce %ge3A_234 {dim = 0 : i64, kind = #tpu.reduction_kind<sum>} : vector<16xi1> -> vector<16xi32>
      %reduce_max3A = arith.constant true
      %reduce_max3A_246 = vector.broadcast %reduce_max3A : i1 to vector<16xi1>
      %reduce_max3A_247 = arith.constant -2147483648 : i32
      %reduce_max3A_248 = vector.broadcast %reduce_max3A_247 : i32 to vector<16xi32>
      %reduce_max3A_249 = arith.xori %all_reduce_population_count3A, %reduce_max3A_248 : vector<16xi32>
      %reduce_max3A_250 = tpu.scan <max>, %reduce_max3A_249 masked %reduce_max3A_246 : vector<16xi32>, vector<16xi1> -> vector<16xi32>
      %reduce_max3A_251 = arith.xori %reduce_max3A_250, %reduce_max3A_248 : vector<16xi32>
      %reduce_max3A_252 = vector.extract %reduce_max3A_251[15] : i32 from vector<16xi32>
      %add3A_253 = arith.addi %scan3A_228, %reduce_max3A_252 : i32
      scf.yield %add3A_253 : i32
    }
    %scan3A_167 = arith.constant 512 : i32
    %add3A_168 = arith.constant 256 : i32
    %add3A_169 = arith.addi %scan3A_166, %add3A_168 : i32
    %sub3A = arith.constant 1 : i32
    %sub3A_170 = arith.subi %add3A_169, %sub3A : i32
    %jit3A = arith.constant 256 : i32
    %div3A = arith.divsi %sub3A_170, %jit3A : i32
    %sign3A = arith.constant 0 : i32
    %sign3A_171 = arith.cmpi sgt, %sub3A_170, %sign3A : i32
    %sign3A_172 = arith.extui %sign3A_171 : i1 to i32
    %sign3A_173 = arith.constant 0 : i32
    %sign3A_174 = arith.cmpi slt, %sub3A_170, %sign3A_173 : i32
    %sign3A_175 = arith.extui %sign3A_174 : i1 to i32
    %sign3A_176 = arith.subi %sign3A_172, %sign3A_175 : i32
    %sign3A_177 = arith.constant 0 : i32
    %sign3A_178 = arith.cmpi sgt, %jit3A, %sign3A_177 : i32
    %sign3A_179 = arith.extui %sign3A_178 : i1 to i32
    %sign3A_180 = arith.constant 0 : i32
    %sign3A_181 = arith.cmpi slt, %jit3A, %sign3A_180 : i32
    %sign3A_182 = arith.extui %sign3A_181 : i1 to i32
    %sign3A_183 = arith.subi %sign3A_179, %sign3A_182 : i32
    %ne3A = arith.cmpi ne, %sign3A_176, %sign3A_183 : i32
    %rem3A = arith.remsi %sub3A_170, %jit3A : i32
    %ne3A_184 = arith.constant 0 : i32
    %ne3A_185 = arith.cmpi ne, %rem3A, %ne3A_184 : i32
    %and3A_186 = arith.andi %ne3A, %ne3A_185 : i1
    %sub3A_187 = arith.constant 1 : i32
    %sub3A_188 = arith.subi %div3A, %sub3A_187 : i32
    %select_n3A = arith.select %and3A_186, %sub3A_188, %div3A : i32
    %mul3A_189 = arith.constant 256 : i32
    %mul3A_190 = arith.muli %select_n3A, %mul3A_189 : i32
    %jit3A_191 = arith.constant 16 : i32
    %div3A_192 = arith.divsi %scan3A_166, %jit3A_191 : i32
    %sign3A_193 = arith.constant 0 : i32
    %sign3A_194 = arith.cmpi sgt, %scan3A_166, %sign3A_193 : i32
    %sign3A_195 = arith.extui %sign3A_194 : i1 to i32
    %sign3A_196 = arith.constant 0 : i32
    %sign3A_197 = arith.cmpi slt, %scan3A_166, %sign3A_196 : i32
    %sign3A_198 = arith.extui %sign3A_197 : i1 to i32
    %sign3A_199 = arith.subi %sign3A_195, %sign3A_198 : i32
    %sign3A_200 = arith.constant 0 : i32
    %sign3A_201 = arith.cmpi sgt, %jit3A_191, %sign3A_200 : i32
    %sign3A_202 = arith.extui %sign3A_201 : i1 to i32
    %sign3A_203 = arith.constant 0 : i32
    %sign3A_204 = arith.cmpi slt, %jit3A_191, %sign3A_203 : i32
    %sign3A_205 = arith.extui %sign3A_204 : i1 to i32
    %sign3A_206 = arith.subi %sign3A_202, %sign3A_205 : i32
    %ne3A_207 = arith.cmpi ne, %sign3A_199, %sign3A_206 : i32
    %rem3A_208 = arith.remsi %scan3A_166, %jit3A_191 : i32
    %ne3A_209 = arith.constant 0 : i32
    %ne3A_210 = arith.cmpi ne, %rem3A_208, %ne3A_209 : i32
    %and3A_211 = arith.andi %ne3A_207, %ne3A_210 : i1
    %sub3A_212 = arith.constant 1 : i32
    %sub3A_213 = arith.subi %div3A_192, %sub3A_212 : i32
    %select_n3A_214 = arith.select %and3A_211, %sub3A_213, %div3A_192 : i32
    %mul3A_215 = arith.constant 16 : i32
    %mul3A_216 = arith.muli %select_n3A_214, %mul3A_215 : i32
    %gt3A = arith.constant 0 : i32
    %gt3A_217 = arith.cmpi sgt, %scan3A_166, %gt3A : i32
    %convert_element_type3A = arith.extui %gt3A_217 : i1 to i32
    %cond3A = arith.constant 0 : i32
    %cond3A_218 = arith.cmpi ne, %convert_element_type3A, %cond3A : i32
    scf.if %cond3A_218 {
      %get3A_227 = arith.constant 0 : index
      %get3A_228 = tpu.vector_load %arg8[%get3A_227] {strides = array<i32>} : memref<8192xi32, #tpu.memory_space<vmem>>, vector<16xi32>,
      %get3A_229 = arith.constant 0 : index
      %get3A_230 = tpu.vector_load %arg9[%get3A_229] {strides = array<i32>} : memref<8192xi32, #tpu.memory_space<vmem>>, vector<16xi32>,
      %min3A = arith.constant 16 : i32
      %min3A_231 = arith.minsi %scan3A_166, %min3A : i32
      %lt3A = vector.broadcast %min3A_231 : i32 to vector<16xi32>
      %lt3A_232 = arith.cmpi slt, %iota3A, %lt3A : vector<16xi32>
      %jit3A_233 = arith.constant -1 : i32
      %broadcast_in_dim3A_234 = vector.broadcast %jit3A_233 : i32 to vector<16xi32>
      %select_n3A_235 = arith.select %lt3A_232, %get3A_230, %broadcast_in_dim3A_234 : vector<16xi1>, vector<16xi32>
      %reduce_max3A = arith.constant true
      %reduce_max3A_236 = vector.broadcast %reduce_max3A : i1 to vector<16xi1>
      %reduce_max3A_237 = arith.constant -2147483648 : i32
      %reduce_max3A_238 = vector.broadcast %reduce_max3A_237 : i32 to vector<16xi32>
      %reduce_max3A_239 = arith.xori %select_n3A_235, %reduce_max3A_238 : vector<16xi32>
      %reduce_max3A_240 = tpu.scan <max>, %reduce_max3A_239 masked %reduce_max3A_236 : vector<16xi32>, vector<16xi1> -> vector<16xi32>
      %reduce_max3A_241 = arith.xori %reduce_max3A_240, %reduce_max3A_238 : vector<16xi32>
      %reduce_max3A_242 = vector.extract %reduce_max3A_241[15] : i32 from vector<16xi32>
      %eq3A_243 = vector.broadcast %reduce_max3A_242 : i32 to vector<16xi32>
      %eq3A_244 = arith.cmpi eq, %get3A_230, %eq3A_243 : vector<16xi32>
      %jit3A_245 = arith.constant -1 : i32
      %broadcast_in_dim3A_246 = vector.broadcast %jit3A_245 : i32 to vector<16xi32>
      %select_n3A_247 = arith.select %eq3A_244, %get3A_228, %broadcast_in_dim3A_246 : vector<16xi1>, vector<16xi32>
      %reduce_max3A_248 = arith.constant true
      %reduce_max3A_249 = vector.broadcast %reduce_max3A_248 : i1 to vector<16xi1>
      %reduce_max3A_250 = arith.constant -2147483648 : i32
      %reduce_max3A_251 = vector.broadcast %reduce_max3A_250 : i32 to vector<16xi32>
      %reduce_max3A_252 = arith.xori %select_n3A_247, %reduce_max3A_251 : vector<16xi32>
      %reduce_max3A_253 = tpu.scan <max>, %reduce_max3A_252 masked %reduce_max3A_249 : vector<16xi32>, vector<16xi1> -> vector<16xi32>
      %reduce_max3A_254 = arith.xori %reduce_max3A_253, %reduce_max3A_251 : vector<16xi32>
      %reduce_max3A_255 = vector.extract %reduce_max3A_254[15] : i32 from vector<16xi32>
      %broadcast_in_dim3A_256 = vector.broadcast %reduce_max3A_255 : i32 to vector<16xi32>
      %broadcast_in_dim3A_257 = vector.broadcast %reduce_max3A_242 : i32 to vector<16xi32>
      %scan3A_258 = arith.constant 0 : i32
      %scan3A_259 = arith.constant 16 : i32
      %scan3A_260 = arith.addi %scan3A_258, %scan3A_259 : i32
      %scan3A_261 = arith.constant 1 : i32
      scf.for %scan3A_263 = %scan3A_258 to %scan3A_260 step %scan3A_261  : i32 {
        %mul3A_264 = arith.constant 1 : i32
        %mul3A_265 = arith.muli %scan3A_263, %mul3A_264 : i32
        %add3A_266 = arith.constant 0 : i32
        %add3A_267 = arith.addi %add3A_266, %mul3A_265 : i32
        %mul3A_268 = arith.constant 16 : i32
        %mul3A_269 = arith.muli %add3A_267, %mul3A_268 : i32
        %add3A_270 = arith.addi %mul3A_216, %mul3A_269 : i32
        %lt3A_271 = arith.cmpi slt, %add3A_270, %mul3A_190 : i32
        %convert_element_type3A_272 = arith.extui %lt3A_271 : i1 to i32
        %cond3A_273 = arith.constant 0 : i32
        %cond3A_274 = arith.cmpi ne, %convert_element_type3A_272, %cond3A_273 : i32
        scf.if %cond3A_274 {
          %add3A_275 = vector.broadcast %add3A_270 : i32 to vector<16xi32>
          %add3A_276 = arith.addi %add3A_275, %iota3A : vector<16xi32>
          %ge3A = vector.broadcast %scan3A_166 : i32 to vector<16xi32>
          %ge3A_277 = arith.cmpi sge, %add3A_276, %ge3A : vector<16xi32>
          %get3A_278 = arith.index_cast %add3A_270 : i32 to index
          %get3A_279 = tpu.vector_load %arg8[%get3A_278] {strides = array<i32>} : memref<8192xi32, #tpu.memory_space<vmem>>, vector<16xi32>,
          %select_n3A_280 = arith.select %ge3A_277, %broadcast_in_dim3A_256, %get3A_279 : vector<16xi1>, vector<16xi32>
          %swap3A_281 = arith.index_cast %add3A_270 : i32 to index
          %swap3A_282 = tpu.vector_load %arg8[%swap3A_281] {strides = array<i32>} : memref<8192xi32, #tpu.memory_space<vmem>>, vector<16xi32>,
          tpu.vector_store %arg8[%swap3A_281], %select_n3A_280 {strides = array<i32>} : memref<8192xi32, #tpu.memory_space<vmem>>, vector<16xi32>,
          %get3A_283 = arith.index_cast %add3A_270 : i32 to index
          %get3A_284 = tpu.vector_load %arg9[%get3A_283] {strides = array<i32>} : memref<8192xi32, #tpu.memory_space<vmem>>, vector<16xi32>,
          %select_n3A_285 = arith.select %ge3A_277, %broadcast_in_dim3A_257, %get3A_284 : vector<16xi1>, vector<16xi32>
          %swap3A_286 = arith.index_cast %add3A_270 : i32 to index
          %swap3A_287 = tpu.vector_load %arg9[%swap3A_286] {strides = array<i32>} : memref<8192xi32, #tpu.memory_space<vmem>>, vector<16xi32>,
          tpu.vector_store %arg9[%swap3A_286], %select_n3A_285 {strides = array<i32>} : memref<8192xi32, #tpu.memory_space<vmem>>, vector<16xi32>,
        } else {
        }
      }
      %scan3A_262 = arith.constant 16 : i32
    } else {
    }
    %broadcast_in_dim3A_219 = vector.broadcast %scan3A_166 : i32 to vector<16xi32>
    %swap3A = arith.constant 0 : index
    %swap3A_220 = tpu.vector_load %arg10[%swap3A] {strides = array<i32>} : memref<16xi32, #tpu.memory_space<vmem>>, vector<16xi32>,
    tpu.vector_store %arg10[%swap3A], %broadcast_in_dim3A_219 {strides = array<i32>} : memref<16xi32, #tpu.memory_space<vmem>>, vector<16xi32>,
    %mul3A_221 = arith.constant 8192 : i32
    %mul3A_222 = arith.muli %add3A, %mul3A_221 : i32
    "tpu.region"() ({
      %run_scoped3A = tpu.sem_alloc : memref<!tpu.dma_semaphore, #tpu.memory_space<semaphore_mem>>
      %dma_start3A = tpu.memref_slice %arg3[%mul3A_222] : memref<262144xi32, #tpu.memory_space<hbm>> -> memref<8192xi32, #tpu.memory_space<hbm>>
      %dma_start3A_227 = tpu.memref_slice %arg3[%mul3A_222] : memref<262144xi32, #tpu.memory_space<hbm>> -> memref<8192xi32, #tpu.memory_space<hbm>>
      tpu.enqueue_dma source(%arg8 : memref<8192xi32, #tpu.memory_space<vmem>>) target(%dma_start3A_227 : memref<8192xi32, #tpu.memory_space<hbm>>) target_semaphore(%run_scoped3A : memref<!tpu.dma_semaphore, #tpu.memory_space<semaphore_mem>>)
      %dma_wait3A = tpu.memref_slice %arg3[%mul3A_222] : memref<262144xi32, #tpu.memory_space<hbm>> -> memref<8192xi32, #tpu.memory_space<hbm>>
      %dma_wait3A_228 = tpu.memref_slice %arg3[%mul3A_222] : memref<262144xi32, #tpu.memory_space<hbm>> -> memref<8192xi32, #tpu.memory_space<hbm>>
      tpu.wait_dma2 semaphore(%run_scoped3A : memref<!tpu.dma_semaphore, #tpu.memory_space<semaphore_mem>>) src(%arg8 : memref<8192xi32, #tpu.memory_space<vmem>>) dst(%dma_wait3A_228 : memref<8192xi32, #tpu.memory_space<hbm>>)
      tpu.yield
    }) : () -> ()
    %mul3A_223 = arith.constant 8192 : i32
    %mul3A_224 = arith.muli %add3A, %mul3A_223 : i32
    "tpu.region"() ({
      %run_scoped3A = tpu.sem_alloc : memref<!tpu.dma_semaphore, #tpu.memory_space<semaphore_mem>>
      %dma_start3A = tpu.memref_slice %arg4[%mul3A_224] : memref<262144xi32, #tpu.memory_space<hbm>> -> memref<8192xi32, #tpu.memory_space<hbm>>
      %dma_start3A_227 = tpu.memref_slice %arg4[%mul3A_224] : memref<262144xi32, #tpu.memory_space<hbm>> -> memref<8192xi32, #tpu.memory_space<hbm>>
      tpu.enqueue_dma source(%arg9 : memref<8192xi32, #tpu.memory_space<vmem>>) target(%dma_start3A_227 : memref<8192xi32, #tpu.memory_space<hbm>>) target_semaphore(%run_scoped3A : memref<!tpu.dma_semaphore, #tpu.memory_space<semaphore_mem>>)
      %dma_wait3A = tpu.memref_slice %arg4[%mul3A_224] : memref<262144xi32, #tpu.memory_space<hbm>> -> memref<8192xi32, #tpu.memory_space<hbm>>
      %dma_wait3A_228 = tpu.memref_slice %arg4[%mul3A_224] : memref<262144xi32, #tpu.memory_space<hbm>> -> memref<8192xi32, #tpu.memory_space<hbm>>
      tpu.wait_dma2 semaphore(%run_scoped3A : memref<!tpu.dma_semaphore, #tpu.memory_space<semaphore_mem>>) src(%arg9 : memref<8192xi32, #tpu.memory_space<vmem>>) dst(%dma_wait3A_228 : memref<8192xi32, #tpu.memory_space<hbm>>)
      tpu.yield
    }) : () -> ()
    %mul3A_225 = arith.constant 16 : i32
    %mul3A_226 = arith.muli %add3A, %mul3A_225 : i32
    "tpu.region"() ({
      %run_scoped3A = tpu.sem_alloc : memref<!tpu.dma_semaphore, #tpu.memory_space<semaphore_mem>>
      %dma_start3A = tpu.memref_slice %arg5[%mul3A_226] : memref<512xi32, #tpu.memory_space<hbm>> -> memref<16xi32, #tpu.memory_space<hbm>>
      %dma_start3A_227 = tpu.memref_slice %arg5[%mul3A_226] : memref<512xi32, #tpu.memory_space<hbm>> -> memref<16xi32, #tpu.memory_space<hbm>>
      tpu.enqueue_dma source(%arg10 : memref<16xi32, #tpu.memory_space<vmem>>) target(%dma_start3A_227 : memref<16xi32, #tpu.memory_space<hbm>>) target_semaphore(%run_scoped3A : memref<!tpu.dma_semaphore, #tpu.memory_space<semaphore_mem>>)
      %dma_wait3A = tpu.memref_slice %arg5[%mul3A_226] : memref<512xi32, #tpu.memory_space<hbm>> -> memref<16xi32, #tpu.memory_space<hbm>>
      %dma_wait3A_228 = tpu.memref_slice %arg5[%mul3A_226] : memref<512xi32, #tpu.memory_space<hbm>> -> memref<16xi32, #tpu.memory_space<hbm>>
      tpu.wait_dma2 semaphore(%run_scoped3A : memref<!tpu.dma_semaphore, #tpu.memory_space<semaphore_mem>>) src(%arg10 : memref<16xi32, #tpu.memory_space<vmem>>) dst(%dma_wait3A_228 : memref<16xi32, #tpu.memory_space<hbm>>)
      tpu.yield
    }) : () -> ()
    return
  }
}

module attributes {stable_mosaic.version = 14 : i64} {
  func.func @_tc_body(%arg0: i32, %arg1: memref<1024x384xf32, #tpu.memory_space<vmem>>, %arg2: memref<1024x128xf32, #tpu.memory_space<vmem>>, %arg3: memref<384x384xbf16, #tpu.memory_space<vmem>>, %arg4: memref<128x384xbf16, #tpu.memory_space<vmem>>, %arg5: memref<1x384xf32, #tpu.memory_space<vmem>>, %arg6: memref<1x384xf32, #tpu.memory_space<vmem>>, %arg7: memref<384x2xbf16, #tpu.memory_space<vmem>>, %arg8: memref<128x2xbf16, #tpu.memory_space<vmem>>, %arg9: memref<2x1xf32, #tpu.memory_space<vmem>>, %arg10: memref<5104x128xf32, #tpu.memory_space<vmem>>, %arg11: memref<1024x128xf32, #tpu.memory_space<vmem>>, %arg12: memref<2x1024xf32, #tpu.memory_space<vmem>>, %arg13: memref<5104x128xf32, #tpu.memory_space<vmem>>) attributes {dimension_semantics = [#tpu.dimension_semantics<arbitrary>], iteration_bounds = array<i64: 49>, scalar_prefetch = 0 : i64, scratch_operands = 0 : i64, tpu.core_type = #tpu.core_type<tc>, window_params = [{transform_indices = @transform_0, window_bounds = array<i64: 1024, 384>}, {transform_indices = @transform_1, window_bounds = array<i64: 1024, 128>}, {pipeline_mode = #tpu.pipeline_mode<synchronous>, transform_indices = @transform_2, window_bounds = array<i64: 384, 384>}, {pipeline_mode = #tpu.pipeline_mode<synchronous>, transform_indices = @transform_3, window_bounds = array<i64: 128, 384>}, {pipeline_mode = #tpu.pipeline_mode<synchronous>, transform_indices = @transform_4, window_bounds = array<i64: 1, 384>}, {pipeline_mode = #tpu.pipeline_mode<synchronous>, transform_indices = @transform_5, window_bounds = array<i64: 1, 384>}, {pipeline_mode = #tpu.pipeline_mode<synchronous>, transform_indices = @transform_6, window_bounds = array<i64: 384, 2>}, {pipeline_mode = #tpu.pipeline_mode<synchronous>, transform_indices = @transform_7, window_bounds = array<i64: 128, 2>}, {pipeline_mode = #tpu.pipeline_mode<synchronous>, transform_indices = @transform_8, window_bounds = array<i64: 2, 1>}, {transform_indices = @transform_9, window_bounds = array<i64: 5104, 128>}, {transform_indices = @transform_10, window_bounds = array<i64: 1024, 128>}, {transform_indices = @transform_11, window_bounds = array<i64: 2, 1024>}, {transform_indices = @transform_12, window_bounds = array<i64: 5104, 128>}]} {
    %get3A = arith.constant 0 : index
    %get3A_0 = arith.constant 0 : index
    %get3A_1 = vector.load %arg10[%get3A, %get3A_0] : memref<5104x128xf32, #tpu.memory_space<vmem>>, vector<5104x128xf32>
    %swap3A = arith.constant 0 : index
    %swap3A_2 = arith.constant 0 : index
    %swap3A_3 = vector.load %arg13[%swap3A, %swap3A_2] : memref<5104x128xf32, #tpu.memory_space<vmem>>, vector<5104x128xf32>
    tpu.vector_store %arg13[%swap3A, %swap3A_2], %get3A_1 {strides = array<i32>} : memref<5104x128xf32, #tpu.memory_space<vmem>>, vector<5104x128xf32>,
    %get3A_4 = arith.constant 0 : index
    %get3A_5 = arith.constant 0 : index
    %get3A_6 = vector.load %arg1[%get3A_4, %get3A_5] : memref<1024x384xf32, #tpu.memory_space<vmem>>, vector<1024x384xf32>
    %get3A_7 = arith.constant 0 : index
    %get3A_8 = arith.constant 0 : index
    %get3A_9 = vector.load %arg2[%get3A_7, %get3A_8] : memref<1024x128xf32, #tpu.memory_space<vmem>>, vector<1024x128xf32>
    %convert_element_type3A = arith.truncf %get3A_6 : vector<1024x384xf32> to vector<1024x384xbf16>
    %convert_element_type3A_10 = arith.truncf %get3A_9 : vector<1024x128xf32> to vector<1024x128xbf16>
    %get3A_11 = arith.constant 0 : index
    %get3A_12 = arith.constant 0 : index
    %get3A_13 = vector.load %arg3[%get3A_11, %get3A_12] : memref<384x384xbf16, #tpu.memory_space<vmem>>, vector<384x384xbf16>
    %dot_general3A = arith.constant dense<0.000000e+00> : vector<1024x384xf32>
    %dot_general3A_14 = tpu.matmul %convert_element_type3A, %get3A_13, %dot_general3A {dimension_numbers = #tpu.dot_dimension_numbers<[1], [0], [0], [1], [0, 0, 1, 1], [], []>, transpose_lhs_hint = false} : vector<1024x384xbf16>, vector<384x384xbf16>, vector<1024x384xf32> -> vector<1024x384xf32>
    %get3A_15 = arith.constant 0 : index
    %get3A_16 = arith.constant 0 : index
    %get3A_17 = vector.load %arg5[%get3A_15, %get3A_16] : memref<1x384xf32, #tpu.memory_space<vmem>>, vector<1x384xf32>
    %add3A = vector.broadcast %get3A_17 : vector<1x384xf32> to vector<1024x384xf32>
    %add3A_18 = arith.addf %dot_general3A_14, %add3A : vector<1024x384xf32>
    %get3A_19 = arith.constant 0 : index
    %get3A_20 = arith.constant 0 : index
    %get3A_21 = vector.load %arg4[%get3A_19, %get3A_20] : memref<128x384xbf16, #tpu.memory_space<vmem>>, vector<128x384xbf16>
    %dot_general3A_22 = arith.constant dense<0.000000e+00> : vector<1024x384xf32>
    %dot_general3A_23 = tpu.matmul %convert_element_type3A_10, %get3A_21, %dot_general3A_22 {dimension_numbers = #tpu.dot_dimension_numbers<[1], [0], [0], [1], [0, 0, 1, 1], [], []>, transpose_lhs_hint = false} : vector<1024x128xbf16>, vector<128x384xbf16>, vector<1024x384xf32> -> vector<1024x384xf32>
    %get3A_24 = arith.constant 0 : index
    %get3A_25 = arith.constant 0 : index
    %get3A_26 = vector.load %arg6[%get3A_24, %get3A_25] : memref<1x384xf32, #tpu.memory_space<vmem>>, vector<1x384xf32>
    %add3A_27 = vector.broadcast %get3A_26 : vector<1x384xf32> to vector<1024x384xf32>
    %add3A_28 = arith.addf %dot_general3A_23, %add3A_27 : vector<1024x384xf32>
    %slice3A = vector.extract_strided_slice %add3A_18 {offsets = [0, 0], sizes = [1024, 128], strides = [1, 1]} : vector<1024x384xf32> to vector<1024x128xf32>
    %slice3A_29 = vector.extract_strided_slice %add3A_28 {offsets = [0, 0], sizes = [1024, 128], strides = [1, 1]} : vector<1024x384xf32> to vector<1024x128xf32>
    %add3A_30 = arith.addf %slice3A, %slice3A_29 : vector<1024x128xf32>
    %logistic3A = arith.negf %add3A_30 : vector<1024x128xf32>
    %logistic3A_31 = math.exp %logistic3A : vector<1024x128xf32>
    %logistic3A_32 = arith.constant 1.000000e+00 : f32
    %logistic3A_33 = vector.broadcast %logistic3A_32 : f32 to vector<1024x128xf32>
    %logistic3A_34 = arith.addf %logistic3A_33, %logistic3A_31 : vector<1024x128xf32>
    %logistic3A_35 = arith.divf %logistic3A_33, %logistic3A_34 : vector<1024x128xf32>
    %slice3A_36 = vector.extract_strided_slice %add3A_18 {offsets = [0, 128], sizes = [1024, 128], strides = [1, 1]} : vector<1024x384xf32> to vector<1024x128xf32>
    %slice3A_37 = vector.extract_strided_slice %add3A_28 {offsets = [0, 128], sizes = [1024, 128], strides = [1, 1]} : vector<1024x384xf32> to vector<1024x128xf32>
    %add3A_38 = arith.addf %slice3A_36, %slice3A_37 : vector<1024x128xf32>
    %logistic3A_39 = arith.negf %add3A_38 : vector<1024x128xf32>
    %logistic3A_40 = math.exp %logistic3A_39 : vector<1024x128xf32>
    %logistic3A_41 = arith.constant 1.000000e+00 : f32
    %logistic3A_42 = vector.broadcast %logistic3A_41 : f32 to vector<1024x128xf32>
    %logistic3A_43 = arith.addf %logistic3A_42, %logistic3A_40 : vector<1024x128xf32>
    %logistic3A_44 = arith.divf %logistic3A_42, %logistic3A_43 : vector<1024x128xf32>
    %slice3A_45 = vector.extract_strided_slice %add3A_18 {offsets = [0, 256], sizes = [1024, 128], strides = [1, 1]} : vector<1024x384xf32> to vector<1024x128xf32>
    %slice3A_46 = vector.extract_strided_slice %add3A_28 {offsets = [0, 256], sizes = [1024, 128], strides = [1, 1]} : vector<1024x384xf32> to vector<1024x128xf32>
    %mul3A = arith.mulf %logistic3A_35, %slice3A_46 : vector<1024x128xf32>
    %add3A_47 = arith.addf %slice3A_45, %mul3A : vector<1024x128xf32>
    %tanh3A = math.tanh %add3A_47 : vector<1024x128xf32>
    %sub3A = arith.constant 1.000000e+00 : f32
    %sub3A_48 = vector.broadcast %sub3A : f32 to vector<1024x128xf32>
    %sub3A_49 = arith.subf %sub3A_48, %logistic3A_44 : vector<1024x128xf32>
    %mul3A_50 = arith.mulf %sub3A_49, %tanh3A : vector<1024x128xf32>
    %mul3A_51 = arith.mulf %logistic3A_44, %get3A_9 : vector<1024x128xf32>
    %add3A_52 = arith.addf %mul3A_50, %mul3A_51 : vector<1024x128xf32>
    %swap3A_53 = arith.constant 0 : index
    %swap3A_54 = arith.constant 0 : index
    %swap3A_55 = vector.load %arg11[%swap3A_53, %swap3A_54] : memref<1024x128xf32, #tpu.memory_space<vmem>>, vector<1024x128xf32>
    tpu.vector_store %arg11[%swap3A_53, %swap3A_54], %add3A_52 {strides = array<i32>} : memref<1024x128xf32, #tpu.memory_space<vmem>>, vector<1024x128xf32>,
    %get3A_56 = arith.constant 0 : index
    %get3A_57 = arith.constant 0 : index
    %get3A_58 = vector.load %arg7[%get3A_56, %get3A_57] : memref<384x2xbf16, #tpu.memory_space<vmem>>, vector<384x2xbf16>
    %dot_general3A_59 = arith.constant dense<0.000000e+00> : vector<2x1024xf32>
    %dot_general3A_60 = tpu.matmul %get3A_58, %convert_element_type3A, %dot_general3A_59 {dimension_numbers = #tpu.dot_dimension_numbers<[0], [1], [1], [0], [0, 1, 1, 0], [], []>, transpose_lhs_hint = false} : vector<384x2xbf16>, vector<1024x384xbf16>, vector<2x1024xf32> -> vector<2x1024xf32>
    %get3A_61 = arith.constant 0 : index
    %get3A_62 = arith.constant 0 : index
    %get3A_63 = vector.load %arg8[%get3A_61, %get3A_62] : memref<128x2xbf16, #tpu.memory_space<vmem>>, vector<128x2xbf16>
    %convert_element_type3A_64 = arith.truncf %add3A_52 : vector<1024x128xf32> to vector<1024x128xbf16>
    %dot_general3A_65 = arith.constant dense<0.000000e+00> : vector<2x1024xf32>
    %dot_general3A_66 = tpu.matmul %get3A_63, %convert_element_type3A_64, %dot_general3A_65 {dimension_numbers = #tpu.dot_dimension_numbers<[0], [1], [1], [0], [0, 1, 1, 0], [], []>, transpose_lhs_hint = false} : vector<128x2xbf16>, vector<1024x128xbf16>, vector<2x1024xf32> -> vector<2x1024xf32>
    %add3A_67 = arith.addf %dot_general3A_60, %dot_general3A_66 : vector<2x1024xf32>
    %get3A_68 = arith.constant 0 : index
    %get3A_69 = arith.constant 0 : index
    %get3A_70 = vector.load %arg9[%get3A_68, %get3A_69] : memref<2x1xf32, #tpu.memory_space<vmem>>, vector<2x1xf32>
    %add3A_71 = vector.broadcast %get3A_70 : vector<2x1xf32> to vector<2x1024xf32>
    %add3A_72 = arith.addf %add3A_67, %add3A_71 : vector<2x1024xf32>
    %swap3A_73 = arith.constant 0 : index
    %swap3A_74 = arith.constant 0 : index
    %swap3A_75 = vector.load %arg12[%swap3A_73, %swap3A_74] : memref<2x1024xf32, #tpu.memory_space<vmem>>, vector<2x1024xf32>
    tpu.vector_store %arg12[%swap3A_73, %swap3A_74], %add3A_72 {strides = array<i32>} : memref<2x1024xf32, #tpu.memory_space<vmem>>, vector<2x1024xf32>,
    return
  }
  func.func @transform_0(%arg0: i32) -> (i32, i32) {
    %c0_i32 = arith.constant 0 : i32
    %c0_i32_0 = arith.constant 0 : i32
    return %arg0, %c0_i32 : i32, i32
  }
  func.func @transform_1(%arg0: i32) -> (i32, i32) {
    %c0_i32 = arith.constant 0 : i32
    %c0_i32_0 = arith.constant 0 : i32
    return %arg0, %c0_i32 : i32, i32
  }
  func.func @transform_2(%arg0: i32) -> (i32, i32) {
    %c0_i32 = arith.constant 0 : i32
    %c0_i32_0 = arith.constant 0 : i32
    %c0_i32_1 = arith.constant 0 : i32
    return %c0_i32, %c0_i32_0 : i32, i32
  }
  func.func @transform_3(%arg0: i32) -> (i32, i32) {
    %c0_i32 = arith.constant 0 : i32
    %c0_i32_0 = arith.constant 0 : i32
    %c0_i32_1 = arith.constant 0 : i32
    return %c0_i32, %c0_i32_0 : i32, i32
  }
  func.func @transform_4(%arg0: i32) -> (i32, i32) {
    %c0_i32 = arith.constant 0 : i32
    %c0_i32_0 = arith.constant 0 : i32
    %c0_i32_1 = arith.constant 0 : i32
    return %c0_i32, %c0_i32_0 : i32, i32
  }
  func.func @transform_5(%arg0: i32) -> (i32, i32) {
    %c0_i32 = arith.constant 0 : i32
    %c0_i32_0 = arith.constant 0 : i32
    %c0_i32_1 = arith.constant 0 : i32
    return %c0_i32, %c0_i32_0 : i32, i32
  }
  func.func @transform_6(%arg0: i32) -> (i32, i32) {
    %c0_i32 = arith.constant 0 : i32
    %c0_i32_0 = arith.constant 0 : i32
    %c0_i32_1 = arith.constant 0 : i32
    return %c0_i32, %c0_i32_0 : i32, i32
  }
  func.func @transform_7(%arg0: i32) -> (i32, i32) {
    %c0_i32 = arith.constant 0 : i32
    %c0_i32_0 = arith.constant 0 : i32
    %c0_i32_1 = arith.constant 0 : i32
    return %c0_i32, %c0_i32_0 : i32, i32
  }
  func.func @transform_8(%arg0: i32) -> (i32, i32) {
    %c0_i32 = arith.constant 0 : i32
    %c0_i32_0 = arith.constant 0 : i32
    %c0_i32_1 = arith.constant 0 : i32
    return %c0_i32, %c0_i32_0 : i32, i32
  }
  func.func @transform_9(%arg0: i32) -> (i32, i32) {
    %c0_i32 = arith.constant 0 : i32
    %c0_i32_0 = arith.constant 0 : i32
    return %arg0, %c0_i32 : i32, i32
  }
  func.func @transform_10(%arg0: i32) -> (i32, i32) {
    %c0_i32 = arith.constant 0 : i32
    %c0_i32_0 = arith.constant 0 : i32
    return %arg0, %c0_i32 : i32, i32
  }
  func.func @transform_11(%arg0: i32) -> (i32, i32) {
    %c0_i32 = arith.constant 0 : i32
    %c0_i32_0 = arith.constant 0 : i32
    return %c0_i32, %arg0 : i32, i32
  }
  func.func @transform_12(%arg0: i32) -> (i32, i32) {
    %c0_i32 = arith.constant 0 : i32
    %c0_i32_0 = arith.constant 0 : i32
    return %arg0, %c0_i32 : i32, i32
  }
}

</mosaic_0001>

<sc_bundles>
// kernel: sc_gather_rows.3.cloned.1.call-start
scs
__scs_entry_jumppad:
0x0: {  	(pc) =	sbr.rel $0x88, $3  }
0x1: {  	(tag) =	ssettag $0x0;
	lr =	simm.s32 $0x1  }
0x2: {  	[smem:$0x3F98] =	sst lr;
	_ =	strace $0xD0000000  }
0x3: {  	_ = 	snop  }
0x4: {  	_ = 	snop  }
0x5: {  	_ = 	snop  }
0x6: {  	_ = 	snop  }
0x7: {  	_ = 	snop  }
__scs_overlays_trampoline_lowered:
0x8: {  	[smem:$0x3FA7] =	sst s0  }
0x9: {  	[smem:$0x3FA8] =	sst s1  }
0xa: {  	[smem:$0x3FA9] =	sst s2  }
0xb: {  	[smem:$0x3FAA] =	sst s3  }
0xc: {  	[smem:$0x3FAB] =	sst s4  }
0xd: {  	[smem:$0x3FAC] =	sst s5  }
0xe: {  	[smem:$0x3FAD] =	sst s6  }
0xf: {  	[smem:$0x3FAE] =	sst s7  }
0x10: {  	[smem:$0x3FAF] =	sst s8  }
0x11: {  	[smem:$0x3FB0] =	sst s9;
	s0 =	simm.s32 @!p0 $0x0  }
0x12: {  	s1 =	sld [smem:$0x3F96];
	s0 =	simm.s32 @p0 $0x1  }
0x13: {  	[smem:$0x3FB1] =	sst s0;
	s0 =	simm.s32 @!p1 $0x0  }
0x14: {  	s2 =	sld [smem:$0x3F95];
	s0 =	simm.s32 @p1 $0x1  }
0x15: {  	[smem:$0x3FB2] =	sst s0;
	s0 =	simm.s32 @!p2 $0x0  }
0x16: {  	s3 =	sld [smem:$0x3FDB];
	s0 =	simm.s32 @p2 $0x1  }
0x17: {  	s4 =	simm.s32 $0x1BF5;
	[smem:$0x3FB4] =	sst s0  }
0x18: {  	s0 =	sld [smem:$0x3F97];
	_ =	swait.ge [sflag:s4], $0x0  }
0x19: {  	s7 =	sld [smem:$0x3F98]  }
0x1a: {  	s8 =	sadd.s32 $0xFFFFE003, lr  }
0x1b: {  	s9 =	sadd.s32 $0xFFFFFEF7, lr;
	s5 =	simm.s32 $0xFFFFFFFF;
	p2 =	slt.u32 s8, $0xFFFFF086  }
0x1c: {  	p1 =	slt.u32 s9, $0xF7A;
	s5 =	simm.s32 @!p2 $0x0  }
0x1d: {  	s5 =	simm.s32 @p1 $0x1;
	p0 =	seq.s32 s7, s2  }
0x1e: {  	s7 =	smul.u32 @!p0 $0xF7A, s2;
	p2 =	seq.s32 @!p0 s5, $0x0  }
0x1f: {  	s9 =	smul.u32 $0xF7A, s1;
	s8 =	simm.s32 @!p0 $0x1BF5;
	p2 =	por !p2, p0  }
0x20: {  	[sflag:s8] =	ssyncset.s32 @!p0 $0xFFFFF086;
	s6 =	sadd.s32 @!p0 s3, s7;
	s7 =	simm.s32 @!p0 $0x108  }
0x21: {  	s3 =	sadd.s32 s3, s9;
	s6 =	sadd.s32 @!p0 $0x88, s6;
	s7 =	simm.s32 @p2 $0x1082  }
0x22: {  	[simem:s7], [sflag:s8] =	dma.local @!p0 [hbm:s6], $0xF7A  }
0x23: {  	s9 =	sor.u32 $0xD0000000, s2;
	s6 =	simm.s32 $0x108;
	_ =	swait.ge @!p0 [sflag:s8], $0x0  }
0x24: {  	s3 =	sadd.s32 $0x88, s3;
	s6 =	simm.s32 @!p1 $0x1082;
	[sflag:s4] =	ssyncset.s32 $0xFFFFF086  }
0x25: {  	[simem:s6], [sflag:s4] =	dma.local [hbm:s3], $0xF7A  }
0x26: {  	[smem:$0x3F98] =	sst s1;
	(tag) =	ssettag s2;
	_ =	strace s9  }
0x27: {  	s1 =	sld [smem:$0x3FA8]  }
0x28: {  	s2 =	sld [smem:$0x3FA9]  }
0x29: {  	s4 =	sld [smem:$0x3FAB]  }
0x2a: {  	p0 =	seq.s32 s5, $0x0;
	s5 =	sld [smem:$0x3FAC]  }
0x2b: {  	s6 =	sld [smem:$0x3FAD]  }
0x2c: {  	s7 =	sld [smem:$0x3FAE]  }
0x2d: {  	s3 =	simm.s32 $0x108;
	s8 =	sld [smem:$0x3FAF]  }
0x2e: {  	s3 =	simm.s32 @!p0 $0x1082;
	s9 =	sld [smem:$0x3FB0]  }
0x2f: {  	lr =	sadd.s32 s0, s3;
	s0 =	sld [smem:$0x3FA7]  }
0x30: {  	s3 =	sld [smem:$0x3FAA]  }
0x31: {  	[smem:$0x3FB3] =	sst s10  }
0x32: {  	s10 =	sld [smem:$0x3FB1];
	_ =	sdelay $0x3  }
0x33: {  	p0 =	seq.s32 s10, $0x1;
	s10 =	sld [smem:$0x3FB3];
	_ =	sdelay $0x3  }
0x34: {  	[smem:$0x3FB3] =	sst s10  }
0x35: {  	s10 =	sld [smem:$0x3FB2];
	_ =	sdelay $0x3  }
0x36: {  	p1 =	seq.s32 s10, $0x1;
	s10 =	sld [smem:$0x3FB3];
	_ =	sdelay $0x3  }
0x37: {  	[smem:$0x3FB3] =	sst s10  }
0x38: {  	s10 =	sld [smem:$0x3FB4]  }
0x39: {  	_ = 	snop;
	(pc) =	sbr.ind lr, $3  }
0x3a: {  	_ = 	snop  }
0x3b: {  	_ = 	snop  }
0x3c: {  	p2 =	seq.s32 s10, $0x1;
	s10 =	sld [smem:$0x3FB3]  }
0x3d: {  	_ =	shalt  }
0x3e: {  	_ =	shalt  }
0x3f: {  	_ =	shalt  }
0x40: {  	_ =	shalt  }
0x41: {  	_ =	shalt  }
0x42: {  	_ =	shalt  }
0x43: {  	_ =	shalt  }
0x44: {  	_ =	shalt  }
0x45: {  	_ =	shalt  }
0x46: {  	_ =	shalt  }
0x47: {  	_ =	shalt  }
0x48: {  	_ =	shalt  }
0x49: {  	_ =	shalt  }
0x4a: {  	_ =	shalt  }
0x4b: {  	_ =	shalt  }
0x4c: {  	_ =	shalt  }
0x4d: {  	_ =	shalt  }
0x4e: {  	_ =	shalt  }
0x4f: {  	_ =	shalt  }
0x50: {  	_ =	shalt  }
0x51: {  	_ =	shalt  }
0x52: {  	_ =	shalt  }
0x53: {  	_ =	shalt  }
0x54: {  	_ =	shalt  }
0x55: {  	_ =	shalt  }
0x56: {  	_ =	shalt  }
0x57: {  	_ =	shalt  }
0x58: {  	_ =	shalt  }
0x59: {  	_ =	shalt  }
0x5a: {  	_ =	shalt  }
0x5b: {  	_ =	shalt  }
0x5c: {  	_ =	shalt  }
0x5d: {  	_ =	shalt  }
0x5e: {  	_ =	shalt  }
0x5f: {  	_ =	shalt  }
0x60: {  	_ =	shalt  }
0x61: {  	_ =	shalt  }
0x62: {  	_ =	shalt  }
0x63: {  	_ =	shalt  }
0x64: {  	_ =	shalt  }
0x65: {  	_ =	shalt  }
0x66: {  	_ =	shalt  }
0x67: {  	_ =	shalt  }
0x68: {  	_ =	shalt  }
0x69: {  	_ =	shalt  }
0x6a: {  	_ =	shalt  }
0x6b: {  	_ =	shalt  }
0x6c: {  	_ =	shalt  }
0x6d: {  	_ =	shalt  }
0x6e: {  	_ =	shalt  }
0x6f: {  	_ =	shalt  }
0x70: {  	_ =	shalt  }
0x71: {  	_ =	shalt  }
0x72: {  	_ =	shalt  }
0x73: {  	_ =	shalt  }
0x74: {  	_ =	shalt  }
0x75: {  	_ =	shalt  }
0x76: {  	_ =	shalt  }
0x77: {  	_ =	shalt  }
0x78: {  	_ =	shalt  }
0x79: {  	_ =	shalt  }
0x7a: {  	_ =	shalt  }
0x7b: {  	_ =	shalt  }
0x7c: {  	_ =	shalt  }
0x7d: {  	_ =	shalt  }
0x7e: {  	_ =	shalt  }
0x7f: {  	_ =	shalt  }
0x80: {  	_ =	shalt  }
0x81: {  	_ =	shalt  }
0x82: {  	_ =	shalt  }
0x83: {  	_ =	shalt  }
0x84: {  	_ =	shalt  }
0x85: {  	_ =	shalt  }
0x86: {  	_ =	shalt  }
0x87: {  	_ =	shalt  }
.Lfunc_end0:
.L_simem_size_0:
called_computation_lowered:
.L_overlay_start_0:
0x88: {  	s2 =	sld [smem:$0x3FD9]  }
0x89: {  	s3 =	sld [smem:$0x3FFE];
	_ =	sdelay $0x1  }
0x8a: {  	s1 =	srdreg.scid  }
0x8b: {  	s0 =	sand.u32 $0x1, s1  }
0x8c: {  	s14 =	sshll.u32 s0, $0xA;
	s2 =	sadd.s32 s3, s2  }
0x8d: {  	s2 =	sadd.s32 s2, s14  }
0x8e: {  	[smem:$0x3FBF] =	sst s2  }
0x8f: {  	_ = 	snop  }
0x90: {  	s2 =	sld [smem:$0x3FD0];
	_ =	sdelay $0x2  }
0x91: {  	s4 =	simm.s32 $0xB;
	s5 =	simm.s32 $0x10;
	s15 =	sld [smem:$0x3FC7]  }
0x92: {  	[smem:s5], [sflag:s4] =	dma.local [hbm:s2], $0x1  }
0x93: {  	_ =	swait.eq [sflag:s4], $0x1  }
0x94: {  	[sflag:s4] =	ssyncset.done $0x0  }
0x95: {  	[sflag:s4] =	ssyncadd.s32 $0xFFFFFFFF  }
0x96: {  	s16 =	sld [smem:$0x10];
	(tm) =	ssettm $0x1  }
0x97: {  	s17 =	sld [smem:$0x3FFB];
	_ =	sdelay $0x3  }
0x98: {  	_ =	strace s17  }
0x99: {  	s4 =	sld [smem:$0x3FFC];
	_ =	sdelay $0x3  }
0x9a: {  	_ =	strace s4  }
0x9b: {  	s4 =	sld [smem:$0x3FFD];
	_ =	sdelay $0x3  }
0x9c: {  	_ =	strace s4  }
0x9d: {  	_ =	strace $0x8FFFFFFF  }
0x9e: {  	s18 =	sld [smem:$0x3FDB];
	_ =	sdelay $0x1  }
0x9f: {  	s19 =	simm.s32 $_scs_section_size  }
0xa0: {  	s6 =	simm.s32 $_size__tile_overlayer_lowered;
	s7 =	simm.s32 $_tile_overlayer_lowered  }
0xa1: {  	s22 =	simm.s32 $0x1BFF;
	s21 =	sshll.u32 s7, $0x1;
	s4 =	sadd.s32 s19, s18  }
0xa2: {  	s8 =	simm.s32 $0x0;
	s20 =	sshll.u32 s6, $0x1;
	s6 =	sadd.s32 s21, s4  }
0xa3: {  	[timem:s8], [sflag:s22] =	dma.local [hbm:s6], s20  }
0xa4: {  	_ =	swait.ge [sflag:s22], s20  }
0xa5: {  	s5 =	ssub.s32 $0x0, s20;
	[sflag:s22] =	ssyncset.done $0x0  }
0xa6: {  	[sflag:s22] =	ssyncadd.s32 s5;
	_ =	sdelay $0x1  }
0xa7: {  	s23 =	simm.s32 $0x1B8B  }
0xa8: {  	_ =	swait.ge [sflag:s23], $0x1  }
0xa9: {  	[sflag:s23] =	ssyncset.done $0x0  }
0xaa: {  	s25 =	simm.s32 $0x1B8E;
	s24 =	sld [smem:$0x3FFE];
	[sflag:s23] =	ssyncadd.s32 $0xFFFFFFFF  }
0xab: {  	s26 =	simm.s32 $execute0_lowered;
	[smem:$0x3FD2] =	sst s25  }
0xac: {  	s6 =	sshll.u32 s26, $0x1;
	_ =	strace $0x80000046;
	[dreg:$0x1] =	wrdreg $0xFFFFFFFF  }
0xad: {  	s28 =	simm.s32 $_size_execute0_lowered;
	s4 =	sadd.s32 s4, s6;
	[dreg:$0x0] =	wrdreg $0x0  }
0xae: {  	s6 =	sshll.u32 s28, $0x1;
	[dreg:$0x2] =	wrdreg s4  }
0xaf: {  	[dreg:$0x3] =	wrdreg s6  }
0xb0: {  	[dreg:$0x4] =	wrdreg $0xC0  }
0xb1: {  	_ =	task [dreg:s8], $0x5FFFF  }
0xb2: {  	[dreg:$0x1] =	wrdreg $0xFFFFFFFF  }
0xb3: {  	[dreg:$0x0] =	wrdreg $0x60  }
0xb4: {  	[dreg:$0x2] =	wrdreg s15  }
0xb5: {  	[dreg:$0x3] =	wrdreg s16  }
0xb6: {  	[dreg:$0x4] =	wrdreg s24  }
0xb7: {  	[dreg:$0x5] =	wrdreg $0x9  }
0xb8: {  	_ =	task.clear_ibuf [dreg:s8], $0x6FFFF;
	_ =	strace $0x90000046  }
0xb9: {  	s29 =	simm.s32 $0x9;
	_ =	strace $0x80000048  }
0xba: {  	_ =	swait.ge [sflag:s29], $0x1  }
0xbb: {  	[sflag:s29] =	ssyncadd.s32 $0xFFFFFFFF  }
0xbc: {  	_ =	strace $0x90000048  }
0xbd: {  	_ =	sfence  }
0xbe: {  	s30 =	sld [smem:$0x0];
	_ =	sdelay $0x2  }
0xbf: {  	s31 =	sshll.u32 s1, $0xD;
	s1 =	sshrl.u32 s1, $0x2  }
0xc0: {  	s3 =	sand.u32 $0x4000, s31;
	s1 =	sadd.s32 s1, s30  }
0xc1: {  	s0 =	sor.u32 s3, s0;
	s1 =	sshll.u32 s1, $0x11  }
0xc2: {  	s0 =	sor.u32 s1, s0  }
0xc3: {  	s0 =	sadd.s32 $0x8F2B, s0  }
0xc4: {  	[sflag:s0] =	ssyncadd.remote.s32 $0x1  }
0xc5: {  	_ =	sfence.sel $0xFFFF  }
0xc6: {  	[dreg:$0x0] =	wrdreg $0xFFFFFFFF;
	(pc) =	sbr.abs _section_cstart, $3  }
0xc7: {  	[dreg:$0x1] =	wrdreg $0xFFFFFFFF  }
0xc8: {  	_ =	task.clear_ibuf [dreg:s8], $0x2FFFF;
	_ =	strace $0x9FFFFFFF  }
0xc9: {  	(tm) =	ssettm $0x7FFFFFFF  }
tec
execute0_lowered:
.L_overlay_start_1:
0x0: {  	(tag) =	ssettag $0x1  }
0x1: {  	s1 =	rddreg [dreg:$0x0]  }
0x2: {  	s2 =	srdreg.scid;
	s0 =	stileid.u32  }
0x3: {  	s4 =	rddreg [dreg:$0x1];
	s24 =	sand.u32 $0x1, s2;
	s31 =	sshll.u32 s0, $0x1  }
0x4: {  	s12 =	rddreg [dreg:$0x2];
	s14 =	sor.u32 s24, s31  }
0x5: {  	s3 =	simm.s32 $0x0;
	s2 =	rddreg [dreg:$0x3];
	s5 =	smul.u32 $0xC4, s14  }
0x6: {  	[smem:$0x7FF] =	sst s3  }
0x7: {  	_ =	strace $0x80000047;
	s4 =	sadd.s32 s4, s5;
	s5 =	simm.s32 $0x3  }
0x8: {  	[tilespmem:s3], [sflag:$0x3] =	stream.linear.gather [hbm4b:s4+s3], $0x620, $0x38;
	[tilespmem:$0x15680] =	vst v63  }
0x9: {  	_ =	swait.ge [sflag:s5], $0x620  }
0xa: {  	[sflag:s5] =	ssyncset.done $0x0  }
0xb: {  	s6 =	simm.s32 $0xE0;
	s7 =	simm.s32 $0x680;
	[sflag:s5] =	ssyncadd.s32 $0xFFFFF9E0  }
0xc: {  	[tilespmem:s7], [sflag:$0x1] =	stream.indirect.gather [hbm4b:s1+s6], $0x80, s3, s6, $0xb8;
	[tilespmem:$0x15680] =	vst v63  }
0xd: {  	s8 =	simm.s32 $0x7680  }
0xe: {  	[tilespmem:s8], [sflag:$0x1] =	stream.indirect.gather [hbm4b:s1+s6], $0x80, s6, s6, $0xb8;
	[tilespmem:$0x15680] =	vst v63  }
0xf: {  	s9 =	simm.s32 $0x1C0;
	s10 =	simm.s32 $0xE680;
	s11 =	simm.s32 $0x1  }
0x10: {  	[tilespmem:s10], [sflag:$0x1] =	stream.indirect.gather [hbm4b:s1+s6], $0x80, s9, s6, $0xb8;
	[tilespmem:$0x15680] =	vst v63  }
0x11: {  	s13 =	smul.u32 $0x6200, s14;
	_ =	swait.ge [sflag:s11], $0x7000  }
0x12: {  	s15 =	sadd.s32 $0x2000, s12;
	[sflag:s11] =	ssyncset.done $0x0  }
0x13: {  	s12 =	simm.s32 $0x2;
	s13 =	sadd.s32 s15, s13;
	[sflag:s11] =	ssyncadd.s32 $0xFFFF9000  }
0x14: {  	[hbm4b:s13+s3] =	stream.linear.scatter [tilespmem:s7], [sflag:$0x2], $0x7000, $0x38;
	[tilespmem:$0x15680] =	vst v63  }
0x15: {  	_ =	swait.ge [sflag:s12], $0x7000  }
0x16: {  	[sflag:s12] =	ssyncset.done $0x0  }
0x17: {  	s16 =	smul.u32 $0x31000, s14;
	s14 =	simm.s32 $0x2A0;
	[sflag:s12] =	ssyncadd.s32 $0xFFFF9000  }
0x18: {  	[tilespmem:s7], [sflag:$0x1] =	stream.indirect.gather [hbm4b:s1+s6], $0x80, s14, s6, $0xb8;
	[tilespmem:$0x15680] =	vst v63  }
0x19: {  	s16 =	sshrl.u32 s16, $0x3;
	_ =	swait.ge [sflag:s11], $0x7000  }
0x1a: {  	s23 =	sadd.s32 s15, s16;
	[sflag:s11] =	ssyncset.done $0x0  }
0x1b: {  	s15 =	sadd.s32 $0xE00, s23;
	[sflag:s11] =	ssyncadd.s32 $0xFFFF9000  }
0x1c: {  	[hbm4b:s15+s3] =	stream.linear.scatter [tilespmem:s8], [sflag:$0x2], $0x7000, $0x38;
	[tilespmem:$0x15680] =	vst v63  }
0x1d: {  	_ =	swait.ge [sflag:s12], $0x7000  }
0x1e: {  	[sflag:s12] =	ssyncset.done $0x0  }
0x1f: {  	s16 =	simm.s32 $0x380;
	[sflag:s12] =	ssyncadd.s32 $0xFFFF9000  }
0x20: {  	[tilespmem:s8], [sflag:$0x1] =	stream.indirect.gather [hbm4b:s1+s6], $0x80, s16, s6, $0xb8;
	[tilespmem:$0x15680] =	vst v63  }
0x21: {  	_ =	swait.ge [sflag:s11], $0x7000  }
0x22: {  	[sflag:s11] =	ssyncset.done $0x0  }
0x23: {  	s17 =	sadd.s32 $0x1C00, s23;
	[sflag:s11] =	ssyncadd.s32 $0xFFFF9000  }
0x24: {  	[hbm4b:s17+s3] =	stream.linear.scatter [tilespmem:s10], [sflag:$0x2], $0x7000, $0x38;
	[tilespmem:$0x15680] =	vst v63  }
0x25: {  	_ =	swait.ge [sflag:s12], $0x7000  }
0x26: {  	[sflag:s12] =	ssyncset.done $0x0  }
0x27: {  	s18 =	simm.s32 $0x460;
	[sflag:s12] =	ssyncadd.s32 $0xFFFF9000  }
0x28: {  	[tilespmem:s10], [sflag:$0x1] =	stream.indirect.gather [hbm4b:s1+s6], $0x80, s18, s6, $0xb8;
	[tilespmem:$0x15680] =	vst v63  }
0x29: {  	_ =	swait.ge [sflag:s11], $0x7000  }
0x2a: {  	[sflag:s11] =	ssyncset.done $0x0  }
0x2b: {  	s19 =	sadd.s32 $0x2A00, s23;
	[sflag:s11] =	ssyncadd.s32 $0xFFFF9000  }
0x2c: {  	[hbm4b:s19+s3] =	stream.linear.scatter [tilespmem:s7], [sflag:$0x2], $0x7000, $0x38;
	[tilespmem:$0x15680] =	vst v63  }
0x2d: {  	_ =	swait.ge [sflag:s12], $0x7000  }
0x2e: {  	[sflag:s12] =	ssyncset.done $0x0  }
0x2f: {  	s20 =	simm.s32 $0x540;
	[sflag:s12] =	ssyncadd.s32 $0xFFFF9000  }
0x30: {  	[tilespmem:s7], [sflag:$0x1] =	stream.indirect.gather [hbm4b:s1+s6], $0x80, s20, s6, $0xb8;
	[tilespmem:$0x15680] =	vst v63  }
0x31: {  	_ =	swait.ge [sflag:s11], $0x7000  }
0x32: {  	[sflag:s11] =	ssyncset.done $0x0  }
0x33: {  	s21 =	sadd.s32 $0x3800, s23;
	[sflag:s11] =	ssyncadd.s32 $0xFFFF9000  }
0x34: {  	[hbm4b:s21+s3] =	stream.linear.scatter [tilespmem:s8], [sflag:$0x2], $0x7000, $0x38;
	[tilespmem:$0x15680] =	vst v63  }
0x35: {  	_ =	swait.ge [sflag:s11], $0x7000  }
0x36: {  	[sflag:s11] =	ssyncset.done $0x0  }
0x37: {  	s22 =	sadd.s32 $0x4600, s23;
	[sflag:s11] =	ssyncadd.s32 $0xFFFF9000  }
0x38: {  	[hbm4b:s22+s3] =	stream.linear.scatter [tilespmem:s10], [sflag:$0x2], $0x7000, $0x38;
	[tilespmem:$0x15680] =	vst v63  }
0x39: {  	_ =	swait.ge [sflag:s11], $0x7000  }
0x3a: {  	s24 =	ssub.s32 $0x2, s24;
	[sflag:s11] =	ssyncset.done $0x0  }
0x3b: {  	s25 =	sshrl.u32 s24, $0x1;
	s23 =	sadd.s32 $0x5400, s23;
	[sflag:s11] =	ssyncadd.s32 $0xFFFF9000  }
0x3c: {  	[hbm4b:s23+s3] =	stream.linear.scatter [tilespmem:s7], [sflag:$0x2], $0x7000, $0x38;
	[tilespmem:$0x15680] =	vst v63  }
0x3d: {  	s24 =	ssub.s32 s24, s25;
	_ =	swait.ge [sflag:s12], $0x7000  }
0x3e: {  	s24 =	smax.u32 s24, $0x1;
	[sflag:s12] =	ssyncset.done $0x0  }
0x3f: {  	p0 =	sne.s32 s24, $0x1;
	[sflag:s12] =	ssyncadd.s32 $0xFFFF9000  }
.Ltmp0:
0x40: {  	_ =	swait.ge [sflag:s12], $0x7000;
	(pc) =	sbr.rel @!p0 .LBB2_2-.Ltmp0, $4  }
0x41: {  	[sflag:s12] =	ssyncset.done $0x0  }
0x42: {  	[sflag:s12] =	ssyncadd.s32 $0xFFFF9000  }
0x43: {  	_ =	swait.ge [sflag:s12], $0x7000  }
0x44: {  	s24 =	sadd.s32 $0xFFFFFFFF, s24;
	[sflag:s12] =	ssyncset.done $0x0  }
.LBB2_1:
0x45: {  	p0 =	sne.s32 s24, $0x1;
	s24 =	sadd.s32 $0xFFFFFFFF, s24;
	[sflag:s12] =	ssyncadd.s32 $0xFFFF9000  }
0x46: {  	[tilespmem:s3], [sflag:$0x3] =	stream.linear.gather [hbm4b:s4+s3], $0x620, $0x38;
	[tilespmem:$0x15680] =	vst v63  }
0x47: {  	_ =	swait.ge [sflag:s5], $0x620  }
0x48: {  	[sflag:s5] =	ssyncset.done $0x0  }
0x49: {  	[sflag:s5] =	ssyncadd.s32 $0xFFFFF9E0  }
0x4a: {  	[tilespmem:s7], [sflag:$0x1] =	stream.indirect.gather [hbm4b:s1+s6], $0x80, s3, s6, $0xb8;
	[tilespmem:$0x15680] =	vst v63  }
0x4b: {  	_ = 	snop  }
0x4c: {  	[tilespmem:s8], [sflag:$0x1] =	stream.indirect.gather [hbm4b:s1+s6], $0x80, s6, s6, $0xb8;
	[tilespmem:$0x15680] =	vst v63  }
0x4d: {  	_ = 	snop  }
0x4e: {  	[tilespmem:s10], [sflag:$0x1] =	stream.indirect.gather [hbm4b:s1+s6], $0x80, s9, s6, $0xb8;
	[tilespmem:$0x15680] =	vst v63  }
0x4f: {  	_ =	swait.ge [sflag:s11], $0x7000  }
0x50: {  	[sflag:s11] =	ssyncset.done $0x0  }
0x51: {  	[sflag:s11] =	ssyncadd.s32 $0xFFFF9000  }
0x52: {  	[hbm4b:s13+s3] =	stream.linear.scatter [tilespmem:s7], [sflag:$0x2], $0x7000, $0x38;
	[tilespmem:$0x15680] =	vst v63  }
0x53: {  	_ =	swait.ge [sflag:s12], $0x7000  }
0x54: {  	[sflag:s12] =	ssyncset.done $0x0  }
0x55: {  	[sflag:s12] =	ssyncadd.s32 $0xFFFF9000  }
0x56: {  	[tilespmem:s7], [sflag:$0x1] =	stream.indirect.gather [hbm4b:s1+s6], $0x80, s14, s6, $0xb8;
	[tilespmem:$0x15680] =	vst v63  }
0x57: {  	_ =	swait.ge [sflag:s11], $0x7000  }
0x58: {  	[sflag:s11] =	ssyncset.done $0x0  }
0x59: {  	[sflag:s11] =	ssyncadd.s32 $0xFFFF9000  }
0x5a: {  	[hbm4b:s15+s3] =	stream.linear.scatter [tilespmem:s8], [sflag:$0x2], $0x7000, $0x38;
	[tilespmem:$0x15680] =	vst v63  }
0x5b: {  	_ =	swait.ge [sflag:s12], $0x7000  }
0x5c: {  	[sflag:s12] =	ssyncset.done $0x0  }
0x5d: {  	[sflag:s12] =	ssyncadd.s32 $0xFFFF9000  }
0x5e: {  	[tilespmem:s8], [sflag:$0x1] =	stream.indirect.gather [hbm4b:s1+s6], $0x80, s16, s6, $0xb8;
	[tilespmem:$0x15680] =	vst v63  }
0x5f: {  	_ =	swait.ge [sflag:s11], $0x7000  }
0x60: {  	[sflag:s11] =	ssyncset.done $0x0  }
0x61: {  	[sflag:s11] =	ssyncadd.s32 $0xFFFF9000  }
0x62: {  	[hbm4b:s17+s3] =	stream.linear.scatter [tilespmem:s10], [sflag:$0x2], $0x7000, $0x38;
	[tilespmem:$0x15680] =	vst v63  }
0x63: {  	_ =	swait.ge [sflag:s12], $0x7000  }
0x64: {  	[sflag:s12] =	ssyncset.done $0x0  }
0x65: {  	[sflag:s12] =	ssyncadd.s32 $0xFFFF9000  }
0x66: {  	[tilespmem:s10], [sflag:$0x1] =	stream.indirect.gather [hbm4b:s1+s6], $0x80, s18, s6, $0xb8;
	[tilespmem:$0x15680] =	vst v63  }
0x67: {  	_ =	swait.ge [sflag:s11], $0x7000  }
0x68: {  	[sflag:s11] =	ssyncset.done $0x0  }
0x69: {  	[sflag:s11] =	ssyncadd.s32 $0xFFFF9000  }
0x6a: {  	[hbm4b:s19+s3] =	stream.linear.scatter [tilespmem:s7], [sflag:$0x2], $0x7000, $0x38;
	[tilespmem:$0x15680] =	vst v63  }
0x6b: {  	_ =	swait.ge [sflag:s12], $0x7000  }
0x6c: {  	[sflag:s12] =	ssyncset.done $0x0  }
0x6d: {  	[sflag:s12] =	ssyncadd.s32 $0xFFFF9000  }
0x6e: {  	[tilespmem:s7], [sflag:$0x1] =	stream.indirect.gather [hbm4b:s1+s6], $0x80, s20, s6, $0xb8;
	[tilespmem:$0x15680] =	vst v63  }
0x6f: {  	_ =	swait.ge [sflag:s11], $0x7000  }
0x70: {  	[sflag:s11] =	ssyncset.done $0x0  }
0x71: {  	[sflag:s11] =	ssyncadd.s32 $0xFFFF9000  }
0x72: {  	[hbm4b:s21+s3] =	stream.linear.scatter [tilespmem:s8], [sflag:$0x2], $0x7000, $0x38;
	[tilespmem:$0x15680] =	vst v63  }
0x73: {  	_ =	swait.ge [sflag:s11], $0x7000  }
0x74: {  	[sflag:s11] =	ssyncset.done $0x0  }
0x75: {  	[sflag:s11] =	ssyncadd.s32 $0xFFFF9000  }
0x76: {  	[hbm4b:s22+s3] =	stream.linear.scatter [tilespmem:s10], [sflag:$0x2], $0x7000, $0x38;
	[tilespmem:$0x15680] =	vst v63  }
0x77: {  	_ =	swait.ge [sflag:s11], $0x7000  }
0x78: {  	[sflag:s11] =	ssyncset.done $0x0  }
0x79: {  	[sflag:s11] =	ssyncadd.s32 $0xFFFF9000  }
0x7a: {  	[hbm4b:s23+s3] =	stream.linear.scatter [tilespmem:s7], [sflag:$0x2], $0x7000, $0x38;
	[tilespmem:$0x15680] =	vst v63  }
0x7b: {  	_ =	swait.ge [sflag:s12], $0x7000  }
0x7c: {  	[sflag:s12] =	ssyncset.done $0x0  }
0x7d: {  	[sflag:s12] =	ssyncadd.s32 $0xFFFF9000  }
.Ltmp1:
0x7e: {  	_ =	swait.ge [sflag:s12], $0x7000;
	(pc) =	sbr.rel @p0 .LBB2_1-.Ltmp1, $4  }
0x7f: {  	[sflag:s12] =	ssyncset.done $0x0  }
0x80: {  	[sflag:s12] =	ssyncadd.s32 $0xFFFF9000  }
0x81: {  	_ =	swait.ge [sflag:s12], $0x7000  }
0x82: {  	[sflag:s12] =	ssyncset.done $0x0  }
.LBB2_2:
0x83: {  	[sflag:s12] =	ssyncadd.s32 $0xFFFF9000  }
0x84: {  	_ =	sfence.sel $0x180000  }
0x85: {  	[bflag:$0x0] =	sbarrier.arrive $0xFFFF  }
0x86: {  	p0 =	sne.s32 s0, $0x0;
	_ =	strace $0x90000047  }
0x87: {  	s0 =	sadd.s32 @!p0 $0x100000, s2;
	[bflag:$0x2] =	sbarrier.arrive $0xFFFF  }
0x88: {  	[sflag:s0] =	ssyncadd.tile.s32 @!p0 $0x1;
	_ =	shalt  }
.Lfunc_end2:
_tile_overlayer_lowered:
.L_overlay_start_2:
0x89: {  	(tag) =	ssettag $0x2  }
0x8a: {  	s0 =	rddreg [dreg:$0x0];
	s2 =	stileid.u32  }
0x8b: {  	s1 =	rddreg [dreg:$0x1];
	p0 =	sne.s32 s2, $0x0  }
0x8c: {  	s3 =	rddreg [dreg:$0x2];
	[bflag:$0x3] =	sbarrier.arrive $0xFFFF;
	s2 =	simm.s32 @!p0 $0x1C03  }
0x8d: {  	[timem:s3], [sflag:s2] =	dma.local @!p0 [hbm:s0], s1  }
0x8e: {  	s0 =	simm.s32 @!p0 $0x3  }
0x8f: {  	_ =	swait.ge @!p0 [sflag:s0], s1  }
0x90: {  	s1 =	ssub.s32 @!p0 $0x0, s1;
	[sflag:s0] =	ssyncset.done @!p0 $0x0  }
0x91: {  	[sflag:s0] =	ssyncadd.s32 @!p0 s1  }
0x92: {  	[bflag:$0x3] =	sbarrier.arrive $0xFFFF  }
0x93: {  	_ =	shalt  }

// kernel: sc_scatter_move.3.cloned.1.call-start
scs
__scs_entry_jumppad:
0x0: {  	(pc) =	sbr.rel $0x88, $3  }
0x1: {  	(tag) =	ssettag $0x0;
	lr =	simm.s32 $0x1  }
0x2: {  	[smem:$0x3F98] =	sst lr;
	_ =	strace $0xD0000000  }
0x3: {  	_ = 	snop  }
0x4: {  	_ = 	snop  }
0x5: {  	_ = 	snop  }
0x6: {  	_ = 	snop  }
0x7: {  	_ = 	snop  }
__scs_overlays_trampoline_lowered:
0x8: {  	[smem:$0x3FA7] =	sst s0  }
0x9: {  	[smem:$0x3FA8] =	sst s1  }
0xa: {  	[smem:$0x3FA9] =	sst s2  }
0xb: {  	[smem:$0x3FAA] =	sst s3  }
0xc: {  	[smem:$0x3FAB] =	sst s4  }
0xd: {  	[smem:$0x3FAC] =	sst s5  }
0xe: {  	[smem:$0x3FAD] =	sst s6  }
0xf: {  	[smem:$0x3FAE] =	sst s7  }
0x10: {  	[smem:$0x3FAF] =	sst s8  }
0x11: {  	[smem:$0x3FB0] =	sst s9;
	s0 =	simm.s32 @!p0 $0x0  }
0x12: {  	s1 =	sld [smem:$0x3F96];
	s0 =	simm.s32 @p0 $0x1  }
0x13: {  	[smem:$0x3FB1] =	sst s0;
	s0 =	simm.s32 @!p1 $0x0  }
0x14: {  	s2 =	sld [smem:$0x3F95];
	s0 =	simm.s32 @p1 $0x1  }
0x15: {  	[smem:$0x3FB2] =	sst s0;
	s0 =	simm.s32 @!p2 $0x0  }
0x16: {  	s3 =	sld [smem:$0x3FDB];
	s0 =	simm.s32 @p2 $0x1  }
0x17: {  	s4 =	simm.s32 $0x1BF5;
	[smem:$0x3FB4] =	sst s0  }
0x18: {  	s0 =	sld [smem:$0x3F97];
	_ =	swait.ge [sflag:s4], $0x0  }
0x19: {  	s7 =	sld [smem:$0x3F98]  }
0x1a: {  	s8 =	sadd.s32 $0xFFFFE003, lr  }
0x1b: {  	s9 =	sadd.s32 $0xFFFFFEF7, lr;
	s5 =	simm.s32 $0xFFFFFFFF;
	p2 =	slt.u32 s8, $0xFFFFF086  }
0x1c: {  	p1 =	slt.u32 s9, $0xF7A;
	s5 =	simm.s32 @!p2 $0x0  }
0x1d: {  	s5 =	simm.s32 @p1 $0x1;
	p0 =	seq.s32 s7, s2  }
0x1e: {  	s7 =	smul.u32 @!p0 $0xF7A, s2;
	p2 =	seq.s32 @!p0 s5, $0x0  }
0x1f: {  	s9 =	smul.u32 $0xF7A, s1;
	s8 =	simm.s32 @!p0 $0x1BF5;
	p2 =	por !p2, p0  }
0x20: {  	[sflag:s8] =	ssyncset.s32 @!p0 $0xFFFFF086;
	s6 =	sadd.s32 @!p0 s3, s7;
	s7 =	simm.s32 @!p0 $0x108  }
0x21: {  	s3 =	sadd.s32 s3, s9;
	s6 =	sadd.s32 @!p0 $0x88, s6;
	s7 =	simm.s32 @p2 $0x1082  }
0x22: {  	[simem:s7], [sflag:s8] =	dma.local @!p0 [hbm:s6], $0xF7A  }
0x23: {  	s9 =	sor.u32 $0xD0000000, s2;
	s6 =	simm.s32 $0x108;
	_ =	swait.ge @!p0 [sflag:s8], $0x0  }
0x24: {  	s3 =	sadd.s32 $0x88, s3;
	s6 =	simm.s32 @!p1 $0x1082;
	[sflag:s4] =	ssyncset.s32 $0xFFFFF086  }
0x25: {  	[simem:s6], [sflag:s4] =	dma.local [hbm:s3], $0xF7A  }
0x26: {  	[smem:$0x3F98] =	sst s1;
	(tag) =	ssettag s2;
	_ =	strace s9  }
0x27: {  	s1 =	sld [smem:$0x3FA8]  }
0x28: {  	s2 =	sld [smem:$0x3FA9]  }
0x29: {  	s4 =	sld [smem:$0x3FAB]  }
0x2a: {  	p0 =	seq.s32 s5, $0x0;
	s5 =	sld [smem:$0x3FAC]  }
0x2b: {  	s6 =	sld [smem:$0x3FAD]  }
0x2c: {  	s7 =	sld [smem:$0x3FAE]  }
0x2d: {  	s3 =	simm.s32 $0x108;
	s8 =	sld [smem:$0x3FAF]  }
0x2e: {  	s3 =	simm.s32 @!p0 $0x1082;
	s9 =	sld [smem:$0x3FB0]  }
0x2f: {  	lr =	sadd.s32 s0, s3;
	s0 =	sld [smem:$0x3FA7]  }
0x30: {  	s3 =	sld [smem:$0x3FAA]  }
0x31: {  	[smem:$0x3FB3] =	sst s10  }
0x32: {  	s10 =	sld [smem:$0x3FB1];
	_ =	sdelay $0x3  }
0x33: {  	p0 =	seq.s32 s10, $0x1;
	s10 =	sld [smem:$0x3FB3];
	_ =	sdelay $0x3  }
0x34: {  	[smem:$0x3FB3] =	sst s10  }
0x35: {  	s10 =	sld [smem:$0x3FB2];
	_ =	sdelay $0x3  }
0x36: {  	p1 =	seq.s32 s10, $0x1;
	s10 =	sld [smem:$0x3FB3];
	_ =	sdelay $0x3  }
0x37: {  	[smem:$0x3FB3] =	sst s10  }
0x38: {  	s10 =	sld [smem:$0x3FB4]  }
0x39: {  	_ = 	snop;
	(pc) =	sbr.ind lr, $3  }
0x3a: {  	_ = 	snop  }
0x3b: {  	_ = 	snop  }
0x3c: {  	p2 =	seq.s32 s10, $0x1;
	s10 =	sld [smem:$0x3FB3]  }
0x3d: {  	_ =	shalt  }
0x3e: {  	_ =	shalt  }
0x3f: {  	_ =	shalt  }
0x40: {  	_ =	shalt  }
0x41: {  	_ =	shalt  }
0x42: {  	_ =	shalt  }
0x43: {  	_ =	shalt  }
0x44: {  	_ =	shalt  }
0x45: {  	_ =	shalt  }
0x46: {  	_ =	shalt  }
0x47: {  	_ =	shalt  }
0x48: {  	_ =	shalt  }
0x49: {  	_ =	shalt  }
0x4a: {  	_ =	shalt  }
0x4b: {  	_ =	shalt  }
0x4c: {  	_ =	shalt  }
0x4d: {  	_ =	shalt  }
0x4e: {  	_ =	shalt  }
0x4f: {  	_ =	shalt  }
0x50: {  	_ =	shalt  }
0x51: {  	_ =	shalt  }
0x52: {  	_ =	shalt  }
0x53: {  	_ =	shalt  }
0x54: {  	_ =	shalt  }
0x55: {  	_ =	shalt  }
0x56: {  	_ =	shalt  }
0x57: {  	_ =	shalt  }
0x58: {  	_ =	shalt  }
0x59: {  	_ =	shalt  }
0x5a: {  	_ =	shalt  }
0x5b: {  	_ =	shalt  }
0x5c: {  	_ =	shalt  }
0x5d: {  	_ =	shalt  }
0x5e: {  	_ =	shalt  }
0x5f: {  	_ =	shalt  }
0x60: {  	_ =	shalt  }
0x61: {  	_ =	shalt  }
0x62: {  	_ =	shalt  }
0x63: {  	_ =	shalt  }
0x64: {  	_ =	shalt  }
0x65: {  	_ =	shalt  }
0x66: {  	_ =	shalt  }
0x67: {  	_ =	shalt  }
0x68: {  	_ =	shalt  }
0x69: {  	_ =	shalt  }
0x6a: {  	_ =	shalt  }
0x6b: {  	_ =	shalt  }
0x6c: {  	_ =	shalt  }
0x6d: {  	_ =	shalt  }
0x6e: {  	_ =	shalt  }
0x6f: {  	_ =	shalt  }
0x70: {  	_ =	shalt  }
0x71: {  	_ =	shalt  }
0x72: {  	_ =	shalt  }
0x73: {  	_ =	shalt  }
0x74: {  	_ =	shalt  }
0x75: {  	_ =	shalt  }
0x76: {  	_ =	shalt  }
0x77: {  	_ =	shalt  }
0x78: {  	_ =	shalt  }
0x79: {  	_ =	shalt  }
0x7a: {  	_ =	shalt  }
0x7b: {  	_ =	shalt  }
0x7c: {  	_ =	shalt  }
0x7d: {  	_ =	shalt  }
0x7e: {  	_ =	shalt  }
0x7f: {  	_ =	shalt  }
0x80: {  	_ =	shalt  }
0x81: {  	_ =	shalt  }
0x82: {  	_ =	shalt  }
0x83: {  	_ =	shalt  }
0x84: {  	_ =	shalt  }
0x85: {  	_ =	shalt  }
0x86: {  	_ =	shalt  }
0x87: {  	_ =	shalt  }
.Lfunc_end0:
.L_simem_size_0:
called_computation.2_lowered:
.L_overlay_start_0:
0x88: {  	s2 =	sld [smem:$0x3FD9]  }
0x89: {  	s3 =	sld [smem:$0x3FFE];
	_ =	sdelay $0x1  }
0x8a: {  	s1 =	srdreg.scid  }
0x8b: {  	s0 =	sand.u32 $0x1, s1  }
0x8c: {  	s14 =	sshll.u32 s0, $0xA;
	s2 =	sadd.s32 s3, s2  }
0x8d: {  	s2 =	sadd.s32 s2, s14  }
0x8e: {  	[smem:$0x3FBF] =	sst s2  }
0x8f: {  	_ = 	snop  }
0x90: {  	s2 =	sld [smem:$0x3FD0];
	_ =	sdelay $0x2  }
0x91: {  	s15 =	simm.s32 $0xB;
	s4 =	simm.s32 $0x10  }
0x92: {  	[smem:s4], [sflag:s15] =	dma.local [hbm:s2], $0x1  }
0x93: {  	_ =	swait.eq [sflag:s15], $0x1  }
0x94: {  	[sflag:s15] =	ssyncset.done $0x0  }
0x95: {  	[sflag:s15] =	ssyncadd.s32 $0xFFFFFFFF  }
0x96: {  	s16 =	sld [smem:$0x11];
	(tm) =	ssettm $0x1  }
0x97: {  	s17 =	sld [smem:$0x3FFB];
	_ =	sdelay $0x3  }
0x98: {  	_ =	strace s17  }
0x99: {  	s3 =	sld [smem:$0x3FFC];
	_ =	sdelay $0x3  }
0x9a: {  	_ =	strace s3  }
0x9b: {  	s3 =	sld [smem:$0x3FFD];
	_ =	sdelay $0x3  }
0x9c: {  	_ =	strace s3  }
0x9d: {  	_ =	strace $0x8FFFFFFF  }
0x9e: {  	s18 =	sld [smem:$0x3FDB];
	_ =	sdelay $0x1  }
0x9f: {  	s19 =	simm.s32 $_scs_section_size  }
0xa0: {  	s5 =	simm.s32 $_size__tile_overlayer_lowered;
	s6 =	simm.s32 $_tile_overlayer_lowered  }
0xa1: {  	s22 =	simm.s32 $0x1BFF;
	s21 =	sshll.u32 s6, $0x1;
	s3 =	sadd.s32 s19, s18  }
0xa2: {  	s7 =	simm.s32 $0x0;
	s20 =	sshll.u32 s5, $0x1;
	s5 =	sadd.s32 s21, s3  }
0xa3: {  	[timem:s7], [sflag:s22] =	dma.local [hbm:s5], s20  }
0xa4: {  	_ =	swait.ge [sflag:s22], s20  }
0xa5: {  	s4 =	ssub.s32 $0x0, s20;
	[sflag:s22] =	ssyncset.done $0x0  }
0xa6: {  	[sflag:s22] =	ssyncadd.s32 s4;
	_ =	sdelay $0x1  }
0xa7: {  	s23 =	simm.s32 $0x1B8B  }
0xa8: {  	_ =	swait.ge [sflag:s23], $0x1  }
0xa9: {  	[sflag:s23] =	ssyncset.done $0x0  }
0xaa: {  	s25 =	simm.s32 $0x1B8E;
	s24 =	sld [smem:$0x3FFE];
	[sflag:s23] =	ssyncadd.s32 $0xFFFFFFFF  }
0xab: {  	s26 =	simm.s32 $execute0_lowered;
	[smem:$0x3FD2] =	sst s25  }
0xac: {  	s5 =	sshll.u32 s26, $0x1;
	_ =	strace $0x8000004C;
	[dreg:$0x1] =	wrdreg $0xFFFFFFFF  }
0xad: {  	s28 =	simm.s32 $_size_execute0_lowered;
	s3 =	sadd.s32 s3, s5;
	[dreg:$0x0] =	wrdreg $0x0  }
0xae: {  	s5 =	sshll.u32 s28, $0x1;
	[dreg:$0x2] =	wrdreg s3  }
0xaf: {  	[dreg:$0x3] =	wrdreg s5  }
0xb0: {  	[dreg:$0x4] =	wrdreg $0xC0  }
0xb1: {  	_ =	task [dreg:s7], $0x5FFFF  }
0xb2: {  	[dreg:$0x1] =	wrdreg $0xFFFFFFFF  }
0xb3: {  	[dreg:$0x0] =	wrdreg $0x60  }
0xb4: {  	[dreg:$0x2] =	wrdreg s24  }
0xb5: {  	[dreg:$0x3] =	wrdreg s16  }
0xb6: {  	[dreg:$0x4] =	wrdreg $0x9  }
0xb7: {  	_ =	task.clear_ibuf [dreg:s7], $0x5FFFF;
	_ =	strace $0x9000004C  }
0xb8: {  	s29 =	simm.s32 $0x9;
	_ =	strace $0x8000004E  }
0xb9: {  	_ =	swait.ge [sflag:s29], $0x1  }
0xba: {  	[sflag:s29] =	ssyncadd.s32 $0xFFFFFFFF  }
0xbb: {  	_ =	strace $0x9000004E  }
0xbc: {  	_ =	sfence  }
0xbd: {  	s30 =	sld [smem:$0x0];
	_ =	sdelay $0x2  }
0xbe: {  	s31 =	sshll.u32 s1, $0xD;
	s1 =	sshrl.u32 s1, $0x2  }
0xbf: {  	s3 =	sand.u32 $0x4000, s31;
	s1 =	sadd.s32 s1, s30  }
0xc0: {  	s0 =	sor.u32 s3, s0;
	s1 =	sshll.u32 s1, $0x11  }
0xc1: {  	s0 =	sor.u32 s1, s0  }
0xc2: {  	s0 =	sadd.s32 $0x8F2B, s0  }
0xc3: {  	[sflag:s0] =	ssyncadd.remote.s32 $0x1  }
0xc4: {  	_ =	sfence.sel $0xFFFF  }
0xc5: {  	[dreg:$0x0] =	wrdreg $0xFFFFFFFF;
	(pc) =	sbr.abs _section_cstart, $3  }
0xc6: {  	[dreg:$0x1] =	wrdreg $0xFFFFFFFF  }
0xc7: {  	_ =	task.clear_ibuf [dreg:s7], $0x2FFFF;
	_ =	strace $0x9FFFFFFF  }
0xc8: {  	(tm) =	ssettm $0x7FFFFFFF  }
0xc9: {  	_ =	shalt  }
tec
execute0_lowered:
.L_overlay_start_1:
0x0: {  	(tag) =	ssettag $0x1  }
0x1: {  	s4 =	rddreg [dreg:$0x0]  }
0x2: {  	s2 =	rddreg [dreg:$0x1]  }
0x3: {  	s0 =	rddreg [dreg:$0x2]  }
0x4: {  	s5 =	srdreg.scid;
	s1 =	stileid.u32;
	s3 =	simm.s32 $0x0  }
0x5: {  	s9 =	simm.s32 $0x1C300;
	s10 =	simm.s32 $0x3;
	s11 =	simm.s32 $0x2000  }
0x6: {  	s5 =	sand.u32 $0x1, s5;
	s6 =	sshll.u32 s1, $0x1;
	[smem:$0x7FF] =	sst s3  }
0x7: {  	s12 =	simm.s32 $0x0;
	s6 =	sor.u32 s5, s6;
	_ =	strace $0x8000004D  }
0x8: {  	s5 =	ssub.s32 $0x2, s5;
	s7 =	sshll.u32 s6, $0xA;
	s6 =	sshll.u32 s6, $0x1  }
0x9: {  	s8 =	sshrl.u32 s5, $0x1;
	s7 =	sadd.s32 s7, s4;
	s6 =	sadd.s32 s6, s4  }
0xa: {  	s4 =	sadd.s32 $0xD6200, s4;
	s8 =	ssub.s32 s5, s8;
	s5 =	sadd.s32 $0xD6000, s6  }
0xb: {  	s6 =	sadd.s32 $0xC6000, s7;
	s7 =	sadd.s32 $0xCE000, s7;
	s8 =	smax.u32 s8, $0x1  }
.LBB2_1:
0xc: {  	[tilespmem:s9], [sflag:$0x3] =	stream.linear.gather [hbm4b:s5+s3], $0x10, $0x38;
	[tilespmem:$0x1C380] =	vst v63  }
0xd: {  	_ =	swait.ge [sflag:s10], $0x10  }
0xe: {  	[sflag:s10] =	ssyncset.done $0x0  }
0xf: {  	[sflag:s10] =	ssyncadd.s32 $0xFFFFFFF0  }
0x10: {  	v0 =	vld [tilespmem:$0x1C300];
	_ =	sdelay $0x4  }
0x11: {  	v0 =	vxor.u32 $0x80000000, v0  }
0x12: {  	(xrf0) =	vmax.scan.msk.u32 $0xffff, v0;
	_ =	sdelay $0x5  }
0x13: {  	v0, _, _ =	vpop (xrf0)  }
0x14: {  	(v2sf) =	vpush v0, $0xF;
	_ =	sdelay $0xd  }
0x15: {  	[tilespmem:s3], [sflag:$0x3] =	stream.linear.gather [hbm4b:s6+s3], $0x2000, $0x38;
	[tilespmem:$0x1C380] =	vst v63  }
0x16: {  	s13 =	spop (v2sf)  }
0x17: {  	_ =	swait.ge [sflag:s10], $0x2000  }
0x18: {  	s14 =	sxor.u32 $0x80000000, s13;
	p1 =	sgt.s32 s13, $0xFFFFFFFF;
	s16 =	sand.u32 $0xFF, s13  }
0x19: {  	s13 =	sadd.s32 $0x7FFFFF00, s13;
	[sflag:s10] =	ssyncset.done $0x0;
	s15 =	sshra.s32 s14, $0x1F  }
0x1a: {  	p0 =	slt.s32 s14, $0x1;
	p4 =	sne.s32 s16, $0x0;
	s16 =	simm.s32 $0x1  }
0x1b: {  	[sflag:s10] =	ssyncadd.s32 $0xFFFFE000;
	s15 =	sshrl.u32 s15, $0x18;
	p0 =	por p1, p0  }
0x1c: {  	[tilespmem:s11], [sflag:$0x3] =	stream.linear.gather [hbm4b:s7+s3], $0x2000, $0x38;
	[tilespmem:$0x1C380] =	vst v63  }
0x1d: {  	p1 =	sgt.s32 s13, $0x0;
	s15 =	sadd.s32 s15, s14;
	p0 =	por !p4, !p0  }
0x1e: {  	s13 =	simm.s32 @!p1 $0x0;
	_ =	swait.ge [sflag:s10], $0x2000;
	p0 =	por !p0, !p0  }
0x1f: {  	s15 =	sshra.s32 s15, $0x8;
	s17 =	sadd.s32 $0x7, s13;
	s16 =	simm.s32 @!p0 $0x0  }
0x20: {  	[sflag:s10] =	ssyncset.done $0x0;
	s30 =	sand.u32 $0x7, s17;
	p5 =	slt.s32 s17, $0x0  }
0x21: {  	s31 =	sshra.s32 s17, $0x1F;
	s13 =	ssub.s32 s15, s16;
	p6 =	sne.s32 s30, $0x0  }
0x22: {  	s15 =	sshrl.u32 s31, $0x1D;
	[sflag:s10] =	ssyncadd.s32 $0xFFFFE000;
	s16 =	sshll.u32 s13, $0x8  }
0x23: {  	p0 =	por !p5, !p6;
	s15 =	sadd.s32 s15, s17;
	s14 =	ssub.s32 s14, s16  }
0x24: {  	p0 =	por !p0, !p0;
	s16 =	simm.s32 $0x1;
	s15 =	sshrl.u32 s15, $0x3  }
0x25: {  	p1 =	sgt.s32 s14, $0x0;
	s14 =	simm.s32 $0x1;
	s16 =	simm.s32 @!p0 $0x0  }
0x26: {  	s17 =	simm.s32 $0x0;
	s14 =	simm.s32 @!p1 $0x0;
	s15 =	ssub.s32 s15, s16  }
0x27: {  	s16 =	simm.s32 $0x2;
	s14 =	sadd.s32 s14, s13;
	s15 =	sshll.u32 s15, $0x3  }
.LBB2_2:
0x28: {  	s18 =	sadd.s32 $0xFFFFFFFE, s16  }
0x29: {  	p0 =	sge.s32 s18, s14  }
0x2a: {  	p1 =	slt.s32 @!p0 s18, s13  }
0x2b: {  	s20 =	smov.u32 s17;
	p1 =	por !p1, p0  }
0x2c: {  	s20 =	smov.u32 @p1 s15  }
0x2d: {  	v0 =	vld @!p0 [tilespmem:s20+$0x2000];
	_ =	sdelay $0x4  }
0x2e: {  	[tilespmem:$0x4000] =	vst @!p0 v0  }
0x2f: {  	v0 =	vld @!p0 [tilespmem:s20+$0x2010];
	_ =	sdelay $0x4  }
0x30: {  	[tilespmem:$0x4010] =	vst @!p0 v0  }
0x31: {  	v0 =	vld @!p0 [tilespmem:s20+$0x2020];
	_ =	sdelay $0x4  }
0x32: {  	[tilespmem:$0x4020] =	vst @!p0 v0  }
0x33: {  	v0 =	vld @!p0 [tilespmem:s20+$0x2030];
	_ =	sdelay $0x4  }
0x34: {  	[tilespmem:$0x4030] =	vst @!p0 v0  }
0x35: {  	v0 =	vld @!p0 [tilespmem:s20+$0x2040];
	_ =	sdelay $0x4  }
0x36: {  	[tilespmem:$0x4040] =	vst @!p0 v0  }
0x37: {  	v0 =	vld @!p0 [tilespmem:s20+$0x2050];
	_ =	sdelay $0x4  }
0x38: {  	[tilespmem:$0x4050] =	vst @!p0 v0  }
0x39: {  	v0 =	vld @!p0 [tilespmem:s20+$0x2060];
	_ =	sdelay $0x4  }
0x3a: {  	[tilespmem:$0x4060] =	vst @!p0 v0  }
0x3b: {  	v0 =	vld @!p0 [tilespmem:s20+$0x2070];
	_ =	sdelay $0x4  }
0x3c: {  	s18 =	sand.u32 @!p0 $0xFFFFFFF8, s20;
	[tilespmem:$0x4070] =	vst @!p0 v0  }
0x3d: {  	v0 =	vld @!p0 [tilespmem:s18+$0x2080];
	_ =	sdelay $0x4  }
0x3e: {  	[tilespmem:$0x4080] =	vst @!p0 v0  }
0x3f: {  	v0 =	vld @!p0 [tilespmem:s20+$0x2090];
	_ =	sdelay $0x4  }
0x40: {  	[tilespmem:$0x4090] =	vst @!p0 v0  }
0x41: {  	v0 =	vld @!p0 [tilespmem:s20+$0x20A0];
	_ =	sdelay $0x4  }
0x42: {  	[tilespmem:$0x40A0] =	vst @!p0 v0  }
0x43: {  	v0 =	vld @!p0 [tilespmem:s20+$0x20B0];
	_ =	sdelay $0x4  }
0x44: {  	[tilespmem:$0x40B0] =	vst @!p0 v0  }
0x45: {  	v0 =	vld @!p0 [tilespmem:s20+$0x20C0];
	_ =	sdelay $0x4  }
0x46: {  	[tilespmem:$0x40C0] =	vst @!p0 v0  }
0x47: {  	v0 =	vld @!p0 [tilespmem:s20+$0x20D0];
	_ =	sdelay $0x4  }
0x48: {  	[tilespmem:$0x40D0] =	vst @!p0 v0  }
0x49: {  	v0 =	vld @!p0 [tilespmem:s20+$0x20E0];
	_ =	sdelay $0x4  }
0x4a: {  	[tilespmem:$0x40E0] =	vst @!p0 v0  }
0x4b: {  	v0 =	vld @!p0 [tilespmem:s20+$0x20F0];
	_ =	sdelay $0x2  }
0x4c: {  	s21 =	sadd.s32 $0xFFFFFFFF, s16  }
0x4d: {  	p1 =	sge.s32 s21, s14  }
0x4e: {  	s19 =	simm.s32 @!p0 $0x4300;
	p2 =	slt.s32 @!p1 s21, s13;
	s18 =	simm.s32 @!p0 $0x100;
	[tilespmem:$0x40F0] =	vst @!p0 v0  }
0x4f: {  	[tilespmem:s19], [sflag:$0x1] =	stream.indirect.gather @!p0 [hbm4b:s4+s18], $0x80, s20, s18, $0xb8;
	[tilespmem:$0x1C380] =	vst v63  }
0x50: {  	p2 =	por !p2, p1;
	s20 =	sadd.s32 @!p1 $0x100, s17  }
0x51: {  	s20 =	smov.u32 @p2 s15  }
0x52: {  	v0 =	vld @!p1 [tilespmem:s20+$0x2000];
	_ =	sdelay $0x4  }
0x53: {  	[tilespmem:$0x4100] =	vst @!p1 v0  }
0x54: {  	v0 =	vld @!p1 [tilespmem:s20+$0x2010];
	_ =	sdelay $0x4  }
0x55: {  	[tilespmem:$0x4110] =	vst @!p1 v0  }
0x56: {  	v0 =	vld @!p1 [tilespmem:s20+$0x2020];
	_ =	sdelay $0x4  }
0x57: {  	[tilespmem:$0x4120] =	vst @!p1 v0  }
0x58: {  	v0 =	vld @!p1 [tilespmem:s20+$0x2030];
	_ =	sdelay $0x4  }
0x59: {  	[tilespmem:$0x4130] =	vst @!p1 v0  }
0x5a: {  	v0 =	vld @!p1 [tilespmem:s20+$0x2040];
	_ =	sdelay $0x4  }
0x5b: {  	[tilespmem:$0x4140] =	vst @!p1 v0  }
0x5c: {  	v0 =	vld @!p1 [tilespmem:s20+$0x2050];
	_ =	sdelay $0x4  }
0x5d: {  	[tilespmem:$0x4150] =	vst @!p1 v0  }
0x5e: {  	v0 =	vld @!p1 [tilespmem:s20+$0x2060];
	_ =	sdelay $0x4  }
0x5f: {  	[tilespmem:$0x4160] =	vst @!p1 v0  }
0x60: {  	v0 =	vld @!p1 [tilespmem:s20+$0x2070];
	_ =	sdelay $0x4  }
0x61: {  	s21 =	sand.u32 @!p1 $0xFFFFFFF8, s20;
	[tilespmem:$0x4170] =	vst @!p1 v0  }
0x62: {  	v0 =	vld @!p1 [tilespmem:s21+$0x2080];
	_ =	sdelay $0x4  }
0x63: {  	[tilespmem:$0x4180] =	vst @!p1 v0  }
0x64: {  	v0 =	vld @!p1 [tilespmem:s20+$0x2090];
	_ =	sdelay $0x4  }
0x65: {  	[tilespmem:$0x4190] =	vst @!p1 v0  }
0x66: {  	v0 =	vld @!p1 [tilespmem:s20+$0x20A0];
	_ =	sdelay $0x4  }
0x67: {  	[tilespmem:$0x41A0] =	vst @!p1 v0  }
0x68: {  	v0 =	vld @!p1 [tilespmem:s20+$0x20B0];
	_ =	sdelay $0x4  }
0x69: {  	[tilespmem:$0x41B0] =	vst @!p1 v0  }
0x6a: {  	v0 =	vld @!p1 [tilespmem:s20+$0x20C0];
	_ =	sdelay $0x4  }
0x6b: {  	[tilespmem:$0x41C0] =	vst @!p1 v0  }
0x6c: {  	v0 =	vld @!p1 [tilespmem:s20+$0x20D0];
	_ =	sdelay $0x4  }
0x6d: {  	[tilespmem:$0x41D0] =	vst @!p1 v0  }
0x6e: {  	v0 =	vld @!p1 [tilespmem:s20+$0x20E0];
	_ =	sdelay $0x4  }
0x6f: {  	[tilespmem:$0x41E0] =	vst @!p1 v0  }
0x70: {  	v0 =	vld @!p1 [tilespmem:s20+$0x20F0];
	_ =	sdelay $0x3  }
0x71: {  	p2 =	sge.s32 s16, s14  }
0x72: {  	s22 =	simm.s32 @!p1 $0xC300;
	p3 =	slt.s32 @!p2 s16, s13;
	s21 =	simm.s32 @!p1 $0x100;
	[tilespmem:$0x41F0] =	vst @!p1 v0  }
0x73: {  	[tilespmem:s22], [sflag:$0x1] =	stream.indirect.gather @!p1 [hbm4b:s4+s21], $0x80, s20, s21, $0xb8;
	[tilespmem:$0x1C380] =	vst v63  }
0x74: {  	p3 =	por !p3, p2;
	s20 =	sadd.s32 @!p2 $0x200, s17  }
0x75: {  	s20 =	smov.u32 @p3 s15  }
0x76: {  	v0 =	vld @!p2 [tilespmem:s20+$0x2000];
	_ =	sdelay $0x4  }
0x77: {  	[tilespmem:$0x4200] =	vst @!p2 v0  }
0x78: {  	v0 =	vld @!p2 [tilespmem:s20+$0x2010];
	_ =	sdelay $0x4  }
0x79: {  	[tilespmem:$0x4210] =	vst @!p2 v0  }
0x7a: {  	v0 =	vld @!p2 [tilespmem:s20+$0x2020];
	_ =	sdelay $0x4  }
0x7b: {  	[tilespmem:$0x4220] =	vst @!p2 v0  }
0x7c: {  	v0 =	vld @!p2 [tilespmem:s20+$0x2030];
	_ =	sdelay $0x4  }
0x7d: {  	[tilespmem:$0x4230] =	vst @!p2 v0  }
0x7e: {  	v0 =	vld @!p2 [tilespmem:s20+$0x2040];
	_ =	sdelay $0x4  }
0x7f: {  	[tilespmem:$0x4240] =	vst @!p2 v0  }
0x80: {  	v0 =	vld @!p2 [tilespmem:s20+$0x2050];
	_ =	sdelay $0x4  }
0x81: {  	[tilespmem:$0x4250] =	vst @!p2 v0  }
0x82: {  	v0 =	vld @!p2 [tilespmem:s20+$0x2060];
	_ =	sdelay $0x4  }
0x83: {  	[tilespmem:$0x4260] =	vst @!p2 v0  }
0x84: {  	v0 =	vld @!p2 [tilespmem:s20+$0x2070];
	_ =	sdelay $0x4  }
0x85: {  	s23 =	sand.u32 @!p2 $0xFFFFFFF8, s20;
	[tilespmem:$0x4270] =	vst @!p2 v0  }
0x86: {  	v0 =	vld @!p2 [tilespmem:s23+$0x2080];
	_ =	sdelay $0x4  }
0x87: {  	[tilespmem:$0x4280] =	vst @!p2 v0  }
0x88: {  	v0 =	vld @!p2 [tilespmem:s20+$0x2090];
	_ =	sdelay $0x4  }
0x89: {  	[tilespmem:$0x4290] =	vst @!p2 v0  }
0x8a: {  	v0 =	vld @!p2 [tilespmem:s20+$0x20A0];
	_ =	sdelay $0x4  }
0x8b: {  	[tilespmem:$0x42A0] =	vst @!p2 v0  }
0x8c: {  	v0 =	vld @!p2 [tilespmem:s20+$0x20B0];
	_ =	sdelay $0x4  }
0x8d: {  	[tilespmem:$0x42B0] =	vst @!p2 v0  }
0x8e: {  	v0 =	vld @!p2 [tilespmem:s20+$0x20C0];
	_ =	sdelay $0x4  }
0x8f: {  	[tilespmem:$0x42C0] =	vst @!p2 v0  }
0x90: {  	v0 =	vld @!p2 [tilespmem:s20+$0x20D0];
	_ =	sdelay $0x4  }
0x91: {  	[tilespmem:$0x42D0] =	vst @!p2 v0  }
0x92: {  	v0 =	vld @!p2 [tilespmem:s20+$0x20E0];
	_ =	sdelay $0x4  }
0x93: {  	[tilespmem:$0x42E0] =	vst @!p2 v0  }
0x94: {  	v0 =	vld @!p2 [tilespmem:s20+$0x20F0];
	_ =	sdelay $0x4  }
0x95: {  	s24 =	simm.s32 @!p2 $0x14300;
	s23 =	simm.s32 @!p2 $0x100;
	[tilespmem:$0x42F0] =	vst @!p2 v0  }
0x96: {  	[tilespmem:s24], [sflag:$0x1] =	stream.indirect.gather @!p2 [hbm4b:s4+s23], $0x80, s20, s23, $0xb8;
	[tilespmem:$0x1C380] =	vst v63  }
0x97: {  	s20 =	simm.s32 @!p0 $0x1  }
0x98: {  	_ =	swait.ge @!p0 [sflag:s20], $0x8000  }
0x99: {  	[sflag:s20] =	ssyncset.done @!p0 $0x0  }
0x9a: {  	[sflag:s20] =	ssyncadd.s32 @!p0 $0xFFFF8000;
	s20 =	simm.s32 @!p0 $0x4000  }
0x9b: {  	[hbm4b:s2+s18] =	stream.indirect.scatter @!p0 [tilespmem:s19], [sflag:$0x2], $0x80, s20, s18, $0xb8;
	[tilespmem:$0x1C380] =	vst v63  }
0x9c: {  	s18 =	simm.s32 @!p1 $0x1  }
0x9d: {  	_ =	swait.ge @!p1 [sflag:s18], $0x8000  }
0x9e: {  	[sflag:s18] =	ssyncset.done @!p1 $0x0  }
0x9f: {  	[sflag:s18] =	ssyncadd.s32 @!p1 $0xFFFF8000;
	s18 =	simm.s32 @!p1 $0x4100  }
0xa0: {  	[hbm4b:s2+s21] =	stream.indirect.scatter @!p1 [tilespmem:s22], [sflag:$0x2], $0x80, s18, s21, $0xb8;
	[tilespmem:$0x1C380] =	vst v63  }
0xa1: {  	s18 =	simm.s32 @!p2 $0x1  }
0xa2: {  	_ =	swait.ge @!p2 [sflag:s18], $0x8000  }
0xa3: {  	[sflag:s18] =	ssyncset.done @!p2 $0x0  }
0xa4: {  	[sflag:s18] =	ssyncadd.s32 @!p2 $0xFFFF8000;
	s18 =	simm.s32 @!p2 $0x4200  }
0xa5: {  	[hbm4b:s2+s23] =	stream.indirect.scatter @!p2 [tilespmem:s24], [sflag:$0x2], $0x80, s18, s23, $0xb8;
	[tilespmem:$0x1C380] =	vst v63  }
0xa6: {  	s18 =	simm.s32 @!p0 $0x2  }
0xa7: {  	_ =	swait.ge @!p0 [sflag:s18], $0x8000  }
0xa8: {  	[sflag:s18] =	ssyncset.done @!p0 $0x0  }
0xa9: {  	s16 =	sadd.s32 $0x3, s16;
	[sflag:s18] =	ssyncadd.s32 @!p0 $0xFFFF8000;
	s18 =	simm.s32 @!p1 $0x2  }
0xaa: {  	p0 =	sne.s32 s16, $0x23;
	_ =	swait.ge @!p1 [sflag:s18], $0x8000  }
.Ltmp0:
0xab: {  	[sflag:s18] =	ssyncset.done @!p1 $0x0;
	(pc) =	sbr.rel @p0 .LBB2_2-.Ltmp0, $4  }
0xac: {  	[sflag:s18] =	ssyncadd.s32 @!p1 $0xFFFF8000;
	s18 =	simm.s32 @!p2 $0x2  }
0xad: {  	_ =	swait.ge @!p2 [sflag:s18], $0x8000  }
0xae: {  	[sflag:s18] =	ssyncset.done @!p2 $0x0  }
0xaf: {  	s17 =	sadd.s32 $0x300, s17;
	[sflag:s18] =	ssyncadd.s32 @!p2 $0xFFFF8000  }
0xb0: {  	s12 =	sadd.s32 $0x1, s12  }
0xb1: {  	p0 =	sne.s32 s12, s8  }
.Ltmp1:
0xb2: {  	_ = 	snop;
	(pc) =	sbr.rel @p0 .LBB2_1-.Ltmp1, $1  }
0xb3: {  	_ =	sdelay $0x3  }
0xb4: {  	_ =	sfence.sel $0x180000  }
0xb5: {  	[bflag:$0x0] =	sbarrier.arrive $0xFFFF  }
0xb6: {  	p0 =	sne.s32 s1, $0x0;
	_ =	strace $0x9000004D  }
0xb7: {  	s0 =	sadd.s32 @!p0 $0x100000, s0;
	[bflag:$0x2] =	sbarrier.arrive $0xFFFF  }
0xb8: {  	[sflag:s0] =	ssyncadd.tile.s32 @!p0 $0x1;
	_ =	shalt  }
.Lfunc_end2:
_tile_overlayer_lowered:
.L_overlay_start_2:
0xb9: {  	(tag) =	ssettag $0x2  }
0xba: {  	s0 =	rddreg [dreg:$0x0];
	s2 =	stileid.u32  }
0xbb: {  	s1 =	rddreg [dreg:$0x1];
	p0 =	sne.s32 s2, $0x0  }
0xbc: {  	s3 =	rddreg [dreg:$0x2];
	[bflag:$0x3] =	sbarrier.arrive $0xFFFF;
	s2 =	simm.s32 @!p0 $0x1C03  }
0xbd: {  	[timem:s3], [sflag:s2] =	dma.local @!p0 [hbm:s0], s1  }
0xbe: {  	s0 =	simm.s32 @!p0 $0x3  }
0xbf: {  	_ =	swait.ge @!p0 [sflag:s0], s1  }
0xc0: {  	s1 =	ssub.s32 @!p0 $0x0, s1;
	[sflag:s0] =	ssyncset.done @!p0 $0x0  }
0xc1: {  	[sflag:s0] =	ssyncadd.s32 @!p0 s1  }
0xc2: {  	[bflag:$0x3] =	sbarrier.arrive $0xFFFF  }
0xc3: {  	_ =	shalt  }

// kernel: sc_scatter_winner.3.cloned.1.call-start
scs
__scs_entry_jumppad:
0x0: {  	(pc) =	sbr.rel $0x88, $3  }
0x1: {  	(tag) =	ssettag $0x0;
	lr =	simm.s32 $0x1  }
0x2: {  	[smem:$0x3F98] =	sst lr;
	_ =	strace $0xD0000000  }
0x3: {  	_ = 	snop  }
0x4: {  	_ = 	snop  }
0x5: {  	_ = 	snop  }
0x6: {  	_ = 	snop  }
0x7: {  	_ = 	snop  }
__scs_overlays_trampoline_lowered:
0x8: {  	[smem:$0x3FA7] =	sst s0  }
0x9: {  	[smem:$0x3FA8] =	sst s1  }
0xa: {  	[smem:$0x3FA9] =	sst s2  }
0xb: {  	[smem:$0x3FAA] =	sst s3  }
0xc: {  	[smem:$0x3FAB] =	sst s4  }
0xd: {  	[smem:$0x3FAC] =	sst s5  }
0xe: {  	[smem:$0x3FAD] =	sst s6  }
0xf: {  	[smem:$0x3FAE] =	sst s7  }
0x10: {  	[smem:$0x3FAF] =	sst s8  }
0x11: {  	[smem:$0x3FB0] =	sst s9;
	s0 =	simm.s32 @!p0 $0x0  }
0x12: {  	s1 =	sld [smem:$0x3F96];
	s0 =	simm.s32 @p0 $0x1  }
0x13: {  	[smem:$0x3FB1] =	sst s0;
	s0 =	simm.s32 @!p1 $0x0  }
0x14: {  	s2 =	sld [smem:$0x3F95];
	s0 =	simm.s32 @p1 $0x1  }
0x15: {  	[smem:$0x3FB2] =	sst s0;
	s0 =	simm.s32 @!p2 $0x0  }
0x16: {  	s3 =	sld [smem:$0x3FDB];
	s0 =	simm.s32 @p2 $0x1  }
0x17: {  	s4 =	simm.s32 $0x1BF5;
	[smem:$0x3FB4] =	sst s0  }
0x18: {  	s0 =	sld [smem:$0x3F97];
	_ =	swait.ge [sflag:s4], $0x0  }
0x19: {  	s7 =	sld [smem:$0x3F98]  }
0x1a: {  	s8 =	sadd.s32 $0xFFFFE003, lr  }
0x1b: {  	s9 =	sadd.s32 $0xFFFFFEF7, lr;
	s5 =	simm.s32 $0xFFFFFFFF;
	p2 =	slt.u32 s8, $0xFFFFF086  }
0x1c: {  	p1 =	slt.u32 s9, $0xF7A;
	s5 =	simm.s32 @!p2 $0x0  }
0x1d: {  	s5 =	simm.s32 @p1 $0x1;
	p0 =	seq.s32 s7, s2  }
0x1e: {  	s7 =	smul.u32 @!p0 $0xF7A, s2;
	p2 =	seq.s32 @!p0 s5, $0x0  }
0x1f: {  	s9 =	smul.u32 $0xF7A, s1;
	s8 =	simm.s32 @!p0 $0x1BF5;
	p2 =	por !p2, p0  }
0x20: {  	[sflag:s8] =	ssyncset.s32 @!p0 $0xFFFFF086;
	s6 =	sadd.s32 @!p0 s3, s7;
	s7 =	simm.s32 @!p0 $0x108  }
0x21: {  	s3 =	sadd.s32 s3, s9;
	s6 =	sadd.s32 @!p0 $0x88, s6;
	s7 =	simm.s32 @p2 $0x1082  }
0x22: {  	[simem:s7], [sflag:s8] =	dma.local @!p0 [hbm:s6], $0xF7A  }
0x23: {  	s9 =	sor.u32 $0xD0000000, s2;
	s6 =	simm.s32 $0x108;
	_ =	swait.ge @!p0 [sflag:s8], $0x0  }
0x24: {  	s3 =	sadd.s32 $0x88, s3;
	s6 =	simm.s32 @!p1 $0x1082;
	[sflag:s4] =	ssyncset.s32 $0xFFFFF086  }
0x25: {  	[simem:s6], [sflag:s4] =	dma.local [hbm:s3], $0xF7A  }
0x26: {  	[smem:$0x3F98] =	sst s1;
	(tag) =	ssettag s2;
	_ =	strace s9  }
0x27: {  	s1 =	sld [smem:$0x3FA8]  }
0x28: {  	s2 =	sld [smem:$0x3FA9]  }
0x29: {  	s4 =	sld [smem:$0x3FAB]  }
0x2a: {  	p0 =	seq.s32 s5, $0x0;
	s5 =	sld [smem:$0x3FAC]  }
0x2b: {  	s6 =	sld [smem:$0x3FAD]  }
0x2c: {  	s7 =	sld [smem:$0x3FAE]  }
0x2d: {  	s3 =	simm.s32 $0x108;
	s8 =	sld [smem:$0x3FAF]  }
0x2e: {  	s3 =	simm.s32 @!p0 $0x1082;
	s9 =	sld [smem:$0x3FB0]  }
0x2f: {  	lr =	sadd.s32 s0, s3;
	s0 =	sld [smem:$0x3FA7]  }
0x30: {  	s3 =	sld [smem:$0x3FAA]  }
0x31: {  	[smem:$0x3FB3] =	sst s10  }
0x32: {  	s10 =	sld [smem:$0x3FB1];
	_ =	sdelay $0x3  }
0x33: {  	p0 =	seq.s32 s10, $0x1;
	s10 =	sld [smem:$0x3FB3];
	_ =	sdelay $0x3  }
0x34: {  	[smem:$0x3FB3] =	sst s10  }
0x35: {  	s10 =	sld [smem:$0x3FB2];
	_ =	sdelay $0x3  }
0x36: {  	p1 =	seq.s32 s10, $0x1;
	s10 =	sld [smem:$0x3FB3];
	_ =	sdelay $0x3  }
0x37: {  	[smem:$0x3FB3] =	sst s10  }
0x38: {  	s10 =	sld [smem:$0x3FB4]  }
0x39: {  	_ = 	snop;
	(pc) =	sbr.ind lr, $3  }
0x3a: {  	_ = 	snop  }
0x3b: {  	_ = 	snop  }
0x3c: {  	p2 =	seq.s32 s10, $0x1;
	s10 =	sld [smem:$0x3FB3]  }
0x3d: {  	_ =	shalt  }
0x3e: {  	_ =	shalt  }
0x3f: {  	_ =	shalt  }
0x40: {  	_ =	shalt  }
0x41: {  	_ =	shalt  }
0x42: {  	_ =	shalt  }
0x43: {  	_ =	shalt  }
0x44: {  	_ =	shalt  }
0x45: {  	_ =	shalt  }
0x46: {  	_ =	shalt  }
0x47: {  	_ =	shalt  }
0x48: {  	_ =	shalt  }
0x49: {  	_ =	shalt  }
0x4a: {  	_ =	shalt  }
0x4b: {  	_ =	shalt  }
0x4c: {  	_ =	shalt  }
0x4d: {  	_ =	shalt  }
0x4e: {  	_ =	shalt  }
0x4f: {  	_ =	shalt  }
0x50: {  	_ =	shalt  }
0x51: {  	_ =	shalt  }
0x52: {  	_ =	shalt  }
0x53: {  	_ =	shalt  }
0x54: {  	_ =	shalt  }
0x55: {  	_ =	shalt  }
0x56: {  	_ =	shalt  }
0x57: {  	_ =	shalt  }
0x58: {  	_ =	shalt  }
0x59: {  	_ =	shalt  }
0x5a: {  	_ =	shalt  }
0x5b: {  	_ =	shalt  }
0x5c: {  	_ =	shalt  }
0x5d: {  	_ =	shalt  }
0x5e: {  	_ =	shalt  }
0x5f: {  	_ =	shalt  }
0x60: {  	_ =	shalt  }
0x61: {  	_ =	shalt  }
0x62: {  	_ =	shalt  }
0x63: {  	_ =	shalt  }
0x64: {  	_ =	shalt  }
0x65: {  	_ =	shalt  }
0x66: {  	_ =	shalt  }
0x67: {  	_ =	shalt  }
0x68: {  	_ =	shalt  }
0x69: {  	_ =	shalt  }
0x6a: {  	_ =	shalt  }
0x6b: {  	_ =	shalt  }
0x6c: {  	_ =	shalt  }
0x6d: {  	_ =	shalt  }
0x6e: {  	_ =	shalt  }
0x6f: {  	_ =	shalt  }
0x70: {  	_ =	shalt  }
0x71: {  	_ =	shalt  }
0x72: {  	_ =	shalt  }
0x73: {  	_ =	shalt  }
0x74: {  	_ =	shalt  }
0x75: {  	_ =	shalt  }
0x76: {  	_ =	shalt  }
0x77: {  	_ =	shalt  }
0x78: {  	_ =	shalt  }
0x79: {  	_ =	shalt  }
0x7a: {  	_ =	shalt  }
0x7b: {  	_ =	shalt  }
0x7c: {  	_ =	shalt  }
0x7d: {  	_ =	shalt  }
0x7e: {  	_ =	shalt  }
0x7f: {  	_ =	shalt  }
0x80: {  	_ =	shalt  }
0x81: {  	_ =	shalt  }
0x82: {  	_ =	shalt  }
0x83: {  	_ =	shalt  }
0x84: {  	_ =	shalt  }
0x85: {  	_ =	shalt  }
0x86: {  	_ =	shalt  }
0x87: {  	_ =	shalt  }
.Lfunc_end0:
.L_simem_size_0:
called_computation.1_lowered:
.L_overlay_start_0:
0x88: {  	s2 =	sld [smem:$0x3FD9]  }
0x89: {  	s3 =	sld [smem:$0x3FFE];
	_ =	sdelay $0x1  }
0x8a: {  	s1 =	srdreg.scid  }
0x8b: {  	s0 =	sand.u32 $0x1, s1  }
0x8c: {  	s17 =	sshll.u32 s0, $0xA;
	s2 =	sadd.s32 s3, s2  }
0x8d: {  	s2 =	sadd.s32 s2, s17  }
0x8e: {  	[smem:$0x3FBF] =	sst s2  }
0x8f: {  	_ = 	snop  }
0x90: {  	s18 =	sld [smem:$0x3FC8];
	(tm) =	ssettm $0x1  }
0x91: {  	s19 =	sld [smem:$0x3FFB];
	_ =	sdelay $0x3  }
0x92: {  	_ =	strace s19  }
0x93: {  	s2 =	sld [smem:$0x3FFC];
	_ =	sdelay $0x3  }
0x94: {  	_ =	strace s2  }
0x95: {  	s2 =	sld [smem:$0x3FFD];
	_ =	sdelay $0x3  }
0x96: {  	_ =	strace s2  }
0x97: {  	_ =	strace $0x8FFFFFFF  }
0x98: {  	s20 =	sld [smem:$0x3FDB];
	_ =	sdelay $0x1  }
0x99: {  	s4 =	simm.s32 $_scs_section_size  }
0x9a: {  	s5 =	simm.s32 $_size__tile_overlayer_lowered;
	s6 =	simm.s32 $_tile_overlayer_lowered  }
0x9b: {  	s7 =	simm.s32 $0x1BFF;
	s21 =	sshll.u32 s6, $0x1;
	s4 =	sadd.s32 s4, s20  }
0x9c: {  	s22 =	simm.s32 $0x0;
	s5 =	sshll.u32 s5, $0x1;
	s6 =	sadd.s32 s21, s4  }
0x9d: {  	[timem:s22], [sflag:s7] =	dma.local [hbm:s6], s5  }
0x9e: {  	_ =	swait.ge [sflag:s7], s5  }
0x9f: {  	s5 =	ssub.s32 $0x0, s5;
	[sflag:s7] =	ssyncset.done $0x0  }
0xa0: {  	[sflag:s7] =	ssyncadd.s32 s5;
	_ =	sdelay $0x1  }
0xa1: {  	s23 =	simm.s32 $0x1B8B  }
0xa2: {  	_ =	swait.ge [sflag:s23], $0x1  }
0xa3: {  	[sflag:s23] =	ssyncset.done $0x0  }
0xa4: {  	[sflag:s23] =	ssyncadd.s32 $0xFFFFFFFF  }
0xa5: {  	s5 =	sld [smem:$0x0]  }
0xa6: {  	s6 =	sand.u32 $0xFFFFFFFE, s1  }
0xa7: {  	p0 =	sne.s32 s1, s6  }
0xa8: {  	s6 =	sshll.u32 @p0 s6, $0xE  }
0xa9: {  	s6 =	sadd.s32 @p0 $0x11B8D, s6;
	s7 =	sshll.u32 @p0 s5, $0x11  }
0xaa: {  	s6 =	sor.u32 @p0 s7, s6  }
0xab: {  	[sflag:s6] =	ssyncadd.remote.s32 @p0 $0x1;
	_ =	sdelay $0x1  }
0xac: {  	s6 =	simm.s32 @p0 $0x1B8D  }
0xad: {  	_ =	swait.eq @p0 [sflag:s6], $0x1  }
0xae: {  	[sflag:s6] =	ssyncadd.s32 @p0 $0xFFFFFFFF  }
0xaf: {  	s7 =	sshll.u32 @!p0 s1, $0xE  }
0xb0: {  	s7 =	sor.u32 @!p0 $0x4000, s7;
	s6 =	simm.s32 @!p0 $0x1B8D  }
0xb1: {  	s5 =	sshll.u32 @!p0 s5, $0x11;
	s7 =	sadd.s32 @!p0 $0x11B8D, s7;
	_ =	swait.eq @!p0 [sflag:s6], $0x1  }
0xb2: {  	s5 =	sor.u32 @!p0 s5, s7;
	[sflag:s6] =	ssyncadd.s32 @!p0 $0xFFFFFFFF  }
0xb3: {  	s25 =	simm.s32 $0x1B8E;
	s24 =	sld [smem:$0x3FFE];
	[sflag:s5] =	ssyncadd.remote.s32 @!p0 $0x1  }
0xb4: {  	s26 =	simm.s32 $execute0_lowered;
	[smem:$0x3FD2] =	sst s25  }
0xb5: {  	s6 =	sshll.u32 s26, $0x1;
	_ =	strace $0x80000049;
	[dreg:$0x1] =	wrdreg $0xFFFFFFFF  }
0xb6: {  	s28 =	simm.s32 $_size_execute0_lowered;
	s4 =	sadd.s32 s4, s6;
	[dreg:$0x0] =	wrdreg $0x0  }
0xb7: {  	s6 =	sshll.u32 s28, $0x1;
	[dreg:$0x2] =	wrdreg s4  }
0xb8: {  	[dreg:$0x3] =	wrdreg s6  }
0xb9: {  	[dreg:$0x4] =	wrdreg $0xC0  }
0xba: {  	_ =	task [dreg:s22], $0x5FFFF  }
0xbb: {  	[dreg:$0x1] =	wrdreg $0xFFFFFFFF  }
0xbc: {  	[dreg:$0x0] =	wrdreg $0x60  }
0xbd: {  	[dreg:$0x2] =	wrdreg s18  }
0xbe: {  	[dreg:$0x3] =	wrdreg s24  }
0xbf: {  	[dreg:$0x4] =	wrdreg $0xA  }
0xc0: {  	_ =	task.clear_ibuf [dreg:s22], $0x5FFFF;
	_ =	strace $0x90000049  }
0xc1: {  	s29 =	simm.s32 $0xA;
	_ =	strace $0x8000004B  }
0xc2: {  	_ =	swait.ge [sflag:s29], $0x1  }
0xc3: {  	[sflag:s29] =	ssyncadd.s32 $0xFFFFFFFF  }
0xc4: {  	_ =	strace $0x9000004B  }
0xc5: {  	_ =	sfence  }
0xc6: {  	s30 =	sld [smem:$0x0];
	_ =	sdelay $0x2  }
0xc7: {  	s31 =	sshll.u32 s1, $0xD;
	s1 =	sshrl.u32 s1, $0x2  }
0xc8: {  	s4 =	sand.u32 $0x4000, s31;
	s1 =	sadd.s32 s1, s30  }
0xc9: {  	s0 =	sor.u32 s4, s0;
	s1 =	sshll.u32 s1, $0x11  }
0xca: {  	s0 =	sor.u32 s1, s0  }
0xcb: {  	s0 =	sadd.s32 $0x8F2B, s0  }
0xcc: {  	[sflag:s0] =	ssyncadd.remote.s32 $0x1  }
0xcd: {  	_ =	sfence.sel $0xFFFF  }
0xce: {  	[dreg:$0x0] =	wrdreg $0xFFFFFFFF;
	(pc) =	sbr.abs _section_cstart, $3  }
0xcf: {  	[dreg:$0x1] =	wrdreg $0xFFFFFFFF  }
0xd0: {  	_ =	task.clear_ibuf [dreg:s22], $0x2FFFF;
	_ =	strace $0x9FFFFFFF  }
0xd1: {  	(tm) =	ssettm $0x7FFFFFFF  }
tec
execute0_lowered:
.L_overlay_start_1:
0x0: {  	(tag) =	ssettag $0x1  }
0x1: {  	s1 =	rddreg [dreg:$0x0]  }
0x2: {  	s4 =	rddreg [dreg:$0x1]  }
0x3: {  	s0 =	rddreg [dreg:$0x2]  }
0x4: {  	s3 =	simm.s32 $0x0;
	s5 =	srdreg.scid;
	s2 =	stileid.u32  }
0x5: {  	s16 =	simm.s32 $0x6780;
	s17 =	simm.s32 $0x8780;
	s18 =	simm.s32 $0x0  }
0x6: {  	[smem:$0x7FF] =	sst s3;
	s10 =	sand.u32 $0x1, s5;
	s30 =	sshll.u32 s2, $0x1  }
0x7: {  	s14 =	sshll.u32 s2, $0xE;
	_ =	strace $0x8000004A;
	s13 =	sor.u32 s10, s30  }
0x8: {  	s7 =	ssub.s32 $0x2, s10;
	s15 =	sshll.u32 s10, $0xD;
	s5 =	sshll.u32 s13, $0xA  }
0x9: {  	s6 =	sshll.u32 s13, $0x1;
	s31 =	sshrl.u32 s7, $0x1;
	v0 =	vmov s13;
	s13 =	simm.s32 $0x2000  }
.Ltmp0:
0xa: {  	s9 =	sadd.s32 s5, s4;
	s11 =	sadd.s32 s6, s4;
	(pc) =	sbr.rel .LBB2_1-.Ltmp0, $4  }
0xb: {  	s12 =	ssub.s32 s7, s31;
	s4 =	sadd.s32 $0x4E2, s1;
	s5 =	sadd.s32 $0x9C4, s1  }
0xc: {  	s6 =	sadd.s32 $0xEA6, s1;
	s7 =	sadd.s32 $0x1388, s1;
	s8 =	sadd.s32 $0xC6000, s9  }
0xd: {  	v1 =	vlaneseq.u32;
	s9 =	sadd.s32 $0xCE000, s9;
	s10 =	sadd.s32 $0xD6000, s11;
	s11 =	smax.u32 s12, $0x1  }
0xe: {  	v2 =	vimm.s32 $0xFFFFFFFF;
	v3 =	vor.u32 $0x2700, v1;
	v4 =	vor.u32 $0x4E10, v1;
	s12 =	sor.u32 s15, s14;
	s14 =	simm.s32 $0x1;
	s15 =	simm.s32 $0x4780  }
.LBB2_16:
0xf: {  	v6 =	vmov s19  }
.LBB2_20:
0x10: {  	[tilespmem:$0x8780] =	vst v6  }
0x11: {  	[hbm4b:s8+s3] =	stream.linear.scatter [tilespmem:s15], [sflag:$0x1], $0x2000, $0x38;
	[tilespmem:$0x8800] =	vst v63  }
0x12: {  	_ =	swait.ge [sflag:s14], $0x2000  }
0x13: {  	[sflag:s14] =	ssyncset.done $0x0  }
0x14: {  	[sflag:s14] =	ssyncadd.s32 $0xFFFFE000  }
0x15: {  	[hbm4b:s9+s3] =	stream.linear.scatter [tilespmem:s16], [sflag:$0x1], $0x2000, $0x38;
	[tilespmem:$0x8800] =	vst v63  }
0x16: {  	s18 =	sadd.s32 $0x1, s18;
	_ =	swait.ge [sflag:s14], $0x2000  }
0x17: {  	p0 =	sne.s32 s18, s11;
	[sflag:s14] =	ssyncset.done $0x0  }
.Ltmp1:
0x18: {  	[sflag:s14] =	ssyncadd.s32 $0xFFFFE000;
	(pc) =	sbr.rel @!p0 .LBB2_21-.Ltmp1, $4  }
0x19: {  	[hbm4b:s10+s3] =	stream.linear.scatter [tilespmem:s17], [sflag:$0x1], $0x10, $0x38;
	[tilespmem:$0x8800] =	vst v63  }
0x1a: {  	_ =	swait.ge [sflag:s14], $0x10  }
0x1b: {  	[sflag:s14] =	ssyncset.done $0x0  }
0x1c: {  	[sflag:s14] =	ssyncadd.s32 $0xFFFFFFF0  }
.LBB2_1:
0x1d: {  	s19 =	simm.s32 $0x40  }
0x1e: {  	[tilespmem:s19+$0xFFFFFFC0] =	vst v2  }
0x1f: {  	[tilespmem:s19+$0x30] =	vst v2  }
0x20: {  	[tilespmem:s19+$0x20] =	vst v2  }
0x21: {  	[tilespmem:s19+$0x10] =	vst v2  }
0x22: {  	[tilespmem:s19+$0x0] =	vst v2  }
0x23: {  	[tilespmem:s19+$0xFFFFFFF0] =	vst v2  }
0x24: {  	s20 =	simm.s32 $0x0;
	[tilespmem:s19+$0xFFFFFFE0] =	vst v2  }
.LBB2_2:
0x25: {  	s20 =	sadd.s32 $0x8, s20;
	[tilespmem:s19+$0xFFFFFFD0] =	vst v2;
	s19 =	sadd.s32 $0x80, s19  }
0x26: {  	[tilespmem:s19+$0xFFFFFFC0] =	vst v2;
	p0 =	slt.u32 s20, $0x1F8  }
0x27: {  	[tilespmem:s19+$0x30] =	vst v2  }
.Ltmp2:
0x28: {  	[tilespmem:s19+$0x20] =	vst v2;
	(pc) =	sbr.rel @p0 .LBB2_2-.Ltmp2, $4  }
0x29: {  	[tilespmem:s19+$0x10] =	vst v2  }
0x2a: {  	[tilespmem:s19+$0x0] =	vst v2  }
0x2b: {  	[tilespmem:s19+$0xFFFFFFF0] =	vst v2  }
0x2c: {  	[tilespmem:s19+$0xFFFFFFE0] =	vst v2  }
0x2d: {  	[tilespmem:s19+$0xFFFFFFD0] =	vst v2  }
0x2e: {  	[tilespmem:s13], [sflag:$0x1] =	stream.linear.gather [hbm4b:s1+s3], $0x2710, $0x38;
	[tilespmem:$0x8800] =	vst v63  }
0x2f: {  	_ =	swait.ge [sflag:s14], $0x2710  }
0x30: {  	s19 =	simm.s32 $0xFFFFFFF8;
	[sflag:s14] =	ssyncset.done $0x0  }
0x31: {  	s20 =	simm.s32 $0x70;
	s21 =	simm.s32 $0x2040;
	[sflag:s14] =	ssyncadd.s32 $0xFFFFD8F0  }
.LBB2_4:
0x32: {  	v5 =	vld [tilespmem:s21+$0xFFFFFFC0];
	_ =	sdelay $0x4  }
0x33: {  	v6 =	vshra.s32 v5, $0xD  }
0x34: {  	vm0 =	veq.s32 v6, v0  }
0x35: {  	(xrf1) =	vunique.msk.u32 vm0, v5;
	_ =	sdelay $0xd  }
0x36: {  	_, v6, vm1 =	vpop (xrf1)  }
0x37: {  	vm0 =	vmand vm0, vm1  }
0x38: {  	v5 =	vand.u32 $0x1FFF, v5;
	_ =	sdelay $0x2  }
0x39: {  	s22 =	sadd.s32 $0xFFFFFF90, s20  }
0x3a: {  	v6 =	vor.u32 s22, v1  }
0x3b: {  	[tilespmem:v5+s3+$0x0] =	vst.idx.msk vm0, v6  }
0x3c: {  	v5 =	vld [tilespmem:s21+$0xFFFFFFD0];
	_ =	sdelay $0x4  }
0x3d: {  	v6 =	vshra.s32 v5, $0xD  }
0x3e: {  	vm14 =	veq.s32 v6, v0  }
0x3f: {  	(xrf1) =	vunique.msk.u32 vm14, v5;
	_ =	sdelay $0xd  }
0x40: {  	_, v6, vm15 =	vpop (xrf1)  }
0x41: {  	vm0 =	vmand vm14, vm15  }
0x42: {  	v5 =	vand.u32 $0x1FFF, v5;
	_ =	sdelay $0x2  }
0x43: {  	s25 =	sadd.s32 $0xFFFFFFA0, s20  }
0x44: {  	v6 =	vor.u32 s25, v1  }
0x45: {  	[tilespmem:v5+s3+$0x0] =	vst.idx.msk vm0, v6  }
0x46: {  	v5 =	vld [tilespmem:s21+$0xFFFFFFE0];
	_ =	sdelay $0x4  }
0x47: {  	v6 =	vshra.s32 v5, $0xD  }
0x48: {  	vm4 =	veq.s32 v6, v0  }
0x49: {  	(xrf1) =	vunique.msk.u32 vm4, v5;
	_ =	sdelay $0xd  }
0x4a: {  	_, v6, vm5 =	vpop (xrf1)  }
0x4b: {  	vm0 =	vmand vm4, vm5  }
0x4c: {  	v5 =	vand.u32 $0x1FFF, v5;
	_ =	sdelay $0x2  }
0x4d: {  	s26 =	sadd.s32 $0xFFFFFFB0, s20  }
0x4e: {  	v6 =	vor.u32 s26, v1  }
0x4f: {  	[tilespmem:v5+s3+$0x0] =	vst.idx.msk vm0, v6  }
0x50: {  	v5 =	vld [tilespmem:s21+$0xFFFFFFF0];
	_ =	sdelay $0x4  }
0x51: {  	v6 =	vshra.s32 v5, $0xD  }
0x52: {  	vm6 =	veq.s32 v6, v0  }
0x53: {  	(xrf1) =	vunique.msk.u32 vm6, v5;
	_ =	sdelay $0xd  }
0x54: {  	_, v6, vm7 =	vpop (xrf1)  }
0x55: {  	vm0 =	vmand vm6, vm7  }
0x56: {  	v5 =	vand.u32 $0x1FFF, v5;
	_ =	sdelay $0x2  }
0x57: {  	s28 =	sadd.s32 $0xFFFFFFC0, s20  }
0x58: {  	v6 =	vor.u32 s28, v1  }
0x59: {  	[tilespmem:v5+s3+$0x0] =	vst.idx.msk vm0, v6  }
0x5a: {  	v5 =	vld [tilespmem:s21+$0x0];
	_ =	sdelay $0x4  }
0x5b: {  	v6 =	vshra.s32 v5, $0xD  }
0x5c: {  	vm8 =	veq.s32 v6, v0  }
0x5d: {  	(xrf1) =	vunique.msk.u32 vm8, v5;
	_ =	sdelay $0xd  }
0x5e: {  	_, v6, vm9 =	vpop (xrf1)  }
0x5f: {  	vm0 =	vmand vm8, vm9  }
0x60: {  	v5 =	vand.u32 $0x1FFF, v5;
	_ =	sdelay $0x2  }
0x61: {  	s29 =	sadd.s32 $0xFFFFFFD0, s20  }
0x62: {  	v6 =	vor.u32 s29, v1  }
0x63: {  	[tilespmem:v5+s3+$0x0] =	vst.idx.msk vm0, v6  }
0x64: {  	v5 =	vld [tilespmem:s21+$0x10];
	_ =	sdelay $0x4  }
0x65: {  	v6 =	vshra.s32 v5, $0xD  }
0x66: {  	vm10 =	veq.s32 v6, v0  }
0x67: {  	(xrf1) =	vunique.msk.u32 vm10, v5;
	_ =	sdelay $0xd  }
0x68: {  	_, v6, vm11 =	vpop (xrf1)  }
0x69: {  	vm0 =	vmand vm10, vm11  }
0x6a: {  	v5 =	vand.u32 $0x1FFF, v5;
	_ =	sdelay $0x2  }
0x6b: {  	s30 =	sadd.s32 $0xFFFFFFE0, s20  }
0x6c: {  	v6 =	vor.u32 s30, v1  }
0x6d: {  	[tilespmem:v5+s3+$0x0] =	vst.idx.msk vm0, v6  }
0x6e: {  	v5 =	vld [tilespmem:s21+$0x20];
	_ =	sdelay $0x4  }
0x6f: {  	v6 =	vshra.s32 v5, $0xD  }
0x70: {  	vm12 =	veq.s32 v6, v0  }
0x71: {  	(xrf1) =	vunique.msk.u32 vm12, v5;
	_ =	sdelay $0xd  }
0x72: {  	_, v6, vm13 =	vpop (xrf1)  }
0x73: {  	vm0 =	vmand vm12, vm13  }
0x74: {  	v5 =	vand.u32 $0x1FFF, v5;
	_ =	sdelay $0x2  }
0x75: {  	s31 =	sadd.s32 $0xFFFFFFF0, s20  }
0x76: {  	v6 =	vor.u32 s31, v1  }
0x77: {  	[tilespmem:v5+s3+$0x0] =	vst.idx.msk vm0, v6  }
0x78: {  	v5 =	vld [tilespmem:s21+$0x30];
	_ =	sdelay $0x4  }
0x79: {  	v6 =	vshra.s32 v5, $0xD  }
0x7a: {  	vm14 =	veq.s32 v6, v0  }
0x7b: {  	(xrf1) =	vunique.msk.u32 vm14, v5;
	_ =	sdelay $0xd  }
0x7c: {  	_, v6, vm15 =	vpop (xrf1)  }
0x7d: {  	s19 =	sadd.s32 $0x8, s19;
	vm0 =	vmand vm14, vm15  }
0x7e: {  	p0 =	slt.u32 s19, $0x268;
	v5 =	vand.u32 $0x1FFF, v5  }
.Ltmp3:
0x7f: {  	_ = 	snop;
	(pc) =	sbr.rel @p0 .LBB2_4-.Ltmp3, $3  }
0x80: {  	_ =	sdelay $0x1  }
0x81: {  	v6 =	vor.u32 s20, v1  }
0x82: {  	s21 =	sadd.s32 $0x80, s21;
	s20 =	sadd.s32 $0x80, s20;
	[tilespmem:v5+s3+$0x0] =	vst.idx.msk vm0, v6  }
0x83: {  	v5 =	vld [tilespmem:$0x4700];
	_ =	sdelay $0x4  }
0x84: {  	v6 =	vshra.s32 v5, $0xD  }
0x85: {  	vm0 =	veq.s32 v6, v0  }
0x86: {  	(xrf1) =	vunique.msk.u32 vm0, v5;
	_ =	sdelay $0xd  }
0x87: {  	_, v6, vm1 =	vpop (xrf1)  }
0x88: {  	vm0 =	vmand vm0, vm1  }
0x89: {  	v5 =	vand.u32 $0x1FFF, v5;
	_ =	sdelay $0x4  }
0x8a: {  	[tilespmem:v5+s3+$0x0] =	vst.idx.msk vm0, v3  }
0x8b: {  	[tilespmem:s13], [sflag:$0x1] =	stream.linear.gather [hbm4b:s4+s3], $0x2710, $0x38;
	[tilespmem:$0x8800] =	vst v63  }
0x8c: {  	_ =	swait.ge [sflag:s14], $0x2710  }
0x8d: {  	s19 =	simm.s32 $0xFFFFFFF8;
	[sflag:s14] =	ssyncset.done $0x0  }
0x8e: {  	s20 =	simm.s32 $0x2780;
	s21 =	simm.s32 $0x2040;
	[sflag:s14] =	ssyncadd.s32 $0xFFFFD8F0  }
.LBB2_6:
0x8f: {  	v5 =	vld [tilespmem:s21+$0xFFFFFFC0];
	_ =	sdelay $0x4  }
0x90: {  	v6 =	vshra.s32 v5, $0xD  }
0x91: {  	vm0 =	veq.s32 v6, v0  }
0x92: {  	(xrf1) =	vunique.msk.u32 vm0, v5;
	_ =	sdelay $0xd  }
0x93: {  	_, v6, vm1 =	vpop (xrf1)  }
0x94: {  	vm0 =	vmand vm0, vm1  }
0x95: {  	v5 =	vand.u32 $0x1FFF, v5;
	_ =	sdelay $0x2  }
0x96: {  	s22 =	sadd.s32 $0xFFFFFF90, s20  }
0x97: {  	v6 =	vor.u32 s22, v1  }
0x98: {  	[tilespmem:v5+s3+$0x0] =	vst.idx.msk vm0, v6  }
0x99: {  	v5 =	vld [tilespmem:s21+$0xFFFFFFD0];
	_ =	sdelay $0x4  }
0x9a: {  	v6 =	vshra.s32 v5, $0xD  }
0x9b: {  	vm14 =	veq.s32 v6, v0  }
0x9c: {  	(xrf1) =	vunique.msk.u32 vm14, v5;
	_ =	sdelay $0xd  }
0x9d: {  	_, v6, vm15 =	vpop (xrf1)  }
0x9e: {  	vm0 =	vmand vm14, vm15  }
0x9f: {  	v5 =	vand.u32 $0x1FFF, v5;
	_ =	sdelay $0x2  }
0xa0: {  	s25 =	sadd.s32 $0xFFFFFFA0, s20  }
0xa1: {  	v6 =	vor.u32 s25, v1  }
0xa2: {  	[tilespmem:v5+s3+$0x0] =	vst.idx.msk vm0, v6  }
0xa3: {  	v5 =	vld [tilespmem:s21+$0xFFFFFFE0];
	_ =	sdelay $0x4  }
0xa4: {  	v6 =	vshra.s32 v5, $0xD  }
0xa5: {  	vm4 =	veq.s32 v6, v0  }
0xa6: {  	(xrf1) =	vunique.msk.u32 vm4, v5;
	_ =	sdelay $0xd  }
0xa7: {  	_, v6, vm5 =	vpop (xrf1)  }
0xa8: {  	vm0 =	vmand vm4, vm5  }
0xa9: {  	v5 =	vand.u32 $0x1FFF, v5;
	_ =	sdelay $0x2  }
0xaa: {  	s26 =	sadd.s32 $0xFFFFFFB0, s20  }
0xab: {  	v6 =	vor.u32 s26, v1  }
0xac: {  	[tilespmem:v5+s3+$0x0] =	vst.idx.msk vm0, v6  }
0xad: {  	v5 =	vld [tilespmem:s21+$0xFFFFFFF0];
	_ =	sdelay $0x4  }
0xae: {  	v6 =	vshra.s32 v5, $0xD  }
0xaf: {  	vm6 =	veq.s32 v6, v0  }
0xb0: {  	(xrf1) =	vunique.msk.u32 vm6, v5;
	_ =	sdelay $0xd  }
0xb1: {  	_, v6, vm7 =	vpop (xrf1)  }
0xb2: {  	vm0 =	vmand vm6, vm7  }
0xb3: {  	v5 =	vand.u32 $0x1FFF, v5;
	_ =	sdelay $0x2  }
0xb4: {  	s28 =	sadd.s32 $0xFFFFFFC0, s20  }
0xb5: {  	v6 =	vor.u32 s28, v1  }
0xb6: {  	[tilespmem:v5+s3+$0x0] =	vst.idx.msk vm0, v6  }
0xb7: {  	v5 =	vld [tilespmem:s21+$0x0];
	_ =	sdelay $0x4  }
0xb8: {  	v6 =	vshra.s32 v5, $0xD  }
0xb9: {  	vm8 =	veq.s32 v6, v0  }
0xba: {  	(xrf1) =	vunique.msk.u32 vm8, v5;
	_ =	sdelay $0xd  }
0xbb: {  	_, v6, vm9 =	vpop (xrf1)  }
0xbc: {  	vm0 =	vmand vm8, vm9  }
0xbd: {  	v5 =	vand.u32 $0x1FFF, v5;
	_ =	sdelay $0x2  }
0xbe: {  	s29 =	sadd.s32 $0xFFFFFFD0, s20  }
0xbf: {  	v6 =	vor.u32 s29, v1  }
0xc0: {  	[tilespmem:v5+s3+$0x0] =	vst.idx.msk vm0, v6  }
0xc1: {  	v5 =	vld [tilespmem:s21+$0x10];
	_ =	sdelay $0x4  }
0xc2: {  	v6 =	vshra.s32 v5, $0xD  }
0xc3: {  	vm10 =	veq.s32 v6, v0  }
0xc4: {  	(xrf1) =	vunique.msk.u32 vm10, v5;
	_ =	sdelay $0xd  }
0xc5: {  	_, v6, vm11 =	vpop (xrf1)  }
0xc6: {  	vm0 =	vmand vm10, vm11  }
0xc7: {  	v5 =	vand.u32 $0x1FFF, v5;
	_ =	sdelay $0x2  }
0xc8: {  	s30 =	sadd.s32 $0xFFFFFFE0, s20  }
0xc9: {  	v6 =	vor.u32 s30, v1  }
0xca: {  	[tilespmem:v5+s3+$0x0] =	vst.idx.msk vm0, v6  }
0xcb: {  	v5 =	vld [tilespmem:s21+$0x20];
	_ =	sdelay $0x4  }
0xcc: {  	v6 =	vshra.s32 v5, $0xD  }
0xcd: {  	vm12 =	veq.s32 v6, v0  }
0xce: {  	(xrf1) =	vunique.msk.u32 vm12, v5;
	_ =	sdelay $0xd  }
0xcf: {  	_, v6, vm13 =	vpop (xrf1)  }
0xd0: {  	vm0 =	vmand vm12, vm13  }
0xd1: {  	v5 =	vand.u32 $0x1FFF, v5;
	_ =	sdelay $0x2  }
0xd2: {  	s31 =	sadd.s32 $0xFFFFFFF0, s20  }
0xd3: {  	v6 =	vor.u32 s31, v1  }
0xd4: {  	[tilespmem:v5+s3+$0x0] =	vst.idx.msk vm0, v6  }
0xd5: {  	v5 =	vld [tilespmem:s21+$0x30];
	_ =	sdelay $0x4  }
0xd6: {  	v6 =	vshra.s32 v5, $0xD  }
0xd7: {  	vm14 =	veq.s32 v6, v0  }
0xd8: {  	(xrf1) =	vunique.msk.u32 vm14, v5;
	_ =	sdelay $0xd  }
0xd9: {  	_, v6, vm15 =	vpop (xrf1)  }
0xda: {  	s19 =	sadd.s32 $0x8, s19;
	vm0 =	vmand vm14, vm15  }
0xdb: {  	p0 =	slt.u32 s19, $0x268;
	v5 =	vand.u32 $0x1FFF, v5  }
.Ltmp4:
0xdc: {  	_ = 	snop;
	(pc) =	sbr.rel @p0 .LBB2_6-.Ltmp4, $3  }
0xdd: {  	_ =	sdelay $0x1  }
0xde: {  	v6 =	vor.u32 s20, v1  }
0xdf: {  	s21 =	sadd.s32 $0x80, s21;
	s20 =	sadd.s32 $0x80, s20;
	[tilespmem:v5+s3+$0x0] =	vst.idx.msk vm0, v6  }
0xe0: {  	v5 =	vld [tilespmem:$0x4700];
	_ =	sdelay $0x4  }
0xe1: {  	v6 =	vshra.s32 v5, $0xD  }
0xe2: {  	vm0 =	veq.s32 v6, v0  }
0xe3: {  	(xrf1) =	vunique.msk.u32 vm0, v5;
	_ =	sdelay $0xd  }
0xe4: {  	_, v6, vm1 =	vpop (xrf1)  }
0xe5: {  	vm0 =	vmand vm0, vm1  }
0xe6: {  	v5 =	vand.u32 $0x1FFF, v5;
	_ =	sdelay $0x4  }
0xe7: {  	[tilespmem:v5+s3+$0x0] =	vst.idx.msk vm0, v4  }
0xe8: {  	[tilespmem:s13], [sflag:$0x1] =	stream.linear.gather [hbm4b:s5+s3], $0x2710, $0x38;
	[tilespmem:$0x8800] =	vst v63  }
0xe9: {  	_ =	swait.ge [sflag:s14], $0x2710  }
0xea: {  	s19 =	simm.s32 $0xFFFFFFF8;
	[sflag:s14] =	ssyncset.done $0x0  }
0xeb: {  	s20 =	simm.s32 $0x4E90;
	s21 =	simm.s32 $0x2040;
	[sflag:s14] =	ssyncadd.s32 $0xFFFFD8F0  }
.LBB2_8:
0xec: {  	v5 =	vld [tilespmem:s21+$0xFFFFFFC0];
	_ =	sdelay $0x4  }
0xed: {  	v6 =	vshra.s32 v5, $0xD  }
0xee: {  	vm0 =	veq.s32 v6, v0  }
0xef: {  	(xrf1) =	vunique.msk.u32 vm0, v5;
	_ =	sdelay $0xd  }
0xf0: {  	_, v6, vm1 =	vpop (xrf1)  }
0xf1: {  	vm0 =	vmand vm0, vm1  }
0xf2: {  	v5 =	vand.u32 $0x1FFF, v5;
	_ =	sdelay $0x2  }
0xf3: {  	s22 =	sadd.s32 $0xFFFFFF90, s20  }
0xf4: {  	v6 =	vor.u32 s22, v1  }
0xf5: {  	[tilespmem:v5+s3+$0x0] =	vst.idx.msk vm0, v6  }
0xf6: {  	v5 =	vld [tilespmem:s21+$0xFFFFFFD0];
	_ =	sdelay $0x4  }
0xf7: {  	v6 =	vshra.s32 v5, $0xD  }
0xf8: {  	vm14 =	veq.s32 v6, v0  }
0xf9: {  	(xrf1) =	vunique.msk.u32 vm14, v5;
	_ =	sdelay $0xd  }
0xfa: {  	_, v6, vm15 =	vpop (xrf1)  }
0xfb: {  	vm0 =	vmand vm14, vm15  }
0xfc: {  	v5 =	vand.u32 $0x1FFF, v5;
	_ =	sdelay $0x2  }
0xfd: {  	s25 =	sadd.s32 $0xFFFFFFA0, s20  }
0xfe: {  	v6 =	vor.u32 s25, v1  }
0xff: {  	[tilespmem:v5+s3+$0x0] =	vst.idx.msk vm0, v6  }
0x100: {  	v5 =	vld [tilespmem:s21+$0xFFFFFFE0];
	_ =	sdelay $0x4  }
0x101: {  	v6 =	vshra.s32 v5, $0xD  }
0x102: {  	vm4 =	veq.s32 v6, v0  }
0x103: {  	(xrf1) =	vunique.msk.u32 vm4, v5;
	_ =	sdelay $0xd  }
0x104: {  	_, v6, vm5 =	vpop (xrf1)  }
0x105: {  	vm0 =	vmand vm4, vm5  }
0x106: {  	v5 =	vand.u32 $0x1FFF, v5;
	_ =	sdelay $0x2  }
0x107: {  	s26 =	sadd.s32 $0xFFFFFFB0, s20  }
0x108: {  	v6 =	vor.u32 s26, v1  }
0x109: {  	[tilespmem:v5+s3+$0x0] =	vst.idx.msk vm0, v6  }
0x10a: {  	v5 =	vld [tilespmem:s21+$0xFFFFFFF0];
	_ =	sdelay $0x4  }
0x10b: {  	v6 =	vshra.s32 v5, $0xD  }
0x10c: {  	vm6 =	veq.s32 v6, v0  }
0x10d: {  	(xrf1) =	vunique.msk.u32 vm6, v5;
	_ =	sdelay $0xd  }
0x10e: {  	_, v6, vm7 =	vpop (xrf1)  }
0x10f: {  	vm0 =	vmand vm6, vm7  }
0x110: {  	v5 =	vand.u32 $0x1FFF, v5;
	_ =	sdelay $0x2  }
0x111: {  	s28 =	sadd.s32 $0xFFFFFFC0, s20  }
0x112: {  	v6 =	vor.u32 s28, v1  }
0x113: {  	[tilespmem:v5+s3+$0x0] =	vst.idx.msk vm0, v6  }
0x114: {  	v5 =	vld [tilespmem:s21+$0x0];
	_ =	sdelay $0x4  }
0x115: {  	v6 =	vshra.s32 v5, $0xD  }
0x116: {  	vm8 =	veq.s32 v6, v0  }
0x117: {  	(xrf1) =	vunique.msk.u32 vm8, v5;
	_ =	sdelay $0xd  }
0x118: {  	_, v6, vm9 =	vpop (xrf1)  }
0x119: {  	vm0 =	vmand vm8, vm9  }
0x11a: {  	v5 =	vand.u32 $0x1FFF, v5;
	_ =	sdelay $0x2  }
0x11b: {  	s29 =	sadd.s32 $0xFFFFFFD0, s20  }
0x11c: {  	v6 =	vor.u32 s29, v1  }
0x11d: {  	[tilespmem:v5+s3+$0x0] =	vst.idx.msk vm0, v6  }
0x11e: {  	v5 =	vld [tilespmem:s21+$0x10];
	_ =	sdelay $0x4  }
0x11f: {  	v6 =	vshra.s32 v5, $0xD  }
0x120: {  	vm10 =	veq.s32 v6, v0  }
0x121: {  	(xrf1) =	vunique.msk.u32 vm10, v5;
	_ =	sdelay $0xd  }
0x122: {  	_, v6, vm11 =	vpop (xrf1)  }
0x123: {  	vm0 =	vmand vm10, vm11  }
0x124: {  	v5 =	vand.u32 $0x1FFF, v5;
	_ =	sdelay $0x2  }
0x125: {  	s30 =	sadd.s32 $0xFFFFFFE0, s20  }
0x126: {  	v6 =	vor.u32 s30, v1  }
0x127: {  	[tilespmem:v5+s3+$0x0] =	vst.idx.msk vm0, v6  }
0x128: {  	v5 =	vld [tilespmem:s21+$0x20];
	_ =	sdelay $0x4  }
0x129: {  	v6 =	vshra.s32 v5, $0xD  }
0x12a: {  	vm12 =	veq.s32 v6, v0  }
0x12b: {  	(xrf1) =	vunique.msk.u32 vm12, v5;
	_ =	sdelay $0xd  }
0x12c: {  	_, v6, vm13 =	vpop (xrf1)  }
0x12d: {  	vm0 =	vmand vm12, vm13  }
0x12e: {  	v5 =	vand.u32 $0x1FFF, v5;
	_ =	sdelay $0x2  }
0x12f: {  	s31 =	sadd.s32 $0xFFFFFFF0, s20  }
0x130: {  	v6 =	vor.u32 s31, v1  }
0x131: {  	[tilespmem:v5+s3+$0x0] =	vst.idx.msk vm0, v6  }
0x132: {  	v5 =	vld [tilespmem:s21+$0x30];
	_ =	sdelay $0x4  }
0x133: {  	v6 =	vshra.s32 v5, $0xD  }
0x134: {  	vm14 =	veq.s32 v6, v0  }
0x135: {  	(xrf1) =	vunique.msk.u32 vm14, v5;
	_ =	sdelay $0xd  }
0x136: {  	_, v6, vm15 =	vpop (xrf1)  }
0x137: {  	s19 =	sadd.s32 $0x8, s19;
	vm0 =	vmand vm14, vm15  }
0x138: {  	p0 =	slt.u32 s19, $0x268;
	v5 =	vand.u32 $0x1FFF, v5  }
.Ltmp5:
0x139: {  	_ = 	snop;
	(pc) =	sbr.rel @p0 .LBB2_8-.Ltmp5, $3  }
0x13a: {  	_ =	sdelay $0x1  }
0x13b: {  	v6 =	vor.u32 s20, v1  }
0x13c: {  	s21 =	sadd.s32 $0x80, s21;
	s20 =	sadd.s32 $0x80, s20;
	[tilespmem:v5+s3+$0x0] =	vst.idx.msk vm0, v6  }
0x13d: {  	v5 =	vld [tilespmem:$0x4700];
	_ =	sdelay $0x4  }
0x13e: {  	v6 =	vshra.s32 v5, $0xD  }
0x13f: {  	vm0 =	veq.s32 v6, v0  }
0x140: {  	(xrf1) =	vunique.msk.u32 vm0, v5;
	_ =	sdelay $0xd  }
0x141: {  	_, v6, vm1 =	vpop (xrf1)  }
0x142: {  	vm0 =	vmand vm0, vm1  }
0x143: {  	v5 =	vand.u32 $0x1FFF, v5;
	_ =	sdelay $0x3  }
0x144: {  	v6 =	vor.u32 $0x7520, v1  }
0x145: {  	[tilespmem:v5+s3+$0x0] =	vst.idx.msk vm0, v6  }
0x146: {  	[tilespmem:s13], [sflag:$0x1] =	stream.linear.gather [hbm4b:s6+s3], $0x2710, $0x38;
	[tilespmem:$0x8800] =	vst v63  }
0x147: {  	_ =	swait.ge [sflag:s14], $0x2710  }
0x148: {  	s19 =	simm.s32 $0xFFFFFFF8;
	[sflag:s14] =	ssyncset.done $0x0  }
0x149: {  	s20 =	simm.s32 $0x75A0;
	s21 =	simm.s32 $0x2040;
	[sflag:s14] =	ssyncadd.s32 $0xFFFFD8F0  }
.LBB2_10:
0x14a: {  	v5 =	vld [tilespmem:s21+$0xFFFFFFC0];
	_ =	sdelay $0x4  }
0x14b: {  	v6 =	vshra.s32 v5, $0xD  }
0x14c: {  	vm0 =	veq.s32 v6, v0  }
0x14d: {  	(xrf1) =	vunique.msk.u32 vm0, v5;
	_ =	sdelay $0xd  }
0x14e: {  	_, v6, vm1 =	vpop (xrf1)  }
0x14f: {  	vm0 =	vmand vm0, vm1  }
0x150: {  	v5 =	vand.u32 $0x1FFF, v5;
	_ =	sdelay $0x2  }
0x151: {  	s22 =	sadd.s32 $0xFFFFFF90, s20  }
0x152: {  	v6 =	vor.u32 s22, v1  }
0x153: {  	[tilespmem:v5+s3+$0x0] =	vst.idx.msk vm0, v6  }
0x154: {  	v5 =	vld [tilespmem:s21+$0xFFFFFFD0];
	_ =	sdelay $0x4  }
0x155: {  	v6 =	vshra.s32 v5, $0xD  }
0x156: {  	vm14 =	veq.s32 v6, v0  }
0x157: {  	(xrf1) =	vunique.msk.u32 vm14, v5;
	_ =	sdelay $0xd  }
0x158: {  	_, v6, vm15 =	vpop (xrf1)  }
0x159: {  	vm0 =	vmand vm14, vm15  }
0x15a: {  	v5 =	vand.u32 $0x1FFF, v5;
	_ =	sdelay $0x2  }
0x15b: {  	s25 =	sadd.s32 $0xFFFFFFA0, s20  }
0x15c: {  	v6 =	vor.u32 s25, v1  }
0x15d: {  	[tilespmem:v5+s3+$0x0] =	vst.idx.msk vm0, v6  }
0x15e: {  	v5 =	vld [tilespmem:s21+$0xFFFFFFE0];
	_ =	sdelay $0x4  }
0x15f: {  	v6 =	vshra.s32 v5, $0xD  }
0x160: {  	vm4 =	veq.s32 v6, v0  }
0x161: {  	(xrf1) =	vunique.msk.u32 vm4, v5;
	_ =	sdelay $0xd  }
0x162: {  	_, v6, vm5 =	vpop (xrf1)  }
0x163: {  	vm0 =	vmand vm4, vm5  }
0x164: {  	v5 =	vand.u32 $0x1FFF, v5;
	_ =	sdelay $0x2  }
0x165: {  	s26 =	sadd.s32 $0xFFFFFFB0, s20  }
0x166: {  	v6 =	vor.u32 s26, v1  }
0x167: {  	[tilespmem:v5+s3+$0x0] =	vst.idx.msk vm0, v6  }
0x168: {  	v5 =	vld [tilespmem:s21+$0xFFFFFFF0];
	_ =	sdelay $0x4  }
0x169: {  	v6 =	vshra.s32 v5, $0xD  }
0x16a: {  	vm6 =	veq.s32 v6, v0  }
0x16b: {  	(xrf1) =	vunique.msk.u32 vm6, v5;
	_ =	sdelay $0xd  }
0x16c: {  	_, v6, vm7 =	vpop (xrf1)  }
0x16d: {  	vm0 =	vmand vm6, vm7  }
0x16e: {  	v5 =	vand.u32 $0x1FFF, v5;
	_ =	sdelay $0x2  }
0x16f: {  	s28 =	sadd.s32 $0xFFFFFFC0, s20  }
0x170: {  	v6 =	vor.u32 s28, v1  }
0x171: {  	[tilespmem:v5+s3+$0x0] =	vst.idx.msk vm0, v6  }
0x172: {  	v5 =	vld [tilespmem:s21+$0x0];
	_ =	sdelay $0x4  }
0x173: {  	v6 =	vshra.s32 v5, $0xD  }
0x174: {  	vm8 =	veq.s32 v6, v0  }
0x175: {  	(xrf1) =	vunique.msk.u32 vm8, v5;
	_ =	sdelay $0xd  }
0x176: {  	_, v6, vm9 =	vpop (xrf1)  }
0x177: {  	vm0 =	vmand vm8, vm9  }
0x178: {  	v5 =	vand.u32 $0x1FFF, v5;
	_ =	sdelay $0x2  }
0x179: {  	s29 =	sadd.s32 $0xFFFFFFD0, s20  }
0x17a: {  	v6 =	vor.u32 s29, v1  }
0x17b: {  	[tilespmem:v5+s3+$0x0] =	vst.idx.msk vm0, v6  }
0x17c: {  	v5 =	vld [tilespmem:s21+$0x10];
	_ =	sdelay $0x4  }
0x17d: {  	v6 =	vshra.s32 v5, $0xD  }
0x17e: {  	vm10 =	veq.s32 v6, v0  }
0x17f: {  	(xrf1) =	vunique.msk.u32 vm10, v5;
	_ =	sdelay $0xd  }
0x180: {  	_, v6, vm11 =	vpop (xrf1)  }
0x181: {  	vm0 =	vmand vm10, vm11  }
0x182: {  	v5 =	vand.u32 $0x1FFF, v5;
	_ =	sdelay $0x2  }
0x183: {  	s30 =	sadd.s32 $0xFFFFFFE0, s20  }
0x184: {  	v6 =	vor.u32 s30, v1  }
0x185: {  	[tilespmem:v5+s3+$0x0] =	vst.idx.msk vm0, v6  }
0x186: {  	v5 =	vld [tilespmem:s21+$0x20];
	_ =	sdelay $0x4  }
0x187: {  	v6 =	vshra.s32 v5, $0xD  }
0x188: {  	vm12 =	veq.s32 v6, v0  }
0x189: {  	(xrf1) =	vunique.msk.u32 vm12, v5;
	_ =	sdelay $0xd  }
0x18a: {  	_, v6, vm13 =	vpop (xrf1)  }
0x18b: {  	vm0 =	vmand vm12, vm13  }
0x18c: {  	v5 =	vand.u32 $0x1FFF, v5;
	_ =	sdelay $0x2  }
0x18d: {  	s31 =	sadd.s32 $0xFFFFFFF0, s20  }
0x18e: {  	v6 =	vor.u32 s31, v1  }
0x18f: {  	[tilespmem:v5+s3+$0x0] =	vst.idx.msk vm0, v6  }
0x190: {  	v5 =	vld [tilespmem:s21+$0x30];
	_ =	sdelay $0x4  }
0x191: {  	v6 =	vshra.s32 v5, $0xD  }
0x192: {  	vm14 =	veq.s32 v6, v0  }
0x193: {  	(xrf1) =	vunique.msk.u32 vm14, v5;
	_ =	sdelay $0xd  }
0x194: {  	_, v6, vm15 =	vpop (xrf1)  }
0x195: {  	s19 =	sadd.s32 $0x8, s19;
	vm0 =	vmand vm14, vm15  }
0x196: {  	p0 =	slt.u32 s19, $0x268;
	v5 =	vand.u32 $0x1FFF, v5  }
.Ltmp6:
0x197: {  	_ = 	snop;
	(pc) =	sbr.rel @p0 .LBB2_10-.Ltmp6, $3  }
0x198: {  	_ =	sdelay $0x1  }
0x199: {  	v6 =	vor.u32 s20, v1  }
0x19a: {  	s21 =	sadd.s32 $0x80, s21;
	s20 =	sadd.s32 $0x80, s20;
	[tilespmem:v5+s3+$0x0] =	vst.idx.msk vm0, v6  }
0x19b: {  	v5 =	vld [tilespmem:$0x4700];
	_ =	sdelay $0x4  }
0x19c: {  	v6 =	vshra.s32 v5, $0xD  }
0x19d: {  	vm0 =	veq.s32 v6, v0  }
0x19e: {  	(xrf1) =	vunique.msk.u32 vm0, v5;
	_ =	sdelay $0xd  }
0x19f: {  	_, v6, vm1 =	vpop (xrf1)  }
0x1a0: {  	vm0 =	vmand vm0, vm1  }
0x1a1: {  	v5 =	vand.u32 $0x1FFF, v5;
	_ =	sdelay $0x3  }
0x1a2: {  	v6 =	vor.u32 $0x9C30, v1  }
0x1a3: {  	[tilespmem:v5+s3+$0x0] =	vst.idx.msk vm0, v6  }
0x1a4: {  	[tilespmem:s13], [sflag:$0x1] =	stream.linear.gather [hbm4b:s7+s3], $0x2710, $0x38;
	[tilespmem:$0x8800] =	vst v63  }
0x1a5: {  	_ =	swait.ge [sflag:s14], $0x2710  }
0x1a6: {  	s19 =	simm.s32 $0xFFFFFFF8;
	[sflag:s14] =	ssyncset.done $0x0  }
0x1a7: {  	s20 =	simm.s32 $0x9CB0;
	s21 =	simm.s32 $0x2040;
	[sflag:s14] =	ssyncadd.s32 $0xFFFFD8F0  }
.LBB2_12:
0x1a8: {  	v5 =	vld [tilespmem:s21+$0xFFFFFFC0];
	_ =	sdelay $0x4  }
0x1a9: {  	v6 =	vshra.s32 v5, $0xD  }
0x1aa: {  	vm0 =	veq.s32 v6, v0  }
0x1ab: {  	(xrf1) =	vunique.msk.u32 vm0, v5;
	_ =	sdelay $0xd  }
0x1ac: {  	_, v6, vm1 =	vpop (xrf1)  }
0x1ad: {  	vm0 =	vmand vm0, vm1  }
0x1ae: {  	v5 =	vand.u32 $0x1FFF, v5;
	_ =	sdelay $0x2  }
0x1af: {  	s22 =	sadd.s32 $0xFFFFFF90, s20  }
0x1b0: {  	v6 =	vor.u32 s22, v1  }
0x1b1: {  	[tilespmem:v5+s3+$0x0] =	vst.idx.msk vm0, v6  }
0x1b2: {  	v5 =	vld [tilespmem:s21+$0xFFFFFFD0];
	_ =	sdelay $0x4  }
0x1b3: {  	v6 =	vshra.s32 v5, $0xD  }
0x1b4: {  	vm14 =	veq.s32 v6, v0  }
0x1b5: {  	(xrf1) =	vunique.msk.u32 vm14, v5;
	_ =	sdelay $0xd  }
0x1b6: {  	_, v6, vm15 =	vpop (xrf1)  }
0x1b7: {  	vm0 =	vmand vm14, vm15  }
0x1b8: {  	v5 =	vand.u32 $0x1FFF, v5;
	_ =	sdelay $0x2  }
0x1b9: {  	s25 =	sadd.s32 $0xFFFFFFA0, s20  }
0x1ba: {  	v6 =	vor.u32 s25, v1  }
0x1bb: {  	[tilespmem:v5+s3+$0x0] =	vst.idx.msk vm0, v6  }
0x1bc: {  	v5 =	vld [tilespmem:s21+$0xFFFFFFE0];
	_ =	sdelay $0x4  }
0x1bd: {  	v6 =	vshra.s32 v5, $0xD  }
0x1be: {  	vm4 =	veq.s32 v6, v0  }
0x1bf: {  	(xrf1) =	vunique.msk.u32 vm4, v5;
	_ =	sdelay $0xd  }
0x1c0: {  	_, v6, vm5 =	vpop (xrf1)  }
0x1c1: {  	vm0 =	vmand vm4, vm5  }
0x1c2: {  	v5 =	vand.u32 $0x1FFF, v5;
	_ =	sdelay $0x2  }
0x1c3: {  	s26 =	sadd.s32 $0xFFFFFFB0, s20  }
0x1c4: {  	v6 =	vor.u32 s26, v1  }
0x1c5: {  	[tilespmem:v5+s3+$0x0] =	vst.idx.msk vm0, v6  }
0x1c6: {  	v5 =	vld [tilespmem:s21+$0xFFFFFFF0];
	_ =	sdelay $0x4  }
0x1c7: {  	v6 =	vshra.s32 v5, $0xD  }
0x1c8: {  	vm6 =	veq.s32 v6, v0  }
0x1c9: {  	(xrf1) =	vunique.msk.u32 vm6, v5;
	_ =	sdelay $0xd  }
0x1ca: {  	_, v6, vm7 =	vpop (xrf1)  }
0x1cb: {  	vm0 =	vmand vm6, vm7  }
0x1cc: {  	v5 =	vand.u32 $0x1FFF, v5;
	_ =	sdelay $0x2  }
0x1cd: {  	s28 =	sadd.s32 $0xFFFFFFC0, s20  }
0x1ce: {  	v6 =	vor.u32 s28, v1  }
0x1cf: {  	[tilespmem:v5+s3+$0x0] =	vst.idx.msk vm0, v6  }
0x1d0: {  	v5 =	vld [tilespmem:s21+$0x0];
	_ =	sdelay $0x4  }
0x1d1: {  	v6 =	vshra.s32 v5, $0xD  }
0x1d2: {  	vm8 =	veq.s32 v6, v0  }
0x1d3: {  	(xrf1) =	vunique.msk.u32 vm8, v5;
	_ =	sdelay $0xd  }
0x1d4: {  	_, v6, vm9 =	vpop (xrf1)  }
0x1d5: {  	vm0 =	vmand vm8, vm9  }
0x1d6: {  	v5 =	vand.u32 $0x1FFF, v5;
	_ =	sdelay $0x2  }
0x1d7: {  	s29 =	sadd.s32 $0xFFFFFFD0, s20  }
0x1d8: {  	v6 =	vor.u32 s29, v1  }
0x1d9: {  	[tilespmem:v5+s3+$0x0] =	vst.idx.msk vm0, v6  }
0x1da: {  	v5 =	vld [tilespmem:s21+$0x10];
	_ =	sdelay $0x4  }
0x1db: {  	v6 =	vshra.s32 v5, $0xD  }
0x1dc: {  	vm10 =	veq.s32 v6, v0  }
0x1dd: {  	(xrf1) =	vunique.msk.u32 vm10, v5;
	_ =	sdelay $0xd  }
0x1de: {  	_, v6, vm11 =	vpop (xrf1)  }
0x1df: {  	vm0 =	vmand vm10, vm11  }
0x1e0: {  	v5 =	vand.u32 $0x1FFF, v5;
	_ =	sdelay $0x2  }
0x1e1: {  	s30 =	sadd.s32 $0xFFFFFFE0, s20  }
0x1e2: {  	v6 =	vor.u32 s30, v1  }
0x1e3: {  	[tilespmem:v5+s3+$0x0] =	vst.idx.msk vm0, v6  }
0x1e4: {  	v5 =	vld [tilespmem:s21+$0x20];
	_ =	sdelay $0x4  }
0x1e5: {  	v6 =	vshra.s32 v5, $0xD  }
0x1e6: {  	vm12 =	veq.s32 v6, v0  }
0x1e7: {  	(xrf1) =	vunique.msk.u32 vm12, v5;
	_ =	sdelay $0xd  }
0x1e8: {  	_, v6, vm13 =	vpop (xrf1)  }
0x1e9: {  	vm0 =	vmand vm12, vm13  }
0x1ea: {  	v5 =	vand.u32 $0x1FFF, v5;
	_ =	sdelay $0x2  }
0x1eb: {  	s31 =	sadd.s32 $0xFFFFFFF0, s20  }
0x1ec: {  	v6 =	vor.u32 s31, v1  }
0x1ed: {  	[tilespmem:v5+s3+$0x0] =	vst.idx.msk vm0, v6  }
0x1ee: {  	v5 =	vld [tilespmem:s21+$0x30];
	_ =	sdelay $0x4  }
0x1ef: {  	v6 =	vshra.s32 v5, $0xD  }
0x1f0: {  	vm14 =	veq.s32 v6, v0  }
0x1f1: {  	(xrf1) =	vunique.msk.u32 vm14, v5;
	_ =	sdelay $0xd  }
0x1f2: {  	_, v6, vm15 =	vpop (xrf1)  }
0x1f3: {  	s19 =	sadd.s32 $0x8, s19;
	vm0 =	vmand vm14, vm15  }
0x1f4: {  	p0 =	slt.u32 s19, $0x268;
	v5 =	vand.u32 $0x1FFF, v5  }
.Ltmp7:
0x1f5: {  	_ = 	snop;
	(pc) =	sbr.rel @p0 .LBB2_12-.Ltmp7, $3  }
0x1f6: {  	_ =	sdelay $0x1  }
0x1f7: {  	v6 =	vor.u32 s20, v1  }
0x1f8: {  	s21 =	sadd.s32 $0x80, s21;
	s20 =	sadd.s32 $0x80, s20;
	[tilespmem:v5+s3+$0x0] =	vst.idx.msk vm0, v6  }
0x1f9: {  	v5 =	vld [tilespmem:$0x4700];
	_ =	sdelay $0x4  }
0x1fa: {  	v6 =	vshra.s32 v5, $0xD  }
0x1fb: {  	vm0 =	veq.s32 v6, v0  }
0x1fc: {  	(xrf1) =	vunique.msk.u32 vm0, v5;
	_ =	sdelay $0xd  }
0x1fd: {  	_, v6, vm1 =	vpop (xrf1)  }
0x1fe: {  	vm0 =	vmand vm0, vm1  }
0x1ff: {  	v5 =	vand.u32 $0x1FFF, v5;
	_ =	sdelay $0x3  }
0x200: {  	s19 =	simm.s32 $0x0;
	v6 =	vor.u32 $0xC340, v1  }
0x201: {  	s20 =	simm.s32 $0x0;
	[tilespmem:v5+s19+$0x0] =	vst.idx.msk vm0, v6  }
0x202: {  	v5 =	vld [tilespmem:s20+$0x0];
	_ =	sdelay $0x4  }
0x203: {  	vm15 =	vgt.s32 v5, $0xFFFFFFFF  }
0x204: {  	v6 =	vmpcnt.ones.xlane vm15;
	_ =	sdelay $0x1  }
0x205: {  	v6 =	vxor.u32 $0x80000000, v6  }
0x206: {  	(xrf0) =	vmax.scan.msk.u32 $0xffff, v6;
	_ =	sdelay $0x5  }
0x207: {  	v6, _, _ =	vpop (xrf0)  }
0x208: {  	v7 =	vor.u32 s12, v1;
	[tilespmem:s19+$0x4780] =	vst.msk vm15, v5;
	(v2sf) =	vpush v6, $0xF  }
0x209: {  	s22 =	simm.s32 $0x10;
	s21 =	simm.s32 $0x80;
	s20 =	smov.u32 s12;
	[tilespmem:s19+$0x6780] =	vst.msk vm15, v7  }
.LBB2_14:
0x20a: {  	p0 =	sne.s32 s21, $0x7FC0;
	v5 =	vld [tilespmem:s22+$0x0];
	_ =	sdelay $0x4  }
0x20b: {  	vm0 =	vgt.s32 v5, $0xFFFFFFFF  }
0x20c: {  	v6 =	vmpcnt.ones.xlane vm0;
	_ =	sdelay $0x1  }
0x20d: {  	v6 =	vxor.u32 $0x80000000, v6  }
0x20e: {  	(xrf0) =	vmax.scan.msk.u32 $0xffff, v6;
	_ =	sdelay $0x3  }
.Ltmp8:
0x20f: {  	s22 =	spop (v2sf);
	(pc) =	sbr.rel @p0 .LBB2_14-.Ltmp8, $4  }
0x210: {  	s19 =	sadd.s32 s22, s19  }
0x211: {  	s20 =	sadd.s32 $0x10, s20;
	v6, _, _ =	vpop (xrf0);
	s19 =	sadd.s32 $0x80000000, s19  }
0x212: {  	v7 =	vor.u32 s20, v1;
	[tilespmem:s19+$0x4780] =	vst.msk vm0, v5;
	(v2sf) =	vpush v6, $0xF  }
0x213: {  	s22 =	sshra.s32 s21, $0x2;
	s21 =	sadd.s32 $0x40, s21;
	[tilespmem:s19+$0x6780] =	vst.msk vm0, v7  }
0x214: {  	v5 =	vld [tilespmem:s22+$0x0];
	_ =	sdelay $0x4  }
0x215: {  	vm0 =	vgt.s32 v5, $0xFFFFFFFF  }
0x216: {  	v6 =	vmpcnt.ones.xlane vm0;
	_ =	sdelay $0x1  }
0x217: {  	v6 =	vxor.u32 $0x80000000, v6  }
0x218: {  	(xrf0) =	vmax.scan.msk.u32 $0xffff, v6;
	_ =	sdelay $0x5  }
0x219: {  	v6, _, _ =	vpop (xrf0)  }
0x21a: {  	(v2sf) =	vpush v6, $0xF;
	_ =	sdelay $0xc  }
0x21b: {  	s21 =	spop (v2sf)  }
0x21c: {  	s19 =	sadd.s32 s21, s19  }
0x21d: {  	s21 =	sadd.s32 $0x80000000, s19;
	s31 =	spop (v2sf)  }
0x21e: {  	s19 =	sadd.s32 s31, s21  }
0x21f: {  	s19 =	sadd.s32 $0x80000000, s19  }
0x220: {  	p0 =	sgt.s32 s19, $0x0  }
.Ltmp9:
0x221: {  	_ = 	snop;
	(pc) =	sbr.rel @!p0 .LBB2_16-.Ltmp9, $4  }
0x222: {  	_ = 	snop  }
0x223: {  	s20 =	sadd.s32 $0x10, s20  }
0x224: {  	v6 =	vor.u32 s20, v1;
	[tilespmem:s21+$0x4780] =	vst.msk vm0, v5  }
0x225: {  	[tilespmem:s21+$0x6780] =	vst.msk vm0, v6  }
0x226: {  	v5 =	vld [tilespmem:$0x6780];
	_ =	sdelay $0x2  }
0x227: {  	s20 =	smin.u32 s19, $0x10  }
0x228: {  	v6 =	vmov s20  }
0x229: {  	vm0 =	vgt.u32 v6, v1;
	v6 =	vxor.u32 $0x80000000, v5  }
0x22a: {  	v6 =	vnsel vm0, $0x7FFFFFFF, v6  }
0x22b: {  	(xrf0) =	vmax.scan.msk.u32 $0xffff, v6;
	_ =	sdelay $0x5  }
0x22c: {  	v6, _, _ =	vpop (xrf0)  }
0x22d: {  	(v2sf) =	vpush v6, $0xF;
	_ =	sdelay $0xb  }
0x22e: {  	v6 =	vld [tilespmem:$0x4780];
	_ =	sdelay $0x2  }
0x22f: {  	s26 =	spop (v2sf)  }
0x230: {  	s22 =	sxor.u32 $0x80000000, s26  }
0x231: {  	vm15 =	veq.s32 v5, s22;
	v5 =	vxor.u32 $0x80000000, v6  }
0x232: {  	v5 =	vnsel vm15, $0x7FFFFFFF, v5  }
0x233: {  	(xrf0) =	vmax.scan.msk.u32 $0xffff, v5;
	_ =	sdelay $0x3  }
0x234: {  	s20 =	simm.s32 $0x1  }
0x235: {  	s21 =	sshra.s32 s19, $0x1F;
	s20 =	simm.s32 @!p0 $0x0  }
0x236: {  	s23 =	sand.u32 $0xF, s19;
	s20 =	sadd.s32 s20, s21;
	v5, _, _ =	vpop (xrf0)  }
0x237: {  	p1 =	sne.s32 s23, $0x0;
	p4 =	sne.s32 s20, $0x1;
	(v2sf) =	vpush v5, $0xF  }
0x238: {  	s28 =	sadd.s32 $0xFF, s19;
	s21 =	sshrl.u32 s21, $0x1C;
	p0 =	por !p1, !p4  }
0x239: {  	s23 =	simm.s32 $0x1;
	s21 =	sadd.s32 s21, s19;
	p0 =	por !p0, !p0  }
0x23a: {  	s24 =	sshra.s32 s28, $0x1F;
	s21 =	sshra.s32 s21, $0x4;
	s23 =	simm.s32 @!p0 $0x0  }
0x23b: {  	s25 =	sand.u32 $0xFF, s28;
	p5 =	slt.s32 s28, $0x1;
	s21 =	ssub.s32 s21, s23  }
0x23c: {  	s24 =	sshrl.u32 s24, $0x18;
	p6 =	sne.s32 s25, $0x0;
	s23 =	sshll.u32 s21, $0x6  }
0x23d: {  	s20 =	sadd.s32 s24, s28;
	p0 =	por !p5, !p6;
	s23 =	sshra.s32 s23, $0x2  }
0x23e: {  	s24 =	simm.s32 $0x1;
	p0 =	por !p0, !p0;
	s29 =	sadd.s32 $0x4780, s23  }
0x23f: {  	s20 =	sshrl.u32 s20, $0x8;
	s24 =	simm.s32 @!p0 $0x0;
	v5 =	vmov s29  }
0x240: {  	s20 =	ssub.s32 s20, s24  }
0x241: {  	s24 =	sshll.u32 s21, $0x4;
	s20 =	sshll.u32 s20, $0x8  }
0x242: {  	p0 =	sge.s32 s24, s20  }
0x243: {  	s21 =	simm.s32 @!p0 $0x0  }
0x244: {  	v9 =	vld.idx.msk @!p0 [tilespmem:v5+s21+$0x0 ss:$0x1], $0xffff  }
0x245: {  	s23 =	sadd.s32 $0x6780, s23;
	p0 =	por p0, p0  }
0x246: {  	v7 =	vmov s23;
	v8 =	vlaneseq.u32 @!p0;
	s30 =	spop (v2sf)  }
0x247: {  	v6 =	vmov s19;
	v10 =	vor.u32 @!p0 s24, v8;
	s31 =	sxor.u32 $0x80000000, s30  }
0x248: {  	vm0 =	vlt.s32 @!p0 v10, v6;
	v8 =	vmov s31  }
0x249: {  	v9 =	vsel @!p0 vm0, v9, v8  }
0x24a: {  	[tilespmem:v5+s21+$0x0 ss:$0x1] =	vst.idx.msk @!p0 $0xffff, v9  }
0x24b: {  	v10 =	vld.idx.msk @!p0 [tilespmem:v7+s21+$0x0 ss:$0x1], $0xffff;
	_ =	sdelay $0x3  }
0x24c: {  	s19 =	sadd.s32 $0x10, s24;
	v9 =	vmov s22  }
0x24d: {  	s23 =	simm.s32 $0x80;
	p2 =	sge.s32 s19, s20;
	s22 =	simm.s32 $0x40;
	v10 =	vsel @!p0 vm0, v10, v9  }
.LBB2_18:
0x24e: {  	[tilespmem:v7+s21+$0x0 ss:$0x1] =	vst.idx.msk @!p0 $0xffff, v10;
	s21 =	sshra.s32 @!p2 s22, $0x2;
	s22 =	smov.u32 s23;
	s23 =	sadd.s32 $0x40, s23  }
0x24f: {  	p0 =	por p2, p2;
	p1 =	sne.s32 s23, $0x400;
	v10 =	vld.idx.msk @!p2 [tilespmem:v5+s21+$0x0 ss:$0x1], $0xffff;
	_ =	sdelay $0x2  }
0x250: {  	v11 =	vlaneseq.u32 @!p0  }
0x251: {  	v11 =	vor.u32 @!p0 s19, v11  }
0x252: {  	vm0 =	vlt.s32 @!p0 v11, v6  }
0x253: {  	v10 =	vsel @!p0 vm0, v10, v8  }
0x254: {  	[tilespmem:v5+s21+$0x0 ss:$0x1] =	vst.idx.msk @!p0 $0xffff, v10  }
0x255: {  	v10 =	vld.idx.msk @!p0 [tilespmem:v7+s21+$0x0 ss:$0x1], $0xffff;
	_ =	sdelay $0x1  }
.Ltmp10:
0x256: {  	(pc) =	sbr.rel @p1 .LBB2_18-.Ltmp10, $3  }
0x257: {  	_ =	sdelay $0x1  }
0x258: {  	s19 =	sadd.s32 $0x10, s19  }
0x259: {  	p2 =	sge.s32 s19, s20;
	v10 =	vsel @!p0 vm0, v10, v9  }
0x25a: {  	_ =	sdelay $0x3  }
0x25b: {  	s20 =	sshra.s32 @!p2 s22, $0x2;
	[tilespmem:v7+s21+$0x0 ss:$0x1] =	vst.idx.msk @!p0 $0xffff, v10  }
0x25c: {  	v10 =	vld.idx.msk @!p2 [tilespmem:v5+s20+$0x0 ss:$0x1], $0xffff  }
0x25d: {  	p0 =	por p2, p2  }
0x25e: {  	v11 =	vlaneseq.u32 @!p0  }
0x25f: {  	v11 =	vor.u32 @!p0 s19, v11  }
0x260: {  	vm0 =	vlt.s32 @!p0 v11, v6  }
0x261: {  	v8 =	vsel @!p0 vm0, v10, v8  }
0x262: {  	[tilespmem:v5+s20+$0x0 ss:$0x1] =	vst.idx.msk @!p0 $0xffff, v8  }
0x263: {  	v5 =	vld.idx.msk @!p0 [tilespmem:v7+s20+$0x0 ss:$0x1], $0xffff;
	_ =	sdelay $0x1  }
.Ltmp11:
0x264: {  	_ = 	snop;
	(pc) =	sbr.rel .LBB2_20-.Ltmp11, $3  }
0x265: {  	_ =	sdelay $0x1  }
0x266: {  	v5 =	vsel @!p0 vm0, v5, v9  }
0x267: {  	[tilespmem:v7+s20+$0x0 ss:$0x1] =	vst.idx.msk @!p0 $0xffff, v5  }
.LBB2_21:
0x268: {  	_ =	sfence.sel $0x180000  }
0x269: {  	[bflag:$0x0] =	sbarrier.arrive $0xFFFF  }
0x26a: {  	p0 =	sne.s32 s2, $0x0;
	_ =	strace $0x9000004A  }
0x26b: {  	s0 =	sadd.s32 @!p0 $0x100000, s0;
	[bflag:$0x2] =	sbarrier.arrive $0xFFFF  }
0x26c: {  	[sflag:s0] =	ssyncadd.tile.s32 @!p0 $0x1;
	_ =	shalt  }
.Lfunc_end2:
_tile_overlayer_lowered:
.L_overlay_start_2:
0x26d: {  	(tag) =	ssettag $0x2  }
0x26e: {  	s0 =	rddreg [dreg:$0x0];
	s2 =	stileid.u32  }
0x26f: {  	s1 =	rddreg [dreg:$0x1];
	p0 =	sne.s32 s2, $0x0  }
0x270: {  	s3 =	rddreg [dreg:$0x2];
	[bflag:$0x3] =	sbarrier.arrive $0xFFFF;
	s2 =	simm.s32 @!p0 $0x1C01  }
0x271: {  	[timem:s3], [sflag:s2] =	dma.local @!p0 [hbm:s0], s1  }
0x272: {  	s0 =	simm.s32 @!p0 $0x1  }
0x273: {  	_ =	swait.ge @!p0 [sflag:s0], s1  }
0x274: {  	s1 =	ssub.s32 @!p0 $0x0, s1;
	[sflag:s0] =	ssyncset.done @!p0 $0x0  }
0x275: {  	[sflag:s0] =	ssyncadd.s32 @!p0 s1  }
0x276: {  	[bflag:$0x3] =	sbarrier.arrive $0xFFFF  }
0x277: {  	_ =	shalt  }

</sc_bundles>
